<compile_context>
chip_gen: v7x
topology: tpu7x:2x2x1
jax: 0.10.2.dev20260603
libtpu: 0.0.44.dev20260713+nightly
codegen_flags: <defaults>
</compile_context>

<pallas_src>
import jax
import jax.numpy as jnp
from jax import lax
from jax.experimental import pallas as pl
from jax.experimental.pallas import tpu as pltpu
from jax.experimental.pallas import tpu_sc as plsc

_N = 10000
_D_IN = 128
_HID = 256
_OUT = 64
_E = 320000

_NT = 16
_NP = 10240
_RT = _NP // _NT
_B = 125
_ET = _E // _NT
_NCH = _ET // _B
_IB = 40
_NB = _NCH // _IB

_BN = 1000


def _dot(a, b):
    return jnp.dot(a, b, preferred_element_type=jnp.float32)


def _proj_body(x_ref, w_ref, b_ref, h0_ref, h1_ref):
    h = _dot(x_ref[...], w_ref[...]) + b_ref[...]
    h = jnp.maximum(h, 0.0)
    h0_ref[...] = h[:, :128]
    h1_ref[...] = h[:, 128:]


def _proj(x, w, b2):
    return pl.pallas_call(
        _proj_body,
        grid=(_N // _BN,),
        in_specs=[
            pl.BlockSpec((_BN, _D_IN), lambda i: (i, 0)),
            pl.BlockSpec((_D_IN, _HID), lambda i: (0, 0)),
            pl.BlockSpec((1, _HID), lambda i: (0, 0)),
        ],
        out_specs=[
            pl.BlockSpec((_BN, 128), lambda i: (i, 0)),
            pl.BlockSpec((_BN, 128), lambda i: (i, 0)),
        ],
        out_shape=[jax.ShapeDtypeStruct((_N, 128), jnp.float32)] * 2,
    )(x, w, b2)


def _gather_scatter_dir(s, table, src3, dst3, sidx, didx, rows, acc, sems):
    def blk(k, carry):
        pltpu.sync_copy(src3.at[s * _NB + k], sidx)
        pltpu.sync_copy(dst3.at[s * _NB + k], didx)
        pltpu.async_copy(table.at[sidx.at[0]], rows.at[0], sems[0])

        def pair(i, c2):
            for b in (0, 1):
                ch = i * 2 + b
                nb = 1 - b

                @pl.when(ch + 1 < _IB)
                def _():
                    pltpu.async_copy(table.at[sidx.at[ch + 1]], rows.at[nb],
                                     sems[nb])

                pltpu.make_async_copy(table.at[sidx.at[ch]], rows.at[b],
                                      sems[b]).wait()
                pltpu.sync_copy(rows.at[b], acc.at[didx.at[ch]], add=True)
            return c2

        lax.fori_loop(0, _IB // 2, pair, 0)
        return carry

    lax.fori_loop(0, _NB, blk, 0)


_CB = 8


def _count_dir(s, dst3, didx, ones_v, acc, sem):
    def blk(k, carry):
        pltpu.sync_copy(dst3.at[s * _NB + k], didx)

        def burst(i, c2):
            for j in range(_CB):
                pltpu.async_copy(ones_v, acc.at[didx.at[i * _CB + j]], sem,
                                 add=True)
            for j in range(_CB):
                pltpu.make_async_copy(ones_v, acc.at[didx.at[i * _CB + j]],
                                      sem).wait()
            return c2

        lax.fori_loop(0, _IB // _CB, burst, 0)
        return carry

    lax.fori_loop(0, _NB, blk, 0)


def _zero_rows(zfeat, acc, r0):
    pltpu.sync_copy(zfeat.at[pl.ds(r0, _RT), :], acc.at[pl.ds(r0, _RT), :])


def _writeout(acc, out, r0):
    pltpu.sync_copy(acc.at[pl.ds(r0, _RT), :], out.at[pl.ds(r0, _RT), :])


def _agg1_body(hu0, hu1, hw0, hw1, s_uw, d_uw, s_wu, d_wu, zfeat,
               sw0, sw1, su0, su1,
               acc, rows, sidx, didx, sem0, sem1):
    c = lax.axis_index("c")
    s = lax.axis_index("s")
    r0 = s * _RT
    sems = (sem0, sem1)

    _zero_rows(zfeat, acc, r0)
    plsc.subcore_barrier()

    @pl.when(c == 0)
    def _():
        _gather_scatter_dir(s, hu0, s_uw, d_uw, sidx, didx, rows, acc, sems)

    @pl.when(c == 1)
    def _():
        _gather_scatter_dir(s, hu1, s_uw, d_uw, sidx, didx, rows, acc, sems)

    plsc.subcore_barrier()

    @pl.when(c == 0)
    def _():
        _writeout(acc, sw0, r0)

    @pl.when(c == 1)
    def _():
        _writeout(acc, sw1, r0)

    _zero_rows(zfeat, acc, r0)
    plsc.subcore_barrier()

    @pl.when(c == 0)
    def _():
        _gather_scatter_dir(s, hw0, s_wu, d_wu, sidx, didx, rows, acc, sems)

    @pl.when(c == 1)
    def _():
        _gather_scatter_dir(s, hw1, s_wu, d_wu, sidx, didx, rows, acc, sems)

    plsc.subcore_barrier()

    @pl.when(c == 0)
    def _():
        _writeout(acc, su0, r0)

    @pl.when(c == 1)
    def _():
        _writeout(acc, su1, r0)


def _make_agg1():
    mesh = plsc.VectorSubcoreMesh(core_axis_name="c", subcore_axis_name="s")
    out_type = [jax.ShapeDtypeStruct((_NP, 128), jnp.float32)] * 4
    scratch = [
        pltpu.VMEM_SHARED((_NP, 128), jnp.float32),
        pltpu.VMEM((2, _B, 128), jnp.float32),
        pltpu.VMEM((_IB, _B), jnp.int32),
        pltpu.VMEM((_IB, _B), jnp.int32),
        pltpu.SemaphoreType.DMA,
        pltpu.SemaphoreType.DMA,
    ]
    return pl.kernel(
        _agg1_body,
        out_type=out_type,
        mesh=mesh,
        scratch_types=scratch,
    )


def _cnt_body(d_uw, d_wu, zfeat, ones_h,
              cw, cu,
              acc, didx, ones_v, sem0):
    c = lax.axis_index("c")
    s = lax.axis_index("s")
    r0 = s * _RT

    pltpu.sync_copy(ones_h, ones_v)
    _zero_rows(zfeat, acc, r0)
    plsc.subcore_barrier()

    @pl.when(c == 0)
    def _():
        _count_dir(s, d_uw, didx, ones_v, acc, sem0)

    @pl.when(c == 1)
    def _():
        _count_dir(s, d_wu, didx, ones_v, acc, sem0)

    plsc.subcore_barrier()

    @pl.when(c == 0)
    def _():
        _writeout(acc, cw, r0)

    @pl.when(c == 1)
    def _():
        _writeout(acc, cu, r0)


def _make_cnt():
    mesh = plsc.VectorSubcoreMesh(core_axis_name="c", subcore_axis_name="s")
    out_type = [jax.ShapeDtypeStruct((_NP, 128), jnp.float32)] * 2
    scratch = [
        pltpu.VMEM_SHARED((_NP, 128), jnp.float32),
        pltpu.VMEM((_IB, _B), jnp.int32),
        pltpu.VMEM((_B, 128), jnp.float32),
        pltpu.SemaphoreType.DMA,
    ]
    return pl.kernel(
        _cnt_body,
        out_type=out_type,
        mesh=mesh,
        scratch_types=scratch,
    )


def _agg2_body(pu, pw, s_uw, d_uw, s_wu, d_wu, zfeat,
               s2w, s2u,
               acc, rows, sidx, didx, sem0, sem1):
    c = lax.axis_index("c")
    s = lax.axis_index("s")
    r0 = s * _RT
    sems = (sem0, sem1)

    _zero_rows(zfeat, acc, r0)
    plsc.subcore_barrier()

    @pl.when(c == 0)
    def _():
        _gather_scatter_dir(s, pu, s_uw, d_uw, sidx, didx, rows, acc, sems)

    @pl.when(c == 1)
    def _():
        _gather_scatter_dir(s, pw, s_wu, d_wu, sidx, didx, rows, acc, sems)

    plsc.subcore_barrier()

    @pl.when(c == 0)
    def _():
        _writeout(acc, s2w, r0)

    @pl.when(c == 1)
    def _():
        _writeout(acc, s2u, r0)


def _make_agg2():
    mesh = plsc.VectorSubcoreMesh(core_axis_name="c", subcore_axis_name="s")
    out_type = [jax.ShapeDtypeStruct((_NP, 128), jnp.float32)] * 2
    scratch = [
        pltpu.VMEM_SHARED((_NP, 128), jnp.float32),
        pltpu.VMEM((2, _B, 128), jnp.float32),
        pltpu.VMEM((_IB, _B), jnp.int32),
        pltpu.VMEM((_IB, _B), jnp.int32),
        pltpu.SemaphoreType.DMA,
        pltpu.SemaphoreType.DMA,
    ]
    return pl.kernel(
        _agg2_body,
        out_type=out_type,
        mesh=mesh,
        scratch_types=scratch,
    )


def _comb_body(s0_ref, s1_ref, cnt_ref, h0_ref, h1_ref, l_ref, r_ref, b_ref,
               c2_ref, o_ref, p_ref):
    inv = 1.0 / jnp.maximum(cnt_ref[...][:, :1], 1.0)
    lw = l_ref[...]
    rw = r_ref[...]
    o = (_dot(s0_ref[...] * inv, lw[:128, :])
         + _dot(s1_ref[...] * inv, lw[128:, :])
         + _dot(h0_ref[...], rw[:128, :])
         + _dot(h1_ref[...], rw[128:, :])
         + b_ref[...])
    o = jnp.maximum(o, 0.0)
    o_ref[...] = o
    p = _dot(o, c2_ref[...])
    p_ref[...] = jnp.concatenate(
        [p, jnp.zeros((p.shape[0], 128 - _OUT), jnp.float32)], axis=1)


def _comb(s0, s1, cnt, h0, h1, lw, rw, b2, c2):
    return pl.pallas_call(
        _comb_body,
        grid=(_N // _BN,),
        in_specs=[
            pl.BlockSpec((_BN, 128), lambda i: (i, 0)),
            pl.BlockSpec((_BN, 128), lambda i: (i, 0)),
            pl.BlockSpec((_BN, 128), lambda i: (i, 0)),
            pl.BlockSpec((_BN, 128), lambda i: (i, 0)),
            pl.BlockSpec((_BN, 128), lambda i: (i, 0)),
            pl.BlockSpec((_HID, _HID), lambda i: (0, 0)),
            pl.BlockSpec((_HID, _HID), lambda i: (0, 0)),
            pl.BlockSpec((1, _HID), lambda i: (0, 0)),
            pl.BlockSpec((_HID, _OUT), lambda i: (0, 0)),
        ],
        out_specs=[
            pl.BlockSpec((_BN, _HID), lambda i: (i, 0)),
            pl.BlockSpec((_BN, 128), lambda i: (i, 0)),
        ],
        out_shape=[
            jax.ShapeDtypeStruct((_N, _HID), jnp.float32),
            jax.ShapeDtypeStruct((_N, 128), jnp.float32),
        ],
    )(s0, s1, cnt, h0, h1, lw, rw, b2, c2)


def _final_body(t_ref, cnt_ref, o_ref, r_ref, b_ref, z_ref):
    inv = 1.0 / jnp.maximum(cnt_ref[...][:, :1], 1.0)
    s2 = t_ref[...][:, :_OUT]
    z = s2 * inv + _dot(o_ref[...], r_ref[...]) + b_ref[...]
    m = jnp.max(z, axis=1, keepdims=True)
    ez = jnp.exp(z - m)
    lse = jnp.log(jnp.sum(ez, axis=1, keepdims=True))
    z_ref[...] = z - m - lse


def _final(t, cnt, o, rw, b2):
    return pl.pallas_call(
        _final_body,
        grid=(_N // _BN,),
        in_specs=[
            pl.BlockSpec((_BN, 128), lambda i: (i, 0)),
            pl.BlockSpec((_BN, 128), lambda i: (i, 0)),
            pl.BlockSpec((_BN, _HID), lambda i: (i, 0)),
            pl.BlockSpec((_HID, _OUT), lambda i: (0, 0)),
            pl.BlockSpec((1, _OUT), lambda i: (0, 0)),
        ],
        out_specs=pl.BlockSpec((_BN, _OUT), lambda i: (i, 0)),
        out_shape=jax.ShapeDtypeStruct((_N, _OUT), jnp.float32),
    )(t, cnt, o, rw, b2)


def kernel(x_websites, x_users, ei_u2w, ei_w2u,
           lin_w_web, lin_b_web, lin_w_usr, lin_b_usr,
           c1_uw_l, c1_uw_r, c1_uw_b, c1_wu_l, c1_wu_r, c1_wu_b,
           c2_uw_l, c2_uw_r, c2_uw_b, c2_wu_l, c2_wu_r, c2_wu_b):
    z128 = jnp.zeros((_NP, 128), jnp.float32)
    ones_h = jnp.ones((_B, 128), jnp.float32)
    shp3 = (_NT * _NB, _IB, _B)
    s_uw = ei_u2w[0].reshape(shp3)
    d_uw = ei_u2w[1].reshape(shp3)
    s_wu = ei_w2u[0].reshape(shp3)
    d_wu = ei_w2u[1].reshape(shp3)

    cw, cu = _make_cnt()(d_uw, d_wu, z128, ones_h)

    h_w0, h_w1 = _proj(x_websites, lin_w_web, lin_b_web.reshape(1, -1))
    h_u0, h_u1 = _proj(x_users, lin_w_usr, lin_b_usr.reshape(1, -1))

    sw0, sw1, su0, su1 = _make_agg1()(
        h_u0, h_u1, h_w0, h_w1, s_uw, d_uw, s_wu, d_wu, z128)

    o_w, p_w = _comb(sw0, sw1, cw, h_w0, h_w1,
                     c1_uw_l, c1_uw_r, c1_uw_b.reshape(1, -1), c2_wu_l)
    o_u, p_u = _comb(su0, su1, cu, h_u0, h_u1,
                     c1_wu_l, c1_wu_r, c1_wu_b.reshape(1, -1), c2_uw_l)

    s2w, s2u = _make_agg2()(
        p_u, p_w, s_uw, d_uw, s_wu, d_wu, z128)

    z_w = _final(s2w, cw, o_w, c2_uw_r, c2_uw_b.reshape(1, -1))
    z_u = _final(s2u, cu, o_u, c2_wu_r, c2_wu_b.reshape(1, -1))
    return (z_w, z_u)

# --- scband reference (transcript-rebuilt; emitter-appended) ---
"""Pipeline reference for scband-het-gnn-37709812859002 (READ-ONLY COPY).

The authoritative reference and input builder live on the scoring server;
editing this copy changes nothing except your own understanding.
"""

import jax, jax.numpy as jnp
import numpy as np

N_W = 10000
N_U = 10000
D_IN = 128
HID = 256
OUT = 64
E = 320000


def _lin(k, fi, fo):
    return jax.random.normal(k, (fi, fo), jnp.float32) / np.sqrt(fi)


def setup_inputs(seed: int = 0) -> dict:
    key = jax.random.key(seed)
    ks = jax.random.split(key, 24)
    inp = {}
    inp["x_websites"] = jax.random.normal(ks[0], (N_W, D_IN), jnp.float32)
    inp["x_users"] = jax.random.normal(ks[1], (N_U, D_IN), jnp.float32)
    inp["ei_u2w"] = jax.random.randint(ks[2], (2, E), 0, N_W, dtype=jnp.int32)
    inp["ei_w2u"] = jax.random.randint(ks[3], (2, E), 0, N_U, dtype=jnp.int32)
    # per-node-type input linears (Linear(-1, 256))
    inp["lin_w_web"] = _lin(ks[4], D_IN, HID)
    inp["lin_b_web"] = jnp.zeros((HID,), jnp.float32)
    inp["lin_w_usr"] = _lin(ks[5], D_IN, HID)
    inp["lin_b_usr"] = jnp.zeros((HID,), jnp.float32)
    # SAGEConv layer 1, per edge type: lin_l (neighbor agg), lin_r (root)
    inp["c1_uw_l"] = _lin(ks[6], HID, HID)
    inp["c1_uw_r"] = _lin(ks[7], HID, HID)
    inp["c1_uw_b"] = jnp.zeros((HID,), jnp.float32)
    inp["c1_wu_l"] = _lin(ks[8], HID, HID)
    inp["c1_wu_r"] = _lin(ks[9], HID, HID)
    inp["c1_wu_b"] = jnp.zeros((HID,), jnp.float32)
    # SAGEConv layer 2
    inp["c2_uw_l"] = _lin(ks[10], HID, OUT)
    inp["c2_uw_r"] = _lin(ks[11], HID, OUT)
    inp["c2_uw_b"] = jnp.zeros((OUT,), jnp.float32)
    inp["c2_wu_l"] = _lin(ks[12], HID, OUT)
    inp["c2_wu_r"] = _lin(ks[13], HID, OUT)
    inp["c2_wu_b"] = jnp.zeros((OUT,), jnp.float32)
    return inp


def _mean_agg(h_src, ei, n_dst):
    msg = jnp.take(h_src, ei[0], axis=0)
    s = jax.ops.segment_sum(msg, ei[1], num_segments=n_dst)
    cnt = jax.ops.segment_sum(jnp.ones((ei.shape[1],), jnp.float32), ei[1], num_segments=n_dst)
    return s / jnp.clip(cnt, 1.0)[:, None]


def reference(x_websites, x_users, ei_u2w, ei_w2u,
              lin_w_web, lin_b_web, lin_w_usr, lin_b_usr,
              c1_uw_l, c1_uw_r, c1_uw_b, c1_wu_l, c1_wu_r, c1_wu_b,
              c2_uw_l, c2_uw_r, c2_uw_b, c2_wu_l, c2_wu_r, c2_wu_b):
    # per-node-type projection + relu (dropout is identity in eval)
    h_w = jax.nn.relu(x_websites @ lin_w_web + lin_b_web)
    h_u = jax.nn.relu(x_users @ lin_w_usr + lin_b_usr)
    # hetero SAGEConv layer 1: mean-aggregate, lin_l(agg) + lin_r(root)
    m_w = _mean_agg(h_u, ei_u2w, N_W)
    m_u = _mean_agg(h_w, ei_w2u, N_U)
    o_w = jax.nn.relu(m_w @ c1_uw_l + h_w @ c1_uw_r + c1_uw_b)
    o_u = jax.nn.relu(m_u @ c1_wu_l + h_u @ c1_wu_r + c1_wu_b)
    # hetero SAGEConv layer 2
    m_w2 = _mean_agg(o_u, ei_u2w, N_W)
    m_u2 = _mean_agg(o_w, ei_w2u, N_U)
    z_w = m_w2 @ c2_uw_l + o_w @ c2_uw_r + c2_uw_b
    z_u = m_u2 @ c2_wu_l + o_u @ c2_wu_r + c2_wu_b
    return (jax.nn.log_softmax(z_w, axis=-1), jax.nn.log_softmax(z_u, axis=-1))

if __name__ == "__main__":
    import jax
    _d = setup_inputs()
    print(jax.jit(kernel)(*tuple(_d.values())))

</pallas_src>

<mosaic_0001>
#map = affine_map<(d0, d1) -> (0, 0, 0)>
#map1 = affine_map<(d0, d1) -> (0, 0)>
module attributes {stable_mosaic.version = 14 : i64} {
  func.func @_cnt_body(%arg0: i32, %arg1: i32, %arg2: memref<64x40x125xi32, #tpu.memory_space<hbm>>, %arg3: memref<64x40x125xi32, #tpu.memory_space<hbm>>, %arg4: memref<10240x128xf32, #tpu.memory_space<hbm>>, %arg5: memref<125x128xf32, #tpu.memory_space<hbm>>, %arg6: memref<10240x128xf32, #tpu.memory_space<hbm>>, %arg7: memref<10240x128xf32, #tpu.memory_space<hbm>>, %arg8: memref<10240x128xf32, #tpu.memory_space<vmem_shared>>, %arg9: memref<40x125xi32, #tpu.memory_space<vmem>>, %arg10: memref<125x128xf32, #tpu.memory_space<vmem>>, %arg11: memref<!tpu.dma_semaphore, #tpu.memory_space<semaphore_mem>>) attributes {dimension_semantics = [#tpu.dimension_semantics<core_parallel>, #tpu.dimension_semantics<subcore_parallel>], iteration_bounds = array<i64: 2, 16>, scalar_prefetch = 0 : i64, scratch_operands = 4 : i64, tpu.core_type = #tpu.core_type<sc_vector_subcore>, window_params = [{transform_indices = #map}, {transform_indices = #map}, {transform_indices = #map1}, {transform_indices = #map1}, {transform_indices = #map1}, {transform_indices = #map1}]} {
    %mul3A = arith.constant 640 : i32
    %mul3A_0 = arith.muli %arg1, %mul3A : i32
    "tpu.region"() ({
      %run_scoped3A = tpu.sem_alloc : memref<!tpu.dma_semaphore, #tpu.memory_space<semaphore_mem>>
      tpu.enqueue_dma source(%arg5 : memref<125x128xf32, #tpu.memory_space<hbm>>) target(%arg10 : memref<125x128xf32, #tpu.memory_space<vmem>>) target_semaphore(%run_scoped3A : memref<!tpu.dma_semaphore, #tpu.memory_space<semaphore_mem>>)
      tpu.wait_dma2 semaphore(%run_scoped3A : memref<!tpu.dma_semaphore, #tpu.memory_space<semaphore_mem>>) src(%arg5 : memref<125x128xf32, #tpu.memory_space<hbm>>) dst(%arg10 : memref<125x128xf32, #tpu.memory_space<vmem>>)
      tpu.yield
    }) : () -> ()
    "tpu.region"() ({
      %run_scoped3A = tpu.sem_alloc : memref<!tpu.dma_semaphore, #tpu.memory_space<semaphore_mem>>
      %dma_start3A = arith.constant 0 : i32
      %dma_start3A_19 = tpu.memref_slice %arg8[%mul3A_0, %dma_start3A] : memref<10240x128xf32, #tpu.memory_space<vmem_shared>> -> memref<640x128xf32, #tpu.memory_space<vmem_shared>>
      %dma_start3A_20 = arith.constant 0 : i32
      %dma_start3A_21 = tpu.memref_slice %arg4[%mul3A_0, %dma_start3A_20] : memref<10240x128xf32, #tpu.memory_space<hbm>> -> memref<640x128xf32, #tpu.memory_space<hbm>>
      tpu.enqueue_dma source(%dma_start3A_21 : memref<640x128xf32, #tpu.memory_space<hbm>>) target(%dma_start3A_19 : memref<640x128xf32, #tpu.memory_space<vmem_shared>>) target_semaphore(%run_scoped3A : memref<!tpu.dma_semaphore, #tpu.memory_space<semaphore_mem>>)
      %dma_wait3A = arith.constant 0 : i32
      %dma_wait3A_22 = tpu.memref_slice %arg8[%mul3A_0, %dma_wait3A] : memref<10240x128xf32, #tpu.memory_space<vmem_shared>> -> memref<640x128xf32, #tpu.memory_space<vmem_shared>>
      %dma_wait3A_23 = arith.constant 0 : i32
      %dma_wait3A_24 = tpu.memref_slice %arg4[%mul3A_0, %dma_wait3A_23] : memref<10240x128xf32, #tpu.memory_space<hbm>> -> memref<640x128xf32, #tpu.memory_space<hbm>>
      tpu.wait_dma2 semaphore(%run_scoped3A : memref<!tpu.dma_semaphore, #tpu.memory_space<semaphore_mem>>) src(%dma_wait3A_24 : memref<640x128xf32, #tpu.memory_space<hbm>>) dst(%dma_wait3A_22 : memref<640x128xf32, #tpu.memory_space<vmem_shared>>)
      tpu.yield
    }) : () -> ()
    %barrier3A = arith.constant 0 : index
    tpu.barrier barrier_id(%barrier3A)
    %eq3A = arith.constant 0 : i32
    %eq3A_1 = arith.cmpi eq, %arg0, %eq3A : i32
    %convert_element_type3A = arith.extui %eq3A_1 : i1 to i32
    %cond3A = arith.constant 0 : i32
    %cond3A_2 = arith.cmpi ne, %convert_element_type3A, %cond3A : i32
    scf.if %cond3A_2 {
      %scan3A = arith.constant 0 : i32
      %scan3A_19 = arith.constant 0 : i32
      %scan3A_20 = arith.constant 4 : i32
      %scan3A_21 = arith.addi %scan3A_19, %scan3A_20 : i32
      %scan3A_22 = arith.constant 1 : i32
      scf.for %scan3A_24 = %scan3A_19 to %scan3A_21 step %scan3A_22  : i32 {
        %mul3A_25 = arith.constant 4 : i32
        %mul3A_26 = arith.muli %arg1, %mul3A_25 : i32
        %add3A = arith.addi %mul3A_26, %scan3A_24 : i32
        "tpu.region"() ({
          %run_scoped3A = tpu.sem_alloc : memref<!tpu.dma_semaphore, #tpu.memory_space<semaphore_mem>>
          %dma_start3A = arith.constant 0 : i32
          %dma_start3A_33 = arith.constant 0 : i32
          %dma_start3A_34 = tpu.memref_slice %arg2[%add3A, %dma_start3A, %dma_start3A_33] : memref<64x40x125xi32, #tpu.memory_space<hbm>> -> memref<1x40x125xi32, #tpu.memory_space<hbm>>
          %dma_start3A_35 = tpu.memref_squeeze %dma_start3A_34 : memref<1x40x125xi32, #tpu.memory_space<hbm>> -> memref<40x125xi32, #tpu.memory_space<hbm>>
          %dma_start3A_36 = arith.constant 0 : i32
          %dma_start3A_37 = arith.constant 0 : i32
          %dma_start3A_38 = tpu.memref_slice %arg2[%add3A, %dma_start3A_36, %dma_start3A_37] : memref<64x40x125xi32, #tpu.memory_space<hbm>> -> memref<1x40x125xi32, #tpu.memory_space<hbm>>
          %dma_start3A_39 = tpu.memref_squeeze %dma_start3A_38 : memref<1x40x125xi32, #tpu.memory_space<hbm>> -> memref<40x125xi32, #tpu.memory_space<hbm>>
          tpu.enqueue_dma source(%dma_start3A_39 : memref<40x125xi32, #tpu.memory_space<hbm>>) target(%arg9 : memref<40x125xi32, #tpu.memory_space<vmem>>) target_semaphore(%run_scoped3A : memref<!tpu.dma_semaphore, #tpu.memory_space<semaphore_mem>>)
          %dma_wait3A = arith.constant 0 : i32
          %dma_wait3A_40 = arith.constant 0 : i32
          %dma_wait3A_41 = tpu.memref_slice %arg2[%add3A, %dma_wait3A, %dma_wait3A_40] : memref<64x40x125xi32, #tpu.memory_space<hbm>> -> memref<1x40x125xi32, #tpu.memory_space<hbm>>
          %dma_wait3A_42 = tpu.memref_squeeze %dma_wait3A_41 : memref<1x40x125xi32, #tpu.memory_space<hbm>> -> memref<40x125xi32, #tpu.memory_space<hbm>>
          %dma_wait3A_43 = arith.constant 0 : i32
          %dma_wait3A_44 = arith.constant 0 : i32
          %dma_wait3A_45 = tpu.memref_slice %arg2[%add3A, %dma_wait3A_43, %dma_wait3A_44] : memref<64x40x125xi32, #tpu.memory_space<hbm>> -> memref<1x40x125xi32, #tpu.memory_space<hbm>>
          %dma_wait3A_46 = tpu.memref_squeeze %dma_wait3A_45 : memref<1x40x125xi32, #tpu.memory_space<hbm>> -> memref<40x125xi32, #tpu.memory_space<hbm>>
          tpu.wait_dma2 semaphore(%run_scoped3A : memref<!tpu.dma_semaphore, #tpu.memory_space<semaphore_mem>>) src(%dma_wait3A_46 : memref<40x125xi32, #tpu.memory_space<hbm>>) dst(%arg9 : memref<40x125xi32, #tpu.memory_space<vmem>>)
          tpu.yield
        }) : () -> ()
        %scan3A_27 = arith.constant 0 : i32
        %scan3A_28 = arith.constant 0 : i32
        %scan3A_29 = arith.constant 5 : i32
        %scan3A_30 = arith.addi %scan3A_28, %scan3A_29 : i32
        %scan3A_31 = arith.constant 1 : i32
        scf.for %scan3A_33 = %scan3A_28 to %scan3A_30 step %scan3A_31  : i32 {
          %mul3A_34 = arith.constant 8 : i32
          %mul3A_35 = arith.muli %scan3A_33, %mul3A_34 : i32
          %add3A_36 = arith.constant 0 : i32
          %add3A_37 = arith.addi %mul3A_35, %add3A_36 : i32
          %dma_start3A = arith.constant 0 : i32
          %dma_start3A_38 = tpu.memref_slice %arg9[%add3A_37, %dma_start3A] : memref<40x125xi32, #tpu.memory_space<vmem>> -> memref<1x125xi32, #tpu.memory_space<vmem>>
          %dma_start3A_39 = tpu.memref_squeeze %dma_start3A_38 : memref<1x125xi32, #tpu.memory_space<vmem>> -> memref<125xi32, #tpu.memory_space<vmem>>
          %dma_start3A_40 = arith.constant 0 : i32
          %dma_start3A_41 = arith.constant 0 : i32
          %dma_start3A_42 = tpu.memref_slice %arg8[%dma_start3A_40, %dma_start3A_41] : memref<10240x128xf32, #tpu.memory_space<vmem_shared>> -> memref<10240x128xf32, #tpu.memory_space<vmem_shared>>
          tpu.enqueue_indirect_dma source(%arg10 : memref<125x128xf32, #tpu.memory_space<vmem>>) target(%dma_start3A_42 : memref<10240x128xf32, #tpu.memory_space<vmem_shared>>) offsets(%dma_start3A_39 : memref<125xi32, #tpu.memory_space<vmem>>) semaphore(%arg11 : memref<!tpu.dma_semaphore, #tpu.memory_space<semaphore_mem>>) {add = true}
          %mul3A_43 = arith.constant 8 : i32
          %mul3A_44 = arith.muli %scan3A_33, %mul3A_43 : i32
          %add3A_45 = arith.constant 1 : i32
          %add3A_46 = arith.addi %mul3A_44, %add3A_45 : i32
          %dma_start3A_47 = arith.constant 0 : i32
          %dma_start3A_48 = tpu.memref_slice %arg9[%add3A_46, %dma_start3A_47] : memref<40x125xi32, #tpu.memory_space<vmem>> -> memref<1x125xi32, #tpu.memory_space<vmem>>
          %dma_start3A_49 = tpu.memref_squeeze %dma_start3A_48 : memref<1x125xi32, #tpu.memory_space<vmem>> -> memref<125xi32, #tpu.memory_space<vmem>>
          %dma_start3A_50 = arith.constant 0 : i32
          %dma_start3A_51 = arith.constant 0 : i32
          %dma_start3A_52 = tpu.memref_slice %arg8[%dma_start3A_50, %dma_start3A_51] : memref<10240x128xf32, #tpu.memory_space<vmem_shared>> -> memref<10240x128xf32, #tpu.memory_space<vmem_shared>>
          tpu.enqueue_indirect_dma source(%arg10 : memref<125x128xf32, #tpu.memory_space<vmem>>) target(%dma_start3A_52 : memref<10240x128xf32, #tpu.memory_space<vmem_shared>>) offsets(%dma_start3A_49 : memref<125xi32, #tpu.memory_space<vmem>>) semaphore(%arg11 : memref<!tpu.dma_semaphore, #tpu.memory_space<semaphore_mem>>) {add = true}
          %mul3A_53 = arith.constant 8 : i32
          %mul3A_54 = arith.muli %scan3A_33, %mul3A_53 : i32
          %add3A_55 = arith.constant 2 : i32
          %add3A_56 = arith.addi %mul3A_54, %add3A_55 : i32
          %dma_start3A_57 = arith.constant 0 : i32
          %dma_start3A_58 = tpu.memref_slice %arg9[%add3A_56, %dma_start3A_57] : memref<40x125xi32, #tpu.memory_space<vmem>> -> memref<1x125xi32, #tpu.memory_space<vmem>>
          %dma_start3A_59 = tpu.memref_squeeze %dma_start3A_58 : memref<1x125xi32, #tpu.memory_space<vmem>> -> memref<125xi32, #tpu.memory_space<vmem>>
          %dma_start3A_60 = arith.constant 0 : i32
          %dma_start3A_61 = arith.constant 0 : i32
          %dma_start3A_62 = tpu.memref_slice %arg8[%dma_start3A_60, %dma_start3A_61] : memref<10240x128xf32, #tpu.memory_space<vmem_shared>> -> memref<10240x128xf32, #tpu.memory_space<vmem_shared>>
          tpu.enqueue_indirect_dma source(%arg10 : memref<125x128xf32, #tpu.memory_space<vmem>>) target(%dma_start3A_62 : memref<10240x128xf32, #tpu.memory_space<vmem_shared>>) offsets(%dma_start3A_59 : memref<125xi32, #tpu.memory_space<vmem>>) semaphore(%arg11 : memref<!tpu.dma_semaphore, #tpu.memory_space<semaphore_mem>>) {add = true}
          %mul3A_63 = arith.constant 8 : i32
          %mul3A_64 = arith.muli %scan3A_33, %mul3A_63 : i32
          %add3A_65 = arith.constant 3 : i32
          %add3A_66 = arith.addi %mul3A_64, %add3A_65 : i32
          %dma_start3A_67 = arith.constant 0 : i32
          %dma_start3A_68 = tpu.memref_slice %arg9[%add3A_66, %dma_start3A_67] : memref<40x125xi32, #tpu.memory_space<vmem>> -> memref<1x125xi32, #tpu.memory_space<vmem>>
          %dma_start3A_69 = tpu.memref_squeeze %dma_start3A_68 : memref<1x125xi32, #tpu.memory_space<vmem>> -> memref<125xi32, #tpu.memory_space<vmem>>
          %dma_start3A_70 = arith.constant 0 : i32
          %dma_start3A_71 = arith.constant 0 : i32
          %dma_start3A_72 = tpu.memref_slice %arg8[%dma_start3A_70, %dma_start3A_71] : memref<10240x128xf32, #tpu.memory_space<vmem_shared>> -> memref<10240x128xf32, #tpu.memory_space<vmem_shared>>
          tpu.enqueue_indirect_dma source(%arg10 : memref<125x128xf32, #tpu.memory_space<vmem>>) target(%dma_start3A_72 : memref<10240x128xf32, #tpu.memory_space<vmem_shared>>) offsets(%dma_start3A_69 : memref<125xi32, #tpu.memory_space<vmem>>) semaphore(%arg11 : memref<!tpu.dma_semaphore, #tpu.memory_space<semaphore_mem>>) {add = true}
          %mul3A_73 = arith.constant 8 : i32
          %mul3A_74 = arith.muli %scan3A_33, %mul3A_73 : i32
          %add3A_75 = arith.constant 4 : i32
          %add3A_76 = arith.addi %mul3A_74, %add3A_75 : i32
          %dma_start3A_77 = arith.constant 0 : i32
          %dma_start3A_78 = tpu.memref_slice %arg9[%add3A_76, %dma_start3A_77] : memref<40x125xi32, #tpu.memory_space<vmem>> -> memref<1x125xi32, #tpu.memory_space<vmem>>
          %dma_start3A_79 = tpu.memref_squeeze %dma_start3A_78 : memref<1x125xi32, #tpu.memory_space<vmem>> -> memref<125xi32, #tpu.memory_space<vmem>>
          %dma_start3A_80 = arith.constant 0 : i32
          %dma_start3A_81 = arith.constant 0 : i32
          %dma_start3A_82 = tpu.memref_slice %arg8[%dma_start3A_80, %dma_start3A_81] : memref<10240x128xf32, #tpu.memory_space<vmem_shared>> -> memref<10240x128xf32, #tpu.memory_space<vmem_shared>>
          tpu.enqueue_indirect_dma source(%arg10 : memref<125x128xf32, #tpu.memory_space<vmem>>) target(%dma_start3A_82 : memref<10240x128xf32, #tpu.memory_space<vmem_shared>>) offsets(%dma_start3A_79 : memref<125xi32, #tpu.memory_space<vmem>>) semaphore(%arg11 : memref<!tpu.dma_semaphore, #tpu.memory_space<semaphore_mem>>) {add = true}
          %mul3A_83 = arith.constant 8 : i32
          %mul3A_84 = arith.muli %scan3A_33, %mul3A_83 : i32
          %add3A_85 = arith.constant 5 : i32
          %add3A_86 = arith.addi %mul3A_84, %add3A_85 : i32
          %dma_start3A_87 = arith.constant 0 : i32
          %dma_start3A_88 = tpu.memref_slice %arg9[%add3A_86, %dma_start3A_87] : memref<40x125xi32, #tpu.memory_space<vmem>> -> memref<1x125xi32, #tpu.memory_space<vmem>>
          %dma_start3A_89 = tpu.memref_squeeze %dma_start3A_88 : memref<1x125xi32, #tpu.memory_space<vmem>> -> memref<125xi32, #tpu.memory_space<vmem>>
          %dma_start3A_90 = arith.constant 0 : i32
          %dma_start3A_91 = arith.constant 0 : i32
          %dma_start3A_92 = tpu.memref_slice %arg8[%dma_start3A_90, %dma_start3A_91] : memref<10240x128xf32, #tpu.memory_space<vmem_shared>> -> memref<10240x128xf32, #tpu.memory_space<vmem_shared>>
          tpu.enqueue_indirect_dma source(%arg10 : memref<125x128xf32, #tpu.memory_space<vmem>>) target(%dma_start3A_92 : memref<10240x128xf32, #tpu.memory_space<vmem_shared>>) offsets(%dma_start3A_89 : memref<125xi32, #tpu.memory_space<vmem>>) semaphore(%arg11 : memref<!tpu.dma_semaphore, #tpu.memory_space<semaphore_mem>>) {add = true}
          %mul3A_93 = arith.constant 8 : i32
          %mul3A_94 = arith.muli %scan3A_33, %mul3A_93 : i32
          %add3A_95 = arith.constant 6 : i32
          %add3A_96 = arith.addi %mul3A_94, %add3A_95 : i32
          %dma_start3A_97 = arith.constant 0 : i32
          %dma_start3A_98 = tpu.memref_slice %arg9[%add3A_96, %dma_start3A_97] : memref<40x125xi32, #tpu.memory_space<vmem>> -> memref<1x125xi32, #tpu.memory_space<vmem>>
          %dma_start3A_99 = tpu.memref_squeeze %dma_start3A_98 : memref<1x125xi32, #tpu.memory_space<vmem>> -> memref<125xi32, #tpu.memory_space<vmem>>
          %dma_start3A_100 = arith.constant 0 : i32
          %dma_start3A_101 = arith.constant 0 : i32
          %dma_start3A_102 = tpu.memref_slice %arg8[%dma_start3A_100, %dma_start3A_101] : memref<10240x128xf32, #tpu.memory_space<vmem_shared>> -> memref<10240x128xf32, #tpu.memory_space<vmem_shared>>
          tpu.enqueue_indirect_dma source(%arg10 : memref<125x128xf32, #tpu.memory_space<vmem>>) target(%dma_start3A_102 : memref<10240x128xf32, #tpu.memory_space<vmem_shared>>) offsets(%dma_start3A_99 : memref<125xi32, #tpu.memory_space<vmem>>) semaphore(%arg11 : memref<!tpu.dma_semaphore, #tpu.memory_space<semaphore_mem>>) {add = true}
          %mul3A_103 = arith.constant 8 : i32
          %mul3A_104 = arith.muli %scan3A_33, %mul3A_103 : i32
          %add3A_105 = arith.constant 7 : i32
          %add3A_106 = arith.addi %mul3A_104, %add3A_105 : i32
          %dma_start3A_107 = arith.constant 0 : i32
          %dma_start3A_108 = tpu.memref_slice %arg9[%add3A_106, %dma_start3A_107] : memref<40x125xi32, #tpu.memory_space<vmem>> -> memref<1x125xi32, #tpu.memory_space<vmem>>
          %dma_start3A_109 = tpu.memref_squeeze %dma_start3A_108 : memref<1x125xi32, #tpu.memory_space<vmem>> -> memref<125xi32, #tpu.memory_space<vmem>>
          %dma_start3A_110 = arith.constant 0 : i32
          %dma_start3A_111 = arith.constant 0 : i32
          %dma_start3A_112 = tpu.memref_slice %arg8[%dma_start3A_110, %dma_start3A_111] : memref<10240x128xf32, #tpu.memory_space<vmem_shared>> -> memref<10240x128xf32, #tpu.memory_space<vmem_shared>>
          tpu.enqueue_indirect_dma source(%arg10 : memref<125x128xf32, #tpu.memory_space<vmem>>) target(%dma_start3A_112 : memref<10240x128xf32, #tpu.memory_space<vmem_shared>>) offsets(%dma_start3A_109 : memref<125xi32, #tpu.memory_space<vmem>>) semaphore(%arg11 : memref<!tpu.dma_semaphore, #tpu.memory_space<semaphore_mem>>) {add = true}
          %mul3A_113 = arith.constant 8 : i32
          %mul3A_114 = arith.muli %scan3A_33, %mul3A_113 : i32
          %add3A_115 = arith.constant 0 : i32
          %add3A_116 = arith.addi %mul3A_114, %add3A_115 : i32
          %dma_wait3A = arith.constant 0 : i32
          %dma_wait3A_117 = tpu.memref_slice %arg9[%add3A_116, %dma_wait3A] : memref<40x125xi32, #tpu.memory_space<vmem>> -> memref<1x125xi32, #tpu.memory_space<vmem>>
          %dma_wait3A_118 = tpu.memref_squeeze %dma_wait3A_117 : memref<1x125xi32, #tpu.memory_space<vmem>> -> memref<125xi32, #tpu.memory_space<vmem>>
          %dma_wait3A_119 = arith.constant 0 : i32
          %dma_wait3A_120 = arith.constant 0 : i32
          %dma_wait3A_121 = tpu.memref_slice %arg8[%dma_wait3A_119, %dma_wait3A_120] : memref<10240x128xf32, #tpu.memory_space<vmem_shared>> -> memref<10240x128xf32, #tpu.memory_space<vmem_shared>>
          tpu.wait_indirect_dma semaphore(%arg11 : memref<!tpu.dma_semaphore, #tpu.memory_space<semaphore_mem>>) src(%arg10 : memref<125x128xf32, #tpu.memory_space<vmem>>) dst(%dma_wait3A_121 : memref<10240x128xf32, #tpu.memory_space<vmem_shared>>)
          %mul3A_122 = arith.constant 8 : i32
          %mul3A_123 = arith.muli %scan3A_33, %mul3A_122 : i32
          %add3A_124 = arith.constant 1 : i32
          %add3A_125 = arith.addi %mul3A_123, %add3A_124 : i32
          %dma_wait3A_126 = arith.constant 0 : i32
          %dma_wait3A_127 = tpu.memref_slice %arg9[%add3A_125, %dma_wait3A_126] : memref<40x125xi32, #tpu.memory_space<vmem>> -> memref<1x125xi32, #tpu.memory_space<vmem>>
          %dma_wait3A_128 = tpu.memref_squeeze %dma_wait3A_127 : memref<1x125xi32, #tpu.memory_space<vmem>> -> memref<125xi32, #tpu.memory_space<vmem>>
          %dma_wait3A_129 = arith.constant 0 : i32
          %dma_wait3A_130 = arith.constant 0 : i32
          %dma_wait3A_131 = tpu.memref_slice %arg8[%dma_wait3A_129, %dma_wait3A_130] : memref<10240x128xf32, #tpu.memory_space<vmem_shared>> -> memref<10240x128xf32, #tpu.memory_space<vmem_shared>>
          tpu.wait_indirect_dma semaphore(%arg11 : memref<!tpu.dma_semaphore, #tpu.memory_space<semaphore_mem>>) src(%arg10 : memref<125x128xf32, #tpu.memory_space<vmem>>) dst(%dma_wait3A_131 : memref<10240x128xf32, #tpu.memory_space<vmem_shared>>)
          %mul3A_132 = arith.constant 8 : i32
          %mul3A_133 = arith.muli %scan3A_33, %mul3A_132 : i32
          %add3A_134 = arith.constant 2 : i32
          %add3A_135 = arith.addi %mul3A_133, %add3A_134 : i32
          %dma_wait3A_136 = arith.constant 0 : i32
          %dma_wait3A_137 = tpu.memref_slice %arg9[%add3A_135, %dma_wait3A_136] : memref<40x125xi32, #tpu.memory_space<vmem>> -> memref<1x125xi32, #tpu.memory_space<vmem>>
          %dma_wait3A_138 = tpu.memref_squeeze %dma_wait3A_137 : memref<1x125xi32, #tpu.memory_space<vmem>> -> memref<125xi32, #tpu.memory_space<vmem>>
          %dma_wait3A_139 = arith.constant 0 : i32
          %dma_wait3A_140 = arith.constant 0 : i32
          %dma_wait3A_141 = tpu.memref_slice %arg8[%dma_wait3A_139, %dma_wait3A_140] : memref<10240x128xf32, #tpu.memory_space<vmem_shared>> -> memref<10240x128xf32, #tpu.memory_space<vmem_shared>>
          tpu.wait_indirect_dma semaphore(%arg11 : memref<!tpu.dma_semaphore, #tpu.memory_space<semaphore_mem>>) src(%arg10 : memref<125x128xf32, #tpu.memory_space<vmem>>) dst(%dma_wait3A_141 : memref<10240x128xf32, #tpu.memory_space<vmem_shared>>)
          %mul3A_142 = arith.constant 8 : i32
          %mul3A_143 = arith.muli %scan3A_33, %mul3A_142 : i32
          %add3A_144 = arith.constant 3 : i32
          %add3A_145 = arith.addi %mul3A_143, %add3A_144 : i32
          %dma_wait3A_146 = arith.constant 0 : i32
          %dma_wait3A_147 = tpu.memref_slice %arg9[%add3A_145, %dma_wait3A_146] : memref<40x125xi32, #tpu.memory_space<vmem>> -> memref<1x125xi32, #tpu.memory_space<vmem>>
          %dma_wait3A_148 = tpu.memref_squeeze %dma_wait3A_147 : memref<1x125xi32, #tpu.memory_space<vmem>> -> memref<125xi32, #tpu.memory_space<vmem>>
          %dma_wait3A_149 = arith.constant 0 : i32
          %dma_wait3A_150 = arith.constant 0 : i32
          %dma_wait3A_151 = tpu.memref_slice %arg8[%dma_wait3A_149, %dma_wait3A_150] : memref<10240x128xf32, #tpu.memory_space<vmem_shared>> -> memref<10240x128xf32, #tpu.memory_space<vmem_shared>>
          tpu.wait_indirect_dma semaphore(%arg11 : memref<!tpu.dma_semaphore, #tpu.memory_space<semaphore_mem>>) src(%arg10 : memref<125x128xf32, #tpu.memory_space<vmem>>) dst(%dma_wait3A_151 : memref<10240x128xf32, #tpu.memory_space<vmem_shared>>)
          %mul3A_152 = arith.constant 8 : i32
          %mul3A_153 = arith.muli %scan3A_33, %mul3A_152 : i32
          %add3A_154 = arith.constant 4 : i32
          %add3A_155 = arith.addi %mul3A_153, %add3A_154 : i32
          %dma_wait3A_156 = arith.constant 0 : i32
          %dma_wait3A_157 = tpu.memref_slice %arg9[%add3A_155, %dma_wait3A_156] : memref<40x125xi32, #tpu.memory_space<vmem>> -> memref<1x125xi32, #tpu.memory_space<vmem>>
          %dma_wait3A_158 = tpu.memref_squeeze %dma_wait3A_157 : memref<1x125xi32, #tpu.memory_space<vmem>> -> memref<125xi32, #tpu.memory_space<vmem>>
          %dma_wait3A_159 = arith.constant 0 : i32
          %dma_wait3A_160 = arith.constant 0 : i32
          %dma_wait3A_161 = tpu.memref_slice %arg8[%dma_wait3A_159, %dma_wait3A_160] : memref<10240x128xf32, #tpu.memory_space<vmem_shared>> -> memref<10240x128xf32, #tpu.memory_space<vmem_shared>>
          tpu.wait_indirect_dma semaphore(%arg11 : memref<!tpu.dma_semaphore, #tpu.memory_space<semaphore_mem>>) src(%arg10 : memref<125x128xf32, #tpu.memory_space<vmem>>) dst(%dma_wait3A_161 : memref<10240x128xf32, #tpu.memory_space<vmem_shared>>)
          %mul3A_162 = arith.constant 8 : i32
          %mul3A_163 = arith.muli %scan3A_33, %mul3A_162 : i32
          %add3A_164 = arith.constant 5 : i32
          %add3A_165 = arith.addi %mul3A_163, %add3A_164 : i32
          %dma_wait3A_166 = arith.constant 0 : i32
          %dma_wait3A_167 = tpu.memref_slice %arg9[%add3A_165, %dma_wait3A_166] : memref<40x125xi32, #tpu.memory_space<vmem>> -> memref<1x125xi32, #tpu.memory_space<vmem>>
          %dma_wait3A_168 = tpu.memref_squeeze %dma_wait3A_167 : memref<1x125xi32, #tpu.memory_space<vmem>> -> memref<125xi32, #tpu.memory_space<vmem>>
          %dma_wait3A_169 = arith.constant 0 : i32
          %dma_wait3A_170 = arith.constant 0 : i32
          %dma_wait3A_171 = tpu.memref_slice %arg8[%dma_wait3A_169, %dma_wait3A_170] : memref<10240x128xf32, #tpu.memory_space<vmem_shared>> -> memref<10240x128xf32, #tpu.memory_space<vmem_shared>>
          tpu.wait_indirect_dma semaphore(%arg11 : memref<!tpu.dma_semaphore, #tpu.memory_space<semaphore_mem>>) src(%arg10 : memref<125x128xf32, #tpu.memory_space<vmem>>) dst(%dma_wait3A_171 : memref<10240x128xf32, #tpu.memory_space<vmem_shared>>)
          %mul3A_172 = arith.constant 8 : i32
          %mul3A_173 = arith.muli %scan3A_33, %mul3A_172 : i32
          %add3A_174 = arith.constant 6 : i32
          %add3A_175 = arith.addi %mul3A_173, %add3A_174 : i32
          %dma_wait3A_176 = arith.constant 0 : i32
          %dma_wait3A_177 = tpu.memref_slice %arg9[%add3A_175, %dma_wait3A_176] : memref<40x125xi32, #tpu.memory_space<vmem>> -> memref<1x125xi32, #tpu.memory_space<vmem>>
          %dma_wait3A_178 = tpu.memref_squeeze %dma_wait3A_177 : memref<1x125xi32, #tpu.memory_space<vmem>> -> memref<125xi32, #tpu.memory_space<vmem>>
          %dma_wait3A_179 = arith.constant 0 : i32
          %dma_wait3A_180 = arith.constant 0 : i32
          %dma_wait3A_181 = tpu.memref_slice %arg8[%dma_wait3A_179, %dma_wait3A_180] : memref<10240x128xf32, #tpu.memory_space<vmem_shared>> -> memref<10240x128xf32, #tpu.memory_space<vmem_shared>>
          tpu.wait_indirect_dma semaphore(%arg11 : memref<!tpu.dma_semaphore, #tpu.memory_space<semaphore_mem>>) src(%arg10 : memref<125x128xf32, #tpu.memory_space<vmem>>) dst(%dma_wait3A_181 : memref<10240x128xf32, #tpu.memory_space<vmem_shared>>)
          %mul3A_182 = arith.constant 8 : i32
          %mul3A_183 = arith.muli %scan3A_33, %mul3A_182 : i32
          %add3A_184 = arith.constant 7 : i32
          %add3A_185 = arith.addi %mul3A_183, %add3A_184 : i32
          %dma_wait3A_186 = arith.constant 0 : i32
          %dma_wait3A_187 = tpu.memref_slice %arg9[%add3A_185, %dma_wait3A_186] : memref<40x125xi32, #tpu.memory_space<vmem>> -> memref<1x125xi32, #tpu.memory_space<vmem>>
          %dma_wait3A_188 = tpu.memref_squeeze %dma_wait3A_187 : memref<1x125xi32, #tpu.memory_space<vmem>> -> memref<125xi32, #tpu.memory_space<vmem>>
          %dma_wait3A_189 = arith.constant 0 : i32
          %dma_wait3A_190 = arith.constant 0 : i32
          %dma_wait3A_191 = tpu.memref_slice %arg8[%dma_wait3A_189, %dma_wait3A_190] : memref<10240x128xf32, #tpu.memory_space<vmem_shared>> -> memref<10240x128xf32, #tpu.memory_space<vmem_shared>>
          tpu.wait_indirect_dma semaphore(%arg11 : memref<!tpu.dma_semaphore, #tpu.memory_space<semaphore_mem>>) src(%arg10 : memref<125x128xf32, #tpu.memory_space<vmem>>) dst(%dma_wait3A_191 : memref<10240x128xf32, #tpu.memory_space<vmem_shared>>)
        }
        %scan3A_32 = arith.constant 5 : i32
      }
      %scan3A_23 = arith.constant 4 : i32
    } else {
    }
    %eq3A_3 = arith.constant 1 : i32
    %eq3A_4 = arith.cmpi eq, %arg0, %eq3A_3 : i32
    %convert_element_type3A_5 = arith.extui %eq3A_4 : i1 to i32
    %cond3A_6 = arith.constant 0 : i32
    %cond3A_7 = arith.cmpi ne, %convert_element_type3A_5, %cond3A_6 : i32
    scf.if %cond3A_7 {
      %scan3A = arith.constant 0 : i32
      %scan3A_19 = arith.constant 0 : i32
      %scan3A_20 = arith.constant 4 : i32
      %scan3A_21 = arith.addi %scan3A_19, %scan3A_20 : i32
      %scan3A_22 = arith.constant 1 : i32
      scf.for %scan3A_24 = %scan3A_19 to %scan3A_21 step %scan3A_22  : i32 {
        %mul3A_25 = arith.constant 4 : i32
        %mul3A_26 = arith.muli %arg1, %mul3A_25 : i32
        %add3A = arith.addi %mul3A_26, %scan3A_24 : i32
        "tpu.region"() ({
          %run_scoped3A = tpu.sem_alloc : memref<!tpu.dma_semaphore, #tpu.memory_space<semaphore_mem>>
          %dma_start3A = arith.constant 0 : i32
          %dma_start3A_33 = arith.constant 0 : i32
          %dma_start3A_34 = tpu.memref_slice %arg3[%add3A, %dma_start3A, %dma_start3A_33] : memref<64x40x125xi32, #tpu.memory_space<hbm>> -> memref<1x40x125xi32, #tpu.memory_space<hbm>>
          %dma_start3A_35 = tpu.memref_squeeze %dma_start3A_34 : memref<1x40x125xi32, #tpu.memory_space<hbm>> -> memref<40x125xi32, #tpu.memory_space<hbm>>
          %dma_start3A_36 = arith.constant 0 : i32
          %dma_start3A_37 = arith.constant 0 : i32
          %dma_start3A_38 = tpu.memref_slice %arg3[%add3A, %dma_start3A_36, %dma_start3A_37] : memref<64x40x125xi32, #tpu.memory_space<hbm>> -> memref<1x40x125xi32, #tpu.memory_space<hbm>>
          %dma_start3A_39 = tpu.memref_squeeze %dma_start3A_38 : memref<1x40x125xi32, #tpu.memory_space<hbm>> -> memref<40x125xi32, #tpu.memory_space<hbm>>
          tpu.enqueue_dma source(%dma_start3A_39 : memref<40x125xi32, #tpu.memory_space<hbm>>) target(%arg9 : memref<40x125xi32, #tpu.memory_space<vmem>>) target_semaphore(%run_scoped3A : memref<!tpu.dma_semaphore, #tpu.memory_space<semaphore_mem>>)
          %dma_wait3A = arith.constant 0 : i32
          %dma_wait3A_40 = arith.constant 0 : i32
          %dma_wait3A_41 = tpu.memref_slice %arg3[%add3A, %dma_wait3A, %dma_wait3A_40] : memref<64x40x125xi32, #tpu.memory_space<hbm>> -> memref<1x40x125xi32, #tpu.memory_space<hbm>>
          %dma_wait3A_42 = tpu.memref_squeeze %dma_wait3A_41 : memref<1x40x125xi32, #tpu.memory_space<hbm>> -> memref<40x125xi32, #tpu.memory_space<hbm>>
          %dma_wait3A_43 = arith.constant 0 : i32
          %dma_wait3A_44 = arith.constant 0 : i32
          %dma_wait3A_45 = tpu.memref_slice %arg3[%add3A, %dma_wait3A_43, %dma_wait3A_44] : memref<64x40x125xi32, #tpu.memory_space<hbm>> -> memref<1x40x125xi32, #tpu.memory_space<hbm>>
          %dma_wait3A_46 = tpu.memref_squeeze %dma_wait3A_45 : memref<1x40x125xi32, #tpu.memory_space<hbm>> -> memref<40x125xi32, #tpu.memory_space<hbm>>
          tpu.wait_dma2 semaphore(%run_scoped3A : memref<!tpu.dma_semaphore, #tpu.memory_space<semaphore_mem>>) src(%dma_wait3A_46 : memref<40x125xi32, #tpu.memory_space<hbm>>) dst(%arg9 : memref<40x125xi32, #tpu.memory_space<vmem>>)
          tpu.yield
        }) : () -> ()
        %scan3A_27 = arith.constant 0 : i32
        %scan3A_28 = arith.constant 0 : i32
        %scan3A_29 = arith.constant 5 : i32
        %scan3A_30 = arith.addi %scan3A_28, %scan3A_29 : i32
        %scan3A_31 = arith.constant 1 : i32
        scf.for %scan3A_33 = %scan3A_28 to %scan3A_30 step %scan3A_31  : i32 {
          %mul3A_34 = arith.constant 8 : i32
          %mul3A_35 = arith.muli %scan3A_33, %mul3A_34 : i32
          %add3A_36 = arith.constant 0 : i32
          %add3A_37 = arith.addi %mul3A_35, %add3A_36 : i32
          %dma_start3A = arith.constant 0 : i32
          %dma_start3A_38 = tpu.memref_slice %arg9[%add3A_37, %dma_start3A] : memref<40x125xi32, #tpu.memory_space<vmem>> -> memref<1x125xi32, #tpu.memory_space<vmem>>
          %dma_start3A_39 = tpu.memref_squeeze %dma_start3A_38 : memref<1x125xi32, #tpu.memory_space<vmem>> -> memref<125xi32, #tpu.memory_space<vmem>>
          %dma_start3A_40 = arith.constant 0 : i32
          %dma_start3A_41 = arith.constant 0 : i32
          %dma_start3A_42 = tpu.memref_slice %arg8[%dma_start3A_40, %dma_start3A_41] : memref<10240x128xf32, #tpu.memory_space<vmem_shared>> -> memref<10240x128xf32, #tpu.memory_space<vmem_shared>>
          tpu.enqueue_indirect_dma source(%arg10 : memref<125x128xf32, #tpu.memory_space<vmem>>) target(%dma_start3A_42 : memref<10240x128xf32, #tpu.memory_space<vmem_shared>>) offsets(%dma_start3A_39 : memref<125xi32, #tpu.memory_space<vmem>>) semaphore(%arg11 : memref<!tpu.dma_semaphore, #tpu.memory_space<semaphore_mem>>) {add = true}
          %mul3A_43 = arith.constant 8 : i32
          %mul3A_44 = arith.muli %scan3A_33, %mul3A_43 : i32
          %add3A_45 = arith.constant 1 : i32
          %add3A_46 = arith.addi %mul3A_44, %add3A_45 : i32
          %dma_start3A_47 = arith.constant 0 : i32
          %dma_start3A_48 = tpu.memref_slice %arg9[%add3A_46, %dma_start3A_47] : memref<40x125xi32, #tpu.memory_space<vmem>> -> memref<1x125xi32, #tpu.memory_space<vmem>>
          %dma_start3A_49 = tpu.memref_squeeze %dma_start3A_48 : memref<1x125xi32, #tpu.memory_space<vmem>> -> memref<125xi32, #tpu.memory_space<vmem>>
          %dma_start3A_50 = arith.constant 0 : i32
          %dma_start3A_51 = arith.constant 0 : i32
          %dma_start3A_52 = tpu.memref_slice %arg8[%dma_start3A_50, %dma_start3A_51] : memref<10240x128xf32, #tpu.memory_space<vmem_shared>> -> memref<10240x128xf32, #tpu.memory_space<vmem_shared>>
          tpu.enqueue_indirect_dma source(%arg10 : memref<125x128xf32, #tpu.memory_space<vmem>>) target(%dma_start3A_52 : memref<10240x128xf32, #tpu.memory_space<vmem_shared>>) offsets(%dma_start3A_49 : memref<125xi32, #tpu.memory_space<vmem>>) semaphore(%arg11 : memref<!tpu.dma_semaphore, #tpu.memory_space<semaphore_mem>>) {add = true}
          %mul3A_53 = arith.constant 8 : i32
          %mul3A_54 = arith.muli %scan3A_33, %mul3A_53 : i32
          %add3A_55 = arith.constant 2 : i32
          %add3A_56 = arith.addi %mul3A_54, %add3A_55 : i32
          %dma_start3A_57 = arith.constant 0 : i32
          %dma_start3A_58 = tpu.memref_slice %arg9[%add3A_56, %dma_start3A_57] : memref<40x125xi32, #tpu.memory_space<vmem>> -> memref<1x125xi32, #tpu.memory_space<vmem>>
          %dma_start3A_59 = tpu.memref_squeeze %dma_start3A_58 : memref<1x125xi32, #tpu.memory_space<vmem>> -> memref<125xi32, #tpu.memory_space<vmem>>
          %dma_start3A_60 = arith.constant 0 : i32
          %dma_start3A_61 = arith.constant 0 : i32
          %dma_start3A_62 = tpu.memref_slice %arg8[%dma_start3A_60, %dma_start3A_61] : memref<10240x128xf32, #tpu.memory_space<vmem_shared>> -> memref<10240x128xf32, #tpu.memory_space<vmem_shared>>
          tpu.enqueue_indirect_dma source(%arg10 : memref<125x128xf32, #tpu.memory_space<vmem>>) target(%dma_start3A_62 : memref<10240x128xf32, #tpu.memory_space<vmem_shared>>) offsets(%dma_start3A_59 : memref<125xi32, #tpu.memory_space<vmem>>) semaphore(%arg11 : memref<!tpu.dma_semaphore, #tpu.memory_space<semaphore_mem>>) {add = true}
          %mul3A_63 = arith.constant 8 : i32
          %mul3A_64 = arith.muli %scan3A_33, %mul3A_63 : i32
          %add3A_65 = arith.constant 3 : i32
          %add3A_66 = arith.addi %mul3A_64, %add3A_65 : i32
          %dma_start3A_67 = arith.constant 0 : i32
          %dma_start3A_68 = tpu.memref_slice %arg9[%add3A_66, %dma_start3A_67] : memref<40x125xi32, #tpu.memory_space<vmem>> -> memref<1x125xi32, #tpu.memory_space<vmem>>
          %dma_start3A_69 = tpu.memref_squeeze %dma_start3A_68 : memref<1x125xi32, #tpu.memory_space<vmem>> -> memref<125xi32, #tpu.memory_space<vmem>>
          %dma_start3A_70 = arith.constant 0 : i32
          %dma_start3A_71 = arith.constant 0 : i32
          %dma_start3A_72 = tpu.memref_slice %arg8[%dma_start3A_70, %dma_start3A_71] : memref<10240x128xf32, #tpu.memory_space<vmem_shared>> -> memref<10240x128xf32, #tpu.memory_space<vmem_shared>>
          tpu.enqueue_indirect_dma source(%arg10 : memref<125x128xf32, #tpu.memory_space<vmem>>) target(%dma_start3A_72 : memref<10240x128xf32, #tpu.memory_space<vmem_shared>>) offsets(%dma_start3A_69 : memref<125xi32, #tpu.memory_space<vmem>>) semaphore(%arg11 : memref<!tpu.dma_semaphore, #tpu.memory_space<semaphore_mem>>) {add = true}
          %mul3A_73 = arith.constant 8 : i32
          %mul3A_74 = arith.muli %scan3A_33, %mul3A_73 : i32
          %add3A_75 = arith.constant 4 : i32
          %add3A_76 = arith.addi %mul3A_74, %add3A_75 : i32
          %dma_start3A_77 = arith.constant 0 : i32
          %dma_start3A_78 = tpu.memref_slice %arg9[%add3A_76, %dma_start3A_77] : memref<40x125xi32, #tpu.memory_space<vmem>> -> memref<1x125xi32, #tpu.memory_space<vmem>>
          %dma_start3A_79 = tpu.memref_squeeze %dma_start3A_78 : memref<1x125xi32, #tpu.memory_space<vmem>> -> memref<125xi32, #tpu.memory_space<vmem>>
          %dma_start3A_80 = arith.constant 0 : i32
          %dma_start3A_81 = arith.constant 0 : i32
          %dma_start3A_82 = tpu.memref_slice %arg8[%dma_start3A_80, %dma_start3A_81] : memref<10240x128xf32, #tpu.memory_space<vmem_shared>> -> memref<10240x128xf32, #tpu.memory_space<vmem_shared>>
          tpu.enqueue_indirect_dma source(%arg10 : memref<125x128xf32, #tpu.memory_space<vmem>>) target(%dma_start3A_82 : memref<10240x128xf32, #tpu.memory_space<vmem_shared>>) offsets(%dma_start3A_79 : memref<125xi32, #tpu.memory_space<vmem>>) semaphore(%arg11 : memref<!tpu.dma_semaphore, #tpu.memory_space<semaphore_mem>>) {add = true}
          %mul3A_83 = arith.constant 8 : i32
          %mul3A_84 = arith.muli %scan3A_33, %mul3A_83 : i32
          %add3A_85 = arith.constant 5 : i32
          %add3A_86 = arith.addi %mul3A_84, %add3A_85 : i32
          %dma_start3A_87 = arith.constant 0 : i32
          %dma_start3A_88 = tpu.memref_slice %arg9[%add3A_86, %dma_start3A_87] : memref<40x125xi32, #tpu.memory_space<vmem>> -> memref<1x125xi32, #tpu.memory_space<vmem>>
          %dma_start3A_89 = tpu.memref_squeeze %dma_start3A_88 : memref<1x125xi32, #tpu.memory_space<vmem>> -> memref<125xi32, #tpu.memory_space<vmem>>
          %dma_start3A_90 = arith.constant 0 : i32
          %dma_start3A_91 = arith.constant 0 : i32
          %dma_start3A_92 = tpu.memref_slice %arg8[%dma_start3A_90, %dma_start3A_91] : memref<10240x128xf32, #tpu.memory_space<vmem_shared>> -> memref<10240x128xf32, #tpu.memory_space<vmem_shared>>
          tpu.enqueue_indirect_dma source(%arg10 : memref<125x128xf32, #tpu.memory_space<vmem>>) target(%dma_start3A_92 : memref<10240x128xf32, #tpu.memory_space<vmem_shared>>) offsets(%dma_start3A_89 : memref<125xi32, #tpu.memory_space<vmem>>) semaphore(%arg11 : memref<!tpu.dma_semaphore, #tpu.memory_space<semaphore_mem>>) {add = true}
          %mul3A_93 = arith.constant 8 : i32
          %mul3A_94 = arith.muli %scan3A_33, %mul3A_93 : i32
          %add3A_95 = arith.constant 6 : i32
          %add3A_96 = arith.addi %mul3A_94, %add3A_95 : i32
          %dma_start3A_97 = arith.constant 0 : i32
          %dma_start3A_98 = tpu.memref_slice %arg9[%add3A_96, %dma_start3A_97] : memref<40x125xi32, #tpu.memory_space<vmem>> -> memref<1x125xi32, #tpu.memory_space<vmem>>
          %dma_start3A_99 = tpu.memref_squeeze %dma_start3A_98 : memref<1x125xi32, #tpu.memory_space<vmem>> -> memref<125xi32, #tpu.memory_space<vmem>>
          %dma_start3A_100 = arith.constant 0 : i32
          %dma_start3A_101 = arith.constant 0 : i32
          %dma_start3A_102 = tpu.memref_slice %arg8[%dma_start3A_100, %dma_start3A_101] : memref<10240x128xf32, #tpu.memory_space<vmem_shared>> -> memref<10240x128xf32, #tpu.memory_space<vmem_shared>>
          tpu.enqueue_indirect_dma source(%arg10 : memref<125x128xf32, #tpu.memory_space<vmem>>) target(%dma_start3A_102 : memref<10240x128xf32, #tpu.memory_space<vmem_shared>>) offsets(%dma_start3A_99 : memref<125xi32, #tpu.memory_space<vmem>>) semaphore(%arg11 : memref<!tpu.dma_semaphore, #tpu.memory_space<semaphore_mem>>) {add = true}
          %mul3A_103 = arith.constant 8 : i32
          %mul3A_104 = arith.muli %scan3A_33, %mul3A_103 : i32
          %add3A_105 = arith.constant 7 : i32
          %add3A_106 = arith.addi %mul3A_104, %add3A_105 : i32
          %dma_start3A_107 = arith.constant 0 : i32
          %dma_start3A_108 = tpu.memref_slice %arg9[%add3A_106, %dma_start3A_107] : memref<40x125xi32, #tpu.memory_space<vmem>> -> memref<1x125xi32, #tpu.memory_space<vmem>>
          %dma_start3A_109 = tpu.memref_squeeze %dma_start3A_108 : memref<1x125xi32, #tpu.memory_space<vmem>> -> memref<125xi32, #tpu.memory_space<vmem>>
          %dma_start3A_110 = arith.constant 0 : i32
          %dma_start3A_111 = arith.constant 0 : i32
          %dma_start3A_112 = tpu.memref_slice %arg8[%dma_start3A_110, %dma_start3A_111] : memref<10240x128xf32, #tpu.memory_space<vmem_shared>> -> memref<10240x128xf32, #tpu.memory_space<vmem_shared>>
          tpu.enqueue_indirect_dma source(%arg10 : memref<125x128xf32, #tpu.memory_space<vmem>>) target(%dma_start3A_112 : memref<10240x128xf32, #tpu.memory_space<vmem_shared>>) offsets(%dma_start3A_109 : memref<125xi32, #tpu.memory_space<vmem>>) semaphore(%arg11 : memref<!tpu.dma_semaphore, #tpu.memory_space<semaphore_mem>>) {add = true}
          %mul3A_113 = arith.constant 8 : i32
          %mul3A_114 = arith.muli %scan3A_33, %mul3A_113 : i32
          %add3A_115 = arith.constant 0 : i32
          %add3A_116 = arith.addi %mul3A_114, %add3A_115 : i32
          %dma_wait3A = arith.constant 0 : i32
          %dma_wait3A_117 = tpu.memref_slice %arg9[%add3A_116, %dma_wait3A] : memref<40x125xi32, #tpu.memory_space<vmem>> -> memref<1x125xi32, #tpu.memory_space<vmem>>
          %dma_wait3A_118 = tpu.memref_squeeze %dma_wait3A_117 : memref<1x125xi32, #tpu.memory_space<vmem>> -> memref<125xi32, #tpu.memory_space<vmem>>
          %dma_wait3A_119 = arith.constant 0 : i32
          %dma_wait3A_120 = arith.constant 0 : i32
          %dma_wait3A_121 = tpu.memref_slice %arg8[%dma_wait3A_119, %dma_wait3A_120] : memref<10240x128xf32, #tpu.memory_space<vmem_shared>> -> memref<10240x128xf32, #tpu.memory_space<vmem_shared>>
          tpu.wait_indirect_dma semaphore(%arg11 : memref<!tpu.dma_semaphore, #tpu.memory_space<semaphore_mem>>) src(%arg10 : memref<125x128xf32, #tpu.memory_space<vmem>>) dst(%dma_wait3A_121 : memref<10240x128xf32, #tpu.memory_space<vmem_shared>>)
          %mul3A_122 = arith.constant 8 : i32
          %mul3A_123 = arith.muli %scan3A_33, %mul3A_122 : i32
          %add3A_124 = arith.constant 1 : i32
          %add3A_125 = arith.addi %mul3A_123, %add3A_124 : i32
          %dma_wait3A_126 = arith.constant 0 : i32
          %dma_wait3A_127 = tpu.memref_slice %arg9[%add3A_125, %dma_wait3A_126] : memref<40x125xi32, #tpu.memory_space<vmem>> -> memref<1x125xi32, #tpu.memory_space<vmem>>
          %dma_wait3A_128 = tpu.memref_squeeze %dma_wait3A_127 : memref<1x125xi32, #tpu.memory_space<vmem>> -> memref<125xi32, #tpu.memory_space<vmem>>
          %dma_wait3A_129 = arith.constant 0 : i32
          %dma_wait3A_130 = arith.constant 0 : i32
          %dma_wait3A_131 = tpu.memref_slice %arg8[%dma_wait3A_129, %dma_wait3A_130] : memref<10240x128xf32, #tpu.memory_space<vmem_shared>> -> memref<10240x128xf32, #tpu.memory_space<vmem_shared>>
          tpu.wait_indirect_dma semaphore(%arg11 : memref<!tpu.dma_semaphore, #tpu.memory_space<semaphore_mem>>) src(%arg10 : memref<125x128xf32, #tpu.memory_space<vmem>>) dst(%dma_wait3A_131 : memref<10240x128xf32, #tpu.memory_space<vmem_shared>>)
          %mul3A_132 = arith.constant 8 : i32
          %mul3A_133 = arith.muli %scan3A_33, %mul3A_132 : i32
          %add3A_134 = arith.constant 2 : i32
          %add3A_135 = arith.addi %mul3A_133, %add3A_134 : i32
          %dma_wait3A_136 = arith.constant 0 : i32
          %dma_wait3A_137 = tpu.memref_slice %arg9[%add3A_135, %dma_wait3A_136] : memref<40x125xi32, #tpu.memory_space<vmem>> -> memref<1x125xi32, #tpu.memory_space<vmem>>
          %dma_wait3A_138 = tpu.memref_squeeze %dma_wait3A_137 : memref<1x125xi32, #tpu.memory_space<vmem>> -> memref<125xi32, #tpu.memory_space<vmem>>
          %dma_wait3A_139 = arith.constant 0 : i32
          %dma_wait3A_140 = arith.constant 0 : i32
          %dma_wait3A_141 = tpu.memref_slice %arg8[%dma_wait3A_139, %dma_wait3A_140] : memref<10240x128xf32, #tpu.memory_space<vmem_shared>> -> memref<10240x128xf32, #tpu.memory_space<vmem_shared>>
          tpu.wait_indirect_dma semaphore(%arg11 : memref<!tpu.dma_semaphore, #tpu.memory_space<semaphore_mem>>) src(%arg10 : memref<125x128xf32, #tpu.memory_space<vmem>>) dst(%dma_wait3A_141 : memref<10240x128xf32, #tpu.memory_space<vmem_shared>>)
          %mul3A_142 = arith.constant 8 : i32
          %mul3A_143 = arith.muli %scan3A_33, %mul3A_142 : i32
          %add3A_144 = arith.constant 3 : i32
          %add3A_145 = arith.addi %mul3A_143, %add3A_144 : i32
          %dma_wait3A_146 = arith.constant 0 : i32
          %dma_wait3A_147 = tpu.memref_slice %arg9[%add3A_145, %dma_wait3A_146] : memref<40x125xi32, #tpu.memory_space<vmem>> -> memref<1x125xi32, #tpu.memory_space<vmem>>
          %dma_wait3A_148 = tpu.memref_squeeze %dma_wait3A_147 : memref<1x125xi32, #tpu.memory_space<vmem>> -> memref<125xi32, #tpu.memory_space<vmem>>
          %dma_wait3A_149 = arith.constant 0 : i32
          %dma_wait3A_150 = arith.constant 0 : i32
          %dma_wait3A_151 = tpu.memref_slice %arg8[%dma_wait3A_149, %dma_wait3A_150] : memref<10240x128xf32, #tpu.memory_space<vmem_shared>> -> memref<10240x128xf32, #tpu.memory_space<vmem_shared>>
          tpu.wait_indirect_dma semaphore(%arg11 : memref<!tpu.dma_semaphore, #tpu.memory_space<semaphore_mem>>) src(%arg10 : memref<125x128xf32, #tpu.memory_space<vmem>>) dst(%dma_wait3A_151 : memref<10240x128xf32, #tpu.memory_space<vmem_shared>>)
          %mul3A_152 = arith.constant 8 : i32
          %mul3A_153 = arith.muli %scan3A_33, %mul3A_152 : i32
          %add3A_154 = arith.constant 4 : i32
          %add3A_155 = arith.addi %mul3A_153, %add3A_154 : i32
          %dma_wait3A_156 = arith.constant 0 : i32
          %dma_wait3A_157 = tpu.memref_slice %arg9[%add3A_155, %dma_wait3A_156] : memref<40x125xi32, #tpu.memory_space<vmem>> -> memref<1x125xi32, #tpu.memory_space<vmem>>
          %dma_wait3A_158 = tpu.memref_squeeze %dma_wait3A_157 : memref<1x125xi32, #tpu.memory_space<vmem>> -> memref<125xi32, #tpu.memory_space<vmem>>
          %dma_wait3A_159 = arith.constant 0 : i32
          %dma_wait3A_160 = arith.constant 0 : i32
          %dma_wait3A_161 = tpu.memref_slice %arg8[%dma_wait3A_159, %dma_wait3A_160] : memref<10240x128xf32, #tpu.memory_space<vmem_shared>> -> memref<10240x128xf32, #tpu.memory_space<vmem_shared>>
          tpu.wait_indirect_dma semaphore(%arg11 : memref<!tpu.dma_semaphore, #tpu.memory_space<semaphore_mem>>) src(%arg10 : memref<125x128xf32, #tpu.memory_space<vmem>>) dst(%dma_wait3A_161 : memref<10240x128xf32, #tpu.memory_space<vmem_shared>>)
          %mul3A_162 = arith.constant 8 : i32
          %mul3A_163 = arith.muli %scan3A_33, %mul3A_162 : i32
          %add3A_164 = arith.constant 5 : i32
          %add3A_165 = arith.addi %mul3A_163, %add3A_164 : i32
          %dma_wait3A_166 = arith.constant 0 : i32
          %dma_wait3A_167 = tpu.memref_slice %arg9[%add3A_165, %dma_wait3A_166] : memref<40x125xi32, #tpu.memory_space<vmem>> -> memref<1x125xi32, #tpu.memory_space<vmem>>
          %dma_wait3A_168 = tpu.memref_squeeze %dma_wait3A_167 : memref<1x125xi32, #tpu.memory_space<vmem>> -> memref<125xi32, #tpu.memory_space<vmem>>
          %dma_wait3A_169 = arith.constant 0 : i32
          %dma_wait3A_170 = arith.constant 0 : i32
          %dma_wait3A_171 = tpu.memref_slice %arg8[%dma_wait3A_169, %dma_wait3A_170] : memref<10240x128xf32, #tpu.memory_space<vmem_shared>> -> memref<10240x128xf32, #tpu.memory_space<vmem_shared>>
          tpu.wait_indirect_dma semaphore(%arg11 : memref<!tpu.dma_semaphore, #tpu.memory_space<semaphore_mem>>) src(%arg10 : memref<125x128xf32, #tpu.memory_space<vmem>>) dst(%dma_wait3A_171 : memref<10240x128xf32, #tpu.memory_space<vmem_shared>>)
          %mul3A_172 = arith.constant 8 : i32
          %mul3A_173 = arith.muli %scan3A_33, %mul3A_172 : i32
          %add3A_174 = arith.constant 6 : i32
          %add3A_175 = arith.addi %mul3A_173, %add3A_174 : i32
          %dma_wait3A_176 = arith.constant 0 : i32
          %dma_wait3A_177 = tpu.memref_slice %arg9[%add3A_175, %dma_wait3A_176] : memref<40x125xi32, #tpu.memory_space<vmem>> -> memref<1x125xi32, #tpu.memory_space<vmem>>
          %dma_wait3A_178 = tpu.memref_squeeze %dma_wait3A_177 : memref<1x125xi32, #tpu.memory_space<vmem>> -> memref<125xi32, #tpu.memory_space<vmem>>
          %dma_wait3A_179 = arith.constant 0 : i32
          %dma_wait3A_180 = arith.constant 0 : i32
          %dma_wait3A_181 = tpu.memref_slice %arg8[%dma_wait3A_179, %dma_wait3A_180] : memref<10240x128xf32, #tpu.memory_space<vmem_shared>> -> memref<10240x128xf32, #tpu.memory_space<vmem_shared>>
          tpu.wait_indirect_dma semaphore(%arg11 : memref<!tpu.dma_semaphore, #tpu.memory_space<semaphore_mem>>) src(%arg10 : memref<125x128xf32, #tpu.memory_space<vmem>>) dst(%dma_wait3A_181 : memref<10240x128xf32, #tpu.memory_space<vmem_shared>>)
          %mul3A_182 = arith.constant 8 : i32
          %mul3A_183 = arith.muli %scan3A_33, %mul3A_182 : i32
          %add3A_184 = arith.constant 7 : i32
          %add3A_185 = arith.addi %mul3A_183, %add3A_184 : i32
          %dma_wait3A_186 = arith.constant 0 : i32
          %dma_wait3A_187 = tpu.memref_slice %arg9[%add3A_185, %dma_wait3A_186] : memref<40x125xi32, #tpu.memory_space<vmem>> -> memref<1x125xi32, #tpu.memory_space<vmem>>
          %dma_wait3A_188 = tpu.memref_squeeze %dma_wait3A_187 : memref<1x125xi32, #tpu.memory_space<vmem>> -> memref<125xi32, #tpu.memory_space<vmem>>
          %dma_wait3A_189 = arith.constant 0 : i32
          %dma_wait3A_190 = arith.constant 0 : i32
          %dma_wait3A_191 = tpu.memref_slice %arg8[%dma_wait3A_189, %dma_wait3A_190] : memref<10240x128xf32, #tpu.memory_space<vmem_shared>> -> memref<10240x128xf32, #tpu.memory_space<vmem_shared>>
          tpu.wait_indirect_dma semaphore(%arg11 : memref<!tpu.dma_semaphore, #tpu.memory_space<semaphore_mem>>) src(%arg10 : memref<125x128xf32, #tpu.memory_space<vmem>>) dst(%dma_wait3A_191 : memref<10240x128xf32, #tpu.memory_space<vmem_shared>>)
        }
        %scan3A_32 = arith.constant 5 : i32
      }
      %scan3A_23 = arith.constant 4 : i32
    } else {
    }
    %barrier3A_8 = arith.constant 0 : index
    tpu.barrier barrier_id(%barrier3A_8)
    %eq3A_9 = arith.constant 0 : i32
    %eq3A_10 = arith.cmpi eq, %arg0, %eq3A_9 : i32
    %convert_element_type3A_11 = arith.extui %eq3A_10 : i1 to i32
    %cond3A_12 = arith.constant 0 : i32
    %cond3A_13 = arith.cmpi ne, %convert_element_type3A_11, %cond3A_12 : i32
    scf.if %cond3A_13 {
      "tpu.region"() ({
        %run_scoped3A = tpu.sem_alloc : memref<!tpu.dma_semaphore, #tpu.memory_space<semaphore_mem>>
        %dma_start3A = arith.constant 0 : i32
        %dma_start3A_19 = tpu.memref_slice %arg6[%mul3A_0, %dma_start3A] : memref<10240x128xf32, #tpu.memory_space<hbm>> -> memref<640x128xf32, #tpu.memory_space<hbm>>
        %dma_start3A_20 = arith.constant 0 : i32
        %dma_start3A_21 = tpu.memref_slice %arg8[%mul3A_0, %dma_start3A_20] : memref<10240x128xf32, #tpu.memory_space<vmem_shared>> -> memref<640x128xf32, #tpu.memory_space<vmem_shared>>
        tpu.enqueue_dma source(%dma_start3A_21 : memref<640x128xf32, #tpu.memory_space<vmem_shared>>) target(%dma_start3A_19 : memref<640x128xf32, #tpu.memory_space<hbm>>) target_semaphore(%run_scoped3A : memref<!tpu.dma_semaphore, #tpu.memory_space<semaphore_mem>>)
        %dma_wait3A = arith.constant 0 : i32
        %dma_wait3A_22 = tpu.memref_slice %arg6[%mul3A_0, %dma_wait3A] : memref<10240x128xf32, #tpu.memory_space<hbm>> -> memref<640x128xf32, #tpu.memory_space<hbm>>
        %dma_wait3A_23 = arith.constant 0 : i32
        %dma_wait3A_24 = tpu.memref_slice %arg8[%mul3A_0, %dma_wait3A_23] : memref<10240x128xf32, #tpu.memory_space<vmem_shared>> -> memref<640x128xf32, #tpu.memory_space<vmem_shared>>
        tpu.wait_dma2 semaphore(%run_scoped3A : memref<!tpu.dma_semaphore, #tpu.memory_space<semaphore_mem>>) src(%dma_wait3A_24 : memref<640x128xf32, #tpu.memory_space<vmem_shared>>) dst(%dma_wait3A_22 : memref<640x128xf32, #tpu.memory_space<hbm>>)
        tpu.yield
      }) : () -> ()
    } else {
    }
    %eq3A_14 = arith.constant 1 : i32
    %eq3A_15 = arith.cmpi eq, %arg0, %eq3A_14 : i32
    %convert_element_type3A_16 = arith.extui %eq3A_15 : i1 to i32
    %cond3A_17 = arith.constant 0 : i32
    %cond3A_18 = arith.cmpi ne, %convert_element_type3A_16, %cond3A_17 : i32
    scf.if %cond3A_18 {
      "tpu.region"() ({
        %run_scoped3A = tpu.sem_alloc : memref<!tpu.dma_semaphore, #tpu.memory_space<semaphore_mem>>
        %dma_start3A = arith.constant 0 : i32
        %dma_start3A_19 = tpu.memref_slice %arg7[%mul3A_0, %dma_start3A] : memref<10240x128xf32, #tpu.memory_space<hbm>> -> memref<640x128xf32, #tpu.memory_space<hbm>>
        %dma_start3A_20 = arith.constant 0 : i32
        %dma_start3A_21 = tpu.memref_slice %arg8[%mul3A_0, %dma_start3A_20] : memref<10240x128xf32, #tpu.memory_space<vmem_shared>> -> memref<640x128xf32, #tpu.memory_space<vmem_shared>>
        tpu.enqueue_dma source(%dma_start3A_21 : memref<640x128xf32, #tpu.memory_space<vmem_shared>>) target(%dma_start3A_19 : memref<640x128xf32, #tpu.memory_space<hbm>>) target_semaphore(%run_scoped3A : memref<!tpu.dma_semaphore, #tpu.memory_space<semaphore_mem>>)
        %dma_wait3A = arith.constant 0 : i32
        %dma_wait3A_22 = tpu.memref_slice %arg7[%mul3A_0, %dma_wait3A] : memref<10240x128xf32, #tpu.memory_space<hbm>> -> memref<640x128xf32, #tpu.memory_space<hbm>>
        %dma_wait3A_23 = arith.constant 0 : i32
        %dma_wait3A_24 = tpu.memref_slice %arg8[%mul3A_0, %dma_wait3A_23] : memref<10240x128xf32, #tpu.memory_space<vmem_shared>> -> memref<640x128xf32, #tpu.memory_space<vmem_shared>>
        tpu.wait_dma2 semaphore(%run_scoped3A : memref<!tpu.dma_semaphore, #tpu.memory_space<semaphore_mem>>) src(%dma_wait3A_24 : memref<640x128xf32, #tpu.memory_space<vmem_shared>>) dst(%dma_wait3A_22 : memref<640x128xf32, #tpu.memory_space<hbm>>)
        tpu.yield
      }) : () -> ()
    } else {
    }
    return
  }
}

#map = affine_map<(d0, d1) -> (0, 0)>
#map1 = affine_map<(d0, d1) -> (0, 0, 0)>
module attributes {stable_mosaic.version = 14 : i64} {
  func.func @_agg2_body(%arg0: i32, %arg1: i32, %arg2: memref<10000x128xf32, #tpu.memory_space<hbm>>, %arg3: memref<10000x128xf32, #tpu.memory_space<hbm>>, %arg4: memref<64x40x125xi32, #tpu.memory_space<hbm>>, %arg5: memref<64x40x125xi32, #tpu.memory_space<hbm>>, %arg6: memref<64x40x125xi32, #tpu.memory_space<hbm>>, %arg7: memref<64x40x125xi32, #tpu.memory_space<hbm>>, %arg8: memref<10240x128xf32, #tpu.memory_space<hbm>>, %arg9: memref<10240x128xf32, #tpu.memory_space<hbm>>, %arg10: memref<10240x128xf32, #tpu.memory_space<hbm>>, %arg11: memref<10240x128xf32, #tpu.memory_space<vmem_shared>>, %arg12: memref<2x125x128xf32, #tpu.memory_space<vmem>>, %arg13: memref<40x125xi32, #tpu.memory_space<vmem>>, %arg14: memref<40x125xi32, #tpu.memory_space<vmem>>, %arg15: memref<!tpu.dma_semaphore, #tpu.memory_space<semaphore_mem>>, %arg16: memref<!tpu.dma_semaphore, #tpu.memory_space<semaphore_mem>>) attributes {dimension_semantics = [#tpu.dimension_semantics<core_parallel>, #tpu.dimension_semantics<subcore_parallel>], iteration_bounds = array<i64: 2, 16>, scalar_prefetch = 0 : i64, scratch_operands = 6 : i64, tpu.core_type = #tpu.core_type<sc_vector_subcore>, window_params = [{transform_indices = #map}, {transform_indices = #map}, {transform_indices = #map1}, {transform_indices = #map1}, {transform_indices = #map1}, {transform_indices = #map1}, {transform_indices = #map}, {transform_indices = #map}, {transform_indices = #map}]} {
    %mul3A = arith.constant 640 : i32
    %mul3A_0 = arith.muli %arg1, %mul3A : i32
    "tpu.region"() ({
      %run_scoped3A = tpu.sem_alloc : memref<!tpu.dma_semaphore, #tpu.memory_space<semaphore_mem>>
      %dma_start3A = arith.constant 0 : i32
      %dma_start3A_19 = tpu.memref_slice %arg11[%mul3A_0, %dma_start3A] : memref<10240x128xf32, #tpu.memory_space<vmem_shared>> -> memref<640x128xf32, #tpu.memory_space<vmem_shared>>
      %dma_start3A_20 = arith.constant 0 : i32
      %dma_start3A_21 = tpu.memref_slice %arg8[%mul3A_0, %dma_start3A_20] : memref<10240x128xf32, #tpu.memory_space<hbm>> -> memref<640x128xf32, #tpu.memory_space<hbm>>
      tpu.enqueue_dma source(%dma_start3A_21 : memref<640x128xf32, #tpu.memory_space<hbm>>) target(%dma_start3A_19 : memref<640x128xf32, #tpu.memory_space<vmem_shared>>) target_semaphore(%run_scoped3A : memref<!tpu.dma_semaphore, #tpu.memory_space<semaphore_mem>>)
      %dma_wait3A = arith.constant 0 : i32
      %dma_wait3A_22 = tpu.memref_slice %arg11[%mul3A_0, %dma_wait3A] : memref<10240x128xf32, #tpu.memory_space<vmem_shared>> -> memref<640x128xf32, #tpu.memory_space<vmem_shared>>
      %dma_wait3A_23 = arith.constant 0 : i32
      %dma_wait3A_24 = tpu.memref_slice %arg8[%mul3A_0, %dma_wait3A_23] : memref<10240x128xf32, #tpu.memory_space<hbm>> -> memref<640x128xf32, #tpu.memory_space<hbm>>
      tpu.wait_dma2 semaphore(%run_scoped3A : memref<!tpu.dma_semaphore, #tpu.memory_space<semaphore_mem>>) src(%dma_wait3A_24 : memref<640x128xf32, #tpu.memory_space<hbm>>) dst(%dma_wait3A_22 : memref<640x128xf32, #tpu.memory_space<vmem_shared>>)
      tpu.yield
    }) : () -> ()
    %barrier3A = arith.constant 0 : index
    tpu.barrier barrier_id(%barrier3A)
    %eq3A = arith.constant 0 : i32
    %eq3A_1 = arith.cmpi eq, %arg0, %eq3A : i32
    %convert_element_type3A = arith.extui %eq3A_1 : i1 to i32
    %cond3A = arith.constant 0 : i32
    %cond3A_2 = arith.cmpi ne, %convert_element_type3A, %cond3A : i32
    scf.if %cond3A_2 {
      %scan3A = arith.constant 0 : i32
      %scan3A_19 = arith.constant 0 : i32
      %scan3A_20 = arith.constant 4 : i32
      %scan3A_21 = arith.addi %scan3A_19, %scan3A_20 : i32
      %scan3A_22 = arith.constant 1 : i32
      scf.for %scan3A_24 = %scan3A_19 to %scan3A_21 step %scan3A_22  : i32 {
        %mul3A_25 = arith.constant 4 : i32
        %mul3A_26 = arith.muli %arg1, %mul3A_25 : i32
        %add3A = arith.addi %mul3A_26, %scan3A_24 : i32
        "tpu.region"() ({
          %run_scoped3A = tpu.sem_alloc : memref<!tpu.dma_semaphore, #tpu.memory_space<semaphore_mem>>
          %dma_start3A_47 = arith.constant 0 : i32
          %dma_start3A_48 = arith.constant 0 : i32
          %dma_start3A_49 = tpu.memref_slice %arg4[%add3A, %dma_start3A_47, %dma_start3A_48] : memref<64x40x125xi32, #tpu.memory_space<hbm>> -> memref<1x40x125xi32, #tpu.memory_space<hbm>>
          %dma_start3A_50 = tpu.memref_squeeze %dma_start3A_49 : memref<1x40x125xi32, #tpu.memory_space<hbm>> -> memref<40x125xi32, #tpu.memory_space<hbm>>
          %dma_start3A_51 = arith.constant 0 : i32
          %dma_start3A_52 = arith.constant 0 : i32
          %dma_start3A_53 = tpu.memref_slice %arg4[%add3A, %dma_start3A_51, %dma_start3A_52] : memref<64x40x125xi32, #tpu.memory_space<hbm>> -> memref<1x40x125xi32, #tpu.memory_space<hbm>>
          %dma_start3A_54 = tpu.memref_squeeze %dma_start3A_53 : memref<1x40x125xi32, #tpu.memory_space<hbm>> -> memref<40x125xi32, #tpu.memory_space<hbm>>
          tpu.enqueue_dma source(%dma_start3A_54 : memref<40x125xi32, #tpu.memory_space<hbm>>) target(%arg13 : memref<40x125xi32, #tpu.memory_space<vmem>>) target_semaphore(%run_scoped3A : memref<!tpu.dma_semaphore, #tpu.memory_space<semaphore_mem>>)
          %dma_wait3A = arith.constant 0 : i32
          %dma_wait3A_55 = arith.constant 0 : i32
          %dma_wait3A_56 = tpu.memref_slice %arg4[%add3A, %dma_wait3A, %dma_wait3A_55] : memref<64x40x125xi32, #tpu.memory_space<hbm>> -> memref<1x40x125xi32, #tpu.memory_space<hbm>>
          %dma_wait3A_57 = tpu.memref_squeeze %dma_wait3A_56 : memref<1x40x125xi32, #tpu.memory_space<hbm>> -> memref<40x125xi32, #tpu.memory_space<hbm>>
          %dma_wait3A_58 = arith.constant 0 : i32
          %dma_wait3A_59 = arith.constant 0 : i32
          %dma_wait3A_60 = tpu.memref_slice %arg4[%add3A, %dma_wait3A_58, %dma_wait3A_59] : memref<64x40x125xi32, #tpu.memory_space<hbm>> -> memref<1x40x125xi32, #tpu.memory_space<hbm>>
          %dma_wait3A_61 = tpu.memref_squeeze %dma_wait3A_60 : memref<1x40x125xi32, #tpu.memory_space<hbm>> -> memref<40x125xi32, #tpu.memory_space<hbm>>
          tpu.wait_dma2 semaphore(%run_scoped3A : memref<!tpu.dma_semaphore, #tpu.memory_space<semaphore_mem>>) src(%dma_wait3A_61 : memref<40x125xi32, #tpu.memory_space<hbm>>) dst(%arg13 : memref<40x125xi32, #tpu.memory_space<vmem>>)
          tpu.yield
        }) : () -> ()
        %mul3A_27 = arith.constant 4 : i32
        %mul3A_28 = arith.muli %arg1, %mul3A_27 : i32
        %add3A_29 = arith.addi %mul3A_28, %scan3A_24 : i32
        "tpu.region"() ({
          %run_scoped3A = tpu.sem_alloc : memref<!tpu.dma_semaphore, #tpu.memory_space<semaphore_mem>>
          %dma_start3A_47 = arith.constant 0 : i32
          %dma_start3A_48 = arith.constant 0 : i32
          %dma_start3A_49 = tpu.memref_slice %arg5[%add3A_29, %dma_start3A_47, %dma_start3A_48] : memref<64x40x125xi32, #tpu.memory_space<hbm>> -> memref<1x40x125xi32, #tpu.memory_space<hbm>>
          %dma_start3A_50 = tpu.memref_squeeze %dma_start3A_49 : memref<1x40x125xi32, #tpu.memory_space<hbm>> -> memref<40x125xi32, #tpu.memory_space<hbm>>
          %dma_start3A_51 = arith.constant 0 : i32
          %dma_start3A_52 = arith.constant 0 : i32
          %dma_start3A_53 = tpu.memref_slice %arg5[%add3A_29, %dma_start3A_51, %dma_start3A_52] : memref<64x40x125xi32, #tpu.memory_space<hbm>> -> memref<1x40x125xi32, #tpu.memory_space<hbm>>
          %dma_start3A_54 = tpu.memref_squeeze %dma_start3A_53 : memref<1x40x125xi32, #tpu.memory_space<hbm>> -> memref<40x125xi32, #tpu.memory_space<hbm>>
          tpu.enqueue_dma source(%dma_start3A_54 : memref<40x125xi32, #tpu.memory_space<hbm>>) target(%arg14 : memref<40x125xi32, #tpu.memory_space<vmem>>) target_semaphore(%run_scoped3A : memref<!tpu.dma_semaphore, #tpu.memory_space<semaphore_mem>>)
          %dma_wait3A = arith.constant 0 : i32
          %dma_wait3A_55 = arith.constant 0 : i32
          %dma_wait3A_56 = tpu.memref_slice %arg5[%add3A_29, %dma_wait3A, %dma_wait3A_55] : memref<64x40x125xi32, #tpu.memory_space<hbm>> -> memref<1x40x125xi32, #tpu.memory_space<hbm>>
          %dma_wait3A_57 = tpu.memref_squeeze %dma_wait3A_56 : memref<1x40x125xi32, #tpu.memory_space<hbm>> -> memref<40x125xi32, #tpu.memory_space<hbm>>
          %dma_wait3A_58 = arith.constant 0 : i32
          %dma_wait3A_59 = arith.constant 0 : i32
          %dma_wait3A_60 = tpu.memref_slice %arg5[%add3A_29, %dma_wait3A_58, %dma_wait3A_59] : memref<64x40x125xi32, #tpu.memory_space<hbm>> -> memref<1x40x125xi32, #tpu.memory_space<hbm>>
          %dma_wait3A_61 = tpu.memref_squeeze %dma_wait3A_60 : memref<1x40x125xi32, #tpu.memory_space<hbm>> -> memref<40x125xi32, #tpu.memory_space<hbm>>
          tpu.wait_dma2 semaphore(%run_scoped3A : memref<!tpu.dma_semaphore, #tpu.memory_space<semaphore_mem>>) src(%dma_wait3A_61 : memref<40x125xi32, #tpu.memory_space<hbm>>) dst(%arg14 : memref<40x125xi32, #tpu.memory_space<vmem>>)
          tpu.yield
        }) : () -> ()
        %dma_start3A = arith.constant 0 : i32
        %dma_start3A_30 = arith.constant 0 : i32
        %dma_start3A_31 = arith.constant 0 : i32
        %dma_start3A_32 = arith.constant 0 : i32
        %dma_start3A_33 = tpu.memref_slice %arg12[%dma_start3A_30, %dma_start3A_31, %dma_start3A_32] : memref<2x125x128xf32, #tpu.memory_space<vmem>> -> memref<1x125x128xf32, #tpu.memory_space<vmem>>
        %dma_start3A_34 = tpu.memref_squeeze %dma_start3A_33 : memref<1x125x128xf32, #tpu.memory_space<vmem>> -> memref<125x128xf32, #tpu.memory_space<vmem>>
        %dma_start3A_35 = arith.constant 0 : i32
        %dma_start3A_36 = tpu.memref_slice %arg13[%dma_start3A, %dma_start3A_35] : memref<40x125xi32, #tpu.memory_space<vmem>> -> memref<1x125xi32, #tpu.memory_space<vmem>>
        %dma_start3A_37 = tpu.memref_squeeze %dma_start3A_36 : memref<1x125xi32, #tpu.memory_space<vmem>> -> memref<125xi32, #tpu.memory_space<vmem>>
        %dma_start3A_38 = arith.constant 0 : i32
        %dma_start3A_39 = arith.constant 0 : i32
        %dma_start3A_40 = tpu.memref_slice %arg2[%dma_start3A_38, %dma_start3A_39] : memref<10000x128xf32, #tpu.memory_space<hbm>> -> memref<10000x128xf32, #tpu.memory_space<hbm>>
        tpu.enqueue_indirect_dma source(%dma_start3A_40 : memref<10000x128xf32, #tpu.memory_space<hbm>>) target(%dma_start3A_34 : memref<125x128xf32, #tpu.memory_space<vmem>>) offsets(%dma_start3A_37 : memref<125xi32, #tpu.memory_space<vmem>>) semaphore(%arg15 : memref<!tpu.dma_semaphore, #tpu.memory_space<semaphore_mem>>)
        %scan3A_41 = arith.constant 0 : i32
        %scan3A_42 = arith.constant 0 : i32
        %scan3A_43 = arith.constant 20 : i32
        %scan3A_44 = arith.addi %scan3A_42, %scan3A_43 : i32
        %scan3A_45 = arith.constant 1 : i32
        scf.for %scan3A_47 = %scan3A_42 to %scan3A_44 step %scan3A_45  : i32 {
          %mul3A_48 = arith.constant 2 : i32
          %mul3A_49 = arith.muli %scan3A_47, %mul3A_48 : i32
          %add3A_50 = arith.constant 0 : i32
          %add3A_51 = arith.addi %mul3A_49, %add3A_50 : i32
          %add3A_52 = arith.constant 1 : i32
          %add3A_53 = arith.addi %add3A_51, %add3A_52 : i32
          %lt3A = arith.constant 40 : i32
          %lt3A_54 = arith.cmpi slt, %add3A_53, %lt3A : i32
          %convert_element_type3A_55 = arith.extui %lt3A_54 : i1 to i32
          %cond3A_56 = arith.constant 0 : i32
          %cond3A_57 = arith.cmpi ne, %convert_element_type3A_55, %cond3A_56 : i32
          scf.if %cond3A_57 {
            %add3A_91 = arith.constant 1 : i32
            %add3A_92 = arith.addi %add3A_51, %add3A_91 : i32
            %dma_start3A_93 = arith.constant 1 : i32
            %dma_start3A_94 = arith.constant 0 : i32
            %dma_start3A_95 = arith.constant 0 : i32
            %dma_start3A_96 = tpu.memref_slice %arg12[%dma_start3A_93, %dma_start3A_94, %dma_start3A_95] : memref<2x125x128xf32, #tpu.memory_space<vmem>> -> memref<1x125x128xf32, #tpu.memory_space<vmem>>
            %dma_start3A_97 = tpu.memref_squeeze %dma_start3A_96 : memref<1x125x128xf32, #tpu.memory_space<vmem>> -> memref<125x128xf32, #tpu.memory_space<vmem>>
            %dma_start3A_98 = arith.constant 0 : i32
            %dma_start3A_99 = tpu.memref_slice %arg13[%add3A_92, %dma_start3A_98] : memref<40x125xi32, #tpu.memory_space<vmem>> -> memref<1x125xi32, #tpu.memory_space<vmem>>
            %dma_start3A_100 = tpu.memref_squeeze %dma_start3A_99 : memref<1x125xi32, #tpu.memory_space<vmem>> -> memref<125xi32, #tpu.memory_space<vmem>>
            %dma_start3A_101 = arith.constant 0 : i32
            %dma_start3A_102 = arith.constant 0 : i32
            %dma_start3A_103 = tpu.memref_slice %arg2[%dma_start3A_101, %dma_start3A_102] : memref<10000x128xf32, #tpu.memory_space<hbm>> -> memref<10000x128xf32, #tpu.memory_space<hbm>>
            tpu.enqueue_indirect_dma source(%dma_start3A_103 : memref<10000x128xf32, #tpu.memory_space<hbm>>) target(%dma_start3A_97 : memref<125x128xf32, #tpu.memory_space<vmem>>) offsets(%dma_start3A_100 : memref<125xi32, #tpu.memory_space<vmem>>) semaphore(%arg16 : memref<!tpu.dma_semaphore, #tpu.memory_space<semaphore_mem>>)
          } else {
          }
          %dma_wait3A = arith.constant 0 : i32
          %dma_wait3A_58 = arith.constant 0 : i32
          %dma_wait3A_59 = arith.constant 0 : i32
          %dma_wait3A_60 = tpu.memref_slice %arg12[%dma_wait3A, %dma_wait3A_58, %dma_wait3A_59] : memref<2x125x128xf32, #tpu.memory_space<vmem>> -> memref<1x125x128xf32, #tpu.memory_space<vmem>>
          %dma_wait3A_61 = tpu.memref_squeeze %dma_wait3A_60 : memref<1x125x128xf32, #tpu.memory_space<vmem>> -> memref<125x128xf32, #tpu.memory_space<vmem>>
          %dma_wait3A_62 = arith.constant 0 : i32
          %dma_wait3A_63 = tpu.memref_slice %arg13[%add3A_51, %dma_wait3A_62] : memref<40x125xi32, #tpu.memory_space<vmem>> -> memref<1x125xi32, #tpu.memory_space<vmem>>
          %dma_wait3A_64 = tpu.memref_squeeze %dma_wait3A_63 : memref<1x125xi32, #tpu.memory_space<vmem>> -> memref<125xi32, #tpu.memory_space<vmem>>
          %dma_wait3A_65 = arith.constant 0 : i32
          %dma_wait3A_66 = arith.constant 0 : i32
          %dma_wait3A_67 = tpu.memref_slice %arg2[%dma_wait3A_65, %dma_wait3A_66] : memref<10000x128xf32, #tpu.memory_space<hbm>> -> memref<10000x128xf32, #tpu.memory_space<hbm>>
          tpu.wait_indirect_dma semaphore(%arg15 : memref<!tpu.dma_semaphore, #tpu.memory_space<semaphore_mem>>) src(%dma_wait3A_67 : memref<10000x128xf32, #tpu.memory_space<hbm>>) dst(%dma_wait3A_61 : memref<125x128xf32, #tpu.memory_space<vmem>>)
          %run_scoped3A = arith.constant 0 : i32
          "tpu.region"() ({
            %run_scoped3A_91 = tpu.sem_alloc : memref<!tpu.dma_semaphore, #tpu.memory_space<semaphore_mem>>
            %dma_start3A_92 = arith.constant 0 : i32
            %dma_start3A_93 = arith.constant 0 : i32
            %dma_start3A_94 = tpu.memref_slice %arg12[%run_scoped3A, %dma_start3A_92, %dma_start3A_93] : memref<2x125x128xf32, #tpu.memory_space<vmem>> -> memref<1x125x128xf32, #tpu.memory_space<vmem>>
            %dma_start3A_95 = tpu.memref_squeeze %dma_start3A_94 : memref<1x125x128xf32, #tpu.memory_space<vmem>> -> memref<125x128xf32, #tpu.memory_space<vmem>>
            %dma_start3A_96 = arith.constant 0 : i32
            %dma_start3A_97 = tpu.memref_slice %arg14[%add3A_51, %dma_start3A_96] : memref<40x125xi32, #tpu.memory_space<vmem>> -> memref<1x125xi32, #tpu.memory_space<vmem>>
            %dma_start3A_98 = tpu.memref_squeeze %dma_start3A_97 : memref<1x125xi32, #tpu.memory_space<vmem>> -> memref<125xi32, #tpu.memory_space<vmem>>
            %dma_start3A_99 = arith.constant 0 : i32
            %dma_start3A_100 = arith.constant 0 : i32
            %dma_start3A_101 = tpu.memref_slice %arg11[%dma_start3A_99, %dma_start3A_100] : memref<10240x128xf32, #tpu.memory_space<vmem_shared>> -> memref<10240x128xf32, #tpu.memory_space<vmem_shared>>
            tpu.enqueue_indirect_dma source(%dma_start3A_95 : memref<125x128xf32, #tpu.memory_space<vmem>>) target(%dma_start3A_101 : memref<10240x128xf32, #tpu.memory_space<vmem_shared>>) offsets(%dma_start3A_98 : memref<125xi32, #tpu.memory_space<vmem>>) semaphore(%run_scoped3A_91 : memref<!tpu.dma_semaphore, #tpu.memory_space<semaphore_mem>>) {add = true}
            %dma_wait3A_102 = arith.constant 0 : i32
            %dma_wait3A_103 = arith.constant 0 : i32
            %dma_wait3A_104 = tpu.memref_slice %arg12[%run_scoped3A, %dma_wait3A_102, %dma_wait3A_103] : memref<2x125x128xf32, #tpu.memory_space<vmem>> -> memref<1x125x128xf32, #tpu.memory_space<vmem>>
            %dma_wait3A_105 = tpu.memref_squeeze %dma_wait3A_104 : memref<1x125x128xf32, #tpu.memory_space<vmem>> -> memref<125x128xf32, #tpu.memory_space<vmem>>
            %dma_wait3A_106 = arith.constant 0 : i32
            %dma_wait3A_107 = tpu.memref_slice %arg14[%add3A_51, %dma_wait3A_106] : memref<40x125xi32, #tpu.memory_space<vmem>> -> memref<1x125xi32, #tpu.memory_space<vmem>>
            %dma_wait3A_108 = tpu.memref_squeeze %dma_wait3A_107 : memref<1x125xi32, #tpu.memory_space<vmem>> -> memref<125xi32, #tpu.memory_space<vmem>>
            %dma_wait3A_109 = arith.constant 0 : i32
            %dma_wait3A_110 = arith.constant 0 : i32
            %dma_wait3A_111 = tpu.memref_slice %arg11[%dma_wait3A_109, %dma_wait3A_110] : memref<10240x128xf32, #tpu.memory_space<vmem_shared>> -> memref<10240x128xf32, #tpu.memory_space<vmem_shared>>
            tpu.wait_indirect_dma semaphore(%run_scoped3A_91 : memref<!tpu.dma_semaphore, #tpu.memory_space<semaphore_mem>>) src(%dma_wait3A_105 : memref<125x128xf32, #tpu.memory_space<vmem>>) dst(%dma_wait3A_111 : memref<10240x128xf32, #tpu.memory_space<vmem_shared>>)
            tpu.yield
          }) : () -> ()
          %mul3A_68 = arith.constant 2 : i32
          %mul3A_69 = arith.muli %scan3A_47, %mul3A_68 : i32
          %add3A_70 = arith.constant 1 : i32
          %add3A_71 = arith.addi %mul3A_69, %add3A_70 : i32
          %add3A_72 = arith.constant 1 : i32
          %add3A_73 = arith.addi %add3A_71, %add3A_72 : i32
          %lt3A_74 = arith.constant 40 : i32
          %lt3A_75 = arith.cmpi slt, %add3A_73, %lt3A_74 : i32
          %convert_element_type3A_76 = arith.extui %lt3A_75 : i1 to i32
          %cond3A_77 = arith.constant 0 : i32
          %cond3A_78 = arith.cmpi ne, %convert_element_type3A_76, %cond3A_77 : i32
          scf.if %cond3A_78 {
            %add3A_91 = arith.constant 1 : i32
            %add3A_92 = arith.addi %add3A_71, %add3A_91 : i32
            %dma_start3A_93 = arith.constant 0 : i32
            %dma_start3A_94 = arith.constant 0 : i32
            %dma_start3A_95 = arith.constant 0 : i32
            %dma_start3A_96 = tpu.memref_slice %arg12[%dma_start3A_93, %dma_start3A_94, %dma_start3A_95] : memref<2x125x128xf32, #tpu.memory_space<vmem>> -> memref<1x125x128xf32, #tpu.memory_space<vmem>>
            %dma_start3A_97 = tpu.memref_squeeze %dma_start3A_96 : memref<1x125x128xf32, #tpu.memory_space<vmem>> -> memref<125x128xf32, #tpu.memory_space<vmem>>
            %dma_start3A_98 = arith.constant 0 : i32
            %dma_start3A_99 = tpu.memref_slice %arg13[%add3A_92, %dma_start3A_98] : memref<40x125xi32, #tpu.memory_space<vmem>> -> memref<1x125xi32, #tpu.memory_space<vmem>>
            %dma_start3A_100 = tpu.memref_squeeze %dma_start3A_99 : memref<1x125xi32, #tpu.memory_space<vmem>> -> memref<125xi32, #tpu.memory_space<vmem>>
            %dma_start3A_101 = arith.constant 0 : i32
            %dma_start3A_102 = arith.constant 0 : i32
            %dma_start3A_103 = tpu.memref_slice %arg2[%dma_start3A_101, %dma_start3A_102] : memref<10000x128xf32, #tpu.memory_space<hbm>> -> memref<10000x128xf32, #tpu.memory_space<hbm>>
            tpu.enqueue_indirect_dma source(%dma_start3A_103 : memref<10000x128xf32, #tpu.memory_space<hbm>>) target(%dma_start3A_97 : memref<125x128xf32, #tpu.memory_space<vmem>>) offsets(%dma_start3A_100 : memref<125xi32, #tpu.memory_space<vmem>>) semaphore(%arg15 : memref<!tpu.dma_semaphore, #tpu.memory_space<semaphore_mem>>)
          } else {
          }
          %dma_wait3A_79 = arith.constant 1 : i32
          %dma_wait3A_80 = arith.constant 0 : i32
          %dma_wait3A_81 = arith.constant 0 : i32
          %dma_wait3A_82 = tpu.memref_slice %arg12[%dma_wait3A_79, %dma_wait3A_80, %dma_wait3A_81] : memref<2x125x128xf32, #tpu.memory_space<vmem>> -> memref<1x125x128xf32, #tpu.memory_space<vmem>>
          %dma_wait3A_83 = tpu.memref_squeeze %dma_wait3A_82 : memref<1x125x128xf32, #tpu.memory_space<vmem>> -> memref<125x128xf32, #tpu.memory_space<vmem>>
          %dma_wait3A_84 = arith.constant 0 : i32
          %dma_wait3A_85 = tpu.memref_slice %arg13[%add3A_71, %dma_wait3A_84] : memref<40x125xi32, #tpu.memory_space<vmem>> -> memref<1x125xi32, #tpu.memory_space<vmem>>
          %dma_wait3A_86 = tpu.memref_squeeze %dma_wait3A_85 : memref<1x125xi32, #tpu.memory_space<vmem>> -> memref<125xi32, #tpu.memory_space<vmem>>
          %dma_wait3A_87 = arith.constant 0 : i32
          %dma_wait3A_88 = arith.constant 0 : i32
          %dma_wait3A_89 = tpu.memref_slice %arg2[%dma_wait3A_87, %dma_wait3A_88] : memref<10000x128xf32, #tpu.memory_space<hbm>> -> memref<10000x128xf32, #tpu.memory_space<hbm>>
          tpu.wait_indirect_dma semaphore(%arg16 : memref<!tpu.dma_semaphore, #tpu.memory_space<semaphore_mem>>) src(%dma_wait3A_89 : memref<10000x128xf32, #tpu.memory_space<hbm>>) dst(%dma_wait3A_83 : memref<125x128xf32, #tpu.memory_space<vmem>>)
          %run_scoped3A_90 = arith.constant 1 : i32
          "tpu.region"() ({
            %run_scoped3A_91 = tpu.sem_alloc : memref<!tpu.dma_semaphore, #tpu.memory_space<semaphore_mem>>
            %dma_start3A_92 = arith.constant 0 : i32
            %dma_start3A_93 = arith.constant 0 : i32
            %dma_start3A_94 = tpu.memref_slice %arg12[%run_scoped3A_90, %dma_start3A_92, %dma_start3A_93] : memref<2x125x128xf32, #tpu.memory_space<vmem>> -> memref<1x125x128xf32, #tpu.memory_space<vmem>>
            %dma_start3A_95 = tpu.memref_squeeze %dma_start3A_94 : memref<1x125x128xf32, #tpu.memory_space<vmem>> -> memref<125x128xf32, #tpu.memory_space<vmem>>
            %dma_start3A_96 = arith.constant 0 : i32
            %dma_start3A_97 = tpu.memref_slice %arg14[%add3A_71, %dma_start3A_96] : memref<40x125xi32, #tpu.memory_space<vmem>> -> memref<1x125xi32, #tpu.memory_space<vmem>>
            %dma_start3A_98 = tpu.memref_squeeze %dma_start3A_97 : memref<1x125xi32, #tpu.memory_space<vmem>> -> memref<125xi32, #tpu.memory_space<vmem>>
            %dma_start3A_99 = arith.constant 0 : i32
            %dma_start3A_100 = arith.constant 0 : i32
            %dma_start3A_101 = tpu.memref_slice %arg11[%dma_start3A_99, %dma_start3A_100] : memref<10240x128xf32, #tpu.memory_space<vmem_shared>> -> memref<10240x128xf32, #tpu.memory_space<vmem_shared>>
            tpu.enqueue_indirect_dma source(%dma_start3A_95 : memref<125x128xf32, #tpu.memory_space<vmem>>) target(%dma_start3A_101 : memref<10240x128xf32, #tpu.memory_space<vmem_shared>>) offsets(%dma_start3A_98 : memref<125xi32, #tpu.memory_space<vmem>>) semaphore(%run_scoped3A_91 : memref<!tpu.dma_semaphore, #tpu.memory_space<semaphore_mem>>) {add = true}
            %dma_wait3A_102 = arith.constant 0 : i32
            %dma_wait3A_103 = arith.constant 0 : i32
            %dma_wait3A_104 = tpu.memref_slice %arg12[%run_scoped3A_90, %dma_wait3A_102, %dma_wait3A_103] : memref<2x125x128xf32, #tpu.memory_space<vmem>> -> memref<1x125x128xf32, #tpu.memory_space<vmem>>
            %dma_wait3A_105 = tpu.memref_squeeze %dma_wait3A_104 : memref<1x125x128xf32, #tpu.memory_space<vmem>> -> memref<125x128xf32, #tpu.memory_space<vmem>>
            %dma_wait3A_106 = arith.constant 0 : i32
            %dma_wait3A_107 = tpu.memref_slice %arg14[%add3A_71, %dma_wait3A_106] : memref<40x125xi32, #tpu.memory_space<vmem>> -> memref<1x125xi32, #tpu.memory_space<vmem>>
            %dma_wait3A_108 = tpu.memref_squeeze %dma_wait3A_107 : memref<1x125xi32, #tpu.memory_space<vmem>> -> memref<125xi32, #tpu.memory_space<vmem>>
            %dma_wait3A_109 = arith.constant 0 : i32
            %dma_wait3A_110 = arith.constant 0 : i32
            %dma_wait3A_111 = tpu.memref_slice %arg11[%dma_wait3A_109, %dma_wait3A_110] : memref<10240x128xf32, #tpu.memory_space<vmem_shared>> -> memref<10240x128xf32, #tpu.memory_space<vmem_shared>>
            tpu.wait_indirect_dma semaphore(%run_scoped3A_91 : memref<!tpu.dma_semaphore, #tpu.memory_space<semaphore_mem>>) src(%dma_wait3A_105 : memref<125x128xf32, #tpu.memory_space<vmem>>) dst(%dma_wait3A_111 : memref<10240x128xf32, #tpu.memory_space<vmem_shared>>)
            tpu.yield
          }) : () -> ()
        }
        %scan3A_46 = arith.constant 20 : i32
      }
      %scan3A_23 = arith.constant 4 : i32
    } else {
    }
    %eq3A_3 = arith.constant 1 : i32
    %eq3A_4 = arith.cmpi eq, %arg0, %eq3A_3 : i32
    %convert_element_type3A_5 = arith.extui %eq3A_4 : i1 to i32
    %cond3A_6 = arith.constant 0 : i32
    %cond3A_7 = arith.cmpi ne, %convert_element_type3A_5, %cond3A_6 : i32
    scf.if %cond3A_7 {
      %scan3A = arith.constant 0 : i32
      %scan3A_19 = arith.constant 0 : i32
      %scan3A_20 = arith.constant 4 : i32
      %scan3A_21 = arith.addi %scan3A_19, %scan3A_20 : i32
      %scan3A_22 = arith.constant 1 : i32
      scf.for %scan3A_24 = %scan3A_19 to %scan3A_21 step %scan3A_22  : i32 {
        %mul3A_25 = arith.constant 4 : i32
        %mul3A_26 = arith.muli %arg1, %mul3A_25 : i32
        %add3A = arith.addi %mul3A_26, %scan3A_24 : i32
        "tpu.region"() ({
          %run_scoped3A = tpu.sem_alloc : memref<!tpu.dma_semaphore, #tpu.memory_space<semaphore_mem>>
          %dma_start3A_47 = arith.constant 0 : i32
          %dma_start3A_48 = arith.constant 0 : i32
          %dma_start3A_49 = tpu.memref_slice %arg6[%add3A, %dma_start3A_47, %dma_start3A_48] : memref<64x40x125xi32, #tpu.memory_space<hbm>> -> memref<1x40x125xi32, #tpu.memory_space<hbm>>
          %dma_start3A_50 = tpu.memref_squeeze %dma_start3A_49 : memref<1x40x125xi32, #tpu.memory_space<hbm>> -> memref<40x125xi32, #tpu.memory_space<hbm>>
          %dma_start3A_51 = arith.constant 0 : i32
          %dma_start3A_52 = arith.constant 0 : i32
          %dma_start3A_53 = tpu.memref_slice %arg6[%add3A, %dma_start3A_51, %dma_start3A_52] : memref<64x40x125xi32, #tpu.memory_space<hbm>> -> memref<1x40x125xi32, #tpu.memory_space<hbm>>
          %dma_start3A_54 = tpu.memref_squeeze %dma_start3A_53 : memref<1x40x125xi32, #tpu.memory_space<hbm>> -> memref<40x125xi32, #tpu.memory_space<hbm>>
          tpu.enqueue_dma source(%dma_start3A_54 : memref<40x125xi32, #tpu.memory_space<hbm>>) target(%arg13 : memref<40x125xi32, #tpu.memory_space<vmem>>) target_semaphore(%run_scoped3A : memref<!tpu.dma_semaphore, #tpu.memory_space<semaphore_mem>>)
          %dma_wait3A = arith.constant 0 : i32
          %dma_wait3A_55 = arith.constant 0 : i32
          %dma_wait3A_56 = tpu.memref_slice %arg6[%add3A, %dma_wait3A, %dma_wait3A_55] : memref<64x40x125xi32, #tpu.memory_space<hbm>> -> memref<1x40x125xi32, #tpu.memory_space<hbm>>
          %dma_wait3A_57 = tpu.memref_squeeze %dma_wait3A_56 : memref<1x40x125xi32, #tpu.memory_space<hbm>> -> memref<40x125xi32, #tpu.memory_space<hbm>>
          %dma_wait3A_58 = arith.constant 0 : i32
          %dma_wait3A_59 = arith.constant 0 : i32
          %dma_wait3A_60 = tpu.memref_slice %arg6[%add3A, %dma_wait3A_58, %dma_wait3A_59] : memref<64x40x125xi32, #tpu.memory_space<hbm>> -> memref<1x40x125xi32, #tpu.memory_space<hbm>>
          %dma_wait3A_61 = tpu.memref_squeeze %dma_wait3A_60 : memref<1x40x125xi32, #tpu.memory_space<hbm>> -> memref<40x125xi32, #tpu.memory_space<hbm>>
          tpu.wait_dma2 semaphore(%run_scoped3A : memref<!tpu.dma_semaphore, #tpu.memory_space<semaphore_mem>>) src(%dma_wait3A_61 : memref<40x125xi32, #tpu.memory_space<hbm>>) dst(%arg13 : memref<40x125xi32, #tpu.memory_space<vmem>>)
          tpu.yield
        }) : () -> ()
        %mul3A_27 = arith.constant 4 : i32
        %mul3A_28 = arith.muli %arg1, %mul3A_27 : i32
        %add3A_29 = arith.addi %mul3A_28, %scan3A_24 : i32
        "tpu.region"() ({
          %run_scoped3A = tpu.sem_alloc : memref<!tpu.dma_semaphore, #tpu.memory_space<semaphore_mem>>
          %dma_start3A_47 = arith.constant 0 : i32
          %dma_start3A_48 = arith.constant 0 : i32
          %dma_start3A_49 = tpu.memref_slice %arg7[%add3A_29, %dma_start3A_47, %dma_start3A_48] : memref<64x40x125xi32, #tpu.memory_space<hbm>> -> memref<1x40x125xi32, #tpu.memory_space<hbm>>
          %dma_start3A_50 = tpu.memref_squeeze %dma_start3A_49 : memref<1x40x125xi32, #tpu.memory_space<hbm>> -> memref<40x125xi32, #tpu.memory_space<hbm>>
          %dma_start3A_51 = arith.constant 0 : i32
          %dma_start3A_52 = arith.constant 0 : i32
          %dma_start3A_53 = tpu.memref_slice %arg7[%add3A_29, %dma_start3A_51, %dma_start3A_52] : memref<64x40x125xi32, #tpu.memory_space<hbm>> -> memref<1x40x125xi32, #tpu.memory_space<hbm>>
          %dma_start3A_54 = tpu.memref_squeeze %dma_start3A_53 : memref<1x40x125xi32, #tpu.memory_space<hbm>> -> memref<40x125xi32, #tpu.memory_space<hbm>>
          tpu.enqueue_dma source(%dma_start3A_54 : memref<40x125xi32, #tpu.memory_space<hbm>>) target(%arg14 : memref<40x125xi32, #tpu.memory_space<vmem>>) target_semaphore(%run_scoped3A : memref<!tpu.dma_semaphore, #tpu.memory_space<semaphore_mem>>)
          %dma_wait3A = arith.constant 0 : i32
          %dma_wait3A_55 = arith.constant 0 : i32
          %dma_wait3A_56 = tpu.memref_slice %arg7[%add3A_29, %dma_wait3A, %dma_wait3A_55] : memref<64x40x125xi32, #tpu.memory_space<hbm>> -> memref<1x40x125xi32, #tpu.memory_space<hbm>>
          %dma_wait3A_57 = tpu.memref_squeeze %dma_wait3A_56 : memref<1x40x125xi32, #tpu.memory_space<hbm>> -> memref<40x125xi32, #tpu.memory_space<hbm>>
          %dma_wait3A_58 = arith.constant 0 : i32
          %dma_wait3A_59 = arith.constant 0 : i32
          %dma_wait3A_60 = tpu.memref_slice %arg7[%add3A_29, %dma_wait3A_58, %dma_wait3A_59] : memref<64x40x125xi32, #tpu.memory_space<hbm>> -> memref<1x40x125xi32, #tpu.memory_space<hbm>>
          %dma_wait3A_61 = tpu.memref_squeeze %dma_wait3A_60 : memref<1x40x125xi32, #tpu.memory_space<hbm>> -> memref<40x125xi32, #tpu.memory_space<hbm>>
          tpu.wait_dma2 semaphore(%run_scoped3A : memref<!tpu.dma_semaphore, #tpu.memory_space<semaphore_mem>>) src(%dma_wait3A_61 : memref<40x125xi32, #tpu.memory_space<hbm>>) dst(%arg14 : memref<40x125xi32, #tpu.memory_space<vmem>>)
          tpu.yield
        }) : () -> ()
        %dma_start3A = arith.constant 0 : i32
        %dma_start3A_30 = arith.constant 0 : i32
        %dma_start3A_31 = arith.constant 0 : i32
        %dma_start3A_32 = arith.constant 0 : i32
        %dma_start3A_33 = tpu.memref_slice %arg12[%dma_start3A_30, %dma_start3A_31, %dma_start3A_32] : memref<2x125x128xf32, #tpu.memory_space<vmem>> -> memref<1x125x128xf32, #tpu.memory_space<vmem>>
        %dma_start3A_34 = tpu.memref_squeeze %dma_start3A_33 : memref<1x125x128xf32, #tpu.memory_space<vmem>> -> memref<125x128xf32, #tpu.memory_space<vmem>>
        %dma_start3A_35 = arith.constant 0 : i32
        %dma_start3A_36 = tpu.memref_slice %arg13[%dma_start3A, %dma_start3A_35] : memref<40x125xi32, #tpu.memory_space<vmem>> -> memref<1x125xi32, #tpu.memory_space<vmem>>
        %dma_start3A_37 = tpu.memref_squeeze %dma_start3A_36 : memref<1x125xi32, #tpu.memory_space<vmem>> -> memref<125xi32, #tpu.memory_space<vmem>>
        %dma_start3A_38 = arith.constant 0 : i32
        %dma_start3A_39 = arith.constant 0 : i32
        %dma_start3A_40 = tpu.memref_slice %arg3[%dma_start3A_38, %dma_start3A_39] : memref<10000x128xf32, #tpu.memory_space<hbm>> -> memref<10000x128xf32, #tpu.memory_space<hbm>>
        tpu.enqueue_indirect_dma source(%dma_start3A_40 : memref<10000x128xf32, #tpu.memory_space<hbm>>) target(%dma_start3A_34 : memref<125x128xf32, #tpu.memory_space<vmem>>) offsets(%dma_start3A_37 : memref<125xi32, #tpu.memory_space<vmem>>) semaphore(%arg15 : memref<!tpu.dma_semaphore, #tpu.memory_space<semaphore_mem>>)
        %scan3A_41 = arith.constant 0 : i32
        %scan3A_42 = arith.constant 0 : i32
        %scan3A_43 = arith.constant 20 : i32
        %scan3A_44 = arith.addi %scan3A_42, %scan3A_43 : i32
        %scan3A_45 = arith.constant 1 : i32
        scf.for %scan3A_47 = %scan3A_42 to %scan3A_44 step %scan3A_45  : i32 {
          %mul3A_48 = arith.constant 2 : i32
          %mul3A_49 = arith.muli %scan3A_47, %mul3A_48 : i32
          %add3A_50 = arith.constant 0 : i32
          %add3A_51 = arith.addi %mul3A_49, %add3A_50 : i32
          %add3A_52 = arith.constant 1 : i32
          %add3A_53 = arith.addi %add3A_51, %add3A_52 : i32
          %lt3A = arith.constant 40 : i32
          %lt3A_54 = arith.cmpi slt, %add3A_53, %lt3A : i32
          %convert_element_type3A_55 = arith.extui %lt3A_54 : i1 to i32
          %cond3A_56 = arith.constant 0 : i32
          %cond3A_57 = arith.cmpi ne, %convert_element_type3A_55, %cond3A_56 : i32
          scf.if %cond3A_57 {
            %add3A_91 = arith.constant 1 : i32
            %add3A_92 = arith.addi %add3A_51, %add3A_91 : i32
            %dma_start3A_93 = arith.constant 1 : i32
            %dma_start3A_94 = arith.constant 0 : i32
            %dma_start3A_95 = arith.constant 0 : i32
            %dma_start3A_96 = tpu.memref_slice %arg12[%dma_start3A_93, %dma_start3A_94, %dma_start3A_95] : memref<2x125x128xf32, #tpu.memory_space<vmem>> -> memref<1x125x128xf32, #tpu.memory_space<vmem>>
            %dma_start3A_97 = tpu.memref_squeeze %dma_start3A_96 : memref<1x125x128xf32, #tpu.memory_space<vmem>> -> memref<125x128xf32, #tpu.memory_space<vmem>>
            %dma_start3A_98 = arith.constant 0 : i32
            %dma_start3A_99 = tpu.memref_slice %arg13[%add3A_92, %dma_start3A_98] : memref<40x125xi32, #tpu.memory_space<vmem>> -> memref<1x125xi32, #tpu.memory_space<vmem>>
            %dma_start3A_100 = tpu.memref_squeeze %dma_start3A_99 : memref<1x125xi32, #tpu.memory_space<vmem>> -> memref<125xi32, #tpu.memory_space<vmem>>
            %dma_start3A_101 = arith.constant 0 : i32
            %dma_start3A_102 = arith.constant 0 : i32
            %dma_start3A_103 = tpu.memref_slice %arg3[%dma_start3A_101, %dma_start3A_102] : memref<10000x128xf32, #tpu.memory_space<hbm>> -> memref<10000x128xf32, #tpu.memory_space<hbm>>
            tpu.enqueue_indirect_dma source(%dma_start3A_103 : memref<10000x128xf32, #tpu.memory_space<hbm>>) target(%dma_start3A_97 : memref<125x128xf32, #tpu.memory_space<vmem>>) offsets(%dma_start3A_100 : memref<125xi32, #tpu.memory_space<vmem>>) semaphore(%arg16 : memref<!tpu.dma_semaphore, #tpu.memory_space<semaphore_mem>>)
          } else {
          }
          %dma_wait3A = arith.constant 0 : i32
          %dma_wait3A_58 = arith.constant 0 : i32
          %dma_wait3A_59 = arith.constant 0 : i32
          %dma_wait3A_60 = tpu.memref_slice %arg12[%dma_wait3A, %dma_wait3A_58, %dma_wait3A_59] : memref<2x125x128xf32, #tpu.memory_space<vmem>> -> memref<1x125x128xf32, #tpu.memory_space<vmem>>
          %dma_wait3A_61 = tpu.memref_squeeze %dma_wait3A_60 : memref<1x125x128xf32, #tpu.memory_space<vmem>> -> memref<125x128xf32, #tpu.memory_space<vmem>>
          %dma_wait3A_62 = arith.constant 0 : i32
          %dma_wait3A_63 = tpu.memref_slice %arg13[%add3A_51, %dma_wait3A_62] : memref<40x125xi32, #tpu.memory_space<vmem>> -> memref<1x125xi32, #tpu.memory_space<vmem>>
          %dma_wait3A_64 = tpu.memref_squeeze %dma_wait3A_63 : memref<1x125xi32, #tpu.memory_space<vmem>> -> memref<125xi32, #tpu.memory_space<vmem>>
          %dma_wait3A_65 = arith.constant 0 : i32
          %dma_wait3A_66 = arith.constant 0 : i32
          %dma_wait3A_67 = tpu.memref_slice %arg3[%dma_wait3A_65, %dma_wait3A_66] : memref<10000x128xf32, #tpu.memory_space<hbm>> -> memref<10000x128xf32, #tpu.memory_space<hbm>>
          tpu.wait_indirect_dma semaphore(%arg15 : memref<!tpu.dma_semaphore, #tpu.memory_space<semaphore_mem>>) src(%dma_wait3A_67 : memref<10000x128xf32, #tpu.memory_space<hbm>>) dst(%dma_wait3A_61 : memref<125x128xf32, #tpu.memory_space<vmem>>)
          %run_scoped3A = arith.constant 0 : i32
          "tpu.region"() ({
            %run_scoped3A_91 = tpu.sem_alloc : memref<!tpu.dma_semaphore, #tpu.memory_space<semaphore_mem>>
            %dma_start3A_92 = arith.constant 0 : i32
            %dma_start3A_93 = arith.constant 0 : i32
            %dma_start3A_94 = tpu.memref_slice %arg12[%run_scoped3A, %dma_start3A_92, %dma_start3A_93] : memref<2x125x128xf32, #tpu.memory_space<vmem>> -> memref<1x125x128xf32, #tpu.memory_space<vmem>>
            %dma_start3A_95 = tpu.memref_squeeze %dma_start3A_94 : memref<1x125x128xf32, #tpu.memory_space<vmem>> -> memref<125x128xf32, #tpu.memory_space<vmem>>
            %dma_start3A_96 = arith.constant 0 : i32
            %dma_start3A_97 = tpu.memref_slice %arg14[%add3A_51, %dma_start3A_96] : memref<40x125xi32, #tpu.memory_space<vmem>> -> memref<1x125xi32, #tpu.memory_space<vmem>>
            %dma_start3A_98 = tpu.memref_squeeze %dma_start3A_97 : memref<1x125xi32, #tpu.memory_space<vmem>> -> memref<125xi32, #tpu.memory_space<vmem>>
            %dma_start3A_99 = arith.constant 0 : i32
            %dma_start3A_100 = arith.constant 0 : i32
            %dma_start3A_101 = tpu.memref_slice %arg11[%dma_start3A_99, %dma_start3A_100] : memref<10240x128xf32, #tpu.memory_space<vmem_shared>> -> memref<10240x128xf32, #tpu.memory_space<vmem_shared>>
            tpu.enqueue_indirect_dma source(%dma_start3A_95 : memref<125x128xf32, #tpu.memory_space<vmem>>) target(%dma_start3A_101 : memref<10240x128xf32, #tpu.memory_space<vmem_shared>>) offsets(%dma_start3A_98 : memref<125xi32, #tpu.memory_space<vmem>>) semaphore(%run_scoped3A_91 : memref<!tpu.dma_semaphore, #tpu.memory_space<semaphore_mem>>) {add = true}
            %dma_wait3A_102 = arith.constant 0 : i32
            %dma_wait3A_103 = arith.constant 0 : i32
            %dma_wait3A_104 = tpu.memref_slice %arg12[%run_scoped3A, %dma_wait3A_102, %dma_wait3A_103] : memref<2x125x128xf32, #tpu.memory_space<vmem>> -> memref<1x125x128xf32, #tpu.memory_space<vmem>>
            %dma_wait3A_105 = tpu.memref_squeeze %dma_wait3A_104 : memref<1x125x128xf32, #tpu.memory_space<vmem>> -> memref<125x128xf32, #tpu.memory_space<vmem>>
            %dma_wait3A_106 = arith.constant 0 : i32
            %dma_wait3A_107 = tpu.memref_slice %arg14[%add3A_51, %dma_wait3A_106] : memref<40x125xi32, #tpu.memory_space<vmem>> -> memref<1x125xi32, #tpu.memory_space<vmem>>
            %dma_wait3A_108 = tpu.memref_squeeze %dma_wait3A_107 : memref<1x125xi32, #tpu.memory_space<vmem>> -> memref<125xi32, #tpu.memory_space<vmem>>
            %dma_wait3A_109 = arith.constant 0 : i32
            %dma_wait3A_110 = arith.constant 0 : i32
            %dma_wait3A_111 = tpu.memref_slice %arg11[%dma_wait3A_109, %dma_wait3A_110] : memref<10240x128xf32, #tpu.memory_space<vmem_shared>> -> memref<10240x128xf32, #tpu.memory_space<vmem_shared>>
            tpu.wait_indirect_dma semaphore(%run_scoped3A_91 : memref<!tpu.dma_semaphore, #tpu.memory_space<semaphore_mem>>) src(%dma_wait3A_105 : memref<125x128xf32, #tpu.memory_space<vmem>>) dst(%dma_wait3A_111 : memref<10240x128xf32, #tpu.memory_space<vmem_shared>>)
            tpu.yield
          }) : () -> ()
          %mul3A_68 = arith.constant 2 : i32
          %mul3A_69 = arith.muli %scan3A_47, %mul3A_68 : i32
          %add3A_70 = arith.constant 1 : i32
          %add3A_71 = arith.addi %mul3A_69, %add3A_70 : i32
          %add3A_72 = arith.constant 1 : i32
          %add3A_73 = arith.addi %add3A_71, %add3A_72 : i32
          %lt3A_74 = arith.constant 40 : i32
          %lt3A_75 = arith.cmpi slt, %add3A_73, %lt3A_74 : i32
          %convert_element_type3A_76 = arith.extui %lt3A_75 : i1 to i32
          %cond3A_77 = arith.constant 0 : i32
          %cond3A_78 = arith.cmpi ne, %convert_element_type3A_76, %cond3A_77 : i32
          scf.if %cond3A_78 {
            %add3A_91 = arith.constant 1 : i32
            %add3A_92 = arith.addi %add3A_71, %add3A_91 : i32
            %dma_start3A_93 = arith.constant 0 : i32
            %dma_start3A_94 = arith.constant 0 : i32
            %dma_start3A_95 = arith.constant 0 : i32
            %dma_start3A_96 = tpu.memref_slice %arg12[%dma_start3A_93, %dma_start3A_94, %dma_start3A_95] : memref<2x125x128xf32, #tpu.memory_space<vmem>> -> memref<1x125x128xf32, #tpu.memory_space<vmem>>
            %dma_start3A_97 = tpu.memref_squeeze %dma_start3A_96 : memref<1x125x128xf32, #tpu.memory_space<vmem>> -> memref<125x128xf32, #tpu.memory_space<vmem>>
            %dma_start3A_98 = arith.constant 0 : i32
            %dma_start3A_99 = tpu.memref_slice %arg13[%add3A_92, %dma_start3A_98] : memref<40x125xi32, #tpu.memory_space<vmem>> -> memref<1x125xi32, #tpu.memory_space<vmem>>
            %dma_start3A_100 = tpu.memref_squeeze %dma_start3A_99 : memref<1x125xi32, #tpu.memory_space<vmem>> -> memref<125xi32, #tpu.memory_space<vmem>>
            %dma_start3A_101 = arith.constant 0 : i32
            %dma_start3A_102 = arith.constant 0 : i32
            %dma_start3A_103 = tpu.memref_slice %arg3[%dma_start3A_101, %dma_start3A_102] : memref<10000x128xf32, #tpu.memory_space<hbm>> -> memref<10000x128xf32, #tpu.memory_space<hbm>>
            tpu.enqueue_indirect_dma source(%dma_start3A_103 : memref<10000x128xf32, #tpu.memory_space<hbm>>) target(%dma_start3A_97 : memref<125x128xf32, #tpu.memory_space<vmem>>) offsets(%dma_start3A_100 : memref<125xi32, #tpu.memory_space<vmem>>) semaphore(%arg15 : memref<!tpu.dma_semaphore, #tpu.memory_space<semaphore_mem>>)
          } else {
          }
          %dma_wait3A_79 = arith.constant 1 : i32
          %dma_wait3A_80 = arith.constant 0 : i32
          %dma_wait3A_81 = arith.constant 0 : i32
          %dma_wait3A_82 = tpu.memref_slice %arg12[%dma_wait3A_79, %dma_wait3A_80, %dma_wait3A_81] : memref<2x125x128xf32, #tpu.memory_space<vmem>> -> memref<1x125x128xf32, #tpu.memory_space<vmem>>
          %dma_wait3A_83 = tpu.memref_squeeze %dma_wait3A_82 : memref<1x125x128xf32, #tpu.memory_space<vmem>> -> memref<125x128xf32, #tpu.memory_space<vmem>>
          %dma_wait3A_84 = arith.constant 0 : i32
          %dma_wait3A_85 = tpu.memref_slice %arg13[%add3A_71, %dma_wait3A_84] : memref<40x125xi32, #tpu.memory_space<vmem>> -> memref<1x125xi32, #tpu.memory_space<vmem>>
          %dma_wait3A_86 = tpu.memref_squeeze %dma_wait3A_85 : memref<1x125xi32, #tpu.memory_space<vmem>> -> memref<125xi32, #tpu.memory_space<vmem>>
          %dma_wait3A_87 = arith.constant 0 : i32
          %dma_wait3A_88 = arith.constant 0 : i32
          %dma_wait3A_89 = tpu.memref_slice %arg3[%dma_wait3A_87, %dma_wait3A_88] : memref<10000x128xf32, #tpu.memory_space<hbm>> -> memref<10000x128xf32, #tpu.memory_space<hbm>>
          tpu.wait_indirect_dma semaphore(%arg16 : memref<!tpu.dma_semaphore, #tpu.memory_space<semaphore_mem>>) src(%dma_wait3A_89 : memref<10000x128xf32, #tpu.memory_space<hbm>>) dst(%dma_wait3A_83 : memref<125x128xf32, #tpu.memory_space<vmem>>)
          %run_scoped3A_90 = arith.constant 1 : i32
          "tpu.region"() ({
            %run_scoped3A_91 = tpu.sem_alloc : memref<!tpu.dma_semaphore, #tpu.memory_space<semaphore_mem>>
            %dma_start3A_92 = arith.constant 0 : i32
            %dma_start3A_93 = arith.constant 0 : i32
            %dma_start3A_94 = tpu.memref_slice %arg12[%run_scoped3A_90, %dma_start3A_92, %dma_start3A_93] : memref<2x125x128xf32, #tpu.memory_space<vmem>> -> memref<1x125x128xf32, #tpu.memory_space<vmem>>
            %dma_start3A_95 = tpu.memref_squeeze %dma_start3A_94 : memref<1x125x128xf32, #tpu.memory_space<vmem>> -> memref<125x128xf32, #tpu.memory_space<vmem>>
            %dma_start3A_96 = arith.constant 0 : i32
            %dma_start3A_97 = tpu.memref_slice %arg14[%add3A_71, %dma_start3A_96] : memref<40x125xi32, #tpu.memory_space<vmem>> -> memref<1x125xi32, #tpu.memory_space<vmem>>
            %dma_start3A_98 = tpu.memref_squeeze %dma_start3A_97 : memref<1x125xi32, #tpu.memory_space<vmem>> -> memref<125xi32, #tpu.memory_space<vmem>>
            %dma_start3A_99 = arith.constant 0 : i32
            %dma_start3A_100 = arith.constant 0 : i32
            %dma_start3A_101 = tpu.memref_slice %arg11[%dma_start3A_99, %dma_start3A_100] : memref<10240x128xf32, #tpu.memory_space<vmem_shared>> -> memref<10240x128xf32, #tpu.memory_space<vmem_shared>>
            tpu.enqueue_indirect_dma source(%dma_start3A_95 : memref<125x128xf32, #tpu.memory_space<vmem>>) target(%dma_start3A_101 : memref<10240x128xf32, #tpu.memory_space<vmem_shared>>) offsets(%dma_start3A_98 : memref<125xi32, #tpu.memory_space<vmem>>) semaphore(%run_scoped3A_91 : memref<!tpu.dma_semaphore, #tpu.memory_space<semaphore_mem>>) {add = true}
            %dma_wait3A_102 = arith.constant 0 : i32
            %dma_wait3A_103 = arith.constant 0 : i32
            %dma_wait3A_104 = tpu.memref_slice %arg12[%run_scoped3A_90, %dma_wait3A_102, %dma_wait3A_103] : memref<2x125x128xf32, #tpu.memory_space<vmem>> -> memref<1x125x128xf32, #tpu.memory_space<vmem>>
            %dma_wait3A_105 = tpu.memref_squeeze %dma_wait3A_104 : memref<1x125x128xf32, #tpu.memory_space<vmem>> -> memref<125x128xf32, #tpu.memory_space<vmem>>
            %dma_wait3A_106 = arith.constant 0 : i32
            %dma_wait3A_107 = tpu.memref_slice %arg14[%add3A_71, %dma_wait3A_106] : memref<40x125xi32, #tpu.memory_space<vmem>> -> memref<1x125xi32, #tpu.memory_space<vmem>>
            %dma_wait3A_108 = tpu.memref_squeeze %dma_wait3A_107 : memref<1x125xi32, #tpu.memory_space<vmem>> -> memref<125xi32, #tpu.memory_space<vmem>>
            %dma_wait3A_109 = arith.constant 0 : i32
            %dma_wait3A_110 = arith.constant 0 : i32
            %dma_wait3A_111 = tpu.memref_slice %arg11[%dma_wait3A_109, %dma_wait3A_110] : memref<10240x128xf32, #tpu.memory_space<vmem_shared>> -> memref<10240x128xf32, #tpu.memory_space<vmem_shared>>
            tpu.wait_indirect_dma semaphore(%run_scoped3A_91 : memref<!tpu.dma_semaphore, #tpu.memory_space<semaphore_mem>>) src(%dma_wait3A_105 : memref<125x128xf32, #tpu.memory_space<vmem>>) dst(%dma_wait3A_111 : memref<10240x128xf32, #tpu.memory_space<vmem_shared>>)
            tpu.yield
          }) : () -> ()
        }
        %scan3A_46 = arith.constant 20 : i32
      }
      %scan3A_23 = arith.constant 4 : i32
    } else {
    }
    %barrier3A_8 = arith.constant 0 : index
    tpu.barrier barrier_id(%barrier3A_8)
    %eq3A_9 = arith.constant 0 : i32
    %eq3A_10 = arith.cmpi eq, %arg0, %eq3A_9 : i32
    %convert_element_type3A_11 = arith.extui %eq3A_10 : i1 to i32
    %cond3A_12 = arith.constant 0 : i32
    %cond3A_13 = arith.cmpi ne, %convert_element_type3A_11, %cond3A_12 : i32
    scf.if %cond3A_13 {
      "tpu.region"() ({
        %run_scoped3A = tpu.sem_alloc : memref<!tpu.dma_semaphore, #tpu.memory_space<semaphore_mem>>
        %dma_start3A = arith.constant 0 : i32
        %dma_start3A_19 = tpu.memref_slice %arg9[%mul3A_0, %dma_start3A] : memref<10240x128xf32, #tpu.memory_space<hbm>> -> memref<640x128xf32, #tpu.memory_space<hbm>>
        %dma_start3A_20 = arith.constant 0 : i32
        %dma_start3A_21 = tpu.memref_slice %arg11[%mul3A_0, %dma_start3A_20] : memref<10240x128xf32, #tpu.memory_space<vmem_shared>> -> memref<640x128xf32, #tpu.memory_space<vmem_shared>>
        tpu.enqueue_dma source(%dma_start3A_21 : memref<640x128xf32, #tpu.memory_space<vmem_shared>>) target(%dma_start3A_19 : memref<640x128xf32, #tpu.memory_space<hbm>>) target_semaphore(%run_scoped3A : memref<!tpu.dma_semaphore, #tpu.memory_space<semaphore_mem>>)
        %dma_wait3A = arith.constant 0 : i32
        %dma_wait3A_22 = tpu.memref_slice %arg9[%mul3A_0, %dma_wait3A] : memref<10240x128xf32, #tpu.memory_space<hbm>> -> memref<640x128xf32, #tpu.memory_space<hbm>>
        %dma_wait3A_23 = arith.constant 0 : i32
        %dma_wait3A_24 = tpu.memref_slice %arg11[%mul3A_0, %dma_wait3A_23] : memref<10240x128xf32, #tpu.memory_space<vmem_shared>> -> memref<640x128xf32, #tpu.memory_space<vmem_shared>>
        tpu.wait_dma2 semaphore(%run_scoped3A : memref<!tpu.dma_semaphore, #tpu.memory_space<semaphore_mem>>) src(%dma_wait3A_24 : memref<640x128xf32, #tpu.memory_space<vmem_shared>>) dst(%dma_wait3A_22 : memref<640x128xf32, #tpu.memory_space<hbm>>)
        tpu.yield
      }) : () -> ()
    } else {
    }
    %eq3A_14 = arith.constant 1 : i32
    %eq3A_15 = arith.cmpi eq, %arg0, %eq3A_14 : i32
    %convert_element_type3A_16 = arith.extui %eq3A_15 : i1 to i32
    %cond3A_17 = arith.constant 0 : i32
    %cond3A_18 = arith.cmpi ne, %convert_element_type3A_16, %cond3A_17 : i32
    scf.if %cond3A_18 {
      "tpu.region"() ({
        %run_scoped3A = tpu.sem_alloc : memref<!tpu.dma_semaphore, #tpu.memory_space<semaphore_mem>>
        %dma_start3A = arith.constant 0 : i32
        %dma_start3A_19 = tpu.memref_slice %arg10[%mul3A_0, %dma_start3A] : memref<10240x128xf32, #tpu.memory_space<hbm>> -> memref<640x128xf32, #tpu.memory_space<hbm>>
        %dma_start3A_20 = arith.constant 0 : i32
        %dma_start3A_21 = tpu.memref_slice %arg11[%mul3A_0, %dma_start3A_20] : memref<10240x128xf32, #tpu.memory_space<vmem_shared>> -> memref<640x128xf32, #tpu.memory_space<vmem_shared>>
        tpu.enqueue_dma source(%dma_start3A_21 : memref<640x128xf32, #tpu.memory_space<vmem_shared>>) target(%dma_start3A_19 : memref<640x128xf32, #tpu.memory_space<hbm>>) target_semaphore(%run_scoped3A : memref<!tpu.dma_semaphore, #tpu.memory_space<semaphore_mem>>)
        %dma_wait3A = arith.constant 0 : i32
        %dma_wait3A_22 = tpu.memref_slice %arg10[%mul3A_0, %dma_wait3A] : memref<10240x128xf32, #tpu.memory_space<hbm>> -> memref<640x128xf32, #tpu.memory_space<hbm>>
        %dma_wait3A_23 = arith.constant 0 : i32
        %dma_wait3A_24 = tpu.memref_slice %arg11[%mul3A_0, %dma_wait3A_23] : memref<10240x128xf32, #tpu.memory_space<vmem_shared>> -> memref<640x128xf32, #tpu.memory_space<vmem_shared>>
        tpu.wait_dma2 semaphore(%run_scoped3A : memref<!tpu.dma_semaphore, #tpu.memory_space<semaphore_mem>>) src(%dma_wait3A_24 : memref<640x128xf32, #tpu.memory_space<vmem_shared>>) dst(%dma_wait3A_22 : memref<640x128xf32, #tpu.memory_space<hbm>>)
        tpu.yield
      }) : () -> ()
    } else {
    }
    return
  }
}

#map = affine_map<(d0, d1) -> (0, 0)>
#map1 = affine_map<(d0, d1) -> (0, 0, 0)>
module attributes {stable_mosaic.version = 14 : i64} {
  func.func @_agg1_body(%arg0: i32, %arg1: i32, %arg2: memref<10000x128xf32, #tpu.memory_space<hbm>>, %arg3: memref<10000x128xf32, #tpu.memory_space<hbm>>, %arg4: memref<10000x128xf32, #tpu.memory_space<hbm>>, %arg5: memref<10000x128xf32, #tpu.memory_space<hbm>>, %arg6: memref<64x40x125xi32, #tpu.memory_space<hbm>>, %arg7: memref<64x40x125xi32, #tpu.memory_space<hbm>>, %arg8: memref<64x40x125xi32, #tpu.memory_space<hbm>>, %arg9: memref<64x40x125xi32, #tpu.memory_space<hbm>>, %arg10: memref<10240x128xf32, #tpu.memory_space<hbm>>, %arg11: memref<10240x128xf32, #tpu.memory_space<hbm>>, %arg12: memref<10240x128xf32, #tpu.memory_space<hbm>>, %arg13: memref<10240x128xf32, #tpu.memory_space<hbm>>, %arg14: memref<10240x128xf32, #tpu.memory_space<hbm>>, %arg15: memref<10240x128xf32, #tpu.memory_space<vmem_shared>>, %arg16: memref<2x125x128xf32, #tpu.memory_space<vmem>>, %arg17: memref<40x125xi32, #tpu.memory_space<vmem>>, %arg18: memref<40x125xi32, #tpu.memory_space<vmem>>, %arg19: memref<!tpu.dma_semaphore, #tpu.memory_space<semaphore_mem>>, %arg20: memref<!tpu.dma_semaphore, #tpu.memory_space<semaphore_mem>>) attributes {dimension_semantics = [#tpu.dimension_semantics<core_parallel>, #tpu.dimension_semantics<subcore_parallel>], iteration_bounds = array<i64: 2, 16>, scalar_prefetch = 0 : i64, scratch_operands = 6 : i64, tpu.core_type = #tpu.core_type<sc_vector_subcore>, window_params = [{transform_indices = #map}, {transform_indices = #map}, {transform_indices = #map}, {transform_indices = #map}, {transform_indices = #map1}, {transform_indices = #map1}, {transform_indices = #map1}, {transform_indices = #map1}, {transform_indices = #map}, {transform_indices = #map}, {transform_indices = #map}, {transform_indices = #map}, {transform_indices = #map}]} {
    %mul3A = arith.constant 640 : i32
    %mul3A_0 = arith.muli %arg1, %mul3A : i32
    "tpu.region"() ({
      %run_scoped3A = tpu.sem_alloc : memref<!tpu.dma_semaphore, #tpu.memory_space<semaphore_mem>>
      %dma_start3A = arith.constant 0 : i32
      %dma_start3A_41 = tpu.memref_slice %arg15[%mul3A_0, %dma_start3A] : memref<10240x128xf32, #tpu.memory_space<vmem_shared>> -> memref<640x128xf32, #tpu.memory_space<vmem_shared>>
      %dma_start3A_42 = arith.constant 0 : i32
      %dma_start3A_43 = tpu.memref_slice %arg10[%mul3A_0, %dma_start3A_42] : memref<10240x128xf32, #tpu.memory_space<hbm>> -> memref<640x128xf32, #tpu.memory_space<hbm>>
      tpu.enqueue_dma source(%dma_start3A_43 : memref<640x128xf32, #tpu.memory_space<hbm>>) target(%dma_start3A_41 : memref<640x128xf32, #tpu.memory_space<vmem_shared>>) target_semaphore(%run_scoped3A : memref<!tpu.dma_semaphore, #tpu.memory_space<semaphore_mem>>)
      %dma_wait3A = arith.constant 0 : i32
      %dma_wait3A_44 = tpu.memref_slice %arg15[%mul3A_0, %dma_wait3A] : memref<10240x128xf32, #tpu.memory_space<vmem_shared>> -> memref<640x128xf32, #tpu.memory_space<vmem_shared>>
      %dma_wait3A_45 = arith.constant 0 : i32
      %dma_wait3A_46 = tpu.memref_slice %arg10[%mul3A_0, %dma_wait3A_45] : memref<10240x128xf32, #tpu.memory_space<hbm>> -> memref<640x128xf32, #tpu.memory_space<hbm>>
      tpu.wait_dma2 semaphore(%run_scoped3A : memref<!tpu.dma_semaphore, #tpu.memory_space<semaphore_mem>>) src(%dma_wait3A_46 : memref<640x128xf32, #tpu.memory_space<hbm>>) dst(%dma_wait3A_44 : memref<640x128xf32, #tpu.memory_space<vmem_shared>>)
      tpu.yield
    }) : () -> ()
    %barrier3A = arith.constant 0 : index
    tpu.barrier barrier_id(%barrier3A)
    %eq3A = arith.constant 0 : i32
    %eq3A_1 = arith.cmpi eq, %arg0, %eq3A : i32
    %convert_element_type3A = arith.extui %eq3A_1 : i1 to i32
    %cond3A = arith.constant 0 : i32
    %cond3A_2 = arith.cmpi ne, %convert_element_type3A, %cond3A : i32
    scf.if %cond3A_2 {
      %scan3A = arith.constant 0 : i32
      %scan3A_41 = arith.constant 0 : i32
      %scan3A_42 = arith.constant 4 : i32
      %scan3A_43 = arith.addi %scan3A_41, %scan3A_42 : i32
      %scan3A_44 = arith.constant 1 : i32
      scf.for %scan3A_46 = %scan3A_41 to %scan3A_43 step %scan3A_44  : i32 {
        %mul3A_47 = arith.constant 4 : i32
        %mul3A_48 = arith.muli %arg1, %mul3A_47 : i32
        %add3A = arith.addi %mul3A_48, %scan3A_46 : i32
        "tpu.region"() ({
          %run_scoped3A = tpu.sem_alloc : memref<!tpu.dma_semaphore, #tpu.memory_space<semaphore_mem>>
          %dma_start3A_69 = arith.constant 0 : i32
          %dma_start3A_70 = arith.constant 0 : i32
          %dma_start3A_71 = tpu.memref_slice %arg6[%add3A, %dma_start3A_69, %dma_start3A_70] : memref<64x40x125xi32, #tpu.memory_space<hbm>> -> memref<1x40x125xi32, #tpu.memory_space<hbm>>
          %dma_start3A_72 = tpu.memref_squeeze %dma_start3A_71 : memref<1x40x125xi32, #tpu.memory_space<hbm>> -> memref<40x125xi32, #tpu.memory_space<hbm>>
          %dma_start3A_73 = arith.constant 0 : i32
          %dma_start3A_74 = arith.constant 0 : i32
          %dma_start3A_75 = tpu.memref_slice %arg6[%add3A, %dma_start3A_73, %dma_start3A_74] : memref<64x40x125xi32, #tpu.memory_space<hbm>> -> memref<1x40x125xi32, #tpu.memory_space<hbm>>
          %dma_start3A_76 = tpu.memref_squeeze %dma_start3A_75 : memref<1x40x125xi32, #tpu.memory_space<hbm>> -> memref<40x125xi32, #tpu.memory_space<hbm>>
          tpu.enqueue_dma source(%dma_start3A_76 : memref<40x125xi32, #tpu.memory_space<hbm>>) target(%arg17 : memref<40x125xi32, #tpu.memory_space<vmem>>) target_semaphore(%run_scoped3A : memref<!tpu.dma_semaphore, #tpu.memory_space<semaphore_mem>>)
          %dma_wait3A = arith.constant 0 : i32
          %dma_wait3A_77 = arith.constant 0 : i32
          %dma_wait3A_78 = tpu.memref_slice %arg6[%add3A, %dma_wait3A, %dma_wait3A_77] : memref<64x40x125xi32, #tpu.memory_space<hbm>> -> memref<1x40x125xi32, #tpu.memory_space<hbm>>
          %dma_wait3A_79 = tpu.memref_squeeze %dma_wait3A_78 : memref<1x40x125xi32, #tpu.memory_space<hbm>> -> memref<40x125xi32, #tpu.memory_space<hbm>>
          %dma_wait3A_80 = arith.constant 0 : i32
          %dma_wait3A_81 = arith.constant 0 : i32
          %dma_wait3A_82 = tpu.memref_slice %arg6[%add3A, %dma_wait3A_80, %dma_wait3A_81] : memref<64x40x125xi32, #tpu.memory_space<hbm>> -> memref<1x40x125xi32, #tpu.memory_space<hbm>>
          %dma_wait3A_83 = tpu.memref_squeeze %dma_wait3A_82 : memref<1x40x125xi32, #tpu.memory_space<hbm>> -> memref<40x125xi32, #tpu.memory_space<hbm>>
          tpu.wait_dma2 semaphore(%run_scoped3A : memref<!tpu.dma_semaphore, #tpu.memory_space<semaphore_mem>>) src(%dma_wait3A_83 : memref<40x125xi32, #tpu.memory_space<hbm>>) dst(%arg17 : memref<40x125xi32, #tpu.memory_space<vmem>>)
          tpu.yield
        }) : () -> ()
        %mul3A_49 = arith.constant 4 : i32
        %mul3A_50 = arith.muli %arg1, %mul3A_49 : i32
        %add3A_51 = arith.addi %mul3A_50, %scan3A_46 : i32
        "tpu.region"() ({
          %run_scoped3A = tpu.sem_alloc : memref<!tpu.dma_semaphore, #tpu.memory_space<semaphore_mem>>
          %dma_start3A_69 = arith.constant 0 : i32
          %dma_start3A_70 = arith.constant 0 : i32
          %dma_start3A_71 = tpu.memref_slice %arg7[%add3A_51, %dma_start3A_69, %dma_start3A_70] : memref<64x40x125xi32, #tpu.memory_space<hbm>> -> memref<1x40x125xi32, #tpu.memory_space<hbm>>
          %dma_start3A_72 = tpu.memref_squeeze %dma_start3A_71 : memref<1x40x125xi32, #tpu.memory_space<hbm>> -> memref<40x125xi32, #tpu.memory_space<hbm>>
          %dma_start3A_73 = arith.constant 0 : i32
          %dma_start3A_74 = arith.constant 0 : i32
          %dma_start3A_75 = tpu.memref_slice %arg7[%add3A_51, %dma_start3A_73, %dma_start3A_74] : memref<64x40x125xi32, #tpu.memory_space<hbm>> -> memref<1x40x125xi32, #tpu.memory_space<hbm>>
          %dma_start3A_76 = tpu.memref_squeeze %dma_start3A_75 : memref<1x40x125xi32, #tpu.memory_space<hbm>> -> memref<40x125xi32, #tpu.memory_space<hbm>>
          tpu.enqueue_dma source(%dma_start3A_76 : memref<40x125xi32, #tpu.memory_space<hbm>>) target(%arg18 : memref<40x125xi32, #tpu.memory_space<vmem>>) target_semaphore(%run_scoped3A : memref<!tpu.dma_semaphore, #tpu.memory_space<semaphore_mem>>)
          %dma_wait3A = arith.constant 0 : i32
          %dma_wait3A_77 = arith.constant 0 : i32
          %dma_wait3A_78 = tpu.memref_slice %arg7[%add3A_51, %dma_wait3A, %dma_wait3A_77] : memref<64x40x125xi32, #tpu.memory_space<hbm>> -> memref<1x40x125xi32, #tpu.memory_space<hbm>>
          %dma_wait3A_79 = tpu.memref_squeeze %dma_wait3A_78 : memref<1x40x125xi32, #tpu.memory_space<hbm>> -> memref<40x125xi32, #tpu.memory_space<hbm>>
          %dma_wait3A_80 = arith.constant 0 : i32
          %dma_wait3A_81 = arith.constant 0 : i32
          %dma_wait3A_82 = tpu.memref_slice %arg7[%add3A_51, %dma_wait3A_80, %dma_wait3A_81] : memref<64x40x125xi32, #tpu.memory_space<hbm>> -> memref<1x40x125xi32, #tpu.memory_space<hbm>>
          %dma_wait3A_83 = tpu.memref_squeeze %dma_wait3A_82 : memref<1x40x125xi32, #tpu.memory_space<hbm>> -> memref<40x125xi32, #tpu.memory_space<hbm>>
          tpu.wait_dma2 semaphore(%run_scoped3A : memref<!tpu.dma_semaphore, #tpu.memory_space<semaphore_mem>>) src(%dma_wait3A_83 : memref<40x125xi32, #tpu.memory_space<hbm>>) dst(%arg18 : memref<40x125xi32, #tpu.memory_space<vmem>>)
          tpu.yield
        }) : () -> ()
        %dma_start3A = arith.constant 0 : i32
        %dma_start3A_52 = arith.constant 0 : i32
        %dma_start3A_53 = arith.constant 0 : i32
        %dma_start3A_54 = arith.constant 0 : i32
        %dma_start3A_55 = tpu.memref_slice %arg16[%dma_start3A_52, %dma_start3A_53, %dma_start3A_54] : memref<2x125x128xf32, #tpu.memory_space<vmem>> -> memref<1x125x128xf32, #tpu.memory_space<vmem>>
        %dma_start3A_56 = tpu.memref_squeeze %dma_start3A_55 : memref<1x125x128xf32, #tpu.memory_space<vmem>> -> memref<125x128xf32, #tpu.memory_space<vmem>>
        %dma_start3A_57 = arith.constant 0 : i32
        %dma_start3A_58 = tpu.memref_slice %arg17[%dma_start3A, %dma_start3A_57] : memref<40x125xi32, #tpu.memory_space<vmem>> -> memref<1x125xi32, #tpu.memory_space<vmem>>
        %dma_start3A_59 = tpu.memref_squeeze %dma_start3A_58 : memref<1x125xi32, #tpu.memory_space<vmem>> -> memref<125xi32, #tpu.memory_space<vmem>>
        %dma_start3A_60 = arith.constant 0 : i32
        %dma_start3A_61 = arith.constant 0 : i32
        %dma_start3A_62 = tpu.memref_slice %arg2[%dma_start3A_60, %dma_start3A_61] : memref<10000x128xf32, #tpu.memory_space<hbm>> -> memref<10000x128xf32, #tpu.memory_space<hbm>>
        tpu.enqueue_indirect_dma source(%dma_start3A_62 : memref<10000x128xf32, #tpu.memory_space<hbm>>) target(%dma_start3A_56 : memref<125x128xf32, #tpu.memory_space<vmem>>) offsets(%dma_start3A_59 : memref<125xi32, #tpu.memory_space<vmem>>) semaphore(%arg19 : memref<!tpu.dma_semaphore, #tpu.memory_space<semaphore_mem>>)
        %scan3A_63 = arith.constant 0 : i32
        %scan3A_64 = arith.constant 0 : i32
        %scan3A_65 = arith.constant 20 : i32
        %scan3A_66 = arith.addi %scan3A_64, %scan3A_65 : i32
        %scan3A_67 = arith.constant 1 : i32
        scf.for %scan3A_69 = %scan3A_64 to %scan3A_66 step %scan3A_67  : i32 {
          %mul3A_70 = arith.constant 2 : i32
          %mul3A_71 = arith.muli %scan3A_69, %mul3A_70 : i32
          %add3A_72 = arith.constant 0 : i32
          %add3A_73 = arith.addi %mul3A_71, %add3A_72 : i32
          %add3A_74 = arith.constant 1 : i32
          %add3A_75 = arith.addi %add3A_73, %add3A_74 : i32
          %lt3A = arith.constant 40 : i32
          %lt3A_76 = arith.cmpi slt, %add3A_75, %lt3A : i32
          %convert_element_type3A_77 = arith.extui %lt3A_76 : i1 to i32
          %cond3A_78 = arith.constant 0 : i32
          %cond3A_79 = arith.cmpi ne, %convert_element_type3A_77, %cond3A_78 : i32
          scf.if %cond3A_79 {
            %add3A_113 = arith.constant 1 : i32
            %add3A_114 = arith.addi %add3A_73, %add3A_113 : i32
            %dma_start3A_115 = arith.constant 1 : i32
            %dma_start3A_116 = arith.constant 0 : i32
            %dma_start3A_117 = arith.constant 0 : i32
            %dma_start3A_118 = tpu.memref_slice %arg16[%dma_start3A_115, %dma_start3A_116, %dma_start3A_117] : memref<2x125x128xf32, #tpu.memory_space<vmem>> -> memref<1x125x128xf32, #tpu.memory_space<vmem>>
            %dma_start3A_119 = tpu.memref_squeeze %dma_start3A_118 : memref<1x125x128xf32, #tpu.memory_space<vmem>> -> memref<125x128xf32, #tpu.memory_space<vmem>>
            %dma_start3A_120 = arith.constant 0 : i32
            %dma_start3A_121 = tpu.memref_slice %arg17[%add3A_114, %dma_start3A_120] : memref<40x125xi32, #tpu.memory_space<vmem>> -> memref<1x125xi32, #tpu.memory_space<vmem>>
            %dma_start3A_122 = tpu.memref_squeeze %dma_start3A_121 : memref<1x125xi32, #tpu.memory_space<vmem>> -> memref<125xi32, #tpu.memory_space<vmem>>
            %dma_start3A_123 = arith.constant 0 : i32
            %dma_start3A_124 = arith.constant 0 : i32
            %dma_start3A_125 = tpu.memref_slice %arg2[%dma_start3A_123, %dma_start3A_124] : memref<10000x128xf32, #tpu.memory_space<hbm>> -> memref<10000x128xf32, #tpu.memory_space<hbm>>
            tpu.enqueue_indirect_dma source(%dma_start3A_125 : memref<10000x128xf32, #tpu.memory_space<hbm>>) target(%dma_start3A_119 : memref<125x128xf32, #tpu.memory_space<vmem>>) offsets(%dma_start3A_122 : memref<125xi32, #tpu.memory_space<vmem>>) semaphore(%arg20 : memref<!tpu.dma_semaphore, #tpu.memory_space<semaphore_mem>>)
          } else {
          }
          %dma_wait3A = arith.constant 0 : i32
          %dma_wait3A_80 = arith.constant 0 : i32
          %dma_wait3A_81 = arith.constant 0 : i32
          %dma_wait3A_82 = tpu.memref_slice %arg16[%dma_wait3A, %dma_wait3A_80, %dma_wait3A_81] : memref<2x125x128xf32, #tpu.memory_space<vmem>> -> memref<1x125x128xf32, #tpu.memory_space<vmem>>
          %dma_wait3A_83 = tpu.memref_squeeze %dma_wait3A_82 : memref<1x125x128xf32, #tpu.memory_space<vmem>> -> memref<125x128xf32, #tpu.memory_space<vmem>>
          %dma_wait3A_84 = arith.constant 0 : i32
          %dma_wait3A_85 = tpu.memref_slice %arg17[%add3A_73, %dma_wait3A_84] : memref<40x125xi32, #tpu.memory_space<vmem>> -> memref<1x125xi32, #tpu.memory_space<vmem>>
          %dma_wait3A_86 = tpu.memref_squeeze %dma_wait3A_85 : memref<1x125xi32, #tpu.memory_space<vmem>> -> memref<125xi32, #tpu.memory_space<vmem>>
          %dma_wait3A_87 = arith.constant 0 : i32
          %dma_wait3A_88 = arith.constant 0 : i32
          %dma_wait3A_89 = tpu.memref_slice %arg2[%dma_wait3A_87, %dma_wait3A_88] : memref<10000x128xf32, #tpu.memory_space<hbm>> -> memref<10000x128xf32, #tpu.memory_space<hbm>>
          tpu.wait_indirect_dma semaphore(%arg19 : memref<!tpu.dma_semaphore, #tpu.memory_space<semaphore_mem>>) src(%dma_wait3A_89 : memref<10000x128xf32, #tpu.memory_space<hbm>>) dst(%dma_wait3A_83 : memref<125x128xf32, #tpu.memory_space<vmem>>)
          %run_scoped3A = arith.constant 0 : i32
          "tpu.region"() ({
            %run_scoped3A_113 = tpu.sem_alloc : memref<!tpu.dma_semaphore, #tpu.memory_space<semaphore_mem>>
            %dma_start3A_114 = arith.constant 0 : i32
            %dma_start3A_115 = arith.constant 0 : i32
            %dma_start3A_116 = tpu.memref_slice %arg16[%run_scoped3A, %dma_start3A_114, %dma_start3A_115] : memref<2x125x128xf32, #tpu.memory_space<vmem>> -> memref<1x125x128xf32, #tpu.memory_space<vmem>>
            %dma_start3A_117 = tpu.memref_squeeze %dma_start3A_116 : memref<1x125x128xf32, #tpu.memory_space<vmem>> -> memref<125x128xf32, #tpu.memory_space<vmem>>
            %dma_start3A_118 = arith.constant 0 : i32
            %dma_start3A_119 = tpu.memref_slice %arg18[%add3A_73, %dma_start3A_118] : memref<40x125xi32, #tpu.memory_space<vmem>> -> memref<1x125xi32, #tpu.memory_space<vmem>>
            %dma_start3A_120 = tpu.memref_squeeze %dma_start3A_119 : memref<1x125xi32, #tpu.memory_space<vmem>> -> memref<125xi32, #tpu.memory_space<vmem>>
            %dma_start3A_121 = arith.constant 0 : i32
            %dma_start3A_122 = arith.constant 0 : i32
            %dma_start3A_123 = tpu.memref_slice %arg15[%dma_start3A_121, %dma_start3A_122] : memref<10240x128xf32, #tpu.memory_space<vmem_shared>> -> memref<10240x128xf32, #tpu.memory_space<vmem_shared>>
            tpu.enqueue_indirect_dma source(%dma_start3A_117 : memref<125x128xf32, #tpu.memory_space<vmem>>) target(%dma_start3A_123 : memref<10240x128xf32, #tpu.memory_space<vmem_shared>>) offsets(%dma_start3A_120 : memref<125xi32, #tpu.memory_space<vmem>>) semaphore(%run_scoped3A_113 : memref<!tpu.dma_semaphore, #tpu.memory_space<semaphore_mem>>) {add = true}
            %dma_wait3A_124 = arith.constant 0 : i32
            %dma_wait3A_125 = arith.constant 0 : i32
            %dma_wait3A_126 = tpu.memref_slice %arg16[%run_scoped3A, %dma_wait3A_124, %dma_wait3A_125] : memref<2x125x128xf32, #tpu.memory_space<vmem>> -> memref<1x125x128xf32, #tpu.memory_space<vmem>>
            %dma_wait3A_127 = tpu.memref_squeeze %dma_wait3A_126 : memref<1x125x128xf32, #tpu.memory_space<vmem>> -> memref<125x128xf32, #tpu.memory_space<vmem>>
            %dma_wait3A_128 = arith.constant 0 : i32
            %dma_wait3A_129 = tpu.memref_slice %arg18[%add3A_73, %dma_wait3A_128] : memref<40x125xi32, #tpu.memory_space<vmem>> -> memref<1x125xi32, #tpu.memory_space<vmem>>
            %dma_wait3A_130 = tpu.memref_squeeze %dma_wait3A_129 : memref<1x125xi32, #tpu.memory_space<vmem>> -> memref<125xi32, #tpu.memory_space<vmem>>
            %dma_wait3A_131 = arith.constant 0 : i32
            %dma_wait3A_132 = arith.constant 0 : i32
            %dma_wait3A_133 = tpu.memref_slice %arg15[%dma_wait3A_131, %dma_wait3A_132] : memref<10240x128xf32, #tpu.memory_space<vmem_shared>> -> memref<10240x128xf32, #tpu.memory_space<vmem_shared>>
            tpu.wait_indirect_dma semaphore(%run_scoped3A_113 : memref<!tpu.dma_semaphore, #tpu.memory_space<semaphore_mem>>) src(%dma_wait3A_127 : memref<125x128xf32, #tpu.memory_space<vmem>>) dst(%dma_wait3A_133 : memref<10240x128xf32, #tpu.memory_space<vmem_shared>>)
            tpu.yield
          }) : () -> ()
          %mul3A_90 = arith.constant 2 : i32
          %mul3A_91 = arith.muli %scan3A_69, %mul3A_90 : i32
          %add3A_92 = arith.constant 1 : i32
          %add3A_93 = arith.addi %mul3A_91, %add3A_92 : i32
          %add3A_94 = arith.constant 1 : i32
          %add3A_95 = arith.addi %add3A_93, %add3A_94 : i32
          %lt3A_96 = arith.constant 40 : i32
          %lt3A_97 = arith.cmpi slt, %add3A_95, %lt3A_96 : i32
          %convert_element_type3A_98 = arith.extui %lt3A_97 : i1 to i32
          %cond3A_99 = arith.constant 0 : i32
          %cond3A_100 = arith.cmpi ne, %convert_element_type3A_98, %cond3A_99 : i32
          scf.if %cond3A_100 {
            %add3A_113 = arith.constant 1 : i32
            %add3A_114 = arith.addi %add3A_93, %add3A_113 : i32
            %dma_start3A_115 = arith.constant 0 : i32
            %dma_start3A_116 = arith.constant 0 : i32
            %dma_start3A_117 = arith.constant 0 : i32
            %dma_start3A_118 = tpu.memref_slice %arg16[%dma_start3A_115, %dma_start3A_116, %dma_start3A_117] : memref<2x125x128xf32, #tpu.memory_space<vmem>> -> memref<1x125x128xf32, #tpu.memory_space<vmem>>
            %dma_start3A_119 = tpu.memref_squeeze %dma_start3A_118 : memref<1x125x128xf32, #tpu.memory_space<vmem>> -> memref<125x128xf32, #tpu.memory_space<vmem>>
            %dma_start3A_120 = arith.constant 0 : i32
            %dma_start3A_121 = tpu.memref_slice %arg17[%add3A_114, %dma_start3A_120] : memref<40x125xi32, #tpu.memory_space<vmem>> -> memref<1x125xi32, #tpu.memory_space<vmem>>
            %dma_start3A_122 = tpu.memref_squeeze %dma_start3A_121 : memref<1x125xi32, #tpu.memory_space<vmem>> -> memref<125xi32, #tpu.memory_space<vmem>>
            %dma_start3A_123 = arith.constant 0 : i32
            %dma_start3A_124 = arith.constant 0 : i32
            %dma_start3A_125 = tpu.memref_slice %arg2[%dma_start3A_123, %dma_start3A_124] : memref<10000x128xf32, #tpu.memory_space<hbm>> -> memref<10000x128xf32, #tpu.memory_space<hbm>>
            tpu.enqueue_indirect_dma source(%dma_start3A_125 : memref<10000x128xf32, #tpu.memory_space<hbm>>) target(%dma_start3A_119 : memref<125x128xf32, #tpu.memory_space<vmem>>) offsets(%dma_start3A_122 : memref<125xi32, #tpu.memory_space<vmem>>) semaphore(%arg19 : memref<!tpu.dma_semaphore, #tpu.memory_space<semaphore_mem>>)
          } else {
          }
          %dma_wait3A_101 = arith.constant 1 : i32
          %dma_wait3A_102 = arith.constant 0 : i32
          %dma_wait3A_103 = arith.constant 0 : i32
          %dma_wait3A_104 = tpu.memref_slice %arg16[%dma_wait3A_101, %dma_wait3A_102, %dma_wait3A_103] : memref<2x125x128xf32, #tpu.memory_space<vmem>> -> memref<1x125x128xf32, #tpu.memory_space<vmem>>
          %dma_wait3A_105 = tpu.memref_squeeze %dma_wait3A_104 : memref<1x125x128xf32, #tpu.memory_space<vmem>> -> memref<125x128xf32, #tpu.memory_space<vmem>>
          %dma_wait3A_106 = arith.constant 0 : i32
          %dma_wait3A_107 = tpu.memref_slice %arg17[%add3A_93, %dma_wait3A_106] : memref<40x125xi32, #tpu.memory_space<vmem>> -> memref<1x125xi32, #tpu.memory_space<vmem>>
          %dma_wait3A_108 = tpu.memref_squeeze %dma_wait3A_107 : memref<1x125xi32, #tpu.memory_space<vmem>> -> memref<125xi32, #tpu.memory_space<vmem>>
          %dma_wait3A_109 = arith.constant 0 : i32
          %dma_wait3A_110 = arith.constant 0 : i32
          %dma_wait3A_111 = tpu.memref_slice %arg2[%dma_wait3A_109, %dma_wait3A_110] : memref<10000x128xf32, #tpu.memory_space<hbm>> -> memref<10000x128xf32, #tpu.memory_space<hbm>>
          tpu.wait_indirect_dma semaphore(%arg20 : memref<!tpu.dma_semaphore, #tpu.memory_space<semaphore_mem>>) src(%dma_wait3A_111 : memref<10000x128xf32, #tpu.memory_space<hbm>>) dst(%dma_wait3A_105 : memref<125x128xf32, #tpu.memory_space<vmem>>)
          %run_scoped3A_112 = arith.constant 1 : i32
          "tpu.region"() ({
            %run_scoped3A_113 = tpu.sem_alloc : memref<!tpu.dma_semaphore, #tpu.memory_space<semaphore_mem>>
            %dma_start3A_114 = arith.constant 0 : i32
            %dma_start3A_115 = arith.constant 0 : i32
            %dma_start3A_116 = tpu.memref_slice %arg16[%run_scoped3A_112, %dma_start3A_114, %dma_start3A_115] : memref<2x125x128xf32, #tpu.memory_space<vmem>> -> memref<1x125x128xf32, #tpu.memory_space<vmem>>
            %dma_start3A_117 = tpu.memref_squeeze %dma_start3A_116 : memref<1x125x128xf32, #tpu.memory_space<vmem>> -> memref<125x128xf32, #tpu.memory_space<vmem>>
            %dma_start3A_118 = arith.constant 0 : i32
            %dma_start3A_119 = tpu.memref_slice %arg18[%add3A_93, %dma_start3A_118] : memref<40x125xi32, #tpu.memory_space<vmem>> -> memref<1x125xi32, #tpu.memory_space<vmem>>
            %dma_start3A_120 = tpu.memref_squeeze %dma_start3A_119 : memref<1x125xi32, #tpu.memory_space<vmem>> -> memref<125xi32, #tpu.memory_space<vmem>>
            %dma_start3A_121 = arith.constant 0 : i32
            %dma_start3A_122 = arith.constant 0 : i32
            %dma_start3A_123 = tpu.memref_slice %arg15[%dma_start3A_121, %dma_start3A_122] : memref<10240x128xf32, #tpu.memory_space<vmem_shared>> -> memref<10240x128xf32, #tpu.memory_space<vmem_shared>>
            tpu.enqueue_indirect_dma source(%dma_start3A_117 : memref<125x128xf32, #tpu.memory_space<vmem>>) target(%dma_start3A_123 : memref<10240x128xf32, #tpu.memory_space<vmem_shared>>) offsets(%dma_start3A_120 : memref<125xi32, #tpu.memory_space<vmem>>) semaphore(%run_scoped3A_113 : memref<!tpu.dma_semaphore, #tpu.memory_space<semaphore_mem>>) {add = true}
            %dma_wait3A_124 = arith.constant 0 : i32
            %dma_wait3A_125 = arith.constant 0 : i32
            %dma_wait3A_126 = tpu.memref_slice %arg16[%run_scoped3A_112, %dma_wait3A_124, %dma_wait3A_125] : memref<2x125x128xf32, #tpu.memory_space<vmem>> -> memref<1x125x128xf32, #tpu.memory_space<vmem>>
            %dma_wait3A_127 = tpu.memref_squeeze %dma_wait3A_126 : memref<1x125x128xf32, #tpu.memory_space<vmem>> -> memref<125x128xf32, #tpu.memory_space<vmem>>
            %dma_wait3A_128 = arith.constant 0 : i32
            %dma_wait3A_129 = tpu.memref_slice %arg18[%add3A_93, %dma_wait3A_128] : memref<40x125xi32, #tpu.memory_space<vmem>> -> memref<1x125xi32, #tpu.memory_space<vmem>>
            %dma_wait3A_130 = tpu.memref_squeeze %dma_wait3A_129 : memref<1x125xi32, #tpu.memory_space<vmem>> -> memref<125xi32, #tpu.memory_space<vmem>>
            %dma_wait3A_131 = arith.constant 0 : i32
            %dma_wait3A_132 = arith.constant 0 : i32
            %dma_wait3A_133 = tpu.memref_slice %arg15[%dma_wait3A_131, %dma_wait3A_132] : memref<10240x128xf32, #tpu.memory_space<vmem_shared>> -> memref<10240x128xf32, #tpu.memory_space<vmem_shared>>
            tpu.wait_indirect_dma semaphore(%run_scoped3A_113 : memref<!tpu.dma_semaphore, #tpu.memory_space<semaphore_mem>>) src(%dma_wait3A_127 : memref<125x128xf32, #tpu.memory_space<vmem>>) dst(%dma_wait3A_133 : memref<10240x128xf32, #tpu.memory_space<vmem_shared>>)
            tpu.yield
          }) : () -> ()
        }
        %scan3A_68 = arith.constant 20 : i32
      }
      %scan3A_45 = arith.constant 4 : i32
    } else {
    }
    %eq3A_3 = arith.constant 1 : i32
    %eq3A_4 = arith.cmpi eq, %arg0, %eq3A_3 : i32
    %convert_element_type3A_5 = arith.extui %eq3A_4 : i1 to i32
    %cond3A_6 = arith.constant 0 : i32
    %cond3A_7 = arith.cmpi ne, %convert_element_type3A_5, %cond3A_6 : i32
    scf.if %cond3A_7 {
      %scan3A = arith.constant 0 : i32
      %scan3A_41 = arith.constant 0 : i32
      %scan3A_42 = arith.constant 4 : i32
      %scan3A_43 = arith.addi %scan3A_41, %scan3A_42 : i32
      %scan3A_44 = arith.constant 1 : i32
      scf.for %scan3A_46 = %scan3A_41 to %scan3A_43 step %scan3A_44  : i32 {
        %mul3A_47 = arith.constant 4 : i32
        %mul3A_48 = arith.muli %arg1, %mul3A_47 : i32
        %add3A = arith.addi %mul3A_48, %scan3A_46 : i32
        "tpu.region"() ({
          %run_scoped3A = tpu.sem_alloc : memref<!tpu.dma_semaphore, #tpu.memory_space<semaphore_mem>>
          %dma_start3A_69 = arith.constant 0 : i32
          %dma_start3A_70 = arith.constant 0 : i32
          %dma_start3A_71 = tpu.memref_slice %arg6[%add3A, %dma_start3A_69, %dma_start3A_70] : memref<64x40x125xi32, #tpu.memory_space<hbm>> -> memref<1x40x125xi32, #tpu.memory_space<hbm>>
          %dma_start3A_72 = tpu.memref_squeeze %dma_start3A_71 : memref<1x40x125xi32, #tpu.memory_space<hbm>> -> memref<40x125xi32, #tpu.memory_space<hbm>>
          %dma_start3A_73 = arith.constant 0 : i32
          %dma_start3A_74 = arith.constant 0 : i32
          %dma_start3A_75 = tpu.memref_slice %arg6[%add3A, %dma_start3A_73, %dma_start3A_74] : memref<64x40x125xi32, #tpu.memory_space<hbm>> -> memref<1x40x125xi32, #tpu.memory_space<hbm>>
          %dma_start3A_76 = tpu.memref_squeeze %dma_start3A_75 : memref<1x40x125xi32, #tpu.memory_space<hbm>> -> memref<40x125xi32, #tpu.memory_space<hbm>>
          tpu.enqueue_dma source(%dma_start3A_76 : memref<40x125xi32, #tpu.memory_space<hbm>>) target(%arg17 : memref<40x125xi32, #tpu.memory_space<vmem>>) target_semaphore(%run_scoped3A : memref<!tpu.dma_semaphore, #tpu.memory_space<semaphore_mem>>)
          %dma_wait3A = arith.constant 0 : i32
          %dma_wait3A_77 = arith.constant 0 : i32
          %dma_wait3A_78 = tpu.memref_slice %arg6[%add3A, %dma_wait3A, %dma_wait3A_77] : memref<64x40x125xi32, #tpu.memory_space<hbm>> -> memref<1x40x125xi32, #tpu.memory_space<hbm>>
          %dma_wait3A_79 = tpu.memref_squeeze %dma_wait3A_78 : memref<1x40x125xi32, #tpu.memory_space<hbm>> -> memref<40x125xi32, #tpu.memory_space<hbm>>
          %dma_wait3A_80 = arith.constant 0 : i32
          %dma_wait3A_81 = arith.constant 0 : i32
          %dma_wait3A_82 = tpu.memref_slice %arg6[%add3A, %dma_wait3A_80, %dma_wait3A_81] : memref<64x40x125xi32, #tpu.memory_space<hbm>> -> memref<1x40x125xi32, #tpu.memory_space<hbm>>
          %dma_wait3A_83 = tpu.memref_squeeze %dma_wait3A_82 : memref<1x40x125xi32, #tpu.memory_space<hbm>> -> memref<40x125xi32, #tpu.memory_space<hbm>>
          tpu.wait_dma2 semaphore(%run_scoped3A : memref<!tpu.dma_semaphore, #tpu.memory_space<semaphore_mem>>) src(%dma_wait3A_83 : memref<40x125xi32, #tpu.memory_space<hbm>>) dst(%arg17 : memref<40x125xi32, #tpu.memory_space<vmem>>)
          tpu.yield
        }) : () -> ()
        %mul3A_49 = arith.constant 4 : i32
        %mul3A_50 = arith.muli %arg1, %mul3A_49 : i32
        %add3A_51 = arith.addi %mul3A_50, %scan3A_46 : i32
        "tpu.region"() ({
          %run_scoped3A = tpu.sem_alloc : memref<!tpu.dma_semaphore, #tpu.memory_space<semaphore_mem>>
          %dma_start3A_69 = arith.constant 0 : i32
          %dma_start3A_70 = arith.constant 0 : i32
          %dma_start3A_71 = tpu.memref_slice %arg7[%add3A_51, %dma_start3A_69, %dma_start3A_70] : memref<64x40x125xi32, #tpu.memory_space<hbm>> -> memref<1x40x125xi32, #tpu.memory_space<hbm>>
          %dma_start3A_72 = tpu.memref_squeeze %dma_start3A_71 : memref<1x40x125xi32, #tpu.memory_space<hbm>> -> memref<40x125xi32, #tpu.memory_space<hbm>>
          %dma_start3A_73 = arith.constant 0 : i32
          %dma_start3A_74 = arith.constant 0 : i32
          %dma_start3A_75 = tpu.memref_slice %arg7[%add3A_51, %dma_start3A_73, %dma_start3A_74] : memref<64x40x125xi32, #tpu.memory_space<hbm>> -> memref<1x40x125xi32, #tpu.memory_space<hbm>>
          %dma_start3A_76 = tpu.memref_squeeze %dma_start3A_75 : memref<1x40x125xi32, #tpu.memory_space<hbm>> -> memref<40x125xi32, #tpu.memory_space<hbm>>
          tpu.enqueue_dma source(%dma_start3A_76 : memref<40x125xi32, #tpu.memory_space<hbm>>) target(%arg18 : memref<40x125xi32, #tpu.memory_space<vmem>>) target_semaphore(%run_scoped3A : memref<!tpu.dma_semaphore, #tpu.memory_space<semaphore_mem>>)
          %dma_wait3A = arith.constant 0 : i32
          %dma_wait3A_77 = arith.constant 0 : i32
          %dma_wait3A_78 = tpu.memref_slice %arg7[%add3A_51, %dma_wait3A, %dma_wait3A_77] : memref<64x40x125xi32, #tpu.memory_space<hbm>> -> memref<1x40x125xi32, #tpu.memory_space<hbm>>
          %dma_wait3A_79 = tpu.memref_squeeze %dma_wait3A_78 : memref<1x40x125xi32, #tpu.memory_space<hbm>> -> memref<40x125xi32, #tpu.memory_space<hbm>>
          %dma_wait3A_80 = arith.constant 0 : i32
          %dma_wait3A_81 = arith.constant 0 : i32
          %dma_wait3A_82 = tpu.memref_slice %arg7[%add3A_51, %dma_wait3A_80, %dma_wait3A_81] : memref<64x40x125xi32, #tpu.memory_space<hbm>> -> memref<1x40x125xi32, #tpu.memory_space<hbm>>
          %dma_wait3A_83 = tpu.memref_squeeze %dma_wait3A_82 : memref<1x40x125xi32, #tpu.memory_space<hbm>> -> memref<40x125xi32, #tpu.memory_space<hbm>>
          tpu.wait_dma2 semaphore(%run_scoped3A : memref<!tpu.dma_semaphore, #tpu.memory_space<semaphore_mem>>) src(%dma_wait3A_83 : memref<40x125xi32, #tpu.memory_space<hbm>>) dst(%arg18 : memref<40x125xi32, #tpu.memory_space<vmem>>)
          tpu.yield
        }) : () -> ()
        %dma_start3A = arith.constant 0 : i32
        %dma_start3A_52 = arith.constant 0 : i32
        %dma_start3A_53 = arith.constant 0 : i32
        %dma_start3A_54 = arith.constant 0 : i32
        %dma_start3A_55 = tpu.memref_slice %arg16[%dma_start3A_52, %dma_start3A_53, %dma_start3A_54] : memref<2x125x128xf32, #tpu.memory_space<vmem>> -> memref<1x125x128xf32, #tpu.memory_space<vmem>>
        %dma_start3A_56 = tpu.memref_squeeze %dma_start3A_55 : memref<1x125x128xf32, #tpu.memory_space<vmem>> -> memref<125x128xf32, #tpu.memory_space<vmem>>
        %dma_start3A_57 = arith.constant 0 : i32
        %dma_start3A_58 = tpu.memref_slice %arg17[%dma_start3A, %dma_start3A_57] : memref<40x125xi32, #tpu.memory_space<vmem>> -> memref<1x125xi32, #tpu.memory_space<vmem>>
        %dma_start3A_59 = tpu.memref_squeeze %dma_start3A_58 : memref<1x125xi32, #tpu.memory_space<vmem>> -> memref<125xi32, #tpu.memory_space<vmem>>
        %dma_start3A_60 = arith.constant 0 : i32
        %dma_start3A_61 = arith.constant 0 : i32
        %dma_start3A_62 = tpu.memref_slice %arg3[%dma_start3A_60, %dma_start3A_61] : memref<10000x128xf32, #tpu.memory_space<hbm>> -> memref<10000x128xf32, #tpu.memory_space<hbm>>
        tpu.enqueue_indirect_dma source(%dma_start3A_62 : memref<10000x128xf32, #tpu.memory_space<hbm>>) target(%dma_start3A_56 : memref<125x128xf32, #tpu.memory_space<vmem>>) offsets(%dma_start3A_59 : memref<125xi32, #tpu.memory_space<vmem>>) semaphore(%arg19 : memref<!tpu.dma_semaphore, #tpu.memory_space<semaphore_mem>>)
        %scan3A_63 = arith.constant 0 : i32
        %scan3A_64 = arith.constant 0 : i32
        %scan3A_65 = arith.constant 20 : i32
        %scan3A_66 = arith.addi %scan3A_64, %scan3A_65 : i32
        %scan3A_67 = arith.constant 1 : i32
        scf.for %scan3A_69 = %scan3A_64 to %scan3A_66 step %scan3A_67  : i32 {
          %mul3A_70 = arith.constant 2 : i32
          %mul3A_71 = arith.muli %scan3A_69, %mul3A_70 : i32
          %add3A_72 = arith.constant 0 : i32
          %add3A_73 = arith.addi %mul3A_71, %add3A_72 : i32
          %add3A_74 = arith.constant 1 : i32
          %add3A_75 = arith.addi %add3A_73, %add3A_74 : i32
          %lt3A = arith.constant 40 : i32
          %lt3A_76 = arith.cmpi slt, %add3A_75, %lt3A : i32
          %convert_element_type3A_77 = arith.extui %lt3A_76 : i1 to i32
          %cond3A_78 = arith.constant 0 : i32
          %cond3A_79 = arith.cmpi ne, %convert_element_type3A_77, %cond3A_78 : i32
          scf.if %cond3A_79 {
            %add3A_113 = arith.constant 1 : i32
            %add3A_114 = arith.addi %add3A_73, %add3A_113 : i32
            %dma_start3A_115 = arith.constant 1 : i32
            %dma_start3A_116 = arith.constant 0 : i32
            %dma_start3A_117 = arith.constant 0 : i32
            %dma_start3A_118 = tpu.memref_slice %arg16[%dma_start3A_115, %dma_start3A_116, %dma_start3A_117] : memref<2x125x128xf32, #tpu.memory_space<vmem>> -> memref<1x125x128xf32, #tpu.memory_space<vmem>>
            %dma_start3A_119 = tpu.memref_squeeze %dma_start3A_118 : memref<1x125x128xf32, #tpu.memory_space<vmem>> -> memref<125x128xf32, #tpu.memory_space<vmem>>
            %dma_start3A_120 = arith.constant 0 : i32
            %dma_start3A_121 = tpu.memref_slice %arg17[%add3A_114, %dma_start3A_120] : memref<40x125xi32, #tpu.memory_space<vmem>> -> memref<1x125xi32, #tpu.memory_space<vmem>>
            %dma_start3A_122 = tpu.memref_squeeze %dma_start3A_121 : memref<1x125xi32, #tpu.memory_space<vmem>> -> memref<125xi32, #tpu.memory_space<vmem>>
            %dma_start3A_123 = arith.constant 0 : i32
            %dma_start3A_124 = arith.constant 0 : i32
            %dma_start3A_125 = tpu.memref_slice %arg3[%dma_start3A_123, %dma_start3A_124] : memref<10000x128xf32, #tpu.memory_space<hbm>> -> memref<10000x128xf32, #tpu.memory_space<hbm>>
            tpu.enqueue_indirect_dma source(%dma_start3A_125 : memref<10000x128xf32, #tpu.memory_space<hbm>>) target(%dma_start3A_119 : memref<125x128xf32, #tpu.memory_space<vmem>>) offsets(%dma_start3A_122 : memref<125xi32, #tpu.memory_space<vmem>>) semaphore(%arg20 : memref<!tpu.dma_semaphore, #tpu.memory_space<semaphore_mem>>)
          } else {
          }
          %dma_wait3A = arith.constant 0 : i32
          %dma_wait3A_80 = arith.constant 0 : i32
          %dma_wait3A_81 = arith.constant 0 : i32
          %dma_wait3A_82 = tpu.memref_slice %arg16[%dma_wait3A, %dma_wait3A_80, %dma_wait3A_81] : memref<2x125x128xf32, #tpu.memory_space<vmem>> -> memref<1x125x128xf32, #tpu.memory_space<vmem>>
          %dma_wait3A_83 = tpu.memref_squeeze %dma_wait3A_82 : memref<1x125x128xf32, #tpu.memory_space<vmem>> -> memref<125x128xf32, #tpu.memory_space<vmem>>
          %dma_wait3A_84 = arith.constant 0 : i32
          %dma_wait3A_85 = tpu.memref_slice %arg17[%add3A_73, %dma_wait3A_84] : memref<40x125xi32, #tpu.memory_space<vmem>> -> memref<1x125xi32, #tpu.memory_space<vmem>>
          %dma_wait3A_86 = tpu.memref_squeeze %dma_wait3A_85 : memref<1x125xi32, #tpu.memory_space<vmem>> -> memref<125xi32, #tpu.memory_space<vmem>>
          %dma_wait3A_87 = arith.constant 0 : i32
          %dma_wait3A_88 = arith.constant 0 : i32
          %dma_wait3A_89 = tpu.memref_slice %arg3[%dma_wait3A_87, %dma_wait3A_88] : memref<10000x128xf32, #tpu.memory_space<hbm>> -> memref<10000x128xf32, #tpu.memory_space<hbm>>
          tpu.wait_indirect_dma semaphore(%arg19 : memref<!tpu.dma_semaphore, #tpu.memory_space<semaphore_mem>>) src(%dma_wait3A_89 : memref<10000x128xf32, #tpu.memory_space<hbm>>) dst(%dma_wait3A_83 : memref<125x128xf32, #tpu.memory_space<vmem>>)
          %run_scoped3A = arith.constant 0 : i32
          "tpu.region"() ({
            %run_scoped3A_113 = tpu.sem_alloc : memref<!tpu.dma_semaphore, #tpu.memory_space<semaphore_mem>>
            %dma_start3A_114 = arith.constant 0 : i32
            %dma_start3A_115 = arith.constant 0 : i32
            %dma_start3A_116 = tpu.memref_slice %arg16[%run_scoped3A, %dma_start3A_114, %dma_start3A_115] : memref<2x125x128xf32, #tpu.memory_space<vmem>> -> memref<1x125x128xf32, #tpu.memory_space<vmem>>
            %dma_start3A_117 = tpu.memref_squeeze %dma_start3A_116 : memref<1x125x128xf32, #tpu.memory_space<vmem>> -> memref<125x128xf32, #tpu.memory_space<vmem>>
            %dma_start3A_118 = arith.constant 0 : i32
            %dma_start3A_119 = tpu.memref_slice %arg18[%add3A_73, %dma_start3A_118] : memref<40x125xi32, #tpu.memory_space<vmem>> -> memref<1x125xi32, #tpu.memory_space<vmem>>
            %dma_start3A_120 = tpu.memref_squeeze %dma_start3A_119 : memref<1x125xi32, #tpu.memory_space<vmem>> -> memref<125xi32, #tpu.memory_space<vmem>>
            %dma_start3A_121 = arith.constant 0 : i32
            %dma_start3A_122 = arith.constant 0 : i32
            %dma_start3A_123 = tpu.memref_slice %arg15[%dma_start3A_121, %dma_start3A_122] : memref<10240x128xf32, #tpu.memory_space<vmem_shared>> -> memref<10240x128xf32, #tpu.memory_space<vmem_shared>>
            tpu.enqueue_indirect_dma source(%dma_start3A_117 : memref<125x128xf32, #tpu.memory_space<vmem>>) target(%dma_start3A_123 : memref<10240x128xf32, #tpu.memory_space<vmem_shared>>) offsets(%dma_start3A_120 : memref<125xi32, #tpu.memory_space<vmem>>) semaphore(%run_scoped3A_113 : memref<!tpu.dma_semaphore, #tpu.memory_space<semaphore_mem>>) {add = true}
            %dma_wait3A_124 = arith.constant 0 : i32
            %dma_wait3A_125 = arith.constant 0 : i32
            %dma_wait3A_126 = tpu.memref_slice %arg16[%run_scoped3A, %dma_wait3A_124, %dma_wait3A_125] : memref<2x125x128xf32, #tpu.memory_space<vmem>> -> memref<1x125x128xf32, #tpu.memory_space<vmem>>
            %dma_wait3A_127 = tpu.memref_squeeze %dma_wait3A_126 : memref<1x125x128xf32, #tpu.memory_space<vmem>> -> memref<125x128xf32, #tpu.memory_space<vmem>>
            %dma_wait3A_128 = arith.constant 0 : i32
            %dma_wait3A_129 = tpu.memref_slice %arg18[%add3A_73, %dma_wait3A_128] : memref<40x125xi32, #tpu.memory_space<vmem>> -> memref<1x125xi32, #tpu.memory_space<vmem>>
            %dma_wait3A_130 = tpu.memref_squeeze %dma_wait3A_129 : memref<1x125xi32, #tpu.memory_space<vmem>> -> memref<125xi32, #tpu.memory_space<vmem>>
            %dma_wait3A_131 = arith.constant 0 : i32
            %dma_wait3A_132 = arith.constant 0 : i32
            %dma_wait3A_133 = tpu.memref_slice %arg15[%dma_wait3A_131, %dma_wait3A_132] : memref<10240x128xf32, #tpu.memory_space<vmem_shared>> -> memref<10240x128xf32, #tpu.memory_space<vmem_shared>>
            tpu.wait_indirect_dma semaphore(%run_scoped3A_113 : memref<!tpu.dma_semaphore, #tpu.memory_space<semaphore_mem>>) src(%dma_wait3A_127 : memref<125x128xf32, #tpu.memory_space<vmem>>) dst(%dma_wait3A_133 : memref<10240x128xf32, #tpu.memory_space<vmem_shared>>)
            tpu.yield
          }) : () -> ()
          %mul3A_90 = arith.constant 2 : i32
          %mul3A_91 = arith.muli %scan3A_69, %mul3A_90 : i32
          %add3A_92 = arith.constant 1 : i32
          %add3A_93 = arith.addi %mul3A_91, %add3A_92 : i32
          %add3A_94 = arith.constant 1 : i32
          %add3A_95 = arith.addi %add3A_93, %add3A_94 : i32
          %lt3A_96 = arith.constant 40 : i32
          %lt3A_97 = arith.cmpi slt, %add3A_95, %lt3A_96 : i32
          %convert_element_type3A_98 = arith.extui %lt3A_97 : i1 to i32
          %cond3A_99 = arith.constant 0 : i32
          %cond3A_100 = arith.cmpi ne, %convert_element_type3A_98, %cond3A_99 : i32
          scf.if %cond3A_100 {
            %add3A_113 = arith.constant 1 : i32
            %add3A_114 = arith.addi %add3A_93, %add3A_113 : i32
            %dma_start3A_115 = arith.constant 0 : i32
            %dma_start3A_116 = arith.constant 0 : i32
            %dma_start3A_117 = arith.constant 0 : i32
            %dma_start3A_118 = tpu.memref_slice %arg16[%dma_start3A_115, %dma_start3A_116, %dma_start3A_117] : memref<2x125x128xf32, #tpu.memory_space<vmem>> -> memref<1x125x128xf32, #tpu.memory_space<vmem>>
            %dma_start3A_119 = tpu.memref_squeeze %dma_start3A_118 : memref<1x125x128xf32, #tpu.memory_space<vmem>> -> memref<125x128xf32, #tpu.memory_space<vmem>>
            %dma_start3A_120 = arith.constant 0 : i32
            %dma_start3A_121 = tpu.memref_slice %arg17[%add3A_114, %dma_start3A_120] : memref<40x125xi32, #tpu.memory_space<vmem>> -> memref<1x125xi32, #tpu.memory_space<vmem>>
            %dma_start3A_122 = tpu.memref_squeeze %dma_start3A_121 : memref<1x125xi32, #tpu.memory_space<vmem>> -> memref<125xi32, #tpu.memory_space<vmem>>
            %dma_start3A_123 = arith.constant 0 : i32
            %dma_start3A_124 = arith.constant 0 : i32
            %dma_start3A_125 = tpu.memref_slice %arg3[%dma_start3A_123, %dma_start3A_124] : memref<10000x128xf32, #tpu.memory_space<hbm>> -> memref<10000x128xf32, #tpu.memory_space<hbm>>
            tpu.enqueue_indirect_dma source(%dma_start3A_125 : memref<10000x128xf32, #tpu.memory_space<hbm>>) target(%dma_start3A_119 : memref<125x128xf32, #tpu.memory_space<vmem>>) offsets(%dma_start3A_122 : memref<125xi32, #tpu.memory_space<vmem>>) semaphore(%arg19 : memref<!tpu.dma_semaphore, #tpu.memory_space<semaphore_mem>>)
          } else {
          }
          %dma_wait3A_101 = arith.constant 1 : i32
          %dma_wait3A_102 = arith.constant 0 : i32
          %dma_wait3A_103 = arith.constant 0 : i32
          %dma_wait3A_104 = tpu.memref_slice %arg16[%dma_wait3A_101, %dma_wait3A_102, %dma_wait3A_103] : memref<2x125x128xf32, #tpu.memory_space<vmem>> -> memref<1x125x128xf32, #tpu.memory_space<vmem>>
          %dma_wait3A_105 = tpu.memref_squeeze %dma_wait3A_104 : memref<1x125x128xf32, #tpu.memory_space<vmem>> -> memref<125x128xf32, #tpu.memory_space<vmem>>
          %dma_wait3A_106 = arith.constant 0 : i32
          %dma_wait3A_107 = tpu.memref_slice %arg17[%add3A_93, %dma_wait3A_106] : memref<40x125xi32, #tpu.memory_space<vmem>> -> memref<1x125xi32, #tpu.memory_space<vmem>>
          %dma_wait3A_108 = tpu.memref_squeeze %dma_wait3A_107 : memref<1x125xi32, #tpu.memory_space<vmem>> -> memref<125xi32, #tpu.memory_space<vmem>>
          %dma_wait3A_109 = arith.constant 0 : i32
          %dma_wait3A_110 = arith.constant 0 : i32
          %dma_wait3A_111 = tpu.memref_slice %arg3[%dma_wait3A_109, %dma_wait3A_110] : memref<10000x128xf32, #tpu.memory_space<hbm>> -> memref<10000x128xf32, #tpu.memory_space<hbm>>
          tpu.wait_indirect_dma semaphore(%arg20 : memref<!tpu.dma_semaphore, #tpu.memory_space<semaphore_mem>>) src(%dma_wait3A_111 : memref<10000x128xf32, #tpu.memory_space<hbm>>) dst(%dma_wait3A_105 : memref<125x128xf32, #tpu.memory_space<vmem>>)
          %run_scoped3A_112 = arith.constant 1 : i32
          "tpu.region"() ({
            %run_scoped3A_113 = tpu.sem_alloc : memref<!tpu.dma_semaphore, #tpu.memory_space<semaphore_mem>>
            %dma_start3A_114 = arith.constant 0 : i32
            %dma_start3A_115 = arith.constant 0 : i32
            %dma_start3A_116 = tpu.memref_slice %arg16[%run_scoped3A_112, %dma_start3A_114, %dma_start3A_115] : memref<2x125x128xf32, #tpu.memory_space<vmem>> -> memref<1x125x128xf32, #tpu.memory_space<vmem>>
            %dma_start3A_117 = tpu.memref_squeeze %dma_start3A_116 : memref<1x125x128xf32, #tpu.memory_space<vmem>> -> memref<125x128xf32, #tpu.memory_space<vmem>>
            %dma_start3A_118 = arith.constant 0 : i32
            %dma_start3A_119 = tpu.memref_slice %arg18[%add3A_93, %dma_start3A_118] : memref<40x125xi32, #tpu.memory_space<vmem>> -> memref<1x125xi32, #tpu.memory_space<vmem>>
            %dma_start3A_120 = tpu.memref_squeeze %dma_start3A_119 : memref<1x125xi32, #tpu.memory_space<vmem>> -> memref<125xi32, #tpu.memory_space<vmem>>
            %dma_start3A_121 = arith.constant 0 : i32
            %dma_start3A_122 = arith.constant 0 : i32
            %dma_start3A_123 = tpu.memref_slice %arg15[%dma_start3A_121, %dma_start3A_122] : memref<10240x128xf32, #tpu.memory_space<vmem_shared>> -> memref<10240x128xf32, #tpu.memory_space<vmem_shared>>
            tpu.enqueue_indirect_dma source(%dma_start3A_117 : memref<125x128xf32, #tpu.memory_space<vmem>>) target(%dma_start3A_123 : memref<10240x128xf32, #tpu.memory_space<vmem_shared>>) offsets(%dma_start3A_120 : memref<125xi32, #tpu.memory_space<vmem>>) semaphore(%run_scoped3A_113 : memref<!tpu.dma_semaphore, #tpu.memory_space<semaphore_mem>>) {add = true}
            %dma_wait3A_124 = arith.constant 0 : i32
            %dma_wait3A_125 = arith.constant 0 : i32
            %dma_wait3A_126 = tpu.memref_slice %arg16[%run_scoped3A_112, %dma_wait3A_124, %dma_wait3A_125] : memref<2x125x128xf32, #tpu.memory_space<vmem>> -> memref<1x125x128xf32, #tpu.memory_space<vmem>>
            %dma_wait3A_127 = tpu.memref_squeeze %dma_wait3A_126 : memref<1x125x128xf32, #tpu.memory_space<vmem>> -> memref<125x128xf32, #tpu.memory_space<vmem>>
            %dma_wait3A_128 = arith.constant 0 : i32
            %dma_wait3A_129 = tpu.memref_slice %arg18[%add3A_93, %dma_wait3A_128] : memref<40x125xi32, #tpu.memory_space<vmem>> -> memref<1x125xi32, #tpu.memory_space<vmem>>
            %dma_wait3A_130 = tpu.memref_squeeze %dma_wait3A_129 : memref<1x125xi32, #tpu.memory_space<vmem>> -> memref<125xi32, #tpu.memory_space<vmem>>
            %dma_wait3A_131 = arith.constant 0 : i32
            %dma_wait3A_132 = arith.constant 0 : i32
            %dma_wait3A_133 = tpu.memref_slice %arg15[%dma_wait3A_131, %dma_wait3A_132] : memref<10240x128xf32, #tpu.memory_space<vmem_shared>> -> memref<10240x128xf32, #tpu.memory_space<vmem_shared>>
            tpu.wait_indirect_dma semaphore(%run_scoped3A_113 : memref<!tpu.dma_semaphore, #tpu.memory_space<semaphore_mem>>) src(%dma_wait3A_127 : memref<125x128xf32, #tpu.memory_space<vmem>>) dst(%dma_wait3A_133 : memref<10240x128xf32, #tpu.memory_space<vmem_shared>>)
            tpu.yield
          }) : () -> ()
        }
        %scan3A_68 = arith.constant 20 : i32
      }
      %scan3A_45 = arith.constant 4 : i32
    } else {
    }
    %barrier3A_8 = arith.constant 0 : index
    tpu.barrier barrier_id(%barrier3A_8)
    %eq3A_9 = arith.constant 0 : i32
    %eq3A_10 = arith.cmpi eq, %arg0, %eq3A_9 : i32
    %convert_element_type3A_11 = arith.extui %eq3A_10 : i1 to i32
    %cond3A_12 = arith.constant 0 : i32
    %cond3A_13 = arith.cmpi ne, %convert_element_type3A_11, %cond3A_12 : i32
    scf.if %cond3A_13 {
      "tpu.region"() ({
        %run_scoped3A = tpu.sem_alloc : memref<!tpu.dma_semaphore, #tpu.memory_space<semaphore_mem>>
        %dma_start3A = arith.constant 0 : i32
        %dma_start3A_41 = tpu.memref_slice %arg11[%mul3A_0, %dma_start3A] : memref<10240x128xf32, #tpu.memory_space<hbm>> -> memref<640x128xf32, #tpu.memory_space<hbm>>
        %dma_start3A_42 = arith.constant 0 : i32
        %dma_start3A_43 = tpu.memref_slice %arg15[%mul3A_0, %dma_start3A_42] : memref<10240x128xf32, #tpu.memory_space<vmem_shared>> -> memref<640x128xf32, #tpu.memory_space<vmem_shared>>
        tpu.enqueue_dma source(%dma_start3A_43 : memref<640x128xf32, #tpu.memory_space<vmem_shared>>) target(%dma_start3A_41 : memref<640x128xf32, #tpu.memory_space<hbm>>) target_semaphore(%run_scoped3A : memref<!tpu.dma_semaphore, #tpu.memory_space<semaphore_mem>>)
        %dma_wait3A = arith.constant 0 : i32
        %dma_wait3A_44 = tpu.memref_slice %arg11[%mul3A_0, %dma_wait3A] : memref<10240x128xf32, #tpu.memory_space<hbm>> -> memref<640x128xf32, #tpu.memory_space<hbm>>
        %dma_wait3A_45 = arith.constant 0 : i32
        %dma_wait3A_46 = tpu.memref_slice %arg15[%mul3A_0, %dma_wait3A_45] : memref<10240x128xf32, #tpu.memory_space<vmem_shared>> -> memref<640x128xf32, #tpu.memory_space<vmem_shared>>
        tpu.wait_dma2 semaphore(%run_scoped3A : memref<!tpu.dma_semaphore, #tpu.memory_space<semaphore_mem>>) src(%dma_wait3A_46 : memref<640x128xf32, #tpu.memory_space<vmem_shared>>) dst(%dma_wait3A_44 : memref<640x128xf32, #tpu.memory_space<hbm>>)
        tpu.yield
      }) : () -> ()
    } else {
    }
    %eq3A_14 = arith.constant 1 : i32
    %eq3A_15 = arith.cmpi eq, %arg0, %eq3A_14 : i32
    %convert_element_type3A_16 = arith.extui %eq3A_15 : i1 to i32
    %cond3A_17 = arith.constant 0 : i32
    %cond3A_18 = arith.cmpi ne, %convert_element_type3A_16, %cond3A_17 : i32
    scf.if %cond3A_18 {
      "tpu.region"() ({
        %run_scoped3A = tpu.sem_alloc : memref<!tpu.dma_semaphore, #tpu.memory_space<semaphore_mem>>
        %dma_start3A = arith.constant 0 : i32
        %dma_start3A_41 = tpu.memref_slice %arg12[%mul3A_0, %dma_start3A] : memref<10240x128xf32, #tpu.memory_space<hbm>> -> memref<640x128xf32, #tpu.memory_space<hbm>>
        %dma_start3A_42 = arith.constant 0 : i32
        %dma_start3A_43 = tpu.memref_slice %arg15[%mul3A_0, %dma_start3A_42] : memref<10240x128xf32, #tpu.memory_space<vmem_shared>> -> memref<640x128xf32, #tpu.memory_space<vmem_shared>>
        tpu.enqueue_dma source(%dma_start3A_43 : memref<640x128xf32, #tpu.memory_space<vmem_shared>>) target(%dma_start3A_41 : memref<640x128xf32, #tpu.memory_space<hbm>>) target_semaphore(%run_scoped3A : memref<!tpu.dma_semaphore, #tpu.memory_space<semaphore_mem>>)
        %dma_wait3A = arith.constant 0 : i32
        %dma_wait3A_44 = tpu.memref_slice %arg12[%mul3A_0, %dma_wait3A] : memref<10240x128xf32, #tpu.memory_space<hbm>> -> memref<640x128xf32, #tpu.memory_space<hbm>>
        %dma_wait3A_45 = arith.constant 0 : i32
        %dma_wait3A_46 = tpu.memref_slice %arg15[%mul3A_0, %dma_wait3A_45] : memref<10240x128xf32, #tpu.memory_space<vmem_shared>> -> memref<640x128xf32, #tpu.memory_space<vmem_shared>>
        tpu.wait_dma2 semaphore(%run_scoped3A : memref<!tpu.dma_semaphore, #tpu.memory_space<semaphore_mem>>) src(%dma_wait3A_46 : memref<640x128xf32, #tpu.memory_space<vmem_shared>>) dst(%dma_wait3A_44 : memref<640x128xf32, #tpu.memory_space<hbm>>)
        tpu.yield
      }) : () -> ()
    } else {
    }
    "tpu.region"() ({
      %run_scoped3A = tpu.sem_alloc : memref<!tpu.dma_semaphore, #tpu.memory_space<semaphore_mem>>
      %dma_start3A = arith.constant 0 : i32
      %dma_start3A_41 = tpu.memref_slice %arg15[%mul3A_0, %dma_start3A] : memref<10240x128xf32, #tpu.memory_space<vmem_shared>> -> memref<640x128xf32, #tpu.memory_space<vmem_shared>>
      %dma_start3A_42 = arith.constant 0 : i32
      %dma_start3A_43 = tpu.memref_slice %arg10[%mul3A_0, %dma_start3A_42] : memref<10240x128xf32, #tpu.memory_space<hbm>> -> memref<640x128xf32, #tpu.memory_space<hbm>>
      tpu.enqueue_dma source(%dma_start3A_43 : memref<640x128xf32, #tpu.memory_space<hbm>>) target(%dma_start3A_41 : memref<640x128xf32, #tpu.memory_space<vmem_shared>>) target_semaphore(%run_scoped3A : memref<!tpu.dma_semaphore, #tpu.memory_space<semaphore_mem>>)
      %dma_wait3A = arith.constant 0 : i32
      %dma_wait3A_44 = tpu.memref_slice %arg15[%mul3A_0, %dma_wait3A] : memref<10240x128xf32, #tpu.memory_space<vmem_shared>> -> memref<640x128xf32, #tpu.memory_space<vmem_shared>>
      %dma_wait3A_45 = arith.constant 0 : i32
      %dma_wait3A_46 = tpu.memref_slice %arg10[%mul3A_0, %dma_wait3A_45] : memref<10240x128xf32, #tpu.memory_space<hbm>> -> memref<640x128xf32, #tpu.memory_space<hbm>>
      tpu.wait_dma2 semaphore(%run_scoped3A : memref<!tpu.dma_semaphore, #tpu.memory_space<semaphore_mem>>) src(%dma_wait3A_46 : memref<640x128xf32, #tpu.memory_space<hbm>>) dst(%dma_wait3A_44 : memref<640x128xf32, #tpu.memory_space<vmem_shared>>)
      tpu.yield
    }) : () -> ()
    %barrier3A_19 = arith.constant 0 : index
    tpu.barrier barrier_id(%barrier3A_19)
    %eq3A_20 = arith.constant 0 : i32
    %eq3A_21 = arith.cmpi eq, %arg0, %eq3A_20 : i32
    %convert_element_type3A_22 = arith.extui %eq3A_21 : i1 to i32
    %cond3A_23 = arith.constant 0 : i32
    %cond3A_24 = arith.cmpi ne, %convert_element_type3A_22, %cond3A_23 : i32
    scf.if %cond3A_24 {
      %scan3A = arith.constant 0 : i32
      %scan3A_41 = arith.constant 0 : i32
      %scan3A_42 = arith.constant 4 : i32
      %scan3A_43 = arith.addi %scan3A_41, %scan3A_42 : i32
      %scan3A_44 = arith.constant 1 : i32
      scf.for %scan3A_46 = %scan3A_41 to %scan3A_43 step %scan3A_44  : i32 {
        %mul3A_47 = arith.constant 4 : i32
        %mul3A_48 = arith.muli %arg1, %mul3A_47 : i32
        %add3A = arith.addi %mul3A_48, %scan3A_46 : i32
        "tpu.region"() ({
          %run_scoped3A = tpu.sem_alloc : memref<!tpu.dma_semaphore, #tpu.memory_space<semaphore_mem>>
          %dma_start3A_69 = arith.constant 0 : i32
          %dma_start3A_70 = arith.constant 0 : i32
          %dma_start3A_71 = tpu.memref_slice %arg8[%add3A, %dma_start3A_69, %dma_start3A_70] : memref<64x40x125xi32, #tpu.memory_space<hbm>> -> memref<1x40x125xi32, #tpu.memory_space<hbm>>
          %dma_start3A_72 = tpu.memref_squeeze %dma_start3A_71 : memref<1x40x125xi32, #tpu.memory_space<hbm>> -> memref<40x125xi32, #tpu.memory_space<hbm>>
          %dma_start3A_73 = arith.constant 0 : i32
          %dma_start3A_74 = arith.constant 0 : i32
          %dma_start3A_75 = tpu.memref_slice %arg8[%add3A, %dma_start3A_73, %dma_start3A_74] : memref<64x40x125xi32, #tpu.memory_space<hbm>> -> memref<1x40x125xi32, #tpu.memory_space<hbm>>
          %dma_start3A_76 = tpu.memref_squeeze %dma_start3A_75 : memref<1x40x125xi32, #tpu.memory_space<hbm>> -> memref<40x125xi32, #tpu.memory_space<hbm>>
          tpu.enqueue_dma source(%dma_start3A_76 : memref<40x125xi32, #tpu.memory_space<hbm>>) target(%arg17 : memref<40x125xi32, #tpu.memory_space<vmem>>) target_semaphore(%run_scoped3A : memref<!tpu.dma_semaphore, #tpu.memory_space<semaphore_mem>>)
          %dma_wait3A = arith.constant 0 : i32
          %dma_wait3A_77 = arith.constant 0 : i32
          %dma_wait3A_78 = tpu.memref_slice %arg8[%add3A, %dma_wait3A, %dma_wait3A_77] : memref<64x40x125xi32, #tpu.memory_space<hbm>> -> memref<1x40x125xi32, #tpu.memory_space<hbm>>
          %dma_wait3A_79 = tpu.memref_squeeze %dma_wait3A_78 : memref<1x40x125xi32, #tpu.memory_space<hbm>> -> memref<40x125xi32, #tpu.memory_space<hbm>>
          %dma_wait3A_80 = arith.constant 0 : i32
          %dma_wait3A_81 = arith.constant 0 : i32
          %dma_wait3A_82 = tpu.memref_slice %arg8[%add3A, %dma_wait3A_80, %dma_wait3A_81] : memref<64x40x125xi32, #tpu.memory_space<hbm>> -> memref<1x40x125xi32, #tpu.memory_space<hbm>>
          %dma_wait3A_83 = tpu.memref_squeeze %dma_wait3A_82 : memref<1x40x125xi32, #tpu.memory_space<hbm>> -> memref<40x125xi32, #tpu.memory_space<hbm>>
          tpu.wait_dma2 semaphore(%run_scoped3A : memref<!tpu.dma_semaphore, #tpu.memory_space<semaphore_mem>>) src(%dma_wait3A_83 : memref<40x125xi32, #tpu.memory_space<hbm>>) dst(%arg17 : memref<40x125xi32, #tpu.memory_space<vmem>>)
          tpu.yield
        }) : () -> ()
        %mul3A_49 = arith.constant 4 : i32
        %mul3A_50 = arith.muli %arg1, %mul3A_49 : i32
        %add3A_51 = arith.addi %mul3A_50, %scan3A_46 : i32
        "tpu.region"() ({
          %run_scoped3A = tpu.sem_alloc : memref<!tpu.dma_semaphore, #tpu.memory_space<semaphore_mem>>
          %dma_start3A_69 = arith.constant 0 : i32
          %dma_start3A_70 = arith.constant 0 : i32
          %dma_start3A_71 = tpu.memref_slice %arg9[%add3A_51, %dma_start3A_69, %dma_start3A_70] : memref<64x40x125xi32, #tpu.memory_space<hbm>> -> memref<1x40x125xi32, #tpu.memory_space<hbm>>
          %dma_start3A_72 = tpu.memref_squeeze %dma_start3A_71 : memref<1x40x125xi32, #tpu.memory_space<hbm>> -> memref<40x125xi32, #tpu.memory_space<hbm>>
          %dma_start3A_73 = arith.constant 0 : i32
          %dma_start3A_74 = arith.constant 0 : i32
          %dma_start3A_75 = tpu.memref_slice %arg9[%add3A_51, %dma_start3A_73, %dma_start3A_74] : memref<64x40x125xi32, #tpu.memory_space<hbm>> -> memref<1x40x125xi32, #tpu.memory_space<hbm>>
          %dma_start3A_76 = tpu.memref_squeeze %dma_start3A_75 : memref<1x40x125xi32, #tpu.memory_space<hbm>> -> memref<40x125xi32, #tpu.memory_space<hbm>>
          tpu.enqueue_dma source(%dma_start3A_76 : memref<40x125xi32, #tpu.memory_space<hbm>>) target(%arg18 : memref<40x125xi32, #tpu.memory_space<vmem>>) target_semaphore(%run_scoped3A : memref<!tpu.dma_semaphore, #tpu.memory_space<semaphore_mem>>)
          %dma_wait3A = arith.constant 0 : i32
          %dma_wait3A_77 = arith.constant 0 : i32
          %dma_wait3A_78 = tpu.memref_slice %arg9[%add3A_51, %dma_wait3A, %dma_wait3A_77] : memref<64x40x125xi32, #tpu.memory_space<hbm>> -> memref<1x40x125xi32, #tpu.memory_space<hbm>>
          %dma_wait3A_79 = tpu.memref_squeeze %dma_wait3A_78 : memref<1x40x125xi32, #tpu.memory_space<hbm>> -> memref<40x125xi32, #tpu.memory_space<hbm>>
          %dma_wait3A_80 = arith.constant 0 : i32
          %dma_wait3A_81 = arith.constant 0 : i32
          %dma_wait3A_82 = tpu.memref_slice %arg9[%add3A_51, %dma_wait3A_80, %dma_wait3A_81] : memref<64x40x125xi32, #tpu.memory_space<hbm>> -> memref<1x40x125xi32, #tpu.memory_space<hbm>>
          %dma_wait3A_83 = tpu.memref_squeeze %dma_wait3A_82 : memref<1x40x125xi32, #tpu.memory_space<hbm>> -> memref<40x125xi32, #tpu.memory_space<hbm>>
          tpu.wait_dma2 semaphore(%run_scoped3A : memref<!tpu.dma_semaphore, #tpu.memory_space<semaphore_mem>>) src(%dma_wait3A_83 : memref<40x125xi32, #tpu.memory_space<hbm>>) dst(%arg18 : memref<40x125xi32, #tpu.memory_space<vmem>>)
          tpu.yield
        }) : () -> ()
        %dma_start3A = arith.constant 0 : i32
        %dma_start3A_52 = arith.constant 0 : i32
        %dma_start3A_53 = arith.constant 0 : i32
        %dma_start3A_54 = arith.constant 0 : i32
        %dma_start3A_55 = tpu.memref_slice %arg16[%dma_start3A_52, %dma_start3A_53, %dma_start3A_54] : memref<2x125x128xf32, #tpu.memory_space<vmem>> -> memref<1x125x128xf32, #tpu.memory_space<vmem>>
        %dma_start3A_56 = tpu.memref_squeeze %dma_start3A_55 : memref<1x125x128xf32, #tpu.memory_space<vmem>> -> memref<125x128xf32, #tpu.memory_space<vmem>>
        %dma_start3A_57 = arith.constant 0 : i32
        %dma_start3A_58 = tpu.memref_slice %arg17[%dma_start3A, %dma_start3A_57] : memref<40x125xi32, #tpu.memory_space<vmem>> -> memref<1x125xi32, #tpu.memory_space<vmem>>
        %dma_start3A_59 = tpu.memref_squeeze %dma_start3A_58 : memref<1x125xi32, #tpu.memory_space<vmem>> -> memref<125xi32, #tpu.memory_space<vmem>>
        %dma_start3A_60 = arith.constant 0 : i32
        %dma_start3A_61 = arith.constant 0 : i32
        %dma_start3A_62 = tpu.memref_slice %arg4[%dma_start3A_60, %dma_start3A_61] : memref<10000x128xf32, #tpu.memory_space<hbm>> -> memref<10000x128xf32, #tpu.memory_space<hbm>>
        tpu.enqueue_indirect_dma source(%dma_start3A_62 : memref<10000x128xf32, #tpu.memory_space<hbm>>) target(%dma_start3A_56 : memref<125x128xf32, #tpu.memory_space<vmem>>) offsets(%dma_start3A_59 : memref<125xi32, #tpu.memory_space<vmem>>) semaphore(%arg19 : memref<!tpu.dma_semaphore, #tpu.memory_space<semaphore_mem>>)
        %scan3A_63 = arith.constant 0 : i32
        %scan3A_64 = arith.constant 0 : i32
        %scan3A_65 = arith.constant 20 : i32
        %scan3A_66 = arith.addi %scan3A_64, %scan3A_65 : i32
        %scan3A_67 = arith.constant 1 : i32
        scf.for %scan3A_69 = %scan3A_64 to %scan3A_66 step %scan3A_67  : i32 {
          %mul3A_70 = arith.constant 2 : i32
          %mul3A_71 = arith.muli %scan3A_69, %mul3A_70 : i32
          %add3A_72 = arith.constant 0 : i32
          %add3A_73 = arith.addi %mul3A_71, %add3A_72 : i32
          %add3A_74 = arith.constant 1 : i32
          %add3A_75 = arith.addi %add3A_73, %add3A_74 : i32
          %lt3A = arith.constant 40 : i32
          %lt3A_76 = arith.cmpi slt, %add3A_75, %lt3A : i32
          %convert_element_type3A_77 = arith.extui %lt3A_76 : i1 to i32
          %cond3A_78 = arith.constant 0 : i32
          %cond3A_79 = arith.cmpi ne, %convert_element_type3A_77, %cond3A_78 : i32
          scf.if %cond3A_79 {
            %add3A_113 = arith.constant 1 : i32
            %add3A_114 = arith.addi %add3A_73, %add3A_113 : i32
            %dma_start3A_115 = arith.constant 1 : i32
            %dma_start3A_116 = arith.constant 0 : i32
            %dma_start3A_117 = arith.constant 0 : i32
            %dma_start3A_118 = tpu.memref_slice %arg16[%dma_start3A_115, %dma_start3A_116, %dma_start3A_117] : memref<2x125x128xf32, #tpu.memory_space<vmem>> -> memref<1x125x128xf32, #tpu.memory_space<vmem>>
            %dma_start3A_119 = tpu.memref_squeeze %dma_start3A_118 : memref<1x125x128xf32, #tpu.memory_space<vmem>> -> memref<125x128xf32, #tpu.memory_space<vmem>>
            %dma_start3A_120 = arith.constant 0 : i32
            %dma_start3A_121 = tpu.memref_slice %arg17[%add3A_114, %dma_start3A_120] : memref<40x125xi32, #tpu.memory_space<vmem>> -> memref<1x125xi32, #tpu.memory_space<vmem>>
            %dma_start3A_122 = tpu.memref_squeeze %dma_start3A_121 : memref<1x125xi32, #tpu.memory_space<vmem>> -> memref<125xi32, #tpu.memory_space<vmem>>
            %dma_start3A_123 = arith.constant 0 : i32
            %dma_start3A_124 = arith.constant 0 : i32
            %dma_start3A_125 = tpu.memref_slice %arg4[%dma_start3A_123, %dma_start3A_124] : memref<10000x128xf32, #tpu.memory_space<hbm>> -> memref<10000x128xf32, #tpu.memory_space<hbm>>
            tpu.enqueue_indirect_dma source(%dma_start3A_125 : memref<10000x128xf32, #tpu.memory_space<hbm>>) target(%dma_start3A_119 : memref<125x128xf32, #tpu.memory_space<vmem>>) offsets(%dma_start3A_122 : memref<125xi32, #tpu.memory_space<vmem>>) semaphore(%arg20 : memref<!tpu.dma_semaphore, #tpu.memory_space<semaphore_mem>>)
          } else {
          }
          %dma_wait3A = arith.constant 0 : i32
          %dma_wait3A_80 = arith.constant 0 : i32
          %dma_wait3A_81 = arith.constant 0 : i32
          %dma_wait3A_82 = tpu.memref_slice %arg16[%dma_wait3A, %dma_wait3A_80, %dma_wait3A_81] : memref<2x125x128xf32, #tpu.memory_space<vmem>> -> memref<1x125x128xf32, #tpu.memory_space<vmem>>
          %dma_wait3A_83 = tpu.memref_squeeze %dma_wait3A_82 : memref<1x125x128xf32, #tpu.memory_space<vmem>> -> memref<125x128xf32, #tpu.memory_space<vmem>>
          %dma_wait3A_84 = arith.constant 0 : i32
          %dma_wait3A_85 = tpu.memref_slice %arg17[%add3A_73, %dma_wait3A_84] : memref<40x125xi32, #tpu.memory_space<vmem>> -> memref<1x125xi32, #tpu.memory_space<vmem>>
          %dma_wait3A_86 = tpu.memref_squeeze %dma_wait3A_85 : memref<1x125xi32, #tpu.memory_space<vmem>> -> memref<125xi32, #tpu.memory_space<vmem>>
          %dma_wait3A_87 = arith.constant 0 : i32
          %dma_wait3A_88 = arith.constant 0 : i32
          %dma_wait3A_89 = tpu.memref_slice %arg4[%dma_wait3A_87, %dma_wait3A_88] : memref<10000x128xf32, #tpu.memory_space<hbm>> -> memref<10000x128xf32, #tpu.memory_space<hbm>>
          tpu.wait_indirect_dma semaphore(%arg19 : memref<!tpu.dma_semaphore, #tpu.memory_space<semaphore_mem>>) src(%dma_wait3A_89 : memref<10000x128xf32, #tpu.memory_space<hbm>>) dst(%dma_wait3A_83 : memref<125x128xf32, #tpu.memory_space<vmem>>)
          %run_scoped3A = arith.constant 0 : i32
          "tpu.region"() ({
            %run_scoped3A_113 = tpu.sem_alloc : memref<!tpu.dma_semaphore, #tpu.memory_space<semaphore_mem>>
            %dma_start3A_114 = arith.constant 0 : i32
            %dma_start3A_115 = arith.constant 0 : i32
            %dma_start3A_116 = tpu.memref_slice %arg16[%run_scoped3A, %dma_start3A_114, %dma_start3A_115] : memref<2x125x128xf32, #tpu.memory_space<vmem>> -> memref<1x125x128xf32, #tpu.memory_space<vmem>>
            %dma_start3A_117 = tpu.memref_squeeze %dma_start3A_116 : memref<1x125x128xf32, #tpu.memory_space<vmem>> -> memref<125x128xf32, #tpu.memory_space<vmem>>
            %dma_start3A_118 = arith.constant 0 : i32
            %dma_start3A_119 = tpu.memref_slice %arg18[%add3A_73, %dma_start3A_118] : memref<40x125xi32, #tpu.memory_space<vmem>> -> memref<1x125xi32, #tpu.memory_space<vmem>>
            %dma_start3A_120 = tpu.memref_squeeze %dma_start3A_119 : memref<1x125xi32, #tpu.memory_space<vmem>> -> memref<125xi32, #tpu.memory_space<vmem>>
            %dma_start3A_121 = arith.constant 0 : i32
            %dma_start3A_122 = arith.constant 0 : i32
            %dma_start3A_123 = tpu.memref_slice %arg15[%dma_start3A_121, %dma_start3A_122] : memref<10240x128xf32, #tpu.memory_space<vmem_shared>> -> memref<10240x128xf32, #tpu.memory_space<vmem_shared>>
            tpu.enqueue_indirect_dma source(%dma_start3A_117 : memref<125x128xf32, #tpu.memory_space<vmem>>) target(%dma_start3A_123 : memref<10240x128xf32, #tpu.memory_space<vmem_shared>>) offsets(%dma_start3A_120 : memref<125xi32, #tpu.memory_space<vmem>>) semaphore(%run_scoped3A_113 : memref<!tpu.dma_semaphore, #tpu.memory_space<semaphore_mem>>) {add = true}
            %dma_wait3A_124 = arith.constant 0 : i32
            %dma_wait3A_125 = arith.constant 0 : i32
            %dma_wait3A_126 = tpu.memref_slice %arg16[%run_scoped3A, %dma_wait3A_124, %dma_wait3A_125] : memref<2x125x128xf32, #tpu.memory_space<vmem>> -> memref<1x125x128xf32, #tpu.memory_space<vmem>>
            %dma_wait3A_127 = tpu.memref_squeeze %dma_wait3A_126 : memref<1x125x128xf32, #tpu.memory_space<vmem>> -> memref<125x128xf32, #tpu.memory_space<vmem>>
            %dma_wait3A_128 = arith.constant 0 : i32
            %dma_wait3A_129 = tpu.memref_slice %arg18[%add3A_73, %dma_wait3A_128] : memref<40x125xi32, #tpu.memory_space<vmem>> -> memref<1x125xi32, #tpu.memory_space<vmem>>
            %dma_wait3A_130 = tpu.memref_squeeze %dma_wait3A_129 : memref<1x125xi32, #tpu.memory_space<vmem>> -> memref<125xi32, #tpu.memory_space<vmem>>
            %dma_wait3A_131 = arith.constant 0 : i32
            %dma_wait3A_132 = arith.constant 0 : i32
            %dma_wait3A_133 = tpu.memref_slice %arg15[%dma_wait3A_131, %dma_wait3A_132] : memref<10240x128xf32, #tpu.memory_space<vmem_shared>> -> memref<10240x128xf32, #tpu.memory_space<vmem_shared>>
            tpu.wait_indirect_dma semaphore(%run_scoped3A_113 : memref<!tpu.dma_semaphore, #tpu.memory_space<semaphore_mem>>) src(%dma_wait3A_127 : memref<125x128xf32, #tpu.memory_space<vmem>>) dst(%dma_wait3A_133 : memref<10240x128xf32, #tpu.memory_space<vmem_shared>>)
            tpu.yield
          }) : () -> ()
          %mul3A_90 = arith.constant 2 : i32
          %mul3A_91 = arith.muli %scan3A_69, %mul3A_90 : i32
          %add3A_92 = arith.constant 1 : i32
          %add3A_93 = arith.addi %mul3A_91, %add3A_92 : i32
          %add3A_94 = arith.constant 1 : i32
          %add3A_95 = arith.addi %add3A_93, %add3A_94 : i32
          %lt3A_96 = arith.constant 40 : i32
          %lt3A_97 = arith.cmpi slt, %add3A_95, %lt3A_96 : i32
          %convert_element_type3A_98 = arith.extui %lt3A_97 : i1 to i32
          %cond3A_99 = arith.constant 0 : i32
          %cond3A_100 = arith.cmpi ne, %convert_element_type3A_98, %cond3A_99 : i32
          scf.if %cond3A_100 {
            %add3A_113 = arith.constant 1 : i32
            %add3A_114 = arith.addi %add3A_93, %add3A_113 : i32
            %dma_start3A_115 = arith.constant 0 : i32
            %dma_start3A_116 = arith.constant 0 : i32
            %dma_start3A_117 = arith.constant 0 : i32
            %dma_start3A_118 = tpu.memref_slice %arg16[%dma_start3A_115, %dma_start3A_116, %dma_start3A_117] : memref<2x125x128xf32, #tpu.memory_space<vmem>> -> memref<1x125x128xf32, #tpu.memory_space<vmem>>
            %dma_start3A_119 = tpu.memref_squeeze %dma_start3A_118 : memref<1x125x128xf32, #tpu.memory_space<vmem>> -> memref<125x128xf32, #tpu.memory_space<vmem>>
            %dma_start3A_120 = arith.constant 0 : i32
            %dma_start3A_121 = tpu.memref_slice %arg17[%add3A_114, %dma_start3A_120] : memref<40x125xi32, #tpu.memory_space<vmem>> -> memref<1x125xi32, #tpu.memory_space<vmem>>
            %dma_start3A_122 = tpu.memref_squeeze %dma_start3A_121 : memref<1x125xi32, #tpu.memory_space<vmem>> -> memref<125xi32, #tpu.memory_space<vmem>>
            %dma_start3A_123 = arith.constant 0 : i32
            %dma_start3A_124 = arith.constant 0 : i32
            %dma_start3A_125 = tpu.memref_slice %arg4[%dma_start3A_123, %dma_start3A_124] : memref<10000x128xf32, #tpu.memory_space<hbm>> -> memref<10000x128xf32, #tpu.memory_space<hbm>>
            tpu.enqueue_indirect_dma source(%dma_start3A_125 : memref<10000x128xf32, #tpu.memory_space<hbm>>) target(%dma_start3A_119 : memref<125x128xf32, #tpu.memory_space<vmem>>) offsets(%dma_start3A_122 : memref<125xi32, #tpu.memory_space<vmem>>) semaphore(%arg19 : memref<!tpu.dma_semaphore, #tpu.memory_space<semaphore_mem>>)
          } else {
          }
          %dma_wait3A_101 = arith.constant 1 : i32
          %dma_wait3A_102 = arith.constant 0 : i32
          %dma_wait3A_103 = arith.constant 0 : i32
          %dma_wait3A_104 = tpu.memref_slice %arg16[%dma_wait3A_101, %dma_wait3A_102, %dma_wait3A_103] : memref<2x125x128xf32, #tpu.memory_space<vmem>> -> memref<1x125x128xf32, #tpu.memory_space<vmem>>
          %dma_wait3A_105 = tpu.memref_squeeze %dma_wait3A_104 : memref<1x125x128xf32, #tpu.memory_space<vmem>> -> memref<125x128xf32, #tpu.memory_space<vmem>>
          %dma_wait3A_106 = arith.constant 0 : i32
          %dma_wait3A_107 = tpu.memref_slice %arg17[%add3A_93, %dma_wait3A_106] : memref<40x125xi32, #tpu.memory_space<vmem>> -> memref<1x125xi32, #tpu.memory_space<vmem>>
          %dma_wait3A_108 = tpu.memref_squeeze %dma_wait3A_107 : memref<1x125xi32, #tpu.memory_space<vmem>> -> memref<125xi32, #tpu.memory_space<vmem>>
          %dma_wait3A_109 = arith.constant 0 : i32
          %dma_wait3A_110 = arith.constant 0 : i32
          %dma_wait3A_111 = tpu.memref_slice %arg4[%dma_wait3A_109, %dma_wait3A_110] : memref<10000x128xf32, #tpu.memory_space<hbm>> -> memref<10000x128xf32, #tpu.memory_space<hbm>>
          tpu.wait_indirect_dma semaphore(%arg20 : memref<!tpu.dma_semaphore, #tpu.memory_space<semaphore_mem>>) src(%dma_wait3A_111 : memref<10000x128xf32, #tpu.memory_space<hbm>>) dst(%dma_wait3A_105 : memref<125x128xf32, #tpu.memory_space<vmem>>)
          %run_scoped3A_112 = arith.constant 1 : i32
          "tpu.region"() ({
            %run_scoped3A_113 = tpu.sem_alloc : memref<!tpu.dma_semaphore, #tpu.memory_space<semaphore_mem>>
            %dma_start3A_114 = arith.constant 0 : i32
            %dma_start3A_115 = arith.constant 0 : i32
            %dma_start3A_116 = tpu.memref_slice %arg16[%run_scoped3A_112, %dma_start3A_114, %dma_start3A_115] : memref<2x125x128xf32, #tpu.memory_space<vmem>> -> memref<1x125x128xf32, #tpu.memory_space<vmem>>
            %dma_start3A_117 = tpu.memref_squeeze %dma_start3A_116 : memref<1x125x128xf32, #tpu.memory_space<vmem>> -> memref<125x128xf32, #tpu.memory_space<vmem>>
            %dma_start3A_118 = arith.constant 0 : i32
            %dma_start3A_119 = tpu.memref_slice %arg18[%add3A_93, %dma_start3A_118] : memref<40x125xi32, #tpu.memory_space<vmem>> -> memref<1x125xi32, #tpu.memory_space<vmem>>
            %dma_start3A_120 = tpu.memref_squeeze %dma_start3A_119 : memref<1x125xi32, #tpu.memory_space<vmem>> -> memref<125xi32, #tpu.memory_space<vmem>>
            %dma_start3A_121 = arith.constant 0 : i32
            %dma_start3A_122 = arith.constant 0 : i32
            %dma_start3A_123 = tpu.memref_slice %arg15[%dma_start3A_121, %dma_start3A_122] : memref<10240x128xf32, #tpu.memory_space<vmem_shared>> -> memref<10240x128xf32, #tpu.memory_space<vmem_shared>>
            tpu.enqueue_indirect_dma source(%dma_start3A_117 : memref<125x128xf32, #tpu.memory_space<vmem>>) target(%dma_start3A_123 : memref<10240x128xf32, #tpu.memory_space<vmem_shared>>) offsets(%dma_start3A_120 : memref<125xi32, #tpu.memory_space<vmem>>) semaphore(%run_scoped3A_113 : memref<!tpu.dma_semaphore, #tpu.memory_space<semaphore_mem>>) {add = true}
            %dma_wait3A_124 = arith.constant 0 : i32
            %dma_wait3A_125 = arith.constant 0 : i32
            %dma_wait3A_126 = tpu.memref_slice %arg16[%run_scoped3A_112, %dma_wait3A_124, %dma_wait3A_125] : memref<2x125x128xf32, #tpu.memory_space<vmem>> -> memref<1x125x128xf32, #tpu.memory_space<vmem>>
            %dma_wait3A_127 = tpu.memref_squeeze %dma_wait3A_126 : memref<1x125x128xf32, #tpu.memory_space<vmem>> -> memref<125x128xf32, #tpu.memory_space<vmem>>
            %dma_wait3A_128 = arith.constant 0 : i32
            %dma_wait3A_129 = tpu.memref_slice %arg18[%add3A_93, %dma_wait3A_128] : memref<40x125xi32, #tpu.memory_space<vmem>> -> memref<1x125xi32, #tpu.memory_space<vmem>>
            %dma_wait3A_130 = tpu.memref_squeeze %dma_wait3A_129 : memref<1x125xi32, #tpu.memory_space<vmem>> -> memref<125xi32, #tpu.memory_space<vmem>>
            %dma_wait3A_131 = arith.constant 0 : i32
            %dma_wait3A_132 = arith.constant 0 : i32
            %dma_wait3A_133 = tpu.memref_slice %arg15[%dma_wait3A_131, %dma_wait3A_132] : memref<10240x128xf32, #tpu.memory_space<vmem_shared>> -> memref<10240x128xf32, #tpu.memory_space<vmem_shared>>
            tpu.wait_indirect_dma semaphore(%run_scoped3A_113 : memref<!tpu.dma_semaphore, #tpu.memory_space<semaphore_mem>>) src(%dma_wait3A_127 : memref<125x128xf32, #tpu.memory_space<vmem>>) dst(%dma_wait3A_133 : memref<10240x128xf32, #tpu.memory_space<vmem_shared>>)
            tpu.yield
          }) : () -> ()
        }
        %scan3A_68 = arith.constant 20 : i32
      }
      %scan3A_45 = arith.constant 4 : i32
    } else {
    }
    %eq3A_25 = arith.constant 1 : i32
    %eq3A_26 = arith.cmpi eq, %arg0, %eq3A_25 : i32
    %convert_element_type3A_27 = arith.extui %eq3A_26 : i1 to i32
    %cond3A_28 = arith.constant 0 : i32
    %cond3A_29 = arith.cmpi ne, %convert_element_type3A_27, %cond3A_28 : i32
    scf.if %cond3A_29 {
      %scan3A = arith.constant 0 : i32
      %scan3A_41 = arith.constant 0 : i32
      %scan3A_42 = arith.constant 4 : i32
      %scan3A_43 = arith.addi %scan3A_41, %scan3A_42 : i32
      %scan3A_44 = arith.constant 1 : i32
      scf.for %scan3A_46 = %scan3A_41 to %scan3A_43 step %scan3A_44  : i32 {
        %mul3A_47 = arith.constant 4 : i32
        %mul3A_48 = arith.muli %arg1, %mul3A_47 : i32
        %add3A = arith.addi %mul3A_48, %scan3A_46 : i32
        "tpu.region"() ({
          %run_scoped3A = tpu.sem_alloc : memref<!tpu.dma_semaphore, #tpu.memory_space<semaphore_mem>>
          %dma_start3A_69 = arith.constant 0 : i32
          %dma_start3A_70 = arith.constant 0 : i32
          %dma_start3A_71 = tpu.memref_slice %arg8[%add3A, %dma_start3A_69, %dma_start3A_70] : memref<64x40x125xi32, #tpu.memory_space<hbm>> -> memref<1x40x125xi32, #tpu.memory_space<hbm>>
          %dma_start3A_72 = tpu.memref_squeeze %dma_start3A_71 : memref<1x40x125xi32, #tpu.memory_space<hbm>> -> memref<40x125xi32, #tpu.memory_space<hbm>>
          %dma_start3A_73 = arith.constant 0 : i32
          %dma_start3A_74 = arith.constant 0 : i32
          %dma_start3A_75 = tpu.memref_slice %arg8[%add3A, %dma_start3A_73, %dma_start3A_74] : memref<64x40x125xi32, #tpu.memory_space<hbm>> -> memref<1x40x125xi32, #tpu.memory_space<hbm>>
          %dma_start3A_76 = tpu.memref_squeeze %dma_start3A_75 : memref<1x40x125xi32, #tpu.memory_space<hbm>> -> memref<40x125xi32, #tpu.memory_space<hbm>>
          tpu.enqueue_dma source(%dma_start3A_76 : memref<40x125xi32, #tpu.memory_space<hbm>>) target(%arg17 : memref<40x125xi32, #tpu.memory_space<vmem>>) target_semaphore(%run_scoped3A : memref<!tpu.dma_semaphore, #tpu.memory_space<semaphore_mem>>)
          %dma_wait3A = arith.constant 0 : i32
          %dma_wait3A_77 = arith.constant 0 : i32
          %dma_wait3A_78 = tpu.memref_slice %arg8[%add3A, %dma_wait3A, %dma_wait3A_77] : memref<64x40x125xi32, #tpu.memory_space<hbm>> -> memref<1x40x125xi32, #tpu.memory_space<hbm>>
          %dma_wait3A_79 = tpu.memref_squeeze %dma_wait3A_78 : memref<1x40x125xi32, #tpu.memory_space<hbm>> -> memref<40x125xi32, #tpu.memory_space<hbm>>
          %dma_wait3A_80 = arith.constant 0 : i32
          %dma_wait3A_81 = arith.constant 0 : i32
          %dma_wait3A_82 = tpu.memref_slice %arg8[%add3A, %dma_wait3A_80, %dma_wait3A_81] : memref<64x40x125xi32, #tpu.memory_space<hbm>> -> memref<1x40x125xi32, #tpu.memory_space<hbm>>
          %dma_wait3A_83 = tpu.memref_squeeze %dma_wait3A_82 : memref<1x40x125xi32, #tpu.memory_space<hbm>> -> memref<40x125xi32, #tpu.memory_space<hbm>>
          tpu.wait_dma2 semaphore(%run_scoped3A : memref<!tpu.dma_semaphore, #tpu.memory_space<semaphore_mem>>) src(%dma_wait3A_83 : memref<40x125xi32, #tpu.memory_space<hbm>>) dst(%arg17 : memref<40x125xi32, #tpu.memory_space<vmem>>)
          tpu.yield
        }) : () -> ()
        %mul3A_49 = arith.constant 4 : i32
        %mul3A_50 = arith.muli %arg1, %mul3A_49 : i32
        %add3A_51 = arith.addi %mul3A_50, %scan3A_46 : i32
        "tpu.region"() ({
          %run_scoped3A = tpu.sem_alloc : memref<!tpu.dma_semaphore, #tpu.memory_space<semaphore_mem>>
          %dma_start3A_69 = arith.constant 0 : i32
          %dma_start3A_70 = arith.constant 0 : i32
          %dma_start3A_71 = tpu.memref_slice %arg9[%add3A_51, %dma_start3A_69, %dma_start3A_70] : memref<64x40x125xi32, #tpu.memory_space<hbm>> -> memref<1x40x125xi32, #tpu.memory_space<hbm>>
          %dma_start3A_72 = tpu.memref_squeeze %dma_start3A_71 : memref<1x40x125xi32, #tpu.memory_space<hbm>> -> memref<40x125xi32, #tpu.memory_space<hbm>>
          %dma_start3A_73 = arith.constant 0 : i32
          %dma_start3A_74 = arith.constant 0 : i32
          %dma_start3A_75 = tpu.memref_slice %arg9[%add3A_51, %dma_start3A_73, %dma_start3A_74] : memref<64x40x125xi32, #tpu.memory_space<hbm>> -> memref<1x40x125xi32, #tpu.memory_space<hbm>>
          %dma_start3A_76 = tpu.memref_squeeze %dma_start3A_75 : memref<1x40x125xi32, #tpu.memory_space<hbm>> -> memref<40x125xi32, #tpu.memory_space<hbm>>
          tpu.enqueue_dma source(%dma_start3A_76 : memref<40x125xi32, #tpu.memory_space<hbm>>) target(%arg18 : memref<40x125xi32, #tpu.memory_space<vmem>>) target_semaphore(%run_scoped3A : memref<!tpu.dma_semaphore, #tpu.memory_space<semaphore_mem>>)
          %dma_wait3A = arith.constant 0 : i32
          %dma_wait3A_77 = arith.constant 0 : i32
          %dma_wait3A_78 = tpu.memref_slice %arg9[%add3A_51, %dma_wait3A, %dma_wait3A_77] : memref<64x40x125xi32, #tpu.memory_space<hbm>> -> memref<1x40x125xi32, #tpu.memory_space<hbm>>
          %dma_wait3A_79 = tpu.memref_squeeze %dma_wait3A_78 : memref<1x40x125xi32, #tpu.memory_space<hbm>> -> memref<40x125xi32, #tpu.memory_space<hbm>>
          %dma_wait3A_80 = arith.constant 0 : i32
          %dma_wait3A_81 = arith.constant 0 : i32
          %dma_wait3A_82 = tpu.memref_slice %arg9[%add3A_51, %dma_wait3A_80, %dma_wait3A_81] : memref<64x40x125xi32, #tpu.memory_space<hbm>> -> memref<1x40x125xi32, #tpu.memory_space<hbm>>
          %dma_wait3A_83 = tpu.memref_squeeze %dma_wait3A_82 : memref<1x40x125xi32, #tpu.memory_space<hbm>> -> memref<40x125xi32, #tpu.memory_space<hbm>>
          tpu.wait_dma2 semaphore(%run_scoped3A : memref<!tpu.dma_semaphore, #tpu.memory_space<semaphore_mem>>) src(%dma_wait3A_83 : memref<40x125xi32, #tpu.memory_space<hbm>>) dst(%arg18 : memref<40x125xi32, #tpu.memory_space<vmem>>)
          tpu.yield
        }) : () -> ()
        %dma_start3A = arith.constant 0 : i32
        %dma_start3A_52 = arith.constant 0 : i32
        %dma_start3A_53 = arith.constant 0 : i32
        %dma_start3A_54 = arith.constant 0 : i32
        %dma_start3A_55 = tpu.memref_slice %arg16[%dma_start3A_52, %dma_start3A_53, %dma_start3A_54] : memref<2x125x128xf32, #tpu.memory_space<vmem>> -> memref<1x125x128xf32, #tpu.memory_space<vmem>>
        %dma_start3A_56 = tpu.memref_squeeze %dma_start3A_55 : memref<1x125x128xf32, #tpu.memory_space<vmem>> -> memref<125x128xf32, #tpu.memory_space<vmem>>
        %dma_start3A_57 = arith.constant 0 : i32
        %dma_start3A_58 = tpu.memref_slice %arg17[%dma_start3A, %dma_start3A_57] : memref<40x125xi32, #tpu.memory_space<vmem>> -> memref<1x125xi32, #tpu.memory_space<vmem>>
        %dma_start3A_59 = tpu.memref_squeeze %dma_start3A_58 : memref<1x125xi32, #tpu.memory_space<vmem>> -> memref<125xi32, #tpu.memory_space<vmem>>
        %dma_start3A_60 = arith.constant 0 : i32
        %dma_start3A_61 = arith.constant 0 : i32
        %dma_start3A_62 = tpu.memref_slice %arg5[%dma_start3A_60, %dma_start3A_61] : memref<10000x128xf32, #tpu.memory_space<hbm>> -> memref<10000x128xf32, #tpu.memory_space<hbm>>
        tpu.enqueue_indirect_dma source(%dma_start3A_62 : memref<10000x128xf32, #tpu.memory_space<hbm>>) target(%dma_start3A_56 : memref<125x128xf32, #tpu.memory_space<vmem>>) offsets(%dma_start3A_59 : memref<125xi32, #tpu.memory_space<vmem>>) semaphore(%arg19 : memref<!tpu.dma_semaphore, #tpu.memory_space<semaphore_mem>>)
        %scan3A_63 = arith.constant 0 : i32
        %scan3A_64 = arith.constant 0 : i32
        %scan3A_65 = arith.constant 20 : i32
        %scan3A_66 = arith.addi %scan3A_64, %scan3A_65 : i32
        %scan3A_67 = arith.constant 1 : i32
        scf.for %scan3A_69 = %scan3A_64 to %scan3A_66 step %scan3A_67  : i32 {
          %mul3A_70 = arith.constant 2 : i32
          %mul3A_71 = arith.muli %scan3A_69, %mul3A_70 : i32
          %add3A_72 = arith.constant 0 : i32
          %add3A_73 = arith.addi %mul3A_71, %add3A_72 : i32
          %add3A_74 = arith.constant 1 : i32
          %add3A_75 = arith.addi %add3A_73, %add3A_74 : i32
          %lt3A = arith.constant 40 : i32
          %lt3A_76 = arith.cmpi slt, %add3A_75, %lt3A : i32
          %convert_element_type3A_77 = arith.extui %lt3A_76 : i1 to i32
          %cond3A_78 = arith.constant 0 : i32
          %cond3A_79 = arith.cmpi ne, %convert_element_type3A_77, %cond3A_78 : i32
          scf.if %cond3A_79 {
            %add3A_113 = arith.constant 1 : i32
            %add3A_114 = arith.addi %add3A_73, %add3A_113 : i32
            %dma_start3A_115 = arith.constant 1 : i32
            %dma_start3A_116 = arith.constant 0 : i32
            %dma_start3A_117 = arith.constant 0 : i32
            %dma_start3A_118 = tpu.memref_slice %arg16[%dma_start3A_115, %dma_start3A_116, %dma_start3A_117] : memref<2x125x128xf32, #tpu.memory_space<vmem>> -> memref<1x125x128xf32, #tpu.memory_space<vmem>>
            %dma_start3A_119 = tpu.memref_squeeze %dma_start3A_118 : memref<1x125x128xf32, #tpu.memory_space<vmem>> -> memref<125x128xf32, #tpu.memory_space<vmem>>
            %dma_start3A_120 = arith.constant 0 : i32
            %dma_start3A_121 = tpu.memref_slice %arg17[%add3A_114, %dma_start3A_120] : memref<40x125xi32, #tpu.memory_space<vmem>> -> memref<1x125xi32, #tpu.memory_space<vmem>>
            %dma_start3A_122 = tpu.memref_squeeze %dma_start3A_121 : memref<1x125xi32, #tpu.memory_space<vmem>> -> memref<125xi32, #tpu.memory_space<vmem>>
            %dma_start3A_123 = arith.constant 0 : i32
            %dma_start3A_124 = arith.constant 0 : i32
            %dma_start3A_125 = tpu.memref_slice %arg5[%dma_start3A_123, %dma_start3A_124] : memref<10000x128xf32, #tpu.memory_space<hbm>> -> memref<10000x128xf32, #tpu.memory_space<hbm>>
            tpu.enqueue_indirect_dma source(%dma_start3A_125 : memref<10000x128xf32, #tpu.memory_space<hbm>>) target(%dma_start3A_119 : memref<125x128xf32, #tpu.memory_space<vmem>>) offsets(%dma_start3A_122 : memref<125xi32, #tpu.memory_space<vmem>>) semaphore(%arg20 : memref<!tpu.dma_semaphore, #tpu.memory_space<semaphore_mem>>)
          } else {
          }
          %dma_wait3A = arith.constant 0 : i32
          %dma_wait3A_80 = arith.constant 0 : i32
          %dma_wait3A_81 = arith.constant 0 : i32
          %dma_wait3A_82 = tpu.memref_slice %arg16[%dma_wait3A, %dma_wait3A_80, %dma_wait3A_81] : memref<2x125x128xf32, #tpu.memory_space<vmem>> -> memref<1x125x128xf32, #tpu.memory_space<vmem>>
          %dma_wait3A_83 = tpu.memref_squeeze %dma_wait3A_82 : memref<1x125x128xf32, #tpu.memory_space<vmem>> -> memref<125x128xf32, #tpu.memory_space<vmem>>
          %dma_wait3A_84 = arith.constant 0 : i32
          %dma_wait3A_85 = tpu.memref_slice %arg17[%add3A_73, %dma_wait3A_84] : memref<40x125xi32, #tpu.memory_space<vmem>> -> memref<1x125xi32, #tpu.memory_space<vmem>>
          %dma_wait3A_86 = tpu.memref_squeeze %dma_wait3A_85 : memref<1x125xi32, #tpu.memory_space<vmem>> -> memref<125xi32, #tpu.memory_space<vmem>>
          %dma_wait3A_87 = arith.constant 0 : i32
          %dma_wait3A_88 = arith.constant 0 : i32
          %dma_wait3A_89 = tpu.memref_slice %arg5[%dma_wait3A_87, %dma_wait3A_88] : memref<10000x128xf32, #tpu.memory_space<hbm>> -> memref<10000x128xf32, #tpu.memory_space<hbm>>
          tpu.wait_indirect_dma semaphore(%arg19 : memref<!tpu.dma_semaphore, #tpu.memory_space<semaphore_mem>>) src(%dma_wait3A_89 : memref<10000x128xf32, #tpu.memory_space<hbm>>) dst(%dma_wait3A_83 : memref<125x128xf32, #tpu.memory_space<vmem>>)
          %run_scoped3A = arith.constant 0 : i32
          "tpu.region"() ({
            %run_scoped3A_113 = tpu.sem_alloc : memref<!tpu.dma_semaphore, #tpu.memory_space<semaphore_mem>>
            %dma_start3A_114 = arith.constant 0 : i32
            %dma_start3A_115 = arith.constant 0 : i32
            %dma_start3A_116 = tpu.memref_slice %arg16[%run_scoped3A, %dma_start3A_114, %dma_start3A_115] : memref<2x125x128xf32, #tpu.memory_space<vmem>> -> memref<1x125x128xf32, #tpu.memory_space<vmem>>
            %dma_start3A_117 = tpu.memref_squeeze %dma_start3A_116 : memref<1x125x128xf32, #tpu.memory_space<vmem>> -> memref<125x128xf32, #tpu.memory_space<vmem>>
            %dma_start3A_118 = arith.constant 0 : i32
            %dma_start3A_119 = tpu.memref_slice %arg18[%add3A_73, %dma_start3A_118] : memref<40x125xi32, #tpu.memory_space<vmem>> -> memref<1x125xi32, #tpu.memory_space<vmem>>
            %dma_start3A_120 = tpu.memref_squeeze %dma_start3A_119 : memref<1x125xi32, #tpu.memory_space<vmem>> -> memref<125xi32, #tpu.memory_space<vmem>>
            %dma_start3A_121 = arith.constant 0 : i32
            %dma_start3A_122 = arith.constant 0 : i32
            %dma_start3A_123 = tpu.memref_slice %arg15[%dma_start3A_121, %dma_start3A_122] : memref<10240x128xf32, #tpu.memory_space<vmem_shared>> -> memref<10240x128xf32, #tpu.memory_space<vmem_shared>>
            tpu.enqueue_indirect_dma source(%dma_start3A_117 : memref<125x128xf32, #tpu.memory_space<vmem>>) target(%dma_start3A_123 : memref<10240x128xf32, #tpu.memory_space<vmem_shared>>) offsets(%dma_start3A_120 : memref<125xi32, #tpu.memory_space<vmem>>) semaphore(%run_scoped3A_113 : memref<!tpu.dma_semaphore, #tpu.memory_space<semaphore_mem>>) {add = true}
            %dma_wait3A_124 = arith.constant 0 : i32
            %dma_wait3A_125 = arith.constant 0 : i32
            %dma_wait3A_126 = tpu.memref_slice %arg16[%run_scoped3A, %dma_wait3A_124, %dma_wait3A_125] : memref<2x125x128xf32, #tpu.memory_space<vmem>> -> memref<1x125x128xf32, #tpu.memory_space<vmem>>
            %dma_wait3A_127 = tpu.memref_squeeze %dma_wait3A_126 : memref<1x125x128xf32, #tpu.memory_space<vmem>> -> memref<125x128xf32, #tpu.memory_space<vmem>>
            %dma_wait3A_128 = arith.constant 0 : i32
            %dma_wait3A_129 = tpu.memref_slice %arg18[%add3A_73, %dma_wait3A_128] : memref<40x125xi32, #tpu.memory_space<vmem>> -> memref<1x125xi32, #tpu.memory_space<vmem>>
            %dma_wait3A_130 = tpu.memref_squeeze %dma_wait3A_129 : memref<1x125xi32, #tpu.memory_space<vmem>> -> memref<125xi32, #tpu.memory_space<vmem>>
            %dma_wait3A_131 = arith.constant 0 : i32
            %dma_wait3A_132 = arith.constant 0 : i32
            %dma_wait3A_133 = tpu.memref_slice %arg15[%dma_wait3A_131, %dma_wait3A_132] : memref<10240x128xf32, #tpu.memory_space<vmem_shared>> -> memref<10240x128xf32, #tpu.memory_space<vmem_shared>>
            tpu.wait_indirect_dma semaphore(%run_scoped3A_113 : memref<!tpu.dma_semaphore, #tpu.memory_space<semaphore_mem>>) src(%dma_wait3A_127 : memref<125x128xf32, #tpu.memory_space<vmem>>) dst(%dma_wait3A_133 : memref<10240x128xf32, #tpu.memory_space<vmem_shared>>)
            tpu.yield
          }) : () -> ()
          %mul3A_90 = arith.constant 2 : i32
          %mul3A_91 = arith.muli %scan3A_69, %mul3A_90 : i32
          %add3A_92 = arith.constant 1 : i32
          %add3A_93 = arith.addi %mul3A_91, %add3A_92 : i32
          %add3A_94 = arith.constant 1 : i32
          %add3A_95 = arith.addi %add3A_93, %add3A_94 : i32
          %lt3A_96 = arith.constant 40 : i32
          %lt3A_97 = arith.cmpi slt, %add3A_95, %lt3A_96 : i32
          %convert_element_type3A_98 = arith.extui %lt3A_97 : i1 to i32
          %cond3A_99 = arith.constant 0 : i32
          %cond3A_100 = arith.cmpi ne, %convert_element_type3A_98, %cond3A_99 : i32
          scf.if %cond3A_100 {
            %add3A_113 = arith.constant 1 : i32
            %add3A_114 = arith.addi %add3A_93, %add3A_113 : i32
            %dma_start3A_115 = arith.constant 0 : i32
            %dma_start3A_116 = arith.constant 0 : i32
            %dma_start3A_117 = arith.constant 0 : i32
            %dma_start3A_118 = tpu.memref_slice %arg16[%dma_start3A_115, %dma_start3A_116, %dma_start3A_117] : memref<2x125x128xf32, #tpu.memory_space<vmem>> -> memref<1x125x128xf32, #tpu.memory_space<vmem>>
            %dma_start3A_119 = tpu.memref_squeeze %dma_start3A_118 : memref<1x125x128xf32, #tpu.memory_space<vmem>> -> memref<125x128xf32, #tpu.memory_space<vmem>>
            %dma_start3A_120 = arith.constant 0 : i32
            %dma_start3A_121 = tpu.memref_slice %arg17[%add3A_114, %dma_start3A_120] : memref<40x125xi32, #tpu.memory_space<vmem>> -> memref<1x125xi32, #tpu.memory_space<vmem>>
            %dma_start3A_122 = tpu.memref_squeeze %dma_start3A_121 : memref<1x125xi32, #tpu.memory_space<vmem>> -> memref<125xi32, #tpu.memory_space<vmem>>
            %dma_start3A_123 = arith.constant 0 : i32
            %dma_start3A_124 = arith.constant 0 : i32
            %dma_start3A_125 = tpu.memref_slice %arg5[%dma_start3A_123, %dma_start3A_124] : memref<10000x128xf32, #tpu.memory_space<hbm>> -> memref<10000x128xf32, #tpu.memory_space<hbm>>
            tpu.enqueue_indirect_dma source(%dma_start3A_125 : memref<10000x128xf32, #tpu.memory_space<hbm>>) target(%dma_start3A_119 : memref<125x128xf32, #tpu.memory_space<vmem>>) offsets(%dma_start3A_122 : memref<125xi32, #tpu.memory_space<vmem>>) semaphore(%arg19 : memref<!tpu.dma_semaphore, #tpu.memory_space<semaphore_mem>>)
          } else {
          }
          %dma_wait3A_101 = arith.constant 1 : i32
          %dma_wait3A_102 = arith.constant 0 : i32
          %dma_wait3A_103 = arith.constant 0 : i32
          %dma_wait3A_104 = tpu.memref_slice %arg16[%dma_wait3A_101, %dma_wait3A_102, %dma_wait3A_103] : memref<2x125x128xf32, #tpu.memory_space<vmem>> -> memref<1x125x128xf32, #tpu.memory_space<vmem>>
          %dma_wait3A_105 = tpu.memref_squeeze %dma_wait3A_104 : memref<1x125x128xf32, #tpu.memory_space<vmem>> -> memref<125x128xf32, #tpu.memory_space<vmem>>
          %dma_wait3A_106 = arith.constant 0 : i32
          %dma_wait3A_107 = tpu.memref_slice %arg17[%add3A_93, %dma_wait3A_106] : memref<40x125xi32, #tpu.memory_space<vmem>> -> memref<1x125xi32, #tpu.memory_space<vmem>>
          %dma_wait3A_108 = tpu.memref_squeeze %dma_wait3A_107 : memref<1x125xi32, #tpu.memory_space<vmem>> -> memref<125xi32, #tpu.memory_space<vmem>>
          %dma_wait3A_109 = arith.constant 0 : i32
          %dma_wait3A_110 = arith.constant 0 : i32
          %dma_wait3A_111 = tpu.memref_slice %arg5[%dma_wait3A_109, %dma_wait3A_110] : memref<10000x128xf32, #tpu.memory_space<hbm>> -> memref<10000x128xf32, #tpu.memory_space<hbm>>
          tpu.wait_indirect_dma semaphore(%arg20 : memref<!tpu.dma_semaphore, #tpu.memory_space<semaphore_mem>>) src(%dma_wait3A_111 : memref<10000x128xf32, #tpu.memory_space<hbm>>) dst(%dma_wait3A_105 : memref<125x128xf32, #tpu.memory_space<vmem>>)
          %run_scoped3A_112 = arith.constant 1 : i32
          "tpu.region"() ({
            %run_scoped3A_113 = tpu.sem_alloc : memref<!tpu.dma_semaphore, #tpu.memory_space<semaphore_mem>>
            %dma_start3A_114 = arith.constant 0 : i32
            %dma_start3A_115 = arith.constant 0 : i32
            %dma_start3A_116 = tpu.memref_slice %arg16[%run_scoped3A_112, %dma_start3A_114, %dma_start3A_115] : memref<2x125x128xf32, #tpu.memory_space<vmem>> -> memref<1x125x128xf32, #tpu.memory_space<vmem>>
            %dma_start3A_117 = tpu.memref_squeeze %dma_start3A_116 : memref<1x125x128xf32, #tpu.memory_space<vmem>> -> memref<125x128xf32, #tpu.memory_space<vmem>>
            %dma_start3A_118 = arith.constant 0 : i32
            %dma_start3A_119 = tpu.memref_slice %arg18[%add3A_93, %dma_start3A_118] : memref<40x125xi32, #tpu.memory_space<vmem>> -> memref<1x125xi32, #tpu.memory_space<vmem>>
            %dma_start3A_120 = tpu.memref_squeeze %dma_start3A_119 : memref<1x125xi32, #tpu.memory_space<vmem>> -> memref<125xi32, #tpu.memory_space<vmem>>
            %dma_start3A_121 = arith.constant 0 : i32
            %dma_start3A_122 = arith.constant 0 : i32
            %dma_start3A_123 = tpu.memref_slice %arg15[%dma_start3A_121, %dma_start3A_122] : memref<10240x128xf32, #tpu.memory_space<vmem_shared>> -> memref<10240x128xf32, #tpu.memory_space<vmem_shared>>
            tpu.enqueue_indirect_dma source(%dma_start3A_117 : memref<125x128xf32, #tpu.memory_space<vmem>>) target(%dma_start3A_123 : memref<10240x128xf32, #tpu.memory_space<vmem_shared>>) offsets(%dma_start3A_120 : memref<125xi32, #tpu.memory_space<vmem>>) semaphore(%run_scoped3A_113 : memref<!tpu.dma_semaphore, #tpu.memory_space<semaphore_mem>>) {add = true}
            %dma_wait3A_124 = arith.constant 0 : i32
            %dma_wait3A_125 = arith.constant 0 : i32
            %dma_wait3A_126 = tpu.memref_slice %arg16[%run_scoped3A_112, %dma_wait3A_124, %dma_wait3A_125] : memref<2x125x128xf32, #tpu.memory_space<vmem>> -> memref<1x125x128xf32, #tpu.memory_space<vmem>>
            %dma_wait3A_127 = tpu.memref_squeeze %dma_wait3A_126 : memref<1x125x128xf32, #tpu.memory_space<vmem>> -> memref<125x128xf32, #tpu.memory_space<vmem>>
            %dma_wait3A_128 = arith.constant 0 : i32
            %dma_wait3A_129 = tpu.memref_slice %arg18[%add3A_93, %dma_wait3A_128] : memref<40x125xi32, #tpu.memory_space<vmem>> -> memref<1x125xi32, #tpu.memory_space<vmem>>
            %dma_wait3A_130 = tpu.memref_squeeze %dma_wait3A_129 : memref<1x125xi32, #tpu.memory_space<vmem>> -> memref<125xi32, #tpu.memory_space<vmem>>
            %dma_wait3A_131 = arith.constant 0 : i32
            %dma_wait3A_132 = arith.constant 0 : i32
            %dma_wait3A_133 = tpu.memref_slice %arg15[%dma_wait3A_131, %dma_wait3A_132] : memref<10240x128xf32, #tpu.memory_space<vmem_shared>> -> memref<10240x128xf32, #tpu.memory_space<vmem_shared>>
            tpu.wait_indirect_dma semaphore(%run_scoped3A_113 : memref<!tpu.dma_semaphore, #tpu.memory_space<semaphore_mem>>) src(%dma_wait3A_127 : memref<125x128xf32, #tpu.memory_space<vmem>>) dst(%dma_wait3A_133 : memref<10240x128xf32, #tpu.memory_space<vmem_shared>>)
            tpu.yield
          }) : () -> ()
        }
        %scan3A_68 = arith.constant 20 : i32
      }
      %scan3A_45 = arith.constant 4 : i32
    } else {
    }
    %barrier3A_30 = arith.constant 0 : index
    tpu.barrier barrier_id(%barrier3A_30)
    %eq3A_31 = arith.constant 0 : i32
    %eq3A_32 = arith.cmpi eq, %arg0, %eq3A_31 : i32
    %convert_element_type3A_33 = arith.extui %eq3A_32 : i1 to i32
    %cond3A_34 = arith.constant 0 : i32
    %cond3A_35 = arith.cmpi ne, %convert_element_type3A_33, %cond3A_34 : i32
    scf.if %cond3A_35 {
      "tpu.region"() ({
        %run_scoped3A = tpu.sem_alloc : memref<!tpu.dma_semaphore, #tpu.memory_space<semaphore_mem>>
        %dma_start3A = arith.constant 0 : i32
        %dma_start3A_41 = tpu.memref_slice %arg13[%mul3A_0, %dma_start3A] : memref<10240x128xf32, #tpu.memory_space<hbm>> -> memref<640x128xf32, #tpu.memory_space<hbm>>
        %dma_start3A_42 = arith.constant 0 : i32
        %dma_start3A_43 = tpu.memref_slice %arg15[%mul3A_0, %dma_start3A_42] : memref<10240x128xf32, #tpu.memory_space<vmem_shared>> -> memref<640x128xf32, #tpu.memory_space<vmem_shared>>
        tpu.enqueue_dma source(%dma_start3A_43 : memref<640x128xf32, #tpu.memory_space<vmem_shared>>) target(%dma_start3A_41 : memref<640x128xf32, #tpu.memory_space<hbm>>) target_semaphore(%run_scoped3A : memref<!tpu.dma_semaphore, #tpu.memory_space<semaphore_mem>>)
        %dma_wait3A = arith.constant 0 : i32
        %dma_wait3A_44 = tpu.memref_slice %arg13[%mul3A_0, %dma_wait3A] : memref<10240x128xf32, #tpu.memory_space<hbm>> -> memref<640x128xf32, #tpu.memory_space<hbm>>
        %dma_wait3A_45 = arith.constant 0 : i32
        %dma_wait3A_46 = tpu.memref_slice %arg15[%mul3A_0, %dma_wait3A_45] : memref<10240x128xf32, #tpu.memory_space<vmem_shared>> -> memref<640x128xf32, #tpu.memory_space<vmem_shared>>
        tpu.wait_dma2 semaphore(%run_scoped3A : memref<!tpu.dma_semaphore, #tpu.memory_space<semaphore_mem>>) src(%dma_wait3A_46 : memref<640x128xf32, #tpu.memory_space<vmem_shared>>) dst(%dma_wait3A_44 : memref<640x128xf32, #tpu.memory_space<hbm>>)
        tpu.yield
      }) : () -> ()
    } else {
    }
    %eq3A_36 = arith.constant 1 : i32
    %eq3A_37 = arith.cmpi eq, %arg0, %eq3A_36 : i32
    %convert_element_type3A_38 = arith.extui %eq3A_37 : i1 to i32
    %cond3A_39 = arith.constant 0 : i32
    %cond3A_40 = arith.cmpi ne, %convert_element_type3A_38, %cond3A_39 : i32
    scf.if %cond3A_40 {
      "tpu.region"() ({
        %run_scoped3A = tpu.sem_alloc : memref<!tpu.dma_semaphore, #tpu.memory_space<semaphore_mem>>
        %dma_start3A = arith.constant 0 : i32
        %dma_start3A_41 = tpu.memref_slice %arg14[%mul3A_0, %dma_start3A] : memref<10240x128xf32, #tpu.memory_space<hbm>> -> memref<640x128xf32, #tpu.memory_space<hbm>>
        %dma_start3A_42 = arith.constant 0 : i32
        %dma_start3A_43 = tpu.memref_slice %arg15[%mul3A_0, %dma_start3A_42] : memref<10240x128xf32, #tpu.memory_space<vmem_shared>> -> memref<640x128xf32, #tpu.memory_space<vmem_shared>>
        tpu.enqueue_dma source(%dma_start3A_43 : memref<640x128xf32, #tpu.memory_space<vmem_shared>>) target(%dma_start3A_41 : memref<640x128xf32, #tpu.memory_space<hbm>>) target_semaphore(%run_scoped3A : memref<!tpu.dma_semaphore, #tpu.memory_space<semaphore_mem>>)
        %dma_wait3A = arith.constant 0 : i32
        %dma_wait3A_44 = tpu.memref_slice %arg14[%mul3A_0, %dma_wait3A] : memref<10240x128xf32, #tpu.memory_space<hbm>> -> memref<640x128xf32, #tpu.memory_space<hbm>>
        %dma_wait3A_45 = arith.constant 0 : i32
        %dma_wait3A_46 = tpu.memref_slice %arg15[%mul3A_0, %dma_wait3A_45] : memref<10240x128xf32, #tpu.memory_space<vmem_shared>> -> memref<640x128xf32, #tpu.memory_space<vmem_shared>>
        tpu.wait_dma2 semaphore(%run_scoped3A : memref<!tpu.dma_semaphore, #tpu.memory_space<semaphore_mem>>) src(%dma_wait3A_46 : memref<640x128xf32, #tpu.memory_space<vmem_shared>>) dst(%dma_wait3A_44 : memref<640x128xf32, #tpu.memory_space<hbm>>)
        tpu.yield
      }) : () -> ()
    } else {
    }
    return
  }
}

module attributes {stable_mosaic.version = 14 : i64} {
  func.func @_proj_body(%arg0: i32, %arg1: memref<1000x128xf32, #tpu.memory_space<vmem>>, %arg2: memref<128x256xf32, #tpu.memory_space<vmem>>, %arg3: memref<1x256xf32, #tpu.memory_space<vmem>>, %arg4: memref<1000x128xf32, #tpu.memory_space<vmem>>, %arg5: memref<1000x128xf32, #tpu.memory_space<vmem>>) attributes {dimension_semantics = [#tpu.dimension_semantics<arbitrary>], iteration_bounds = array<i64: 10>, scalar_prefetch = 0 : i64, scratch_operands = 0 : i64, tpu.core_type = #tpu.core_type<tc>, window_params = [{transform_indices = @transform_0, window_bounds = array<i64: 1000, 128>}, {pipeline_mode = #tpu.pipeline_mode<synchronous>, transform_indices = @transform_1, window_bounds = array<i64: 128, 256>}, {pipeline_mode = #tpu.pipeline_mode<synchronous>, transform_indices = @transform_2, window_bounds = array<i64: 1, 256>}, {transform_indices = @transform_3, window_bounds = array<i64: 1000, 128>}, {transform_indices = @transform_4, window_bounds = array<i64: 1000, 128>}]} {
    %get3A = arith.constant 0 : index
    %get3A_0 = arith.constant 0 : index
    %get3A_1 = vector.load %arg1[%get3A, %get3A_0] : memref<1000x128xf32, #tpu.memory_space<vmem>>, vector<1000x128xf32>
    %get3A_2 = arith.constant 0 : index
    %get3A_3 = arith.constant 0 : index
    %get3A_4 = vector.load %arg2[%get3A_2, %get3A_3] : memref<128x256xf32, #tpu.memory_space<vmem>>, vector<128x256xf32>
    %dot_general3A = arith.constant dense<0.000000e+00> : vector<1000x256xf32>
    %dot_general3A_5 = tpu.matmul %get3A_1, %get3A_4, %dot_general3A {dimension_numbers = #tpu.dot_dimension_numbers<[1], [0], [0], [1], [0, 0, 1, 1], [], []>, transpose_lhs_hint = false} : vector<1000x128xf32>, vector<128x256xf32>, vector<1000x256xf32> -> vector<1000x256xf32>
    %get3A_6 = arith.constant 0 : index
    %get3A_7 = arith.constant 0 : index
    %get3A_8 = vector.load %arg3[%get3A_6, %get3A_7] : memref<1x256xf32, #tpu.memory_space<vmem>>, vector<1x256xf32>
    %add3A = vector.broadcast %get3A_8 : vector<1x256xf32> to vector<1000x256xf32>
    %add3A_9 = arith.addf %dot_general3A_5, %add3A : vector<1000x256xf32>
    %max3A = arith.constant 0.000000e+00 : f32
    %max3A_10 = vector.broadcast %max3A : f32 to vector<1000x256xf32>
    %max3A_11 = arith.maximumf %add3A_9, %max3A_10 : vector<1000x256xf32>
    %slice3A = vector.extract_strided_slice %max3A_11 {offsets = [0, 0], sizes = [1000, 128], strides = [1, 1]} : vector<1000x256xf32> to vector<1000x128xf32>
    %swap3A = arith.constant 0 : index
    %swap3A_12 = arith.constant 0 : index
    %swap3A_13 = vector.load %arg4[%swap3A, %swap3A_12] : memref<1000x128xf32, #tpu.memory_space<vmem>>, vector<1000x128xf32>
    tpu.vector_store %arg4[%swap3A, %swap3A_12], %slice3A {strides = array<i32>} : memref<1000x128xf32, #tpu.memory_space<vmem>>, vector<1000x128xf32>,
    %slice3A_14 = vector.extract_strided_slice %max3A_11 {offsets = [0, 128], sizes = [1000, 128], strides = [1, 1]} : vector<1000x256xf32> to vector<1000x128xf32>
    %swap3A_15 = arith.constant 0 : index
    %swap3A_16 = arith.constant 0 : index
    %swap3A_17 = vector.load %arg5[%swap3A_15, %swap3A_16] : memref<1000x128xf32, #tpu.memory_space<vmem>>, vector<1000x128xf32>
    tpu.vector_store %arg5[%swap3A_15, %swap3A_16], %slice3A_14 {strides = array<i32>} : memref<1000x128xf32, #tpu.memory_space<vmem>>, vector<1000x128xf32>,
    return
  }
  func.func @transform_0(%arg0: i32) -> (i32, i32) {
    %c0_i32 = arith.constant 0 : i32
    %c0_i32_0 = arith.constant 0 : i32
    return %arg0, %c0_i32 : i32, i32
  }
  func.func @transform_1(%arg0: i32) -> (i32, i32) {
    %c0_i32 = arith.constant 0 : i32
    %c0_i32_0 = arith.constant 0 : i32
    %c0_i32_1 = arith.constant 0 : i32
    return %c0_i32, %c0_i32_0 : i32, i32
  }
  func.func @transform_2(%arg0: i32) -> (i32, i32) {
    %c0_i32 = arith.constant 0 : i32
    %c0_i32_0 = arith.constant 0 : i32
    %c0_i32_1 = arith.constant 0 : i32
    return %c0_i32, %c0_i32_0 : i32, i32
  }
  func.func @transform_3(%arg0: i32) -> (i32, i32) {
    %c0_i32 = arith.constant 0 : i32
    %c0_i32_0 = arith.constant 0 : i32
    return %arg0, %c0_i32 : i32, i32
  }
  func.func @transform_4(%arg0: i32) -> (i32, i32) {
    %c0_i32 = arith.constant 0 : i32
    %c0_i32_0 = arith.constant 0 : i32
    return %arg0, %c0_i32 : i32, i32
  }
}

module attributes {stable_mosaic.version = 14 : i64} {
  func.func @_comb_body(%arg0: i32, %arg1: memref<1000x128xf32, #tpu.memory_space<vmem>>, %arg2: memref<1000x128xf32, #tpu.memory_space<vmem>>, %arg3: memref<1000x128xf32, #tpu.memory_space<vmem>>, %arg4: memref<1000x128xf32, #tpu.memory_space<vmem>>, %arg5: memref<1000x128xf32, #tpu.memory_space<vmem>>, %arg6: memref<256x256xf32, #tpu.memory_space<vmem>>, %arg7: memref<256x256xf32, #tpu.memory_space<vmem>>, %arg8: memref<1x256xf32, #tpu.memory_space<vmem>>, %arg9: memref<256x64xf32, #tpu.memory_space<vmem>>, %arg10: memref<1000x256xf32, #tpu.memory_space<vmem>>, %arg11: memref<1000x128xf32, #tpu.memory_space<vmem>>) attributes {dimension_semantics = [#tpu.dimension_semantics<arbitrary>], iteration_bounds = array<i64: 10>, scalar_prefetch = 0 : i64, scratch_operands = 0 : i64, tpu.core_type = #tpu.core_type<tc>, window_params = [{transform_indices = @transform_0, window_bounds = array<i64: 1000, 128>}, {transform_indices = @transform_1, window_bounds = array<i64: 1000, 128>}, {transform_indices = @transform_2, window_bounds = array<i64: 1000, 128>}, {transform_indices = @transform_3, window_bounds = array<i64: 1000, 128>}, {transform_indices = @transform_4, window_bounds = array<i64: 1000, 128>}, {pipeline_mode = #tpu.pipeline_mode<synchronous>, transform_indices = @transform_5, window_bounds = array<i64: 256, 256>}, {pipeline_mode = #tpu.pipeline_mode<synchronous>, transform_indices = @transform_6, window_bounds = array<i64: 256, 256>}, {pipeline_mode = #tpu.pipeline_mode<synchronous>, transform_indices = @transform_7, window_bounds = array<i64: 1, 256>}, {pipeline_mode = #tpu.pipeline_mode<synchronous>, transform_indices = @transform_8, window_bounds = array<i64: 256, 64>}, {transform_indices = @transform_9, window_bounds = array<i64: 1000, 256>}, {transform_indices = @transform_10, window_bounds = array<i64: 1000, 128>}]} {
    %get3A = arith.constant 0 : index
    %get3A_0 = arith.constant 0 : index
    %get3A_1 = vector.load %arg3[%get3A, %get3A_0] : memref<1000x128xf32, #tpu.memory_space<vmem>>, vector<1000x128xf32>
    %slice3A = vector.extract_strided_slice %get3A_1 {offsets = [0, 0], sizes = [1000, 1], strides = [1, 1]} : vector<1000x128xf32> to vector<1000x1xf32>
    %max3A = arith.constant 1.000000e+00 : f32
    %max3A_2 = vector.broadcast %max3A : f32 to vector<1000x1xf32>
    %max3A_3 = arith.maximumf %slice3A, %max3A_2 : vector<1000x1xf32>
    %div3A = arith.constant 1.000000e+00 : f32
    %div3A_4 = vector.broadcast %div3A : f32 to vector<1000x1xf32>
    %div3A_5 = arith.divf %div3A_4, %max3A_3 : vector<1000x1xf32>
    %get3A_6 = arith.constant 0 : index
    %get3A_7 = arith.constant 0 : index
    %get3A_8 = vector.load %arg6[%get3A_6, %get3A_7] : memref<256x256xf32, #tpu.memory_space<vmem>>, vector<256x256xf32>
    %get3A_9 = arith.constant 0 : index
    %get3A_10 = arith.constant 0 : index
    %get3A_11 = vector.load %arg7[%get3A_9, %get3A_10] : memref<256x256xf32, #tpu.memory_space<vmem>>, vector<256x256xf32>
    %get3A_12 = arith.constant 0 : index
    %get3A_13 = arith.constant 0 : index
    %get3A_14 = vector.load %arg1[%get3A_12, %get3A_13] : memref<1000x128xf32, #tpu.memory_space<vmem>>, vector<1000x128xf32>
    %mul3A = vector.broadcast %div3A_5 : vector<1000x1xf32> to vector<1000x128xf32>
    %mul3A_15 = arith.mulf %get3A_14, %mul3A : vector<1000x128xf32>
    %slice3A_16 = vector.extract_strided_slice %get3A_8 {offsets = [0, 0], sizes = [128, 256], strides = [1, 1]} : vector<256x256xf32> to vector<128x256xf32>
    %dot_general3A = arith.constant dense<0.000000e+00> : vector<1000x256xf32>
    %dot_general3A_17 = tpu.matmul %mul3A_15, %slice3A_16, %dot_general3A {dimension_numbers = #tpu.dot_dimension_numbers<[1], [0], [0], [1], [0, 0, 1, 1], [], []>, transpose_lhs_hint = false} : vector<1000x128xf32>, vector<128x256xf32>, vector<1000x256xf32> -> vector<1000x256xf32>
    %get3A_18 = arith.constant 0 : index
    %get3A_19 = arith.constant 0 : index
    %get3A_20 = vector.load %arg2[%get3A_18, %get3A_19] : memref<1000x128xf32, #tpu.memory_space<vmem>>, vector<1000x128xf32>
    %mul3A_21 = vector.broadcast %div3A_5 : vector<1000x1xf32> to vector<1000x128xf32>
    %mul3A_22 = arith.mulf %get3A_20, %mul3A_21 : vector<1000x128xf32>
    %slice3A_23 = vector.extract_strided_slice %get3A_8 {offsets = [128, 0], sizes = [128, 256], strides = [1, 1]} : vector<256x256xf32> to vector<128x256xf32>
    %dot_general3A_24 = arith.constant dense<0.000000e+00> : vector<1000x256xf32>
    %dot_general3A_25 = tpu.matmul %mul3A_22, %slice3A_23, %dot_general3A_24 {dimension_numbers = #tpu.dot_dimension_numbers<[1], [0], [0], [1], [0, 0, 1, 1], [], []>, transpose_lhs_hint = false} : vector<1000x128xf32>, vector<128x256xf32>, vector<1000x256xf32> -> vector<1000x256xf32>
    %add3A = arith.addf %dot_general3A_17, %dot_general3A_25 : vector<1000x256xf32>
    %get3A_26 = arith.constant 0 : index
    %get3A_27 = arith.constant 0 : index
    %get3A_28 = vector.load %arg4[%get3A_26, %get3A_27] : memref<1000x128xf32, #tpu.memory_space<vmem>>, vector<1000x128xf32>
    %slice3A_29 = vector.extract_strided_slice %get3A_11 {offsets = [0, 0], sizes = [128, 256], strides = [1, 1]} : vector<256x256xf32> to vector<128x256xf32>
    %dot_general3A_30 = arith.constant dense<0.000000e+00> : vector<1000x256xf32>
    %dot_general3A_31 = tpu.matmul %get3A_28, %slice3A_29, %dot_general3A_30 {dimension_numbers = #tpu.dot_dimension_numbers<[1], [0], [0], [1], [0, 0, 1, 1], [], []>, transpose_lhs_hint = false} : vector<1000x128xf32>, vector<128x256xf32>, vector<1000x256xf32> -> vector<1000x256xf32>
    %add3A_32 = arith.addf %add3A, %dot_general3A_31 : vector<1000x256xf32>
    %get3A_33 = arith.constant 0 : index
    %get3A_34 = arith.constant 0 : index
    %get3A_35 = vector.load %arg5[%get3A_33, %get3A_34] : memref<1000x128xf32, #tpu.memory_space<vmem>>, vector<1000x128xf32>
    %slice3A_36 = vector.extract_strided_slice %get3A_11 {offsets = [128, 0], sizes = [128, 256], strides = [1, 1]} : vector<256x256xf32> to vector<128x256xf32>
    %dot_general3A_37 = arith.constant dense<0.000000e+00> : vector<1000x256xf32>
    %dot_general3A_38 = tpu.matmul %get3A_35, %slice3A_36, %dot_general3A_37 {dimension_numbers = #tpu.dot_dimension_numbers<[1], [0], [0], [1], [0, 0, 1, 1], [], []>, transpose_lhs_hint = false} : vector<1000x128xf32>, vector<128x256xf32>, vector<1000x256xf32> -> vector<1000x256xf32>
    %add3A_39 = arith.addf %add3A_32, %dot_general3A_38 : vector<1000x256xf32>
    %get3A_40 = arith.constant 0 : index
    %get3A_41 = arith.constant 0 : index
    %get3A_42 = vector.load %arg8[%get3A_40, %get3A_41] : memref<1x256xf32, #tpu.memory_space<vmem>>, vector<1x256xf32>
    %add3A_43 = vector.broadcast %get3A_42 : vector<1x256xf32> to vector<1000x256xf32>
    %add3A_44 = arith.addf %add3A_39, %add3A_43 : vector<1000x256xf32>
    %max3A_45 = arith.constant 0.000000e+00 : f32
    %max3A_46 = vector.broadcast %max3A_45 : f32 to vector<1000x256xf32>
    %max3A_47 = arith.maximumf %add3A_44, %max3A_46 : vector<1000x256xf32>
    %swap3A = arith.constant 0 : index
    %swap3A_48 = arith.constant 0 : index
    %swap3A_49 = vector.load %arg10[%swap3A, %swap3A_48] : memref<1000x256xf32, #tpu.memory_space<vmem>>, vector<1000x256xf32>
    tpu.vector_store %arg10[%swap3A, %swap3A_48], %max3A_47 {strides = array<i32>} : memref<1000x256xf32, #tpu.memory_space<vmem>>, vector<1000x256xf32>,
    %get3A_50 = arith.constant 0 : index
    %get3A_51 = arith.constant 0 : index
    %get3A_52 = vector.load %arg9[%get3A_50, %get3A_51] : memref<256x64xf32, #tpu.memory_space<vmem>>, vector<256x64xf32>
    %dot_general3A_53 = arith.constant dense<0.000000e+00> : vector<1000x64xf32>
    %dot_general3A_54 = tpu.matmul %max3A_47, %get3A_52, %dot_general3A_53 {dimension_numbers = #tpu.dot_dimension_numbers<[1], [0], [0], [1], [0, 0, 1, 1], [], []>, transpose_lhs_hint = false} : vector<1000x256xf32>, vector<256x64xf32>, vector<1000x64xf32> -> vector<1000x64xf32>
    %broadcast_in_dim3A = arith.constant 0.000000e+00 : f32
    %broadcast_in_dim3A_55 = vector.broadcast %broadcast_in_dim3A : f32 to vector<1000x64xf32>
    %concatenate3A = tpu.concatenate %dot_general3A_54, %broadcast_in_dim3A_55 in 1 : vector<1000x64xf32>, vector<1000x64xf32> -> vector<1000x128xf32>
    %swap3A_56 = arith.constant 0 : index
    %swap3A_57 = arith.constant 0 : index
    %swap3A_58 = vector.load %arg11[%swap3A_56, %swap3A_57] : memref<1000x128xf32, #tpu.memory_space<vmem>>, vector<1000x128xf32>
    tpu.vector_store %arg11[%swap3A_56, %swap3A_57], %concatenate3A {strides = array<i32>} : memref<1000x128xf32, #tpu.memory_space<vmem>>, vector<1000x128xf32>,
    return
  }
  func.func @transform_0(%arg0: i32) -> (i32, i32) {
    %c0_i32 = arith.constant 0 : i32
    %c0_i32_0 = arith.constant 0 : i32
    return %arg0, %c0_i32 : i32, i32
  }
  func.func @transform_1(%arg0: i32) -> (i32, i32) {
    %c0_i32 = arith.constant 0 : i32
    %c0_i32_0 = arith.constant 0 : i32
    return %arg0, %c0_i32 : i32, i32
  }
  func.func @transform_2(%arg0: i32) -> (i32, i32) {
    %c0_i32 = arith.constant 0 : i32
    %c0_i32_0 = arith.constant 0 : i32
    return %arg0, %c0_i32 : i32, i32
  }
  func.func @transform_3(%arg0: i32) -> (i32, i32) {
    %c0_i32 = arith.constant 0 : i32
    %c0_i32_0 = arith.constant 0 : i32
    return %arg0, %c0_i32 : i32, i32
  }
  func.func @transform_4(%arg0: i32) -> (i32, i32) {
    %c0_i32 = arith.constant 0 : i32
    %c0_i32_0 = arith.constant 0 : i32
    return %arg0, %c0_i32 : i32, i32
  }
  func.func @transform_5(%arg0: i32) -> (i32, i32) {
    %c0_i32 = arith.constant 0 : i32
    %c0_i32_0 = arith.constant 0 : i32
    %c0_i32_1 = arith.constant 0 : i32
    return %c0_i32, %c0_i32_0 : i32, i32
  }
  func.func @transform_6(%arg0: i32) -> (i32, i32) {
    %c0_i32 = arith.constant 0 : i32
    %c0_i32_0 = arith.constant 0 : i32
    %c0_i32_1 = arith.constant 0 : i32
    return %c0_i32, %c0_i32_0 : i32, i32
  }
  func.func @transform_7(%arg0: i32) -> (i32, i32) {
    %c0_i32 = arith.constant 0 : i32
    %c0_i32_0 = arith.constant 0 : i32
    %c0_i32_1 = arith.constant 0 : i32
    return %c0_i32, %c0_i32_0 : i32, i32
  }
  func.func @transform_8(%arg0: i32) -> (i32, i32) {
    %c0_i32 = arith.constant 0 : i32
    %c0_i32_0 = arith.constant 0 : i32
    %c0_i32_1 = arith.constant 0 : i32
    return %c0_i32, %c0_i32_0 : i32, i32
  }
  func.func @transform_9(%arg0: i32) -> (i32, i32) {
    %c0_i32 = arith.constant 0 : i32
    %c0_i32_0 = arith.constant 0 : i32
    return %arg0, %c0_i32 : i32, i32
  }
  func.func @transform_10(%arg0: i32) -> (i32, i32) {
    %c0_i32 = arith.constant 0 : i32
    %c0_i32_0 = arith.constant 0 : i32
    return %arg0, %c0_i32 : i32, i32
  }
}

module attributes {stable_mosaic.version = 14 : i64} {
  func.func @_final_body(%arg0: i32, %arg1: memref<1000x128xf32, #tpu.memory_space<vmem>>, %arg2: memref<1000x128xf32, #tpu.memory_space<vmem>>, %arg3: memref<1000x256xf32, #tpu.memory_space<vmem>>, %arg4: memref<256x64xf32, #tpu.memory_space<vmem>>, %arg5: memref<1x64xf32, #tpu.memory_space<vmem>>, %arg6: memref<1000x64xf32, #tpu.memory_space<vmem>>) attributes {dimension_semantics = [#tpu.dimension_semantics<arbitrary>], iteration_bounds = array<i64: 10>, scalar_prefetch = 0 : i64, scratch_operands = 0 : i64, tpu.core_type = #tpu.core_type<tc>, window_params = [{transform_indices = @transform_0, window_bounds = array<i64: 1000, 128>}, {transform_indices = @transform_1, window_bounds = array<i64: 1000, 128>}, {transform_indices = @transform_2, window_bounds = array<i64: 1000, 256>}, {pipeline_mode = #tpu.pipeline_mode<synchronous>, transform_indices = @transform_3, window_bounds = array<i64: 256, 64>}, {pipeline_mode = #tpu.pipeline_mode<synchronous>, transform_indices = @transform_4, window_bounds = array<i64: 1, 64>}, {transform_indices = @transform_5, window_bounds = array<i64: 1000, 64>}]} {
    %get3A = arith.constant 0 : index
    %get3A_0 = arith.constant 0 : index
    %get3A_1 = vector.load %arg2[%get3A, %get3A_0] : memref<1000x128xf32, #tpu.memory_space<vmem>>, vector<1000x128xf32>
    %slice3A = vector.extract_strided_slice %get3A_1 {offsets = [0, 0], sizes = [1000, 1], strides = [1, 1]} : vector<1000x128xf32> to vector<1000x1xf32>
    %max3A = arith.constant 1.000000e+00 : f32
    %max3A_2 = vector.broadcast %max3A : f32 to vector<1000x1xf32>
    %max3A_3 = arith.maximumf %slice3A, %max3A_2 : vector<1000x1xf32>
    %div3A = arith.constant 1.000000e+00 : f32
    %div3A_4 = vector.broadcast %div3A : f32 to vector<1000x1xf32>
    %div3A_5 = arith.divf %div3A_4, %max3A_3 : vector<1000x1xf32>
    %get3A_6 = arith.constant 0 : index
    %get3A_7 = arith.constant 0 : index
    %get3A_8 = vector.load %arg1[%get3A_6, %get3A_7] : memref<1000x128xf32, #tpu.memory_space<vmem>>, vector<1000x128xf32>
    %slice3A_9 = vector.extract_strided_slice %get3A_8 {offsets = [0, 0], sizes = [1000, 64], strides = [1, 1]} : vector<1000x128xf32> to vector<1000x64xf32>
    %mul3A = vector.broadcast %div3A_5 : vector<1000x1xf32> to vector<1000x64xf32>
    %mul3A_10 = arith.mulf %slice3A_9, %mul3A : vector<1000x64xf32>
    %get3A_11 = arith.constant 0 : index
    %get3A_12 = arith.constant 0 : index
    %get3A_13 = vector.load %arg3[%get3A_11, %get3A_12] : memref<1000x256xf32, #tpu.memory_space<vmem>>, vector<1000x256xf32>
    %get3A_14 = arith.constant 0 : index
    %get3A_15 = arith.constant 0 : index
    %get3A_16 = vector.load %arg4[%get3A_14, %get3A_15] : memref<256x64xf32, #tpu.memory_space<vmem>>, vector<256x64xf32>
    %dot_general3A = arith.constant dense<0.000000e+00> : vector<1000x64xf32>
    %dot_general3A_17 = tpu.matmul %get3A_13, %get3A_16, %dot_general3A {dimension_numbers = #tpu.dot_dimension_numbers<[1], [0], [0], [1], [0, 0, 1, 1], [], []>, transpose_lhs_hint = false} : vector<1000x256xf32>, vector<256x64xf32>, vector<1000x64xf32> -> vector<1000x64xf32>
    %add3A = arith.addf %mul3A_10, %dot_general3A_17 : vector<1000x64xf32>
    %get3A_18 = arith.constant 0 : index
    %get3A_19 = arith.constant 0 : index
    %get3A_20 = vector.load %arg5[%get3A_18, %get3A_19] : memref<1x64xf32, #tpu.memory_space<vmem>>, vector<1x64xf32>
    %add3A_21 = vector.broadcast %get3A_20 : vector<1x64xf32> to vector<1000x64xf32>
    %add3A_22 = arith.addf %add3A, %add3A_21 : vector<1000x64xf32>
    %reduce_max3A = arith.constant dense<0xFF800000> : vector<1000xf32>
    %reduce_max3A_23 = vector.multi_reduction <maximumf>, %add3A_22, %reduce_max3A [1] : vector<1000x64xf32> to vector<1000xf32>
    %broadcast_in_dim3A = vector.shape_cast %reduce_max3A_23 : vector<1000xf32> to vector<1000x1xf32>
    %sub3A = vector.broadcast %broadcast_in_dim3A : vector<1000x1xf32> to vector<1000x64xf32>
    %sub3A_24 = arith.subf %add3A_22, %sub3A : vector<1000x64xf32>
    %exp3A = math.exp %sub3A_24 : vector<1000x64xf32>
    %reduce_sum3A = arith.constant dense<0.000000e+00> : vector<1000xf32>
    %reduce_sum3A_25 = vector.multi_reduction <add>, %exp3A, %reduce_sum3A [1] : vector<1000x64xf32> to vector<1000xf32>
    %broadcast_in_dim3A_26 = vector.shape_cast %reduce_sum3A_25 : vector<1000xf32> to vector<1000x1xf32>
    %log3A = math.log %broadcast_in_dim3A_26 : vector<1000x1xf32>
    %sub3A_27 = vector.broadcast %broadcast_in_dim3A : vector<1000x1xf32> to vector<1000x64xf32>
    %sub3A_28 = arith.subf %add3A_22, %sub3A_27 : vector<1000x64xf32>
    %sub3A_29 = vector.broadcast %log3A : vector<1000x1xf32> to vector<1000x64xf32>
    %sub3A_30 = arith.subf %sub3A_28, %sub3A_29 : vector<1000x64xf32>
    %swap3A = arith.constant 0 : index
    %swap3A_31 = arith.constant 0 : index
    %swap3A_32 = vector.load %arg6[%swap3A, %swap3A_31] : memref<1000x64xf32, #tpu.memory_space<vmem>>, vector<1000x64xf32>
    tpu.vector_store %arg6[%swap3A, %swap3A_31], %sub3A_30 {strides = array<i32>} : memref<1000x64xf32, #tpu.memory_space<vmem>>, vector<1000x64xf32>,
    return
  }
  func.func @transform_0(%arg0: i32) -> (i32, i32) {
    %c0_i32 = arith.constant 0 : i32
    %c0_i32_0 = arith.constant 0 : i32
    return %arg0, %c0_i32 : i32, i32
  }
  func.func @transform_1(%arg0: i32) -> (i32, i32) {
    %c0_i32 = arith.constant 0 : i32
    %c0_i32_0 = arith.constant 0 : i32
    return %arg0, %c0_i32 : i32, i32
  }
  func.func @transform_2(%arg0: i32) -> (i32, i32) {
    %c0_i32 = arith.constant 0 : i32
    %c0_i32_0 = arith.constant 0 : i32
    return %arg0, %c0_i32 : i32, i32
  }
  func.func @transform_3(%arg0: i32) -> (i32, i32) {
    %c0_i32 = arith.constant 0 : i32
    %c0_i32_0 = arith.constant 0 : i32
    %c0_i32_1 = arith.constant 0 : i32
    return %c0_i32, %c0_i32_0 : i32, i32
  }
  func.func @transform_4(%arg0: i32) -> (i32, i32) {
    %c0_i32 = arith.constant 0 : i32
    %c0_i32_0 = arith.constant 0 : i32
    %c0_i32_1 = arith.constant 0 : i32
    return %c0_i32, %c0_i32_0 : i32, i32
  }
  func.func @transform_5(%arg0: i32) -> (i32, i32) {
    %c0_i32 = arith.constant 0 : i32
    %c0_i32_0 = arith.constant 0 : i32
    return %arg0, %c0_i32 : i32, i32
  }
}

</mosaic_0001>

<sc_bundles>
// kernel: kernel.11.cloned.1.call-start
scs
__scs_entry_jumppad:
0x0: {  	(pc) =	sbr.rel $0x88, $3  }
0x1: {  	(tag) =	ssettag $0x0;
	lr =	simm.s32 $0x1  }
0x2: {  	[smem:$0x3F8D] =	sst lr;
	_ =	strace $0xD0000000  }
0x3: {  	_ = 	snop  }
0x4: {  	_ = 	snop  }
0x5: {  	_ = 	snop  }
0x6: {  	_ = 	snop  }
0x7: {  	_ = 	snop  }
__scs_overlays_trampoline_lowered:
0x8: {  	[smem:$0x3F9C] =	sst s0  }
0x9: {  	[smem:$0x3F9D] =	sst s1  }
0xa: {  	[smem:$0x3F9E] =	sst s2  }
0xb: {  	[smem:$0x3F9F] =	sst s3  }
0xc: {  	[smem:$0x3FA0] =	sst s4  }
0xd: {  	[smem:$0x3FA1] =	sst s5  }
0xe: {  	[smem:$0x3FA2] =	sst s6  }
0xf: {  	[smem:$0x3FA3] =	sst s7  }
0x10: {  	[smem:$0x3FA4] =	sst s8  }
0x11: {  	[smem:$0x3FA5] =	sst s9;
	s0 =	simm.s32 @!p0 $0x0  }
0x12: {  	s1 =	sld [smem:$0x3F8B];
	s0 =	simm.s32 @p0 $0x1  }
0x13: {  	[smem:$0x3FA6] =	sst s0;
	s0 =	simm.s32 @!p1 $0x0  }
0x14: {  	s2 =	sld [smem:$0x3F8A];
	s0 =	simm.s32 @p1 $0x1  }
0x15: {  	[smem:$0x3FA7] =	sst s0;
	s0 =	simm.s32 @!p2 $0x0  }
0x16: {  	s3 =	sld [smem:$0x3FDB];
	s0 =	simm.s32 @p2 $0x1  }
0x17: {  	s4 =	simm.s32 $0x1BF5;
	[smem:$0x3FA9] =	sst s0  }
0x18: {  	s0 =	sld [smem:$0x3F8C];
	_ =	swait.ge [sflag:s4], $0x0  }
0x19: {  	s7 =	sld [smem:$0x3F8D]  }
0x1a: {  	s8 =	sadd.s32 $0xFFFFE003, lr  }
0x1b: {  	s9 =	sadd.s32 $0xFFFFFEF7, lr;
	s5 =	simm.s32 $0xFFFFFFFF;
	p2 =	slt.u32 s8, $0xFFFFF086  }
0x1c: {  	p1 =	slt.u32 s9, $0xF7A;
	s5 =	simm.s32 @!p2 $0x0  }
0x1d: {  	s5 =	simm.s32 @p1 $0x1;
	p0 =	seq.s32 s7, s2  }
0x1e: {  	s7 =	smul.u32 @!p0 $0xF7A, s2;
	p2 =	seq.s32 @!p0 s5, $0x0  }
0x1f: {  	s9 =	smul.u32 $0xF7A, s1;
	s8 =	simm.s32 @!p0 $0x1BF5;
	p2 =	por !p2, p0  }
0x20: {  	[sflag:s8] =	ssyncset.s32 @!p0 $0xFFFFF086;
	s6 =	sadd.s32 @!p0 s3, s7;
	s7 =	simm.s32 @!p0 $0x108  }
0x21: {  	s3 =	sadd.s32 s3, s9;
	s6 =	sadd.s32 @!p0 $0x88, s6;
	s7 =	simm.s32 @p2 $0x1082  }
0x22: {  	[simem:s7], [sflag:s8] =	dma.local @!p0 [hbm:s6], $0xF7A  }
0x23: {  	s9 =	sor.u32 $0xD0000000, s2;
	s6 =	simm.s32 $0x108;
	_ =	swait.ge @!p0 [sflag:s8], $0x0  }
0x24: {  	s3 =	sadd.s32 $0x88, s3;
	s6 =	simm.s32 @!p1 $0x1082;
	[sflag:s4] =	ssyncset.s32 $0xFFFFF086  }
0x25: {  	[simem:s6], [sflag:s4] =	dma.local [hbm:s3], $0xF7A  }
0x26: {  	[smem:$0x3F8D] =	sst s1;
	(tag) =	ssettag s2;
	_ =	strace s9  }
0x27: {  	s1 =	sld [smem:$0x3F9D]  }
0x28: {  	s2 =	sld [smem:$0x3F9E]  }
0x29: {  	s4 =	sld [smem:$0x3FA0]  }
0x2a: {  	p0 =	seq.s32 s5, $0x0;
	s5 =	sld [smem:$0x3FA1]  }
0x2b: {  	s6 =	sld [smem:$0x3FA2]  }
0x2c: {  	s7 =	sld [smem:$0x3FA3]  }
0x2d: {  	s3 =	simm.s32 $0x108;
	s8 =	sld [smem:$0x3FA4]  }
0x2e: {  	s3 =	simm.s32 @!p0 $0x1082;
	s9 =	sld [smem:$0x3FA5]  }
0x2f: {  	lr =	sadd.s32 s0, s3;
	s0 =	sld [smem:$0x3F9C]  }
0x30: {  	s3 =	sld [smem:$0x3F9F]  }
0x31: {  	[smem:$0x3FA8] =	sst s10  }
0x32: {  	s10 =	sld [smem:$0x3FA6];
	_ =	sdelay $0x3  }
0x33: {  	p0 =	seq.s32 s10, $0x1;
	s10 =	sld [smem:$0x3FA8];
	_ =	sdelay $0x3  }
0x34: {  	[smem:$0x3FA8] =	sst s10  }
0x35: {  	s10 =	sld [smem:$0x3FA7];
	_ =	sdelay $0x3  }
0x36: {  	p1 =	seq.s32 s10, $0x1;
	s10 =	sld [smem:$0x3FA8];
	_ =	sdelay $0x3  }
0x37: {  	[smem:$0x3FA8] =	sst s10  }
0x38: {  	s10 =	sld [smem:$0x3FA9]  }
0x39: {  	_ = 	snop;
	(pc) =	sbr.ind lr, $3  }
0x3a: {  	_ = 	snop  }
0x3b: {  	_ = 	snop  }
0x3c: {  	p2 =	seq.s32 s10, $0x1;
	s10 =	sld [smem:$0x3FA8]  }
0x3d: {  	_ =	shalt  }
0x3e: {  	_ =	shalt  }
0x3f: {  	_ =	shalt  }
0x40: {  	_ =	shalt  }
0x41: {  	_ =	shalt  }
0x42: {  	_ =	shalt  }
0x43: {  	_ =	shalt  }
0x44: {  	_ =	shalt  }
0x45: {  	_ =	shalt  }
0x46: {  	_ =	shalt  }
0x47: {  	_ =	shalt  }
0x48: {  	_ =	shalt  }
0x49: {  	_ =	shalt  }
0x4a: {  	_ =	shalt  }
0x4b: {  	_ =	shalt  }
0x4c: {  	_ =	shalt  }
0x4d: {  	_ =	shalt  }
0x4e: {  	_ =	shalt  }
0x4f: {  	_ =	shalt  }
0x50: {  	_ =	shalt  }
0x51: {  	_ =	shalt  }
0x52: {  	_ =	shalt  }
0x53: {  	_ =	shalt  }
0x54: {  	_ =	shalt  }
0x55: {  	_ =	shalt  }
0x56: {  	_ =	shalt  }
0x57: {  	_ =	shalt  }
0x58: {  	_ =	shalt  }
0x59: {  	_ =	shalt  }
0x5a: {  	_ =	shalt  }
0x5b: {  	_ =	shalt  }
0x5c: {  	_ =	shalt  }
0x5d: {  	_ =	shalt  }
0x5e: {  	_ =	shalt  }
0x5f: {  	_ =	shalt  }
0x60: {  	_ =	shalt  }
0x61: {  	_ =	shalt  }
0x62: {  	_ =	shalt  }
0x63: {  	_ =	shalt  }
0x64: {  	_ =	shalt  }
0x65: {  	_ =	shalt  }
0x66: {  	_ =	shalt  }
0x67: {  	_ =	shalt  }
0x68: {  	_ =	shalt  }
0x69: {  	_ =	shalt  }
0x6a: {  	_ =	shalt  }
0x6b: {  	_ =	shalt  }
0x6c: {  	_ =	shalt  }
0x6d: {  	_ =	shalt  }
0x6e: {  	_ =	shalt  }
0x6f: {  	_ =	shalt  }
0x70: {  	_ =	shalt  }
0x71: {  	_ =	shalt  }
0x72: {  	_ =	shalt  }
0x73: {  	_ =	shalt  }
0x74: {  	_ =	shalt  }
0x75: {  	_ =	shalt  }
0x76: {  	_ =	shalt  }
0x77: {  	_ =	shalt  }
0x78: {  	_ =	shalt  }
0x79: {  	_ =	shalt  }
0x7a: {  	_ =	shalt  }
0x7b: {  	_ =	shalt  }
0x7c: {  	_ =	shalt  }
0x7d: {  	_ =	shalt  }
0x7e: {  	_ =	shalt  }
0x7f: {  	_ =	shalt  }
0x80: {  	_ =	shalt  }
0x81: {  	_ =	shalt  }
0x82: {  	_ =	shalt  }
0x83: {  	_ =	shalt  }
0x84: {  	_ =	shalt  }
0x85: {  	_ =	shalt  }
0x86: {  	_ =	shalt  }
0x87: {  	_ =	shalt  }
.Lfunc_end0:
.L_simem_size_0:
called_computation_lowered:
.L_overlay_start_0:
0x88: {  	s2 =	sld [smem:$0x3FD9]  }
0x89: {  	s3 =	sld [smem:$0x3FFE];
	_ =	sdelay $0x1  }
0x8a: {  	s1 =	srdreg.scid  }
0x8b: {  	s0 =	sand.u32 $0x1, s1  }
0x8c: {  	s15 =	sshll.u32 s0, $0xA;
	s2 =	sadd.s32 s3, s2  }
0x8d: {  	s2 =	sadd.s32 s2, s15  }
0x8e: {  	[smem:$0x3FB4] =	sst s2  }
0x8f: {  	_ = 	snop  }
0x90: {  	s2 =	sld [smem:$0x3FD0];
	_ =	sdelay $0x2  }
0x91: {  	s16 =	simm.s32 $0xB;
	s4 =	simm.s32 $0x10  }
0x92: {  	[smem:s4], [sflag:s16] =	dma.local [hbm:s2], $0x1  }
0x93: {  	_ =	swait.eq [sflag:s16], $0x1  }
0x94: {  	[sflag:s16] =	ssyncset.done $0x0  }
0x95: {  	[sflag:s16] =	ssyncadd.s32 $0xFFFFFFFF  }
0x96: {  	s17 =	sld [smem:$0x10];
	(tm) =	ssettm $0x1  }
0x97: {  	s18 =	sld [smem:$0x3FFB];
	_ =	sdelay $0x3  }
0x98: {  	_ =	strace s18  }
0x99: {  	s2 =	sld [smem:$0x3FFC];
	_ =	sdelay $0x3  }
0x9a: {  	_ =	strace s2  }
0x9b: {  	s2 =	sld [smem:$0x3FFD];
	_ =	sdelay $0x3  }
0x9c: {  	_ =	strace s2  }
0x9d: {  	_ =	strace $0x8FFFFFFF  }
0x9e: {  	s19 =	sld [smem:$0x3FDB];
	_ =	sdelay $0x1  }
0x9f: {  	s20 =	simm.s32 $_scs_section_size  }
0xa0: {  	s5 =	simm.s32 $_size__tile_overlayer_lowered;
	s6 =	simm.s32 $_tile_overlayer_lowered  }
0xa1: {  	s7 =	simm.s32 $0x1BFF;
	s21 =	sshll.u32 s6, $0x1;
	s4 =	sadd.s32 s20, s19  }
0xa2: {  	s22 =	simm.s32 $0x0;
	s5 =	sshll.u32 s5, $0x1;
	s6 =	sadd.s32 s21, s4  }
0xa3: {  	[timem:s22], [sflag:s7] =	dma.local [hbm:s6], s5  }
0xa4: {  	_ =	swait.ge [sflag:s7], s5  }
0xa5: {  	s5 =	ssub.s32 $0x0, s5;
	[sflag:s7] =	ssyncset.done $0x0  }
0xa6: {  	[sflag:s7] =	ssyncadd.s32 s5;
	_ =	sdelay $0x1  }
0xa7: {  	s23 =	simm.s32 $0x1B8B  }
0xa8: {  	_ =	swait.ge [sflag:s23], $0x1  }
0xa9: {  	[sflag:s23] =	ssyncset.done $0x0  }
0xaa: {  	[sflag:s23] =	ssyncadd.s32 $0xFFFFFFFF  }
0xab: {  	s5 =	sld [smem:$0x0]  }
0xac: {  	s6 =	sand.u32 $0xFFFFFFFE, s1  }
0xad: {  	p0 =	sne.s32 s1, s6  }
0xae: {  	s6 =	sshll.u32 @p0 s6, $0xE  }
0xaf: {  	s6 =	sadd.s32 @p0 $0x11B8D, s6;
	s7 =	sshll.u32 @p0 s5, $0x11  }
0xb0: {  	s6 =	sor.u32 @p0 s7, s6  }
0xb1: {  	[sflag:s6] =	ssyncadd.remote.s32 @p0 $0x1;
	_ =	sdelay $0x1  }
0xb2: {  	s6 =	simm.s32 @p0 $0x1B8D  }
0xb3: {  	_ =	swait.eq @p0 [sflag:s6], $0x1  }
0xb4: {  	[sflag:s6] =	ssyncadd.s32 @p0 $0xFFFFFFFF  }
0xb5: {  	s7 =	sshll.u32 @!p0 s1, $0xE  }
0xb6: {  	s7 =	sor.u32 @!p0 $0x4000, s7;
	s6 =	simm.s32 @!p0 $0x1B8D  }
0xb7: {  	s5 =	sshll.u32 @!p0 s5, $0x11;
	s7 =	sadd.s32 @!p0 $0x11B8D, s7;
	_ =	swait.eq @!p0 [sflag:s6], $0x1  }
0xb8: {  	s5 =	sor.u32 @!p0 s5, s7;
	[sflag:s6] =	ssyncadd.s32 @!p0 $0xFFFFFFFF  }
0xb9: {  	s25 =	simm.s32 $0x1B8E;
	s24 =	sld [smem:$0x3FFE];
	[sflag:s5] =	ssyncadd.remote.s32 @!p0 $0x1  }
0xba: {  	s26 =	simm.s32 $execute0_lowered;
	[smem:$0x3FD2] =	sst s25  }
0xbb: {  	s6 =	sshll.u32 s26, $0x1;
	_ =	strace $0x80000049;
	[dreg:$0x1] =	wrdreg $0xFFFFFFFF  }
0xbc: {  	s28 =	simm.s32 $_size_execute0_lowered;
	s4 =	sadd.s32 s4, s6;
	[dreg:$0x0] =	wrdreg $0x0  }
0xbd: {  	s6 =	sshll.u32 s28, $0x1;
	[dreg:$0x2] =	wrdreg s4  }
0xbe: {  	[dreg:$0x3] =	wrdreg s6  }
0xbf: {  	[dreg:$0x4] =	wrdreg $0xC0  }
0xc0: {  	_ =	task [dreg:s22], $0x5FFFF  }
0xc1: {  	[dreg:$0x1] =	wrdreg $0xFFFFFFFF  }
0xc2: {  	[dreg:$0x0] =	wrdreg $0x60  }
0xc3: {  	[dreg:$0x2] =	wrdreg s17  }
0xc4: {  	[dreg:$0x3] =	wrdreg s24  }
0xc5: {  	[dreg:$0x4] =	wrdreg $0x0  }
0xc6: {  	[dreg:$0x5] =	wrdreg $0x9  }
0xc7: {  	_ =	task.clear_ibuf [dreg:s22], $0x6FFFF;
	_ =	strace $0x90000049  }
0xc8: {  	s29 =	simm.s32 $0x9;
	_ =	strace $0x8000004B  }
0xc9: {  	_ =	swait.ge [sflag:s29], $0x1  }
0xca: {  	[sflag:s29] =	ssyncadd.s32 $0xFFFFFFFF  }
0xcb: {  	_ =	strace $0x9000004B  }
0xcc: {  	_ =	sfence  }
0xcd: {  	s30 =	sld [smem:$0x0];
	_ =	sdelay $0x2  }
0xce: {  	s31 =	sshll.u32 s1, $0xD;
	s1 =	sshrl.u32 s1, $0x2  }
0xcf: {  	s4 =	sand.u32 $0x4000, s31;
	s1 =	sadd.s32 s1, s30  }
0xd0: {  	s0 =	sor.u32 s4, s0;
	s1 =	sshll.u32 s1, $0x11  }
0xd1: {  	s0 =	sor.u32 s1, s0  }
0xd2: {  	s0 =	sadd.s32 $0x8F2B, s0  }
0xd3: {  	[sflag:s0] =	ssyncadd.remote.s32 $0x1  }
0xd4: {  	_ =	sfence.sel $0xFFFF  }
0xd5: {  	[dreg:$0x0] =	wrdreg $0xFFFFFFFF;
	(pc) =	sbr.abs _section_cstart, $3  }
0xd6: {  	[dreg:$0x1] =	wrdreg $0xFFFFFFFF  }
0xd7: {  	_ =	task.clear_ibuf [dreg:s22], $0x2FFFF;
	_ =	strace $0x9FFFFFFF  }
0xd8: {  	(tm) =	ssettm $0x7FFFFFFF  }
0xd9: {  	_ =	shalt  }
tec
execute0_lowered:
.L_overlay_start_1:
0x0: {  	(tag) =	ssettag $0x1  }
0x1: {  	s0 =	rddreg [dreg:$0x0]  }
0x2: {  	s1 =	rddreg [dreg:$0x1]  }
0x3: {  	s2 =	rddreg [dreg:$0x2]  }
0x4: {  	s9 =	stileid.u32;
	s4 =	simm.s32 $0x0;
	s5 =	srdreg.scid  }
0x5: {  	s10 =	simm.s32 $0x15400;
	s11 =	simm.s32 $0x2;
	s14 =	simm.s32 $0x14000  }
0x6: {  	s15 =	simm.s32 $0x7D;
	s23 =	simm.s32 $0x1;
	s3 =	smul.u32 $0xA00, s9  }
0x7: {  	[smem:$0x7FF] =	sst s4;
	s6 =	smul.u32 $0x2800, s9;
	s8 =	sadd.s32 $0x181200, s1  }
0x8: {  	s28 =	sadd.s32 $0x1A9A00, s1;
	_ =	strace $0x8000004A;
	[dreg:$0x7] =	wrdreg s8  }
0x9: {  	s5 =	sand.u32 $0x1, s5;
	s7 =	smul.u32 $0x50000, s9;
	[dreg:$0x8] =	wrdreg s28  }
0xa: {  	s29 =	ssub.s32 $0x2, s5;
	s26 =	sadd.s32 s3, s1;
	[dreg:$0x6] =	wrdreg s6  }
0xb: {  	s6 =	sadd.s32 s6, s1;
	s1 =	sadd.s32 $0x181A00, s1;
	s30 =	sshrl.u32 s29, $0x1  }
0xc: {  	s7 =	sshrl.u32 s7, $0x2;
	s0 =	sadd.s32 s3, s0;
	[dreg:$0x9] =	wrdreg s1  }
0xd: {  	s1 =	ssub.s32 s29, s30;
	s6 =	sadd.s32 $0xB9200, s6;
	[dreg:$0x5] =	wrdreg s0  }
.Ltmp0:
0xe: {  	s4 =	sadd.s32 $0x8A00, s26;
	[dreg:$0xa] =	wrdreg s6;
	(pc) =	sbr.rel .LBB2_1-.Ltmp0, $4  }
0xf: {  	s7 =	sadd.s32 s7, s2;
	[dreg:$0x4] =	wrdreg s4;
	s1 =	smax.u32 s1, $0x1  }
0x10: {  	s31 =	sshll.u32 s9, $0x6;
	s6 =	sshrl.u32 s7, $0x3;
	[dreg:$0xb] =	wrdreg s1  }
0x11: {  	p0 =	sne.s32 s5, $0x0;
	s1 =	sor.u32 $0x1C02, s31;
	[dreg:$0xd] =	wrdreg s6  }
0x12: {  	s3 =	simm.s32 $0x0;
	s7 =	simm.s32 $0x0;
	[dreg:$0xc] =	wrdreg s1  }
.LBB2_7:
0x13: {  	s0 =	sadd.s32 s0, s6;
	[sflag:s23] =	ssyncadd.s32 $0xFFFFC180  }
0x14: {  	[tilespmem:s14], [sflag:$0x2] =	stream.linear.gather [hbm4b:s0+s7], $0x1400, $0x38;
	[tilespmem:$0x19400] =	vst v63  }
0x15: {  	_ =	swait.ge [sflag:s11], $0x1400  }
0x16: {  	[sflag:s11] =	ssyncset.done $0x0  }
0x17: {  	[sflag:s11] =	ssyncadd.s32 $0xFFFFEC00  }
0x18: {  	[spmem:s2] =	stream.indirect.scatter.add.f32 [tilespmem:s10], [sflag:$0x1], $0x80, s14, s15, $0xb8;
	[tilespmem:$0x19400] =	vst v63  }
0x19: {  	_ = 	snop  }
0x1a: {  	[spmem:s2] =	stream.indirect.scatter.add.f32 [tilespmem:s10], [sflag:$0x1], $0x80, s5, s15, $0xb8;
	[tilespmem:$0x19400] =	vst v63  }
0x1b: {  	_ = 	snop  }
0x1c: {  	[spmem:s2] =	stream.indirect.scatter.add.f32 [tilespmem:s10], [sflag:$0x1], $0x80, s8, s15, $0xb8;
	[tilespmem:$0x19400] =	vst v63  }
0x1d: {  	_ = 	snop  }
0x1e: {  	[spmem:s2] =	stream.indirect.scatter.add.f32 [tilespmem:s10], [sflag:$0x1], $0x80, s9, s15, $0xb8;
	[tilespmem:$0x19400] =	vst v63  }
0x1f: {  	_ = 	snop  }
0x20: {  	[spmem:s2] =	stream.indirect.scatter.add.f32 [tilespmem:s10], [sflag:$0x1], $0x80, s4, s15, $0xb8;
	[tilespmem:$0x19400] =	vst v63  }
0x21: {  	_ = 	snop  }
0x22: {  	[spmem:s2] =	stream.indirect.scatter.add.f32 [tilespmem:s10], [sflag:$0x1], $0x80, s12, s15, $0xb8;
	[tilespmem:$0x19400] =	vst v63  }
0x23: {  	_ = 	snop  }
0x24: {  	[spmem:s2] =	stream.indirect.scatter.add.f32 [tilespmem:s10], [sflag:$0x1], $0x80, s13, s15, $0xb8;
	[tilespmem:$0x19400] =	vst v63  }
0x25: {  	_ = 	snop  }
0x26: {  	[spmem:s2] =	stream.indirect.scatter.add.f32 [tilespmem:s10], [sflag:$0x1], $0x80, s3, s15, $0xb8;
	[tilespmem:$0x19400] =	vst v63  }
0x27: {  	_ =	swait.ge [sflag:s23], $0x3E80  }
0x28: {  	[sflag:s23] =	ssyncset.done $0x0  }
0x29: {  	[sflag:s23] =	ssyncadd.s32 $0xFFFFC180  }
0x2a: {  	_ =	swait.ge [sflag:s23], $0x3E80  }
0x2b: {  	[sflag:s23] =	ssyncset.done $0x0  }
0x2c: {  	[sflag:s23] =	ssyncadd.s32 $0xFFFFC180  }
0x2d: {  	_ =	swait.ge [sflag:s23], $0x3E80  }
0x2e: {  	[sflag:s23] =	ssyncset.done $0x0  }
0x2f: {  	[sflag:s23] =	ssyncadd.s32 $0xFFFFC180  }
0x30: {  	_ =	swait.ge [sflag:s23], $0x3E80  }
0x31: {  	[sflag:s23] =	ssyncset.done $0x0  }
0x32: {  	[sflag:s23] =	ssyncadd.s32 $0xFFFFC180  }
0x33: {  	_ =	swait.ge [sflag:s23], $0x3E80  }
0x34: {  	[sflag:s23] =	ssyncset.done $0x0  }
0x35: {  	[sflag:s23] =	ssyncadd.s32 $0xFFFFC180  }
0x36: {  	_ =	swait.ge [sflag:s23], $0x3E80  }
0x37: {  	[sflag:s23] =	ssyncset.done $0x0  }
0x38: {  	[sflag:s23] =	ssyncadd.s32 $0xFFFFC180  }
0x39: {  	_ =	swait.ge [sflag:s23], $0x3E80  }
0x3a: {  	[sflag:s23] =	ssyncset.done $0x0  }
0x3b: {  	[sflag:s23] =	ssyncadd.s32 $0xFFFFC180  }
0x3c: {  	_ =	swait.ge [sflag:s23], $0x3E80  }
0x3d: {  	[sflag:s23] =	ssyncset.done $0x0  }
0x3e: {  	[sflag:s23] =	ssyncadd.s32 $0xFFFFC180  }
0x3f: {  	[spmem:s2] =	stream.indirect.scatter.add.f32 [tilespmem:s10], [sflag:$0x1], $0x80, s16, s15, $0xb8;
	[tilespmem:$0x19400] =	vst v63  }
0x40: {  	_ = 	snop  }
0x41: {  	[spmem:s2] =	stream.indirect.scatter.add.f32 [tilespmem:s10], [sflag:$0x1], $0x80, s17, s15, $0xb8;
	[tilespmem:$0x19400] =	vst v63  }
0x42: {  	_ = 	snop  }
0x43: {  	[spmem:s2] =	stream.indirect.scatter.add.f32 [tilespmem:s10], [sflag:$0x1], $0x80, s18, s15, $0xb8;
	[tilespmem:$0x19400] =	vst v63  }
0x44: {  	_ = 	snop  }
0x45: {  	[spmem:s2] =	stream.indirect.scatter.add.f32 [tilespmem:s10], [sflag:$0x1], $0x80, s19, s15, $0xb8;
	[tilespmem:$0x19400] =	vst v63  }
0x46: {  	_ = 	snop  }
0x47: {  	[spmem:s2] =	stream.indirect.scatter.add.f32 [tilespmem:s10], [sflag:$0x1], $0x80, s20, s15, $0xb8;
	[tilespmem:$0x19400] =	vst v63  }
0x48: {  	_ = 	snop  }
0x49: {  	[spmem:s2] =	stream.indirect.scatter.add.f32 [tilespmem:s10], [sflag:$0x1], $0x80, s21, s15, $0xb8;
	[tilespmem:$0x19400] =	vst v63  }
0x4a: {  	_ = 	snop  }
0x4b: {  	[spmem:s2] =	stream.indirect.scatter.add.f32 [tilespmem:s10], [sflag:$0x1], $0x80, s22, s15, $0xb8;
	[tilespmem:$0x19400] =	vst v63  }
0x4c: {  	_ = 	snop  }
0x4d: {  	[spmem:s2] =	stream.indirect.scatter.add.f32 [tilespmem:s10], [sflag:$0x1], $0x80, s24, s15, $0xb8;
	[tilespmem:$0x19400] =	vst v63  }
0x4e: {  	_ =	swait.ge [sflag:s23], $0x3E80  }
0x4f: {  	[sflag:s23] =	ssyncset.done $0x0  }
0x50: {  	[sflag:s23] =	ssyncadd.s32 $0xFFFFC180  }
0x51: {  	_ =	swait.ge [sflag:s23], $0x3E80  }
0x52: {  	[sflag:s23] =	ssyncset.done $0x0  }
0x53: {  	[sflag:s23] =	ssyncadd.s32 $0xFFFFC180  }
0x54: {  	_ =	swait.ge [sflag:s23], $0x3E80  }
0x55: {  	[sflag:s23] =	ssyncset.done $0x0  }
0x56: {  	[sflag:s23] =	ssyncadd.s32 $0xFFFFC180  }
0x57: {  	_ =	swait.ge [sflag:s23], $0x3E80  }
0x58: {  	[sflag:s23] =	ssyncset.done $0x0  }
0x59: {  	[sflag:s23] =	ssyncadd.s32 $0xFFFFC180  }
0x5a: {  	_ =	swait.ge [sflag:s23], $0x3E80  }
0x5b: {  	[sflag:s23] =	ssyncset.done $0x0  }
0x5c: {  	[sflag:s23] =	ssyncadd.s32 $0xFFFFC180  }
0x5d: {  	_ =	swait.ge [sflag:s23], $0x3E80  }
0x5e: {  	[sflag:s23] =	ssyncset.done $0x0  }
0x5f: {  	[sflag:s23] =	ssyncadd.s32 $0xFFFFC180  }
0x60: {  	_ =	swait.ge [sflag:s23], $0x3E80  }
0x61: {  	[sflag:s23] =	ssyncset.done $0x0  }
0x62: {  	[sflag:s23] =	ssyncadd.s32 $0xFFFFC180  }
0x63: {  	_ =	swait.ge [sflag:s23], $0x3E80  }
0x64: {  	[sflag:s23] =	ssyncset.done $0x0  }
0x65: {  	[sflag:s23] =	ssyncadd.s32 $0xFFFFC180  }
0x66: {  	[spmem:s2] =	stream.indirect.scatter.add.f32 [tilespmem:s10], [sflag:$0x1], $0x80, s25, s15, $0xb8;
	[tilespmem:$0x19400] =	vst v63  }
0x67: {  	_ = 	snop  }
0x68: {  	[spmem:s2] =	stream.indirect.scatter.add.f32 [tilespmem:s10], [sflag:$0x1], $0x80, s26, s15, $0xb8;
	[tilespmem:$0x19400] =	vst v63  }
0x69: {  	_ = 	snop  }
0x6a: {  	[spmem:s2] =	stream.indirect.scatter.add.f32 [tilespmem:s10], [sflag:$0x1], $0x80, s28, s15, $0xb8;
	[tilespmem:$0x19400] =	vst v63  }
0x6b: {  	_ = 	snop  }
0x6c: {  	[spmem:s2] =	stream.indirect.scatter.add.f32 [tilespmem:s10], [sflag:$0x1], $0x80, s29, s15, $0xb8;
	[tilespmem:$0x19400] =	vst v63  }
0x6d: {  	_ = 	snop  }
0x6e: {  	[spmem:s2] =	stream.indirect.scatter.add.f32 [tilespmem:s10], [sflag:$0x1], $0x80, s30, s15, $0xb8;
	[tilespmem:$0x19400] =	vst v63  }
0x6f: {  	_ = 	snop  }
0x70: {  	[spmem:s2] =	stream.indirect.scatter.add.f32 [tilespmem:s10], [sflag:$0x1], $0x80, s31, s15, $0xb8;
	[tilespmem:$0x19400] =	vst v63  }
0x71: {  	s8 =	simm.s32 $0x14B00  }
0x72: {  	[spmem:s2] =	stream.indirect.scatter.add.f32 [tilespmem:s10], [sflag:$0x1], $0x80, s8, s15, $0xb8;
	[tilespmem:$0x19400] =	vst v63  }
0x73: {  	s9 =	simm.s32 $0x14B80  }
0x74: {  	[spmem:s2] =	stream.indirect.scatter.add.f32 [tilespmem:s10], [sflag:$0x1], $0x80, s9, s15, $0xb8;
	[tilespmem:$0x19400] =	vst v63  }
0x75: {  	_ =	swait.ge [sflag:s23], $0x3E80  }
0x76: {  	[sflag:s23] =	ssyncset.done $0x0  }
0x77: {  	[sflag:s23] =	ssyncadd.s32 $0xFFFFC180  }
0x78: {  	_ =	swait.ge [sflag:s23], $0x3E80  }
0x79: {  	[sflag:s23] =	ssyncset.done $0x0  }
0x7a: {  	[sflag:s23] =	ssyncadd.s32 $0xFFFFC180  }
0x7b: {  	_ =	swait.ge [sflag:s23], $0x3E80  }
0x7c: {  	[sflag:s23] =	ssyncset.done $0x0  }
0x7d: {  	[sflag:s23] =	ssyncadd.s32 $0xFFFFC180  }
0x7e: {  	_ =	swait.ge [sflag:s23], $0x3E80  }
0x7f: {  	[sflag:s23] =	ssyncset.done $0x0  }
0x80: {  	[sflag:s23] =	ssyncadd.s32 $0xFFFFC180  }
0x81: {  	_ =	swait.ge [sflag:s23], $0x3E80  }
0x82: {  	[sflag:s23] =	ssyncset.done $0x0  }
0x83: {  	[sflag:s23] =	ssyncadd.s32 $0xFFFFC180  }
0x84: {  	_ =	swait.ge [sflag:s23], $0x3E80  }
0x85: {  	[sflag:s23] =	ssyncset.done $0x0  }
0x86: {  	[sflag:s23] =	ssyncadd.s32 $0xFFFFC180  }
0x87: {  	_ =	swait.ge [sflag:s23], $0x3E80  }
0x88: {  	[sflag:s23] =	ssyncset.done $0x0  }
0x89: {  	[sflag:s23] =	ssyncadd.s32 $0xFFFFC180  }
0x8a: {  	_ =	swait.ge [sflag:s23], $0x3E80  }
0x8b: {  	[sflag:s23] =	ssyncset.done $0x0  }
0x8c: {  	s12 =	simm.s32 $0x14C00;
	[sflag:s23] =	ssyncadd.s32 $0xFFFFC180  }
0x8d: {  	[spmem:s2] =	stream.indirect.scatter.add.f32 [tilespmem:s10], [sflag:$0x1], $0x80, s12, s15, $0xb8;
	[tilespmem:$0x19400] =	vst v63  }
0x8e: {  	s13 =	simm.s32 $0x14C80  }
0x8f: {  	[spmem:s2] =	stream.indirect.scatter.add.f32 [tilespmem:s10], [sflag:$0x1], $0x80, s13, s15, $0xb8;
	[tilespmem:$0x19400] =	vst v63  }
0x90: {  	s16 =	simm.s32 $0x14D00  }
0x91: {  	[spmem:s2] =	stream.indirect.scatter.add.f32 [tilespmem:s10], [sflag:$0x1], $0x80, s16, s15, $0xb8;
	[tilespmem:$0x19400] =	vst v63  }
0x92: {  	s17 =	simm.s32 $0x14D80  }
0x93: {  	[spmem:s2] =	stream.indirect.scatter.add.f32 [tilespmem:s10], [sflag:$0x1], $0x80, s17, s15, $0xb8;
	[tilespmem:$0x19400] =	vst v63  }
0x94: {  	s18 =	simm.s32 $0x14E00  }
0x95: {  	[spmem:s2] =	stream.indirect.scatter.add.f32 [tilespmem:s10], [sflag:$0x1], $0x80, s18, s15, $0xb8;
	[tilespmem:$0x19400] =	vst v63  }
0x96: {  	s19 =	simm.s32 $0x14E80  }
0x97: {  	[spmem:s2] =	stream.indirect.scatter.add.f32 [tilespmem:s10], [sflag:$0x1], $0x80, s19, s15, $0xb8;
	[tilespmem:$0x19400] =	vst v63  }
0x98: {  	s20 =	simm.s32 $0x14F00  }
0x99: {  	[spmem:s2] =	stream.indirect.scatter.add.f32 [tilespmem:s10], [sflag:$0x1], $0x80, s20, s15, $0xb8;
	[tilespmem:$0x19400] =	vst v63  }
0x9a: {  	s21 =	simm.s32 $0x14F80  }
0x9b: {  	[spmem:s2] =	stream.indirect.scatter.add.f32 [tilespmem:s10], [sflag:$0x1], $0x80, s21, s15, $0xb8;
	[tilespmem:$0x19400] =	vst v63  }
0x9c: {  	_ =	swait.ge [sflag:s23], $0x3E80  }
0x9d: {  	[sflag:s23] =	ssyncset.done $0x0  }
0x9e: {  	[sflag:s23] =	ssyncadd.s32 $0xFFFFC180  }
0x9f: {  	_ =	swait.ge [sflag:s23], $0x3E80  }
0xa0: {  	[sflag:s23] =	ssyncset.done $0x0  }
0xa1: {  	[sflag:s23] =	ssyncadd.s32 $0xFFFFC180  }
0xa2: {  	_ =	swait.ge [sflag:s23], $0x3E80  }
0xa3: {  	[sflag:s23] =	ssyncset.done $0x0  }
0xa4: {  	[sflag:s23] =	ssyncadd.s32 $0xFFFFC180  }
0xa5: {  	_ =	swait.ge [sflag:s23], $0x3E80  }
0xa6: {  	[sflag:s23] =	ssyncset.done $0x0  }
0xa7: {  	[sflag:s23] =	ssyncadd.s32 $0xFFFFC180  }
0xa8: {  	_ =	swait.ge [sflag:s23], $0x3E80  }
0xa9: {  	[sflag:s23] =	ssyncset.done $0x0  }
0xaa: {  	[sflag:s23] =	ssyncadd.s32 $0xFFFFC180  }
0xab: {  	_ =	swait.ge [sflag:s23], $0x3E80  }
0xac: {  	[sflag:s23] =	ssyncset.done $0x0  }
0xad: {  	[sflag:s23] =	ssyncadd.s32 $0xFFFFC180  }
0xae: {  	_ =	swait.ge [sflag:s23], $0x3E80  }
0xaf: {  	[sflag:s23] =	ssyncset.done $0x0  }
0xb0: {  	[sflag:s23] =	ssyncadd.s32 $0xFFFFC180  }
0xb1: {  	_ =	swait.ge [sflag:s23], $0x3E80  }
0xb2: {  	[sflag:s23] =	ssyncset.done $0x0  }
0xb3: {  	s22 =	simm.s32 $0x15000;
	[sflag:s23] =	ssyncadd.s32 $0xFFFFC180  }
0xb4: {  	[spmem:s2] =	stream.indirect.scatter.add.f32 [tilespmem:s10], [sflag:$0x1], $0x80, s22, s15, $0xb8;
	[tilespmem:$0x19400] =	vst v63  }
0xb5: {  	s24 =	simm.s32 $0x15080  }
0xb6: {  	[spmem:s2] =	stream.indirect.scatter.add.f32 [tilespmem:s10], [sflag:$0x1], $0x80, s24, s15, $0xb8;
	[tilespmem:$0x19400] =	vst v63  }
0xb7: {  	s25 =	simm.s32 $0x15100  }
0xb8: {  	[spmem:s2] =	stream.indirect.scatter.add.f32 [tilespmem:s10], [sflag:$0x1], $0x80, s25, s15, $0xb8;
	[tilespmem:$0x19400] =	vst v63  }
0xb9: {  	s26 =	simm.s32 $0x15180  }
0xba: {  	[spmem:s2] =	stream.indirect.scatter.add.f32 [tilespmem:s10], [sflag:$0x1], $0x80, s26, s15, $0xb8;
	[tilespmem:$0x19400] =	vst v63  }
0xbb: {  	s28 =	simm.s32 $0x15200  }
0xbc: {  	[spmem:s2] =	stream.indirect.scatter.add.f32 [tilespmem:s10], [sflag:$0x1], $0x80, s28, s15, $0xb8;
	[tilespmem:$0x19400] =	vst v63  }
0xbd: {  	s29 =	simm.s32 $0x15280  }
0xbe: {  	[spmem:s2] =	stream.indirect.scatter.add.f32 [tilespmem:s10], [sflag:$0x1], $0x80, s29, s15, $0xb8;
	[tilespmem:$0x19400] =	vst v63  }
0xbf: {  	s30 =	simm.s32 $0x15300  }
0xc0: {  	[spmem:s2] =	stream.indirect.scatter.add.f32 [tilespmem:s10], [sflag:$0x1], $0x80, s30, s15, $0xb8;
	[tilespmem:$0x19400] =	vst v63  }
0xc1: {  	s31 =	simm.s32 $0x15380  }
0xc2: {  	[spmem:s2] =	stream.indirect.scatter.add.f32 [tilespmem:s10], [sflag:$0x1], $0x80, s31, s15, $0xb8;
	[tilespmem:$0x19400] =	vst v63  }
0xc3: {  	_ =	swait.ge [sflag:s23], $0x3E80  }
0xc4: {  	[sflag:s23] =	ssyncset.done $0x0  }
0xc5: {  	[sflag:s23] =	ssyncadd.s32 $0xFFFFC180  }
0xc6: {  	_ =	swait.ge [sflag:s23], $0x3E80  }
0xc7: {  	[sflag:s23] =	ssyncset.done $0x0  }
0xc8: {  	[sflag:s23] =	ssyncadd.s32 $0xFFFFC180  }
0xc9: {  	_ =	swait.ge [sflag:s23], $0x3E80  }
0xca: {  	[sflag:s23] =	ssyncset.done $0x0  }
0xcb: {  	[sflag:s23] =	ssyncadd.s32 $0xFFFFC180  }
0xcc: {  	_ =	swait.ge [sflag:s23], $0x3E80  }
0xcd: {  	[sflag:s23] =	ssyncset.done $0x0  }
0xce: {  	[sflag:s23] =	ssyncadd.s32 $0xFFFFC180  }
0xcf: {  	_ =	swait.ge [sflag:s23], $0x3E80  }
0xd0: {  	[sflag:s23] =	ssyncset.done $0x0  }
0xd1: {  	[sflag:s23] =	ssyncadd.s32 $0xFFFFC180  }
0xd2: {  	_ =	swait.ge [sflag:s23], $0x3E80  }
0xd3: {  	[sflag:s23] =	ssyncset.done $0x0  }
0xd4: {  	[sflag:s23] =	ssyncadd.s32 $0xFFFFC180  }
0xd5: {  	_ =	swait.ge [sflag:s23], $0x3E80  }
0xd6: {  	[sflag:s23] =	ssyncset.done $0x0  }
0xd7: {  	[sflag:s23] =	ssyncadd.s32 $0xFFFFC180  }
0xd8: {  	_ =	swait.ge [sflag:s23], $0x3E80  }
0xd9: {  	[sflag:s23] =	ssyncset.done $0x0;
	s0 =	rddreg [dreg:$0x9]  }
0xda: {  	s3 =	rddreg [dreg:$0xe];
	[sflag:s23] =	ssyncadd.s32 $0xFFFFC180  }
.LBB2_8:
0xdb: {  	s1 =	rddreg [dreg:$0x6];
	[bflag:$0x0] =	sbarrier.arrive $0xFFFF  }
0xdc: {  	s0 =	sadd.s32 s0, s1;
	s1 =	rddreg [dreg:$0xc]  }
0xdd: {  	s6 =	rddreg [dreg:$0xd]  }
0xde: {  	[hbm:s0], [sflag:s1] =	dma.local [spmem:s6], $0x2800  }
0xdf: {  	_ =	swait.ge [sflag:s11], $0x2800  }
0xe0: {  	s3 =	sadd.s32 $0x1, s3;
	s31 =	rddreg [dreg:$0xb]  }
0xe1: {  	p1 =	sne.s32 s3, s31  }
.Ltmp1:
0xe2: {  	_ = 	snop;
	(pc) =	sbr.rel @!p1 .LBB2_9-.Ltmp1, $3  }
0xe3: {  	_ =	sdelay $0x1  }
0xe4: {  	[sflag:s11] =	ssyncset.done $0x0  }
0xe5: {  	[sflag:s11] =	ssyncadd.s32 $0xFFFFD800  }
.LBB2_1:
0xe6: {  	[dreg:$0xe] =	wrdreg s3  }
0xe7: {  	s0 =	rddreg [dreg:$0x7]  }
0xe8: {  	[tilespmem:s10], [sflag:$0x2] =	stream.linear.gather [hbm4b:s0+s7], $0x3E80, $0x38;
	[tilespmem:$0x19400] =	vst v63  }
0xe9: {  	_ =	swait.ge [sflag:s11], $0x3E80  }
0xea: {  	[sflag:s11] =	ssyncset.done $0x0  }
0xeb: {  	s31 =	rddreg [dreg:$0xa];
	[sflag:s11] =	ssyncadd.s32 $0xFFFFC180  }
0xec: {  	[spmem:s6], [sflag:s1] =	dma.local [hbm:s31], $0x2800  }
.Ltmp2:
0xed: {  	_ =	swait.ge [sflag:s11], $0x2800;
	(pc) =	sbr.rel @p0 .LBB2_5-.Ltmp2, $3  }
0xee: {  	[sflag:s11] =	ssyncset.done $0x0  }
0xef: {  	[sflag:s11] =	ssyncadd.s32 $0xFFFFD800  }
0xf0: {  	[bflag:$0x0] =	sbarrier.arrive $0xFFFF;
	_ =	sdelay $0x1  }
0xf1: {  	s0 =	rddreg [dreg:$0x5]  }
0xf2: {  	s0 =	sadd.s32 $0x0, s0  }
0xf3: {  	[tilespmem:s14], [sflag:$0x2] =	stream.linear.gather [hbm4b:s0+s7], $0x1400, $0x38;
	[tilespmem:$0x19400] =	vst v63  }
0xf4: {  	_ =	swait.ge [sflag:s11], $0x1400  }
0xf5: {  	[sflag:s11] =	ssyncset.done $0x0  }
0xf6: {  	[sflag:s11] =	ssyncadd.s32 $0xFFFFEC00  }
0xf7: {  	[spmem:s2] =	stream.indirect.scatter.add.f32 [tilespmem:s10], [sflag:$0x1], $0x80, s14, s15, $0xb8;
	[tilespmem:$0x19400] =	vst v63  }
0xf8: {  	s5 =	simm.s32 $0x14080  }
0xf9: {  	[spmem:s2] =	stream.indirect.scatter.add.f32 [tilespmem:s10], [sflag:$0x1], $0x80, s5, s15, $0xb8;
	[tilespmem:$0x19400] =	vst v63  }
0xfa: {  	s8 =	simm.s32 $0x14100  }
0xfb: {  	[spmem:s2] =	stream.indirect.scatter.add.f32 [tilespmem:s10], [sflag:$0x1], $0x80, s8, s15, $0xb8;
	[tilespmem:$0x19400] =	vst v63  }
0xfc: {  	s9 =	simm.s32 $0x14180  }
0xfd: {  	[spmem:s2] =	stream.indirect.scatter.add.f32 [tilespmem:s10], [sflag:$0x1], $0x80, s9, s15, $0xb8;
	[tilespmem:$0x19400] =	vst v63  }
0xfe: {  	s4 =	simm.s32 $0x14200  }
0xff: {  	[spmem:s2] =	stream.indirect.scatter.add.f32 [tilespmem:s10], [sflag:$0x1], $0x80, s4, s15, $0xb8;
	[tilespmem:$0x19400] =	vst v63  }
0x100: {  	s12 =	simm.s32 $0x14280  }
0x101: {  	[spmem:s2] =	stream.indirect.scatter.add.f32 [tilespmem:s10], [sflag:$0x1], $0x80, s12, s15, $0xb8;
	[tilespmem:$0x19400] =	vst v63  }
0x102: {  	s13 =	simm.s32 $0x14300  }
0x103: {  	[spmem:s2] =	stream.indirect.scatter.add.f32 [tilespmem:s10], [sflag:$0x1], $0x80, s13, s15, $0xb8;
	[tilespmem:$0x19400] =	vst v63  }
0x104: {  	s3 =	simm.s32 $0x14380  }
0x105: {  	[spmem:s2] =	stream.indirect.scatter.add.f32 [tilespmem:s10], [sflag:$0x1], $0x80, s3, s15, $0xb8;
	[tilespmem:$0x19400] =	vst v63  }
0x106: {  	_ =	swait.ge [sflag:s23], $0x3E80  }
0x107: {  	[sflag:s23] =	ssyncset.done $0x0  }
0x108: {  	[sflag:s23] =	ssyncadd.s32 $0xFFFFC180  }
0x109: {  	_ =	swait.ge [sflag:s23], $0x3E80  }
0x10a: {  	[sflag:s23] =	ssyncset.done $0x0  }
0x10b: {  	[sflag:s23] =	ssyncadd.s32 $0xFFFFC180  }
0x10c: {  	_ =	swait.ge [sflag:s23], $0x3E80  }
0x10d: {  	[sflag:s23] =	ssyncset.done $0x0  }
0x10e: {  	[sflag:s23] =	ssyncadd.s32 $0xFFFFC180  }
0x10f: {  	_ =	swait.ge [sflag:s23], $0x3E80  }
0x110: {  	[sflag:s23] =	ssyncset.done $0x0  }
0x111: {  	[sflag:s23] =	ssyncadd.s32 $0xFFFFC180  }
0x112: {  	_ =	swait.ge [sflag:s23], $0x3E80  }
0x113: {  	[sflag:s23] =	ssyncset.done $0x0  }
0x114: {  	[sflag:s23] =	ssyncadd.s32 $0xFFFFC180  }
0x115: {  	_ =	swait.ge [sflag:s23], $0x3E80  }
0x116: {  	[sflag:s23] =	ssyncset.done $0x0  }
0x117: {  	[sflag:s23] =	ssyncadd.s32 $0xFFFFC180  }
0x118: {  	_ =	swait.ge [sflag:s23], $0x3E80  }
0x119: {  	[sflag:s23] =	ssyncset.done $0x0  }
0x11a: {  	[sflag:s23] =	ssyncadd.s32 $0xFFFFC180  }
0x11b: {  	_ =	swait.ge [sflag:s23], $0x3E80  }
0x11c: {  	[sflag:s23] =	ssyncset.done $0x0  }
0x11d: {  	s16 =	simm.s32 $0x14400;
	[sflag:s23] =	ssyncadd.s32 $0xFFFFC180  }
0x11e: {  	[spmem:s2] =	stream.indirect.scatter.add.f32 [tilespmem:s10], [sflag:$0x1], $0x80, s16, s15, $0xb8;
	[tilespmem:$0x19400] =	vst v63  }
0x11f: {  	s17 =	simm.s32 $0x14480  }
0x120: {  	[spmem:s2] =	stream.indirect.scatter.add.f32 [tilespmem:s10], [sflag:$0x1], $0x80, s17, s15, $0xb8;
	[tilespmem:$0x19400] =	vst v63  }
0x121: {  	s18 =	simm.s32 $0x14500  }
0x122: {  	[spmem:s2] =	stream.indirect.scatter.add.f32 [tilespmem:s10], [sflag:$0x1], $0x80, s18, s15, $0xb8;
	[tilespmem:$0x19400] =	vst v63  }
0x123: {  	s19 =	simm.s32 $0x14580  }
0x124: {  	[spmem:s2] =	stream.indirect.scatter.add.f32 [tilespmem:s10], [sflag:$0x1], $0x80, s19, s15, $0xb8;
	[tilespmem:$0x19400] =	vst v63  }
0x125: {  	s20 =	simm.s32 $0x14600  }
0x126: {  	[spmem:s2] =	stream.indirect.scatter.add.f32 [tilespmem:s10], [sflag:$0x1], $0x80, s20, s15, $0xb8;
	[tilespmem:$0x19400] =	vst v63  }
0x127: {  	s21 =	simm.s32 $0x14680  }
0x128: {  	[spmem:s2] =	stream.indirect.scatter.add.f32 [tilespmem:s10], [sflag:$0x1], $0x80, s21, s15, $0xb8;
	[tilespmem:$0x19400] =	vst v63  }
0x129: {  	s22 =	simm.s32 $0x14700  }
0x12a: {  	[spmem:s2] =	stream.indirect.scatter.add.f32 [tilespmem:s10], [sflag:$0x1], $0x80, s22, s15, $0xb8;
	[tilespmem:$0x19400] =	vst v63  }
0x12b: {  	s24 =	simm.s32 $0x14780  }
0x12c: {  	[spmem:s2] =	stream.indirect.scatter.add.f32 [tilespmem:s10], [sflag:$0x1], $0x80, s24, s15, $0xb8;
	[tilespmem:$0x19400] =	vst v63  }
0x12d: {  	_ =	swait.ge [sflag:s23], $0x3E80  }
0x12e: {  	[sflag:s23] =	ssyncset.done $0x0  }
0x12f: {  	[sflag:s23] =	ssyncadd.s32 $0xFFFFC180  }
0x130: {  	_ =	swait.ge [sflag:s23], $0x3E80  }
0x131: {  	[sflag:s23] =	ssyncset.done $0x0  }
0x132: {  	[sflag:s23] =	ssyncadd.s32 $0xFFFFC180  }
0x133: {  	_ =	swait.ge [sflag:s23], $0x3E80  }
0x134: {  	[sflag:s23] =	ssyncset.done $0x0  }
0x135: {  	[sflag:s23] =	ssyncadd.s32 $0xFFFFC180  }
0x136: {  	_ =	swait.ge [sflag:s23], $0x3E80  }
0x137: {  	[sflag:s23] =	ssyncset.done $0x0  }
0x138: {  	[sflag:s23] =	ssyncadd.s32 $0xFFFFC180  }
0x139: {  	_ =	swait.ge [sflag:s23], $0x3E80  }
0x13a: {  	[sflag:s23] =	ssyncset.done $0x0  }
0x13b: {  	[sflag:s23] =	ssyncadd.s32 $0xFFFFC180  }
0x13c: {  	_ =	swait.ge [sflag:s23], $0x3E80  }
0x13d: {  	[sflag:s23] =	ssyncset.done $0x0  }
0x13e: {  	[sflag:s23] =	ssyncadd.s32 $0xFFFFC180  }
0x13f: {  	_ =	swait.ge [sflag:s23], $0x3E80  }
0x140: {  	[sflag:s23] =	ssyncset.done $0x0  }
0x141: {  	[sflag:s23] =	ssyncadd.s32 $0xFFFFC180  }
0x142: {  	_ =	swait.ge [sflag:s23], $0x3E80  }
0x143: {  	[sflag:s23] =	ssyncset.done $0x0  }
0x144: {  	s25 =	simm.s32 $0x14800;
	[sflag:s23] =	ssyncadd.s32 $0xFFFFC180  }
0x145: {  	[spmem:s2] =	stream.indirect.scatter.add.f32 [tilespmem:s10], [sflag:$0x1], $0x80, s25, s15, $0xb8;
	[tilespmem:$0x19400] =	vst v63  }
0x146: {  	s26 =	simm.s32 $0x14880  }
0x147: {  	[spmem:s2] =	stream.indirect.scatter.add.f32 [tilespmem:s10], [sflag:$0x1], $0x80, s26, s15, $0xb8;
	[tilespmem:$0x19400] =	vst v63  }
0x148: {  	s28 =	simm.s32 $0x14900  }
0x149: {  	[spmem:s2] =	stream.indirect.scatter.add.f32 [tilespmem:s10], [sflag:$0x1], $0x80, s28, s15, $0xb8;
	[tilespmem:$0x19400] =	vst v63  }
0x14a: {  	s29 =	simm.s32 $0x14980  }
0x14b: {  	[spmem:s2] =	stream.indirect.scatter.add.f32 [tilespmem:s10], [sflag:$0x1], $0x80, s29, s15, $0xb8;
	[tilespmem:$0x19400] =	vst v63  }
0x14c: {  	s30 =	simm.s32 $0x14A00  }
0x14d: {  	[spmem:s2] =	stream.indirect.scatter.add.f32 [tilespmem:s10], [sflag:$0x1], $0x80, s30, s15, $0xb8;
	[tilespmem:$0x19400] =	vst v63  }
0x14e: {  	s31 =	simm.s32 $0x14A80  }
0x14f: {  	[spmem:s2] =	stream.indirect.scatter.add.f32 [tilespmem:s10], [sflag:$0x1], $0x80, s31, s15, $0xb8;
	[tilespmem:$0x19400] =	vst v63  }
0x150: {  	s1 =	simm.s32 $0x14B00  }
0x151: {  	[spmem:s2] =	stream.indirect.scatter.add.f32 [tilespmem:s10], [sflag:$0x1], $0x80, s1, s15, $0xb8;
	[tilespmem:$0x19400] =	vst v63  }
0x152: {  	s6 =	simm.s32 $0x14B80  }
0x153: {  	[spmem:s2] =	stream.indirect.scatter.add.f32 [tilespmem:s10], [sflag:$0x1], $0x80, s6, s15, $0xb8;
	[tilespmem:$0x19400] =	vst v63  }
0x154: {  	_ =	swait.ge [sflag:s23], $0x3E80  }
0x155: {  	[sflag:s23] =	ssyncset.done $0x0  }
0x156: {  	[sflag:s23] =	ssyncadd.s32 $0xFFFFC180  }
0x157: {  	_ =	swait.ge [sflag:s23], $0x3E80  }
0x158: {  	[sflag:s23] =	ssyncset.done $0x0  }
0x159: {  	[sflag:s23] =	ssyncadd.s32 $0xFFFFC180  }
0x15a: {  	_ =	swait.ge [sflag:s23], $0x3E80  }
0x15b: {  	[sflag:s23] =	ssyncset.done $0x0  }
0x15c: {  	[sflag:s23] =	ssyncadd.s32 $0xFFFFC180  }
0x15d: {  	_ =	swait.ge [sflag:s23], $0x3E80  }
0x15e: {  	[sflag:s23] =	ssyncset.done $0x0  }
0x15f: {  	[sflag:s23] =	ssyncadd.s32 $0xFFFFC180  }
0x160: {  	_ =	swait.ge [sflag:s23], $0x3E80  }
0x161: {  	[sflag:s23] =	ssyncset.done $0x0  }
0x162: {  	[sflag:s23] =	ssyncadd.s32 $0xFFFFC180  }
0x163: {  	_ =	swait.ge [sflag:s23], $0x3E80  }
0x164: {  	[sflag:s23] =	ssyncset.done $0x0  }
0x165: {  	[sflag:s23] =	ssyncadd.s32 $0xFFFFC180  }
0x166: {  	_ =	swait.ge [sflag:s23], $0x3E80  }
0x167: {  	[sflag:s23] =	ssyncset.done $0x0  }
0x168: {  	[sflag:s23] =	ssyncadd.s32 $0xFFFFC180  }
0x169: {  	_ =	swait.ge [sflag:s23], $0x3E80  }
0x16a: {  	[sflag:s23] =	ssyncset.done $0x0  }
0x16b: {  	s7 =	simm.s32 $0x14C00;
	[sflag:s23] =	ssyncadd.s32 $0xFFFFC180  }
0x16c: {  	[spmem:s2] =	stream.indirect.scatter.add.f32 [tilespmem:s10], [sflag:$0x1], $0x80, s7, s15, $0xb8;
	[tilespmem:$0x19400] =	vst v63  }
0x16d: {  	s1 =	simm.s32 $0x14C80  }
0x16e: {  	[spmem:s2] =	stream.indirect.scatter.add.f32 [tilespmem:s10], [sflag:$0x1], $0x80, s1, s15, $0xb8;
	[tilespmem:$0x19400] =	vst v63  }
0x16f: {  	s6 =	simm.s32 $0x14D00  }
0x170: {  	[spmem:s2] =	stream.indirect.scatter.add.f32 [tilespmem:s10], [sflag:$0x1], $0x80, s6, s15, $0xb8;
	[tilespmem:$0x19400] =	vst v63  }
0x171: {  	s7 =	simm.s32 $0x14D80  }
0x172: {  	[spmem:s2] =	stream.indirect.scatter.add.f32 [tilespmem:s10], [sflag:$0x1], $0x80, s7, s15, $0xb8;
	[tilespmem:$0x19400] =	vst v63  }
0x173: {  	s1 =	simm.s32 $0x14E00  }
0x174: {  	[spmem:s2] =	stream.indirect.scatter.add.f32 [tilespmem:s10], [sflag:$0x1], $0x80, s1, s15, $0xb8;
	[tilespmem:$0x19400] =	vst v63  }
0x175: {  	s6 =	simm.s32 $0x14E80  }
0x176: {  	[spmem:s2] =	stream.indirect.scatter.add.f32 [tilespmem:s10], [sflag:$0x1], $0x80, s6, s15, $0xb8;
	[tilespmem:$0x19400] =	vst v63  }
0x177: {  	s7 =	simm.s32 $0x14F00  }
0x178: {  	[spmem:s2] =	stream.indirect.scatter.add.f32 [tilespmem:s10], [sflag:$0x1], $0x80, s7, s15, $0xb8;
	[tilespmem:$0x19400] =	vst v63  }
0x179: {  	s1 =	simm.s32 $0x14F80  }
0x17a: {  	[spmem:s2] =	stream.indirect.scatter.add.f32 [tilespmem:s10], [sflag:$0x1], $0x80, s1, s15, $0xb8;
	[tilespmem:$0x19400] =	vst v63  }
0x17b: {  	_ =	swait.ge [sflag:s23], $0x3E80  }
0x17c: {  	[sflag:s23] =	ssyncset.done $0x0  }
0x17d: {  	[sflag:s23] =	ssyncadd.s32 $0xFFFFC180  }
0x17e: {  	_ =	swait.ge [sflag:s23], $0x3E80  }
0x17f: {  	[sflag:s23] =	ssyncset.done $0x0  }
0x180: {  	[sflag:s23] =	ssyncadd.s32 $0xFFFFC180  }
0x181: {  	_ =	swait.ge [sflag:s23], $0x3E80  }
0x182: {  	[sflag:s23] =	ssyncset.done $0x0  }
0x183: {  	[sflag:s23] =	ssyncadd.s32 $0xFFFFC180  }
0x184: {  	_ =	swait.ge [sflag:s23], $0x3E80  }
0x185: {  	[sflag:s23] =	ssyncset.done $0x0  }
0x186: {  	[sflag:s23] =	ssyncadd.s32 $0xFFFFC180  }
0x187: {  	_ =	swait.ge [sflag:s23], $0x3E80  }
0x188: {  	[sflag:s23] =	ssyncset.done $0x0  }
0x189: {  	[sflag:s23] =	ssyncadd.s32 $0xFFFFC180  }
0x18a: {  	_ =	swait.ge [sflag:s23], $0x3E80  }
0x18b: {  	[sflag:s23] =	ssyncset.done $0x0  }
0x18c: {  	[sflag:s23] =	ssyncadd.s32 $0xFFFFC180  }
0x18d: {  	_ =	swait.ge [sflag:s23], $0x3E80  }
0x18e: {  	[sflag:s23] =	ssyncset.done $0x0  }
0x18f: {  	[sflag:s23] =	ssyncadd.s32 $0xFFFFC180  }
0x190: {  	_ =	swait.ge [sflag:s23], $0x3E80  }
0x191: {  	[sflag:s23] =	ssyncset.done $0x0  }
0x192: {  	s6 =	simm.s32 $0x15000;
	[sflag:s23] =	ssyncadd.s32 $0xFFFFC180  }
0x193: {  	[spmem:s2] =	stream.indirect.scatter.add.f32 [tilespmem:s10], [sflag:$0x1], $0x80, s6, s15, $0xb8;
	[tilespmem:$0x19400] =	vst v63  }
0x194: {  	s7 =	simm.s32 $0x15080  }
0x195: {  	[spmem:s2] =	stream.indirect.scatter.add.f32 [tilespmem:s10], [sflag:$0x1], $0x80, s7, s15, $0xb8;
	[tilespmem:$0x19400] =	vst v63  }
0x196: {  	s1 =	simm.s32 $0x15100  }
0x197: {  	[spmem:s2] =	stream.indirect.scatter.add.f32 [tilespmem:s10], [sflag:$0x1], $0x80, s1, s15, $0xb8;
	[tilespmem:$0x19400] =	vst v63  }
0x198: {  	s6 =	simm.s32 $0x15180  }
0x199: {  	[spmem:s2] =	stream.indirect.scatter.add.f32 [tilespmem:s10], [sflag:$0x1], $0x80, s6, s15, $0xb8;
	[tilespmem:$0x19400] =	vst v63  }
0x19a: {  	s7 =	simm.s32 $0x15200  }
0x19b: {  	[spmem:s2] =	stream.indirect.scatter.add.f32 [tilespmem:s10], [sflag:$0x1], $0x80, s7, s15, $0xb8;
	[tilespmem:$0x19400] =	vst v63  }
0x19c: {  	s1 =	simm.s32 $0x15280  }
0x19d: {  	[spmem:s2] =	stream.indirect.scatter.add.f32 [tilespmem:s10], [sflag:$0x1], $0x80, s1, s15, $0xb8;
	[tilespmem:$0x19400] =	vst v63  }
0x19e: {  	s6 =	simm.s32 $0x15300  }
0x19f: {  	[spmem:s2] =	stream.indirect.scatter.add.f32 [tilespmem:s10], [sflag:$0x1], $0x80, s6, s15, $0xb8;
	[tilespmem:$0x19400] =	vst v63  }
0x1a0: {  	s7 =	simm.s32 $0x15380  }
0x1a1: {  	[spmem:s2] =	stream.indirect.scatter.add.f32 [tilespmem:s10], [sflag:$0x1], $0x80, s7, s15, $0xb8;
	[tilespmem:$0x19400] =	vst v63  }
0x1a2: {  	_ =	swait.ge [sflag:s23], $0x3E80  }
0x1a3: {  	[sflag:s23] =	ssyncset.done $0x0  }
0x1a4: {  	[sflag:s23] =	ssyncadd.s32 $0xFFFFC180  }
0x1a5: {  	_ =	swait.ge [sflag:s23], $0x3E80  }
0x1a6: {  	[sflag:s23] =	ssyncset.done $0x0  }
0x1a7: {  	[sflag:s23] =	ssyncadd.s32 $0xFFFFC180  }
0x1a8: {  	_ =	swait.ge [sflag:s23], $0x3E80  }
0x1a9: {  	[sflag:s23] =	ssyncset.done $0x0  }
0x1aa: {  	[sflag:s23] =	ssyncadd.s32 $0xFFFFC180  }
0x1ab: {  	_ =	swait.ge [sflag:s23], $0x3E80  }
0x1ac: {  	[sflag:s23] =	ssyncset.done $0x0  }
0x1ad: {  	[sflag:s23] =	ssyncadd.s32 $0xFFFFC180  }
0x1ae: {  	_ =	swait.ge [sflag:s23], $0x3E80  }
0x1af: {  	[sflag:s23] =	ssyncset.done $0x0  }
0x1b0: {  	[sflag:s23] =	ssyncadd.s32 $0xFFFFC180  }
0x1b1: {  	_ =	swait.ge [sflag:s23], $0x3E80  }
0x1b2: {  	[sflag:s23] =	ssyncset.done $0x0  }
0x1b3: {  	[sflag:s23] =	ssyncadd.s32 $0xFFFFC180  }
0x1b4: {  	_ =	swait.ge [sflag:s23], $0x3E80  }
0x1b5: {  	[sflag:s23] =	ssyncset.done $0x0  }
0x1b6: {  	[sflag:s23] =	ssyncadd.s32 $0xFFFFC180  }
0x1b7: {  	s0 =	simm.s32 $0x280;
	_ =	swait.ge [sflag:s23], $0x3E80  }
0x1b8: {  	s1 =	simm.s32 $0x500;
	s6 =	rddreg [dreg:$0x5];
	[sflag:s23] =	ssyncset.done $0x0  }
.LBB2_3:
0x1b9: {  	[sflag:s23] =	ssyncadd.s32 $0xFFFFC180;
	s7 =	smov.u32 s1  }
0x1ba: {  	s6 =	sadd.s32 s0, s6;
	s0 =	smov.u32 s7;
	s7 =	simm.s32 $0x0  }
0x1bb: {  	[tilespmem:s14], [sflag:$0x2] =	stream.linear.gather [hbm4b:s6+s7], $0x1400, $0x38;
	[tilespmem:$0x19400] =	vst v63  }
0x1bc: {  	_ =	swait.ge [sflag:s11], $0x1400  }
0x1bd: {  	[sflag:s11] =	ssyncset.done $0x0  }
0x1be: {  	[sflag:s11] =	ssyncadd.s32 $0xFFFFEC00  }
0x1bf: {  	[spmem:s2] =	stream.indirect.scatter.add.f32 [tilespmem:s10], [sflag:$0x1], $0x80, s14, s15, $0xb8;
	[tilespmem:$0x19400] =	vst v63  }
0x1c0: {  	_ = 	snop  }
0x1c1: {  	[spmem:s2] =	stream.indirect.scatter.add.f32 [tilespmem:s10], [sflag:$0x1], $0x80, s5, s15, $0xb8;
	[tilespmem:$0x19400] =	vst v63  }
0x1c2: {  	_ = 	snop  }
0x1c3: {  	[spmem:s2] =	stream.indirect.scatter.add.f32 [tilespmem:s10], [sflag:$0x1], $0x80, s8, s15, $0xb8;
	[tilespmem:$0x19400] =	vst v63  }
0x1c4: {  	_ = 	snop  }
0x1c5: {  	[spmem:s2] =	stream.indirect.scatter.add.f32 [tilespmem:s10], [sflag:$0x1], $0x80, s9, s15, $0xb8;
	[tilespmem:$0x19400] =	vst v63  }
0x1c6: {  	_ = 	snop  }
0x1c7: {  	[spmem:s2] =	stream.indirect.scatter.add.f32 [tilespmem:s10], [sflag:$0x1], $0x80, s4, s15, $0xb8;
	[tilespmem:$0x19400] =	vst v63  }
0x1c8: {  	_ = 	snop  }
0x1c9: {  	[spmem:s2] =	stream.indirect.scatter.add.f32 [tilespmem:s10], [sflag:$0x1], $0x80, s12, s15, $0xb8;
	[tilespmem:$0x19400] =	vst v63  }
0x1ca: {  	_ = 	snop  }
0x1cb: {  	[spmem:s2] =	stream.indirect.scatter.add.f32 [tilespmem:s10], [sflag:$0x1], $0x80, s13, s15, $0xb8;
	[tilespmem:$0x19400] =	vst v63  }
0x1cc: {  	_ = 	snop  }
0x1cd: {  	[spmem:s2] =	stream.indirect.scatter.add.f32 [tilespmem:s10], [sflag:$0x1], $0x80, s3, s15, $0xb8;
	[tilespmem:$0x19400] =	vst v63  }
0x1ce: {  	_ =	swait.ge [sflag:s23], $0x3E80  }
0x1cf: {  	[sflag:s23] =	ssyncset.done $0x0  }
0x1d0: {  	[sflag:s23] =	ssyncadd.s32 $0xFFFFC180  }
0x1d1: {  	_ =	swait.ge [sflag:s23], $0x3E80  }
0x1d2: {  	[sflag:s23] =	ssyncset.done $0x0  }
0x1d3: {  	[sflag:s23] =	ssyncadd.s32 $0xFFFFC180  }
0x1d4: {  	_ =	swait.ge [sflag:s23], $0x3E80  }
0x1d5: {  	[sflag:s23] =	ssyncset.done $0x0  }
0x1d6: {  	[sflag:s23] =	ssyncadd.s32 $0xFFFFC180  }
0x1d7: {  	_ =	swait.ge [sflag:s23], $0x3E80  }
0x1d8: {  	[sflag:s23] =	ssyncset.done $0x0  }
0x1d9: {  	[sflag:s23] =	ssyncadd.s32 $0xFFFFC180  }
0x1da: {  	_ =	swait.ge [sflag:s23], $0x3E80  }
0x1db: {  	[sflag:s23] =	ssyncset.done $0x0  }
0x1dc: {  	[sflag:s23] =	ssyncadd.s32 $0xFFFFC180  }
0x1dd: {  	_ =	swait.ge [sflag:s23], $0x3E80  }
0x1de: {  	[sflag:s23] =	ssyncset.done $0x0  }
0x1df: {  	[sflag:s23] =	ssyncadd.s32 $0xFFFFC180  }
0x1e0: {  	_ =	swait.ge [sflag:s23], $0x3E80  }
0x1e1: {  	[sflag:s23] =	ssyncset.done $0x0  }
0x1e2: {  	[sflag:s23] =	ssyncadd.s32 $0xFFFFC180  }
0x1e3: {  	_ =	swait.ge [sflag:s23], $0x3E80  }
0x1e4: {  	[sflag:s23] =	ssyncset.done $0x0  }
0x1e5: {  	[sflag:s23] =	ssyncadd.s32 $0xFFFFC180  }
0x1e6: {  	[spmem:s2] =	stream.indirect.scatter.add.f32 [tilespmem:s10], [sflag:$0x1], $0x80, s16, s15, $0xb8;
	[tilespmem:$0x19400] =	vst v63  }
0x1e7: {  	_ = 	snop  }
0x1e8: {  	[spmem:s2] =	stream.indirect.scatter.add.f32 [tilespmem:s10], [sflag:$0x1], $0x80, s17, s15, $0xb8;
	[tilespmem:$0x19400] =	vst v63  }
0x1e9: {  	_ = 	snop  }
0x1ea: {  	[spmem:s2] =	stream.indirect.scatter.add.f32 [tilespmem:s10], [sflag:$0x1], $0x80, s18, s15, $0xb8;
	[tilespmem:$0x19400] =	vst v63  }
0x1eb: {  	_ = 	snop  }
0x1ec: {  	[spmem:s2] =	stream.indirect.scatter.add.f32 [tilespmem:s10], [sflag:$0x1], $0x80, s19, s15, $0xb8;
	[tilespmem:$0x19400] =	vst v63  }
0x1ed: {  	_ = 	snop  }
0x1ee: {  	[spmem:s2] =	stream.indirect.scatter.add.f32 [tilespmem:s10], [sflag:$0x1], $0x80, s20, s15, $0xb8;
	[tilespmem:$0x19400] =	vst v63  }
0x1ef: {  	_ = 	snop  }
0x1f0: {  	[spmem:s2] =	stream.indirect.scatter.add.f32 [tilespmem:s10], [sflag:$0x1], $0x80, s21, s15, $0xb8;
	[tilespmem:$0x19400] =	vst v63  }
0x1f1: {  	_ = 	snop  }
0x1f2: {  	[spmem:s2] =	stream.indirect.scatter.add.f32 [tilespmem:s10], [sflag:$0x1], $0x80, s22, s15, $0xb8;
	[tilespmem:$0x19400] =	vst v63  }
0x1f3: {  	_ = 	snop  }
0x1f4: {  	[spmem:s2] =	stream.indirect.scatter.add.f32 [tilespmem:s10], [sflag:$0x1], $0x80, s24, s15, $0xb8;
	[tilespmem:$0x19400] =	vst v63  }
0x1f5: {  	_ =	swait.ge [sflag:s23], $0x3E80  }
0x1f6: {  	[sflag:s23] =	ssyncset.done $0x0  }
0x1f7: {  	[sflag:s23] =	ssyncadd.s32 $0xFFFFC180  }
0x1f8: {  	_ =	swait.ge [sflag:s23], $0x3E80  }
0x1f9: {  	[sflag:s23] =	ssyncset.done $0x0  }
0x1fa: {  	[sflag:s23] =	ssyncadd.s32 $0xFFFFC180  }
0x1fb: {  	_ =	swait.ge [sflag:s23], $0x3E80  }
0x1fc: {  	[sflag:s23] =	ssyncset.done $0x0  }
0x1fd: {  	[sflag:s23] =	ssyncadd.s32 $0xFFFFC180  }
0x1fe: {  	_ =	swait.ge [sflag:s23], $0x3E80  }
0x1ff: {  	[sflag:s23] =	ssyncset.done $0x0  }
0x200: {  	[sflag:s23] =	ssyncadd.s32 $0xFFFFC180  }
0x201: {  	_ =	swait.ge [sflag:s23], $0x3E80  }
0x202: {  	[sflag:s23] =	ssyncset.done $0x0  }
0x203: {  	[sflag:s23] =	ssyncadd.s32 $0xFFFFC180  }
0x204: {  	_ =	swait.ge [sflag:s23], $0x3E80  }
0x205: {  	[sflag:s23] =	ssyncset.done $0x0  }
0x206: {  	[sflag:s23] =	ssyncadd.s32 $0xFFFFC180  }
0x207: {  	_ =	swait.ge [sflag:s23], $0x3E80  }
0x208: {  	[sflag:s23] =	ssyncset.done $0x0  }
0x209: {  	[sflag:s23] =	ssyncadd.s32 $0xFFFFC180  }
0x20a: {  	_ =	swait.ge [sflag:s23], $0x3E80  }
0x20b: {  	[sflag:s23] =	ssyncset.done $0x0  }
0x20c: {  	[sflag:s23] =	ssyncadd.s32 $0xFFFFC180  }
0x20d: {  	[spmem:s2] =	stream.indirect.scatter.add.f32 [tilespmem:s10], [sflag:$0x1], $0x80, s25, s15, $0xb8;
	[tilespmem:$0x19400] =	vst v63  }
0x20e: {  	_ = 	snop  }
0x20f: {  	[spmem:s2] =	stream.indirect.scatter.add.f32 [tilespmem:s10], [sflag:$0x1], $0x80, s26, s15, $0xb8;
	[tilespmem:$0x19400] =	vst v63  }
0x210: {  	_ = 	snop  }
0x211: {  	[spmem:s2] =	stream.indirect.scatter.add.f32 [tilespmem:s10], [sflag:$0x1], $0x80, s28, s15, $0xb8;
	[tilespmem:$0x19400] =	vst v63  }
0x212: {  	_ = 	snop  }
0x213: {  	[spmem:s2] =	stream.indirect.scatter.add.f32 [tilespmem:s10], [sflag:$0x1], $0x80, s29, s15, $0xb8;
	[tilespmem:$0x19400] =	vst v63  }
0x214: {  	_ = 	snop  }
0x215: {  	[spmem:s2] =	stream.indirect.scatter.add.f32 [tilespmem:s10], [sflag:$0x1], $0x80, s30, s15, $0xb8;
	[tilespmem:$0x19400] =	vst v63  }
0x216: {  	_ = 	snop  }
0x217: {  	[spmem:s2] =	stream.indirect.scatter.add.f32 [tilespmem:s10], [sflag:$0x1], $0x80, s31, s15, $0xb8;
	[tilespmem:$0x19400] =	vst v63  }
0x218: {  	s6 =	simm.s32 $0x14B00  }
0x219: {  	[spmem:s2] =	stream.indirect.scatter.add.f32 [tilespmem:s10], [sflag:$0x1], $0x80, s6, s15, $0xb8;
	[tilespmem:$0x19400] =	vst v63  }
0x21a: {  	s6 =	simm.s32 $0x14B80  }
0x21b: {  	[spmem:s2] =	stream.indirect.scatter.add.f32 [tilespmem:s10], [sflag:$0x1], $0x80, s6, s15, $0xb8;
	[tilespmem:$0x19400] =	vst v63  }
0x21c: {  	_ =	swait.ge [sflag:s23], $0x3E80  }
0x21d: {  	[sflag:s23] =	ssyncset.done $0x0  }
0x21e: {  	[sflag:s23] =	ssyncadd.s32 $0xFFFFC180  }
0x21f: {  	_ =	swait.ge [sflag:s23], $0x3E80  }
0x220: {  	[sflag:s23] =	ssyncset.done $0x0  }
0x221: {  	[sflag:s23] =	ssyncadd.s32 $0xFFFFC180  }
0x222: {  	_ =	swait.ge [sflag:s23], $0x3E80  }
0x223: {  	[sflag:s23] =	ssyncset.done $0x0  }
0x224: {  	[sflag:s23] =	ssyncadd.s32 $0xFFFFC180  }
0x225: {  	_ =	swait.ge [sflag:s23], $0x3E80  }
0x226: {  	[sflag:s23] =	ssyncset.done $0x0  }
0x227: {  	[sflag:s23] =	ssyncadd.s32 $0xFFFFC180  }
0x228: {  	_ =	swait.ge [sflag:s23], $0x3E80  }
0x229: {  	[sflag:s23] =	ssyncset.done $0x0  }
0x22a: {  	[sflag:s23] =	ssyncadd.s32 $0xFFFFC180  }
0x22b: {  	_ =	swait.ge [sflag:s23], $0x3E80  }
0x22c: {  	[sflag:s23] =	ssyncset.done $0x0  }
0x22d: {  	[sflag:s23] =	ssyncadd.s32 $0xFFFFC180  }
0x22e: {  	_ =	swait.ge [sflag:s23], $0x3E80  }
0x22f: {  	[sflag:s23] =	ssyncset.done $0x0  }
0x230: {  	[sflag:s23] =	ssyncadd.s32 $0xFFFFC180  }
0x231: {  	_ =	swait.ge [sflag:s23], $0x3E80  }
0x232: {  	[sflag:s23] =	ssyncset.done $0x0  }
0x233: {  	s6 =	simm.s32 $0x14C00;
	[sflag:s23] =	ssyncadd.s32 $0xFFFFC180  }
0x234: {  	[spmem:s2] =	stream.indirect.scatter.add.f32 [tilespmem:s10], [sflag:$0x1], $0x80, s6, s15, $0xb8;
	[tilespmem:$0x19400] =	vst v63  }
0x235: {  	s6 =	simm.s32 $0x14C80  }
0x236: {  	[spmem:s2] =	stream.indirect.scatter.add.f32 [tilespmem:s10], [sflag:$0x1], $0x80, s6, s15, $0xb8;
	[tilespmem:$0x19400] =	vst v63  }
0x237: {  	s6 =	simm.s32 $0x14D00  }
0x238: {  	[spmem:s2] =	stream.indirect.scatter.add.f32 [tilespmem:s10], [sflag:$0x1], $0x80, s6, s15, $0xb8;
	[tilespmem:$0x19400] =	vst v63  }
0x239: {  	s6 =	simm.s32 $0x14D80  }
0x23a: {  	[spmem:s2] =	stream.indirect.scatter.add.f32 [tilespmem:s10], [sflag:$0x1], $0x80, s6, s15, $0xb8;
	[tilespmem:$0x19400] =	vst v63  }
0x23b: {  	s6 =	simm.s32 $0x14E00  }
0x23c: {  	[spmem:s2] =	stream.indirect.scatter.add.f32 [tilespmem:s10], [sflag:$0x1], $0x80, s6, s15, $0xb8;
	[tilespmem:$0x19400] =	vst v63  }
0x23d: {  	s6 =	simm.s32 $0x14E80  }
0x23e: {  	[spmem:s2] =	stream.indirect.scatter.add.f32 [tilespmem:s10], [sflag:$0x1], $0x80, s6, s15, $0xb8;
	[tilespmem:$0x19400] =	vst v63  }
0x23f: {  	s6 =	simm.s32 $0x14F00  }
0x240: {  	[spmem:s2] =	stream.indirect.scatter.add.f32 [tilespmem:s10], [sflag:$0x1], $0x80, s6, s15, $0xb8;
	[tilespmem:$0x19400] =	vst v63  }
0x241: {  	s6 =	simm.s32 $0x14F80  }
0x242: {  	[spmem:s2] =	stream.indirect.scatter.add.f32 [tilespmem:s10], [sflag:$0x1], $0x80, s6, s15, $0xb8;
	[tilespmem:$0x19400] =	vst v63  }
0x243: {  	_ =	swait.ge [sflag:s23], $0x3E80  }
0x244: {  	[sflag:s23] =	ssyncset.done $0x0  }
0x245: {  	[sflag:s23] =	ssyncadd.s32 $0xFFFFC180  }
0x246: {  	_ =	swait.ge [sflag:s23], $0x3E80  }
0x247: {  	[sflag:s23] =	ssyncset.done $0x0  }
0x248: {  	[sflag:s23] =	ssyncadd.s32 $0xFFFFC180  }
0x249: {  	_ =	swait.ge [sflag:s23], $0x3E80  }
0x24a: {  	[sflag:s23] =	ssyncset.done $0x0  }
0x24b: {  	[sflag:s23] =	ssyncadd.s32 $0xFFFFC180  }
0x24c: {  	_ =	swait.ge [sflag:s23], $0x3E80  }
0x24d: {  	[sflag:s23] =	ssyncset.done $0x0  }
0x24e: {  	[sflag:s23] =	ssyncadd.s32 $0xFFFFC180  }
0x24f: {  	_ =	swait.ge [sflag:s23], $0x3E80  }
0x250: {  	[sflag:s23] =	ssyncset.done $0x0  }
0x251: {  	[sflag:s23] =	ssyncadd.s32 $0xFFFFC180  }
0x252: {  	_ =	swait.ge [sflag:s23], $0x3E80  }
0x253: {  	[sflag:s23] =	ssyncset.done $0x0  }
0x254: {  	[sflag:s23] =	ssyncadd.s32 $0xFFFFC180  }
0x255: {  	_ =	swait.ge [sflag:s23], $0x3E80  }
0x256: {  	[sflag:s23] =	ssyncset.done $0x0  }
0x257: {  	[sflag:s23] =	ssyncadd.s32 $0xFFFFC180  }
0x258: {  	_ =	swait.ge [sflag:s23], $0x3E80  }
0x259: {  	[sflag:s23] =	ssyncset.done $0x0  }
0x25a: {  	s6 =	simm.s32 $0x15000;
	[sflag:s23] =	ssyncadd.s32 $0xFFFFC180  }
0x25b: {  	[spmem:s2] =	stream.indirect.scatter.add.f32 [tilespmem:s10], [sflag:$0x1], $0x80, s6, s15, $0xb8;
	[tilespmem:$0x19400] =	vst v63  }
0x25c: {  	s6 =	simm.s32 $0x15080  }
0x25d: {  	[spmem:s2] =	stream.indirect.scatter.add.f32 [tilespmem:s10], [sflag:$0x1], $0x80, s6, s15, $0xb8;
	[tilespmem:$0x19400] =	vst v63  }
0x25e: {  	s6 =	simm.s32 $0x15100  }
0x25f: {  	[spmem:s2] =	stream.indirect.scatter.add.f32 [tilespmem:s10], [sflag:$0x1], $0x80, s6, s15, $0xb8;
	[tilespmem:$0x19400] =	vst v63  }
0x260: {  	s6 =	simm.s32 $0x15180  }
0x261: {  	[spmem:s2] =	stream.indirect.scatter.add.f32 [tilespmem:s10], [sflag:$0x1], $0x80, s6, s15, $0xb8;
	[tilespmem:$0x19400] =	vst v63  }
0x262: {  	s6 =	simm.s32 $0x15200  }
0x263: {  	[spmem:s2] =	stream.indirect.scatter.add.f32 [tilespmem:s10], [sflag:$0x1], $0x80, s6, s15, $0xb8;
	[tilespmem:$0x19400] =	vst v63  }
0x264: {  	s6 =	simm.s32 $0x15280  }
0x265: {  	[spmem:s2] =	stream.indirect.scatter.add.f32 [tilespmem:s10], [sflag:$0x1], $0x80, s6, s15, $0xb8;
	[tilespmem:$0x19400] =	vst v63  }
0x266: {  	s6 =	simm.s32 $0x15300  }
0x267: {  	[spmem:s2] =	stream.indirect.scatter.add.f32 [tilespmem:s10], [sflag:$0x1], $0x80, s6, s15, $0xb8;
	[tilespmem:$0x19400] =	vst v63  }
0x268: {  	s6 =	simm.s32 $0x15380  }
0x269: {  	[spmem:s2] =	stream.indirect.scatter.add.f32 [tilespmem:s10], [sflag:$0x1], $0x80, s6, s15, $0xb8;
	[tilespmem:$0x19400] =	vst v63  }
0x26a: {  	_ =	swait.ge [sflag:s23], $0x3E80  }
0x26b: {  	[sflag:s23] =	ssyncset.done $0x0  }
0x26c: {  	[sflag:s23] =	ssyncadd.s32 $0xFFFFC180  }
0x26d: {  	_ =	swait.ge [sflag:s23], $0x3E80  }
0x26e: {  	[sflag:s23] =	ssyncset.done $0x0  }
0x26f: {  	[sflag:s23] =	ssyncadd.s32 $0xFFFFC180  }
0x270: {  	_ =	swait.ge [sflag:s23], $0x3E80  }
0x271: {  	[sflag:s23] =	ssyncset.done $0x0  }
0x272: {  	[sflag:s23] =	ssyncadd.s32 $0xFFFFC180  }
0x273: {  	_ =	swait.ge [sflag:s23], $0x3E80  }
0x274: {  	[sflag:s23] =	ssyncset.done $0x0  }
0x275: {  	[sflag:s23] =	ssyncadd.s32 $0xFFFFC180  }
0x276: {  	_ =	swait.ge [sflag:s23], $0x3E80  }
0x277: {  	[sflag:s23] =	ssyncset.done $0x0  }
0x278: {  	[sflag:s23] =	ssyncadd.s32 $0xFFFFC180  }
0x279: {  	_ =	swait.ge [sflag:s23], $0x3E80  }
0x27a: {  	[sflag:s23] =	ssyncset.done $0x0  }
0x27b: {  	p1 =	seq.s32 s1, $0x780;
	[sflag:s23] =	ssyncadd.s32 $0xFFFFC180  }
.Ltmp3:
0x27c: {  	_ =	swait.ge [sflag:s23], $0x3E80;
	(pc) =	sbr.rel @!p1 .LBB2_3-.Ltmp3, $4  }
0x27d: {  	[sflag:s23] =	ssyncset.done $0x0  }
0x27e: {  	[sflag:s23] =	ssyncadd.s32 $0xFFFFC180  }
0x27f: {  	_ =	swait.ge [sflag:s23], $0x3E80  }
0x280: {  	s1 =	sadd.s32 $0x280, s1;
	s6 =	rddreg [dreg:$0x5];
	[sflag:s23] =	ssyncset.done $0x0  }
0x281: {  	s0 =	sadd.s32 s0, s6;
	[sflag:s23] =	ssyncadd.s32 $0xFFFFC180  }
0x282: {  	[tilespmem:s14], [sflag:$0x2] =	stream.linear.gather [hbm4b:s0+s7], $0x1400, $0x38;
	[tilespmem:$0x19400] =	vst v63  }
0x283: {  	_ =	swait.ge [sflag:s11], $0x1400  }
0x284: {  	[sflag:s11] =	ssyncset.done $0x0  }
0x285: {  	[sflag:s11] =	ssyncadd.s32 $0xFFFFEC00  }
0x286: {  	[spmem:s2] =	stream.indirect.scatter.add.f32 [tilespmem:s10], [sflag:$0x1], $0x80, s14, s15, $0xb8;
	[tilespmem:$0x19400] =	vst v63  }
0x287: {  	_ = 	snop  }
0x288: {  	[spmem:s2] =	stream.indirect.scatter.add.f32 [tilespmem:s10], [sflag:$0x1], $0x80, s5, s15, $0xb8;
	[tilespmem:$0x19400] =	vst v63  }
0x289: {  	_ = 	snop  }
0x28a: {  	[spmem:s2] =	stream.indirect.scatter.add.f32 [tilespmem:s10], [sflag:$0x1], $0x80, s8, s15, $0xb8;
	[tilespmem:$0x19400] =	vst v63  }
0x28b: {  	_ = 	snop  }
0x28c: {  	[spmem:s2] =	stream.indirect.scatter.add.f32 [tilespmem:s10], [sflag:$0x1], $0x80, s9, s15, $0xb8;
	[tilespmem:$0x19400] =	vst v63  }
0x28d: {  	_ = 	snop  }
0x28e: {  	[spmem:s2] =	stream.indirect.scatter.add.f32 [tilespmem:s10], [sflag:$0x1], $0x80, s4, s15, $0xb8;
	[tilespmem:$0x19400] =	vst v63  }
0x28f: {  	_ = 	snop  }
0x290: {  	[spmem:s2] =	stream.indirect.scatter.add.f32 [tilespmem:s10], [sflag:$0x1], $0x80, s12, s15, $0xb8;
	[tilespmem:$0x19400] =	vst v63  }
0x291: {  	_ = 	snop  }
0x292: {  	[spmem:s2] =	stream.indirect.scatter.add.f32 [tilespmem:s10], [sflag:$0x1], $0x80, s13, s15, $0xb8;
	[tilespmem:$0x19400] =	vst v63  }
0x293: {  	_ = 	snop  }
0x294: {  	[spmem:s2] =	stream.indirect.scatter.add.f32 [tilespmem:s10], [sflag:$0x1], $0x80, s3, s15, $0xb8;
	[tilespmem:$0x19400] =	vst v63  }
0x295: {  	_ =	swait.ge [sflag:s23], $0x3E80  }
0x296: {  	[sflag:s23] =	ssyncset.done $0x0  }
0x297: {  	[sflag:s23] =	ssyncadd.s32 $0xFFFFC180  }
0x298: {  	_ =	swait.ge [sflag:s23], $0x3E80  }
0x299: {  	[sflag:s23] =	ssyncset.done $0x0  }
0x29a: {  	[sflag:s23] =	ssyncadd.s32 $0xFFFFC180  }
0x29b: {  	_ =	swait.ge [sflag:s23], $0x3E80  }
0x29c: {  	[sflag:s23] =	ssyncset.done $0x0  }
0x29d: {  	[sflag:s23] =	ssyncadd.s32 $0xFFFFC180  }
0x29e: {  	_ =	swait.ge [sflag:s23], $0x3E80  }
0x29f: {  	[sflag:s23] =	ssyncset.done $0x0  }
0x2a0: {  	[sflag:s23] =	ssyncadd.s32 $0xFFFFC180  }
0x2a1: {  	_ =	swait.ge [sflag:s23], $0x3E80  }
0x2a2: {  	[sflag:s23] =	ssyncset.done $0x0  }
0x2a3: {  	[sflag:s23] =	ssyncadd.s32 $0xFFFFC180  }
0x2a4: {  	_ =	swait.ge [sflag:s23], $0x3E80  }
0x2a5: {  	[sflag:s23] =	ssyncset.done $0x0  }
0x2a6: {  	[sflag:s23] =	ssyncadd.s32 $0xFFFFC180  }
0x2a7: {  	_ =	swait.ge [sflag:s23], $0x3E80  }
0x2a8: {  	[sflag:s23] =	ssyncset.done $0x0  }
0x2a9: {  	[sflag:s23] =	ssyncadd.s32 $0xFFFFC180  }
0x2aa: {  	_ =	swait.ge [sflag:s23], $0x3E80  }
0x2ab: {  	[sflag:s23] =	ssyncset.done $0x0  }
0x2ac: {  	[sflag:s23] =	ssyncadd.s32 $0xFFFFC180  }
0x2ad: {  	[spmem:s2] =	stream.indirect.scatter.add.f32 [tilespmem:s10], [sflag:$0x1], $0x80, s16, s15, $0xb8;
	[tilespmem:$0x19400] =	vst v63  }
0x2ae: {  	_ = 	snop  }
0x2af: {  	[spmem:s2] =	stream.indirect.scatter.add.f32 [tilespmem:s10], [sflag:$0x1], $0x80, s17, s15, $0xb8;
	[tilespmem:$0x19400] =	vst v63  }
0x2b0: {  	_ = 	snop  }
0x2b1: {  	[spmem:s2] =	stream.indirect.scatter.add.f32 [tilespmem:s10], [sflag:$0x1], $0x80, s18, s15, $0xb8;
	[tilespmem:$0x19400] =	vst v63  }
0x2b2: {  	_ = 	snop  }
0x2b3: {  	[spmem:s2] =	stream.indirect.scatter.add.f32 [tilespmem:s10], [sflag:$0x1], $0x80, s19, s15, $0xb8;
	[tilespmem:$0x19400] =	vst v63  }
0x2b4: {  	_ = 	snop  }
0x2b5: {  	[spmem:s2] =	stream.indirect.scatter.add.f32 [tilespmem:s10], [sflag:$0x1], $0x80, s20, s15, $0xb8;
	[tilespmem:$0x19400] =	vst v63  }
0x2b6: {  	_ = 	snop  }
0x2b7: {  	[spmem:s2] =	stream.indirect.scatter.add.f32 [tilespmem:s10], [sflag:$0x1], $0x80, s21, s15, $0xb8;
	[tilespmem:$0x19400] =	vst v63  }
0x2b8: {  	_ = 	snop  }
0x2b9: {  	[spmem:s2] =	stream.indirect.scatter.add.f32 [tilespmem:s10], [sflag:$0x1], $0x80, s22, s15, $0xb8;
	[tilespmem:$0x19400] =	vst v63  }
0x2ba: {  	_ = 	snop  }
0x2bb: {  	[spmem:s2] =	stream.indirect.scatter.add.f32 [tilespmem:s10], [sflag:$0x1], $0x80, s24, s15, $0xb8;
	[tilespmem:$0x19400] =	vst v63  }
0x2bc: {  	_ =	swait.ge [sflag:s23], $0x3E80  }
0x2bd: {  	[sflag:s23] =	ssyncset.done $0x0  }
0x2be: {  	[sflag:s23] =	ssyncadd.s32 $0xFFFFC180  }
0x2bf: {  	_ =	swait.ge [sflag:s23], $0x3E80  }
0x2c0: {  	[sflag:s23] =	ssyncset.done $0x0  }
0x2c1: {  	[sflag:s23] =	ssyncadd.s32 $0xFFFFC180  }
0x2c2: {  	_ =	swait.ge [sflag:s23], $0x3E80  }
0x2c3: {  	[sflag:s23] =	ssyncset.done $0x0  }
0x2c4: {  	[sflag:s23] =	ssyncadd.s32 $0xFFFFC180  }
0x2c5: {  	_ =	swait.ge [sflag:s23], $0x3E80  }
0x2c6: {  	[sflag:s23] =	ssyncset.done $0x0  }
0x2c7: {  	[sflag:s23] =	ssyncadd.s32 $0xFFFFC180  }
0x2c8: {  	_ =	swait.ge [sflag:s23], $0x3E80  }
0x2c9: {  	[sflag:s23] =	ssyncset.done $0x0  }
0x2ca: {  	[sflag:s23] =	ssyncadd.s32 $0xFFFFC180  }
0x2cb: {  	_ =	swait.ge [sflag:s23], $0x3E80  }
0x2cc: {  	[sflag:s23] =	ssyncset.done $0x0  }
0x2cd: {  	[sflag:s23] =	ssyncadd.s32 $0xFFFFC180  }
0x2ce: {  	_ =	swait.ge [sflag:s23], $0x3E80  }
0x2cf: {  	[sflag:s23] =	ssyncset.done $0x0  }
0x2d0: {  	[sflag:s23] =	ssyncadd.s32 $0xFFFFC180  }
0x2d1: {  	_ =	swait.ge [sflag:s23], $0x3E80  }
0x2d2: {  	[sflag:s23] =	ssyncset.done $0x0  }
0x2d3: {  	[sflag:s23] =	ssyncadd.s32 $0xFFFFC180  }
0x2d4: {  	[spmem:s2] =	stream.indirect.scatter.add.f32 [tilespmem:s10], [sflag:$0x1], $0x80, s25, s15, $0xb8;
	[tilespmem:$0x19400] =	vst v63  }
0x2d5: {  	_ = 	snop  }
0x2d6: {  	[spmem:s2] =	stream.indirect.scatter.add.f32 [tilespmem:s10], [sflag:$0x1], $0x80, s26, s15, $0xb8;
	[tilespmem:$0x19400] =	vst v63  }
0x2d7: {  	_ = 	snop  }
0x2d8: {  	[spmem:s2] =	stream.indirect.scatter.add.f32 [tilespmem:s10], [sflag:$0x1], $0x80, s28, s15, $0xb8;
	[tilespmem:$0x19400] =	vst v63  }
0x2d9: {  	_ = 	snop  }
0x2da: {  	[spmem:s2] =	stream.indirect.scatter.add.f32 [tilespmem:s10], [sflag:$0x1], $0x80, s29, s15, $0xb8;
	[tilespmem:$0x19400] =	vst v63  }
0x2db: {  	_ = 	snop  }
0x2dc: {  	[spmem:s2] =	stream.indirect.scatter.add.f32 [tilespmem:s10], [sflag:$0x1], $0x80, s30, s15, $0xb8;
	[tilespmem:$0x19400] =	vst v63  }
0x2dd: {  	_ = 	snop  }
0x2de: {  	[spmem:s2] =	stream.indirect.scatter.add.f32 [tilespmem:s10], [sflag:$0x1], $0x80, s31, s15, $0xb8;
	[tilespmem:$0x19400] =	vst v63  }
0x2df: {  	s8 =	simm.s32 $0x14B00  }
0x2e0: {  	[spmem:s2] =	stream.indirect.scatter.add.f32 [tilespmem:s10], [sflag:$0x1], $0x80, s8, s15, $0xb8;
	[tilespmem:$0x19400] =	vst v63  }
0x2e1: {  	s9 =	simm.s32 $0x14B80  }
0x2e2: {  	[spmem:s2] =	stream.indirect.scatter.add.f32 [tilespmem:s10], [sflag:$0x1], $0x80, s9, s15, $0xb8;
	[tilespmem:$0x19400] =	vst v63  }
0x2e3: {  	_ =	swait.ge [sflag:s23], $0x3E80  }
0x2e4: {  	[sflag:s23] =	ssyncset.done $0x0  }
0x2e5: {  	[sflag:s23] =	ssyncadd.s32 $0xFFFFC180  }
0x2e6: {  	_ =	swait.ge [sflag:s23], $0x3E80  }
0x2e7: {  	[sflag:s23] =	ssyncset.done $0x0  }
0x2e8: {  	[sflag:s23] =	ssyncadd.s32 $0xFFFFC180  }
0x2e9: {  	_ =	swait.ge [sflag:s23], $0x3E80  }
0x2ea: {  	[sflag:s23] =	ssyncset.done $0x0  }
0x2eb: {  	[sflag:s23] =	ssyncadd.s32 $0xFFFFC180  }
0x2ec: {  	_ =	swait.ge [sflag:s23], $0x3E80  }
0x2ed: {  	[sflag:s23] =	ssyncset.done $0x0  }
0x2ee: {  	[sflag:s23] =	ssyncadd.s32 $0xFFFFC180  }
0x2ef: {  	_ =	swait.ge [sflag:s23], $0x3E80  }
0x2f0: {  	[sflag:s23] =	ssyncset.done $0x0  }
0x2f1: {  	[sflag:s23] =	ssyncadd.s32 $0xFFFFC180  }
0x2f2: {  	_ =	swait.ge [sflag:s23], $0x3E80  }
0x2f3: {  	[sflag:s23] =	ssyncset.done $0x0  }
0x2f4: {  	[sflag:s23] =	ssyncadd.s32 $0xFFFFC180  }
0x2f5: {  	_ =	swait.ge [sflag:s23], $0x3E80  }
0x2f6: {  	[sflag:s23] =	ssyncset.done $0x0  }
0x2f7: {  	[sflag:s23] =	ssyncadd.s32 $0xFFFFC180  }
0x2f8: {  	_ =	swait.ge [sflag:s23], $0x3E80  }
0x2f9: {  	[sflag:s23] =	ssyncset.done $0x0  }
0x2fa: {  	s12 =	simm.s32 $0x14C00;
	[sflag:s23] =	ssyncadd.s32 $0xFFFFC180  }
0x2fb: {  	[spmem:s2] =	stream.indirect.scatter.add.f32 [tilespmem:s10], [sflag:$0x1], $0x80, s12, s15, $0xb8;
	[tilespmem:$0x19400] =	vst v63  }
0x2fc: {  	s13 =	simm.s32 $0x14C80  }
0x2fd: {  	[spmem:s2] =	stream.indirect.scatter.add.f32 [tilespmem:s10], [sflag:$0x1], $0x80, s13, s15, $0xb8;
	[tilespmem:$0x19400] =	vst v63  }
0x2fe: {  	s16 =	simm.s32 $0x14D00  }
0x2ff: {  	[spmem:s2] =	stream.indirect.scatter.add.f32 [tilespmem:s10], [sflag:$0x1], $0x80, s16, s15, $0xb8;
	[tilespmem:$0x19400] =	vst v63  }
0x300: {  	s17 =	simm.s32 $0x14D80  }
0x301: {  	[spmem:s2] =	stream.indirect.scatter.add.f32 [tilespmem:s10], [sflag:$0x1], $0x80, s17, s15, $0xb8;
	[tilespmem:$0x19400] =	vst v63  }
0x302: {  	s18 =	simm.s32 $0x14E00  }
0x303: {  	[spmem:s2] =	stream.indirect.scatter.add.f32 [tilespmem:s10], [sflag:$0x1], $0x80, s18, s15, $0xb8;
	[tilespmem:$0x19400] =	vst v63  }
0x304: {  	s19 =	simm.s32 $0x14E80  }
0x305: {  	[spmem:s2] =	stream.indirect.scatter.add.f32 [tilespmem:s10], [sflag:$0x1], $0x80, s19, s15, $0xb8;
	[tilespmem:$0x19400] =	vst v63  }
0x306: {  	s20 =	simm.s32 $0x14F00  }
0x307: {  	[spmem:s2] =	stream.indirect.scatter.add.f32 [tilespmem:s10], [sflag:$0x1], $0x80, s20, s15, $0xb8;
	[tilespmem:$0x19400] =	vst v63  }
0x308: {  	s21 =	simm.s32 $0x14F80  }
0x309: {  	[spmem:s2] =	stream.indirect.scatter.add.f32 [tilespmem:s10], [sflag:$0x1], $0x80, s21, s15, $0xb8;
	[tilespmem:$0x19400] =	vst v63  }
0x30a: {  	_ =	swait.ge [sflag:s23], $0x3E80  }
0x30b: {  	[sflag:s23] =	ssyncset.done $0x0  }
0x30c: {  	[sflag:s23] =	ssyncadd.s32 $0xFFFFC180  }
0x30d: {  	_ =	swait.ge [sflag:s23], $0x3E80  }
0x30e: {  	[sflag:s23] =	ssyncset.done $0x0  }
0x30f: {  	[sflag:s23] =	ssyncadd.s32 $0xFFFFC180  }
0x310: {  	_ =	swait.ge [sflag:s23], $0x3E80  }
0x311: {  	[sflag:s23] =	ssyncset.done $0x0  }
0x312: {  	[sflag:s23] =	ssyncadd.s32 $0xFFFFC180  }
0x313: {  	_ =	swait.ge [sflag:s23], $0x3E80  }
0x314: {  	[sflag:s23] =	ssyncset.done $0x0  }
0x315: {  	[sflag:s23] =	ssyncadd.s32 $0xFFFFC180  }
0x316: {  	_ =	swait.ge [sflag:s23], $0x3E80  }
0x317: {  	[sflag:s23] =	ssyncset.done $0x0  }
0x318: {  	[sflag:s23] =	ssyncadd.s32 $0xFFFFC180  }
0x319: {  	_ =	swait.ge [sflag:s23], $0x3E80  }
0x31a: {  	[sflag:s23] =	ssyncset.done $0x0  }
0x31b: {  	[sflag:s23] =	ssyncadd.s32 $0xFFFFC180  }
0x31c: {  	_ =	swait.ge [sflag:s23], $0x3E80  }
0x31d: {  	[sflag:s23] =	ssyncset.done $0x0  }
0x31e: {  	[sflag:s23] =	ssyncadd.s32 $0xFFFFC180  }
0x31f: {  	_ =	swait.ge [sflag:s23], $0x3E80  }
0x320: {  	[sflag:s23] =	ssyncset.done $0x0  }
0x321: {  	s22 =	simm.s32 $0x15000;
	[sflag:s23] =	ssyncadd.s32 $0xFFFFC180  }
0x322: {  	[spmem:s2] =	stream.indirect.scatter.add.f32 [tilespmem:s10], [sflag:$0x1], $0x80, s22, s15, $0xb8;
	[tilespmem:$0x19400] =	vst v63  }
0x323: {  	s24 =	simm.s32 $0x15080  }
0x324: {  	[spmem:s2] =	stream.indirect.scatter.add.f32 [tilespmem:s10], [sflag:$0x1], $0x80, s24, s15, $0xb8;
	[tilespmem:$0x19400] =	vst v63  }
0x325: {  	s25 =	simm.s32 $0x15100  }
0x326: {  	[spmem:s2] =	stream.indirect.scatter.add.f32 [tilespmem:s10], [sflag:$0x1], $0x80, s25, s15, $0xb8;
	[tilespmem:$0x19400] =	vst v63  }
0x327: {  	s26 =	simm.s32 $0x15180  }
0x328: {  	[spmem:s2] =	stream.indirect.scatter.add.f32 [tilespmem:s10], [sflag:$0x1], $0x80, s26, s15, $0xb8;
	[tilespmem:$0x19400] =	vst v63  }
0x329: {  	s28 =	simm.s32 $0x15200  }
0x32a: {  	[spmem:s2] =	stream.indirect.scatter.add.f32 [tilespmem:s10], [sflag:$0x1], $0x80, s28, s15, $0xb8;
	[tilespmem:$0x19400] =	vst v63  }
0x32b: {  	s29 =	simm.s32 $0x15280  }
0x32c: {  	[spmem:s2] =	stream.indirect.scatter.add.f32 [tilespmem:s10], [sflag:$0x1], $0x80, s29, s15, $0xb8;
	[tilespmem:$0x19400] =	vst v63  }
0x32d: {  	s30 =	simm.s32 $0x15300  }
0x32e: {  	[spmem:s2] =	stream.indirect.scatter.add.f32 [tilespmem:s10], [sflag:$0x1], $0x80, s30, s15, $0xb8;
	[tilespmem:$0x19400] =	vst v63  }
0x32f: {  	s31 =	simm.s32 $0x15380  }
0x330: {  	[spmem:s2] =	stream.indirect.scatter.add.f32 [tilespmem:s10], [sflag:$0x1], $0x80, s31, s15, $0xb8;
	[tilespmem:$0x19400] =	vst v63  }
0x331: {  	_ =	swait.ge [sflag:s23], $0x3E80  }
0x332: {  	[sflag:s23] =	ssyncset.done $0x0  }
0x333: {  	[sflag:s23] =	ssyncadd.s32 $0xFFFFC180  }
0x334: {  	_ =	swait.ge [sflag:s23], $0x3E80  }
0x335: {  	[sflag:s23] =	ssyncset.done $0x0  }
0x336: {  	[sflag:s23] =	ssyncadd.s32 $0xFFFFC180  }
0x337: {  	_ =	swait.ge [sflag:s23], $0x3E80  }
0x338: {  	[sflag:s23] =	ssyncset.done $0x0  }
0x339: {  	[sflag:s23] =	ssyncadd.s32 $0xFFFFC180  }
0x33a: {  	_ =	swait.ge [sflag:s23], $0x3E80  }
0x33b: {  	[sflag:s23] =	ssyncset.done $0x0  }
0x33c: {  	[sflag:s23] =	ssyncadd.s32 $0xFFFFC180  }
0x33d: {  	_ =	swait.ge [sflag:s23], $0x3E80  }
0x33e: {  	[sflag:s23] =	ssyncset.done $0x0  }
0x33f: {  	[sflag:s23] =	ssyncadd.s32 $0xFFFFC180  }
0x340: {  	_ =	swait.ge [sflag:s23], $0x3E80  }
0x341: {  	[sflag:s23] =	ssyncset.done $0x0  }
0x342: {  	[sflag:s23] =	ssyncadd.s32 $0xFFFFC180  }
0x343: {  	_ =	swait.ge [sflag:s23], $0x3E80  }
.Ltmp4:
0x344: {  	[sflag:s23] =	ssyncset.done $0x0;
	(pc) =	sbr.rel .LBB2_8-.Ltmp4, $4  }
0x345: {  	[sflag:s23] =	ssyncadd.s32 $0xFFFFC180  }
0x346: {  	_ =	swait.ge [sflag:s23], $0x3E80  }
0x347: {  	[sflag:s23] =	ssyncset.done $0x0;
	s0 =	rddreg [dreg:$0x8]  }
0x348: {  	s3 =	rddreg [dreg:$0xe];
	[sflag:s23] =	ssyncadd.s32 $0xFFFFC180  }
.LBB2_5:
0x349: {  	s0 =	rddreg [dreg:$0x4]  }
0x34a: {  	s0 =	sadd.s32 $0x0, s0  }
0x34b: {  	[tilespmem:s14], [sflag:$0x2] =	stream.linear.gather [hbm4b:s0+s7], $0x1400, $0x38;
	[tilespmem:$0x19400] =	vst v63  }
0x34c: {  	_ =	swait.ge [sflag:s11], $0x1400  }
0x34d: {  	[sflag:s11] =	ssyncset.done $0x0  }
0x34e: {  	[sflag:s11] =	ssyncadd.s32 $0xFFFFEC00  }
0x34f: {  	[spmem:s2] =	stream.indirect.scatter.add.f32 [tilespmem:s10], [sflag:$0x1], $0x80, s14, s15, $0xb8;
	[tilespmem:$0x19400] =	vst v63  }
0x350: {  	s5 =	simm.s32 $0x14080  }
0x351: {  	[spmem:s2] =	stream.indirect.scatter.add.f32 [tilespmem:s10], [sflag:$0x1], $0x80, s5, s15, $0xb8;
	[tilespmem:$0x19400] =	vst v63  }
0x352: {  	s8 =	simm.s32 $0x14100  }
0x353: {  	[spmem:s2] =	stream.indirect.scatter.add.f32 [tilespmem:s10], [sflag:$0x1], $0x80, s8, s15, $0xb8;
	[tilespmem:$0x19400] =	vst v63  }
0x354: {  	s9 =	simm.s32 $0x14180  }
0x355: {  	[spmem:s2] =	stream.indirect.scatter.add.f32 [tilespmem:s10], [sflag:$0x1], $0x80, s9, s15, $0xb8;
	[tilespmem:$0x19400] =	vst v63  }
0x356: {  	s4 =	simm.s32 $0x14200  }
0x357: {  	[spmem:s2] =	stream.indirect.scatter.add.f32 [tilespmem:s10], [sflag:$0x1], $0x80, s4, s15, $0xb8;
	[tilespmem:$0x19400] =	vst v63  }
0x358: {  	s12 =	simm.s32 $0x14280  }
0x359: {  	[spmem:s2] =	stream.indirect.scatter.add.f32 [tilespmem:s10], [sflag:$0x1], $0x80, s12, s15, $0xb8;
	[tilespmem:$0x19400] =	vst v63  }
0x35a: {  	s13 =	simm.s32 $0x14300  }
0x35b: {  	[spmem:s2] =	stream.indirect.scatter.add.f32 [tilespmem:s10], [sflag:$0x1], $0x80, s13, s15, $0xb8;
	[tilespmem:$0x19400] =	vst v63  }
0x35c: {  	s3 =	simm.s32 $0x14380  }
0x35d: {  	[spmem:s2] =	stream.indirect.scatter.add.f32 [tilespmem:s10], [sflag:$0x1], $0x80, s3, s15, $0xb8;
	[tilespmem:$0x19400] =	vst v63  }
0x35e: {  	_ =	swait.ge [sflag:s23], $0x3E80  }
0x35f: {  	[sflag:s23] =	ssyncset.done $0x0  }
0x360: {  	[sflag:s23] =	ssyncadd.s32 $0xFFFFC180  }
0x361: {  	_ =	swait.ge [sflag:s23], $0x3E80  }
0x362: {  	[sflag:s23] =	ssyncset.done $0x0  }
0x363: {  	[sflag:s23] =	ssyncadd.s32 $0xFFFFC180  }
0x364: {  	_ =	swait.ge [sflag:s23], $0x3E80  }
0x365: {  	[sflag:s23] =	ssyncset.done $0x0  }
0x366: {  	[sflag:s23] =	ssyncadd.s32 $0xFFFFC180  }
0x367: {  	_ =	swait.ge [sflag:s23], $0x3E80  }
0x368: {  	[sflag:s23] =	ssyncset.done $0x0  }
0x369: {  	[sflag:s23] =	ssyncadd.s32 $0xFFFFC180  }
0x36a: {  	_ =	swait.ge [sflag:s23], $0x3E80  }
0x36b: {  	[sflag:s23] =	ssyncset.done $0x0  }
0x36c: {  	[sflag:s23] =	ssyncadd.s32 $0xFFFFC180  }
0x36d: {  	_ =	swait.ge [sflag:s23], $0x3E80  }
0x36e: {  	[sflag:s23] =	ssyncset.done $0x0  }
0x36f: {  	[sflag:s23] =	ssyncadd.s32 $0xFFFFC180  }
0x370: {  	_ =	swait.ge [sflag:s23], $0x3E80  }
0x371: {  	[sflag:s23] =	ssyncset.done $0x0  }
0x372: {  	[sflag:s23] =	ssyncadd.s32 $0xFFFFC180  }
0x373: {  	_ =	swait.ge [sflag:s23], $0x3E80  }
0x374: {  	[sflag:s23] =	ssyncset.done $0x0  }
0x375: {  	s16 =	simm.s32 $0x14400;
	[sflag:s23] =	ssyncadd.s32 $0xFFFFC180  }
0x376: {  	[spmem:s2] =	stream.indirect.scatter.add.f32 [tilespmem:s10], [sflag:$0x1], $0x80, s16, s15, $0xb8;
	[tilespmem:$0x19400] =	vst v63  }
0x377: {  	s17 =	simm.s32 $0x14480  }
0x378: {  	[spmem:s2] =	stream.indirect.scatter.add.f32 [tilespmem:s10], [sflag:$0x1], $0x80, s17, s15, $0xb8;
	[tilespmem:$0x19400] =	vst v63  }
0x379: {  	s18 =	simm.s32 $0x14500  }
0x37a: {  	[spmem:s2] =	stream.indirect.scatter.add.f32 [tilespmem:s10], [sflag:$0x1], $0x80, s18, s15, $0xb8;
	[tilespmem:$0x19400] =	vst v63  }
0x37b: {  	s19 =	simm.s32 $0x14580  }
0x37c: {  	[spmem:s2] =	stream.indirect.scatter.add.f32 [tilespmem:s10], [sflag:$0x1], $0x80, s19, s15, $0xb8;
	[tilespmem:$0x19400] =	vst v63  }
0x37d: {  	s20 =	simm.s32 $0x14600  }
0x37e: {  	[spmem:s2] =	stream.indirect.scatter.add.f32 [tilespmem:s10], [sflag:$0x1], $0x80, s20, s15, $0xb8;
	[tilespmem:$0x19400] =	vst v63  }
0x37f: {  	s21 =	simm.s32 $0x14680  }
0x380: {  	[spmem:s2] =	stream.indirect.scatter.add.f32 [tilespmem:s10], [sflag:$0x1], $0x80, s21, s15, $0xb8;
	[tilespmem:$0x19400] =	vst v63  }
0x381: {  	s22 =	simm.s32 $0x14700  }
0x382: {  	[spmem:s2] =	stream.indirect.scatter.add.f32 [tilespmem:s10], [sflag:$0x1], $0x80, s22, s15, $0xb8;
	[tilespmem:$0x19400] =	vst v63  }
0x383: {  	s24 =	simm.s32 $0x14780  }
0x384: {  	[spmem:s2] =	stream.indirect.scatter.add.f32 [tilespmem:s10], [sflag:$0x1], $0x80, s24, s15, $0xb8;
	[tilespmem:$0x19400] =	vst v63  }
0x385: {  	_ =	swait.ge [sflag:s23], $0x3E80  }
0x386: {  	[sflag:s23] =	ssyncset.done $0x0  }
0x387: {  	[sflag:s23] =	ssyncadd.s32 $0xFFFFC180  }
0x388: {  	_ =	swait.ge [sflag:s23], $0x3E80  }
0x389: {  	[sflag:s23] =	ssyncset.done $0x0  }
0x38a: {  	[sflag:s23] =	ssyncadd.s32 $0xFFFFC180  }
0x38b: {  	_ =	swait.ge [sflag:s23], $0x3E80  }
0x38c: {  	[sflag:s23] =	ssyncset.done $0x0  }
0x38d: {  	[sflag:s23] =	ssyncadd.s32 $0xFFFFC180  }
0x38e: {  	_ =	swait.ge [sflag:s23], $0x3E80  }
0x38f: {  	[sflag:s23] =	ssyncset.done $0x0  }
0x390: {  	[sflag:s23] =	ssyncadd.s32 $0xFFFFC180  }
0x391: {  	_ =	swait.ge [sflag:s23], $0x3E80  }
0x392: {  	[sflag:s23] =	ssyncset.done $0x0  }
0x393: {  	[sflag:s23] =	ssyncadd.s32 $0xFFFFC180  }
0x394: {  	_ =	swait.ge [sflag:s23], $0x3E80  }
0x395: {  	[sflag:s23] =	ssyncset.done $0x0  }
0x396: {  	[sflag:s23] =	ssyncadd.s32 $0xFFFFC180  }
0x397: {  	_ =	swait.ge [sflag:s23], $0x3E80  }
0x398: {  	[sflag:s23] =	ssyncset.done $0x0  }
0x399: {  	[sflag:s23] =	ssyncadd.s32 $0xFFFFC180  }
0x39a: {  	_ =	swait.ge [sflag:s23], $0x3E80  }
0x39b: {  	[sflag:s23] =	ssyncset.done $0x0  }
0x39c: {  	s25 =	simm.s32 $0x14800;
	[sflag:s23] =	ssyncadd.s32 $0xFFFFC180  }
0x39d: {  	[spmem:s2] =	stream.indirect.scatter.add.f32 [tilespmem:s10], [sflag:$0x1], $0x80, s25, s15, $0xb8;
	[tilespmem:$0x19400] =	vst v63  }
0x39e: {  	s26 =	simm.s32 $0x14880  }
0x39f: {  	[spmem:s2] =	stream.indirect.scatter.add.f32 [tilespmem:s10], [sflag:$0x1], $0x80, s26, s15, $0xb8;
	[tilespmem:$0x19400] =	vst v63  }
0x3a0: {  	s28 =	simm.s32 $0x14900  }
0x3a1: {  	[spmem:s2] =	stream.indirect.scatter.add.f32 [tilespmem:s10], [sflag:$0x1], $0x80, s28, s15, $0xb8;
	[tilespmem:$0x19400] =	vst v63  }
0x3a2: {  	s29 =	simm.s32 $0x14980  }
0x3a3: {  	[spmem:s2] =	stream.indirect.scatter.add.f32 [tilespmem:s10], [sflag:$0x1], $0x80, s29, s15, $0xb8;
	[tilespmem:$0x19400] =	vst v63  }
0x3a4: {  	s30 =	simm.s32 $0x14A00  }
0x3a5: {  	[spmem:s2] =	stream.indirect.scatter.add.f32 [tilespmem:s10], [sflag:$0x1], $0x80, s30, s15, $0xb8;
	[tilespmem:$0x19400] =	vst v63  }
0x3a6: {  	s31 =	simm.s32 $0x14A80  }
0x3a7: {  	[spmem:s2] =	stream.indirect.scatter.add.f32 [tilespmem:s10], [sflag:$0x1], $0x80, s31, s15, $0xb8;
	[tilespmem:$0x19400] =	vst v63  }
0x3a8: {  	s1 =	simm.s32 $0x14B00  }
0x3a9: {  	[spmem:s2] =	stream.indirect.scatter.add.f32 [tilespmem:s10], [sflag:$0x1], $0x80, s1, s15, $0xb8;
	[tilespmem:$0x19400] =	vst v63  }
0x3aa: {  	s6 =	simm.s32 $0x14B80  }
0x3ab: {  	[spmem:s2] =	stream.indirect.scatter.add.f32 [tilespmem:s10], [sflag:$0x1], $0x80, s6, s15, $0xb8;
	[tilespmem:$0x19400] =	vst v63  }
0x3ac: {  	_ =	swait.ge [sflag:s23], $0x3E80  }
0x3ad: {  	[sflag:s23] =	ssyncset.done $0x0  }
0x3ae: {  	[sflag:s23] =	ssyncadd.s32 $0xFFFFC180  }
0x3af: {  	_ =	swait.ge [sflag:s23], $0x3E80  }
0x3b0: {  	[sflag:s23] =	ssyncset.done $0x0  }
0x3b1: {  	[sflag:s23] =	ssyncadd.s32 $0xFFFFC180  }
0x3b2: {  	_ =	swait.ge [sflag:s23], $0x3E80  }
0x3b3: {  	[sflag:s23] =	ssyncset.done $0x0  }
0x3b4: {  	[sflag:s23] =	ssyncadd.s32 $0xFFFFC180  }
0x3b5: {  	_ =	swait.ge [sflag:s23], $0x3E80  }
0x3b6: {  	[sflag:s23] =	ssyncset.done $0x0  }
0x3b7: {  	[sflag:s23] =	ssyncadd.s32 $0xFFFFC180  }
0x3b8: {  	_ =	swait.ge [sflag:s23], $0x3E80  }
0x3b9: {  	[sflag:s23] =	ssyncset.done $0x0  }
0x3ba: {  	[sflag:s23] =	ssyncadd.s32 $0xFFFFC180  }
0x3bb: {  	_ =	swait.ge [sflag:s23], $0x3E80  }
0x3bc: {  	[sflag:s23] =	ssyncset.done $0x0  }
0x3bd: {  	[sflag:s23] =	ssyncadd.s32 $0xFFFFC180  }
0x3be: {  	_ =	swait.ge [sflag:s23], $0x3E80  }
0x3bf: {  	[sflag:s23] =	ssyncset.done $0x0  }
0x3c0: {  	[sflag:s23] =	ssyncadd.s32 $0xFFFFC180  }
0x3c1: {  	_ =	swait.ge [sflag:s23], $0x3E80  }
0x3c2: {  	[sflag:s23] =	ssyncset.done $0x0  }
0x3c3: {  	s7 =	simm.s32 $0x14C00;
	[sflag:s23] =	ssyncadd.s32 $0xFFFFC180  }
0x3c4: {  	[spmem:s2] =	stream.indirect.scatter.add.f32 [tilespmem:s10], [sflag:$0x1], $0x80, s7, s15, $0xb8;
	[tilespmem:$0x19400] =	vst v63  }
0x3c5: {  	s1 =	simm.s32 $0x14C80  }
0x3c6: {  	[spmem:s2] =	stream.indirect.scatter.add.f32 [tilespmem:s10], [sflag:$0x1], $0x80, s1, s15, $0xb8;
	[tilespmem:$0x19400] =	vst v63  }
0x3c7: {  	s6 =	simm.s32 $0x14D00  }
0x3c8: {  	[spmem:s2] =	stream.indirect.scatter.add.f32 [tilespmem:s10], [sflag:$0x1], $0x80, s6, s15, $0xb8;
	[tilespmem:$0x19400] =	vst v63  }
0x3c9: {  	s7 =	simm.s32 $0x14D80  }
0x3ca: {  	[spmem:s2] =	stream.indirect.scatter.add.f32 [tilespmem:s10], [sflag:$0x1], $0x80, s7, s15, $0xb8;
	[tilespmem:$0x19400] =	vst v63  }
0x3cb: {  	s1 =	simm.s32 $0x14E00  }
0x3cc: {  	[spmem:s2] =	stream.indirect.scatter.add.f32 [tilespmem:s10], [sflag:$0x1], $0x80, s1, s15, $0xb8;
	[tilespmem:$0x19400] =	vst v63  }
0x3cd: {  	s6 =	simm.s32 $0x14E80  }
0x3ce: {  	[spmem:s2] =	stream.indirect.scatter.add.f32 [tilespmem:s10], [sflag:$0x1], $0x80, s6, s15, $0xb8;
	[tilespmem:$0x19400] =	vst v63  }
0x3cf: {  	s7 =	simm.s32 $0x14F00  }
0x3d0: {  	[spmem:s2] =	stream.indirect.scatter.add.f32 [tilespmem:s10], [sflag:$0x1], $0x80, s7, s15, $0xb8;
	[tilespmem:$0x19400] =	vst v63  }
0x3d1: {  	s1 =	simm.s32 $0x14F80  }
0x3d2: {  	[spmem:s2] =	stream.indirect.scatter.add.f32 [tilespmem:s10], [sflag:$0x1], $0x80, s1, s15, $0xb8;
	[tilespmem:$0x19400] =	vst v63  }
0x3d3: {  	_ =	swait.ge [sflag:s23], $0x3E80  }
0x3d4: {  	[sflag:s23] =	ssyncset.done $0x0  }
0x3d5: {  	[sflag:s23] =	ssyncadd.s32 $0xFFFFC180  }
0x3d6: {  	_ =	swait.ge [sflag:s23], $0x3E80  }
0x3d7: {  	[sflag:s23] =	ssyncset.done $0x0  }
0x3d8: {  	[sflag:s23] =	ssyncadd.s32 $0xFFFFC180  }
0x3d9: {  	_ =	swait.ge [sflag:s23], $0x3E80  }
0x3da: {  	[sflag:s23] =	ssyncset.done $0x0  }
0x3db: {  	[sflag:s23] =	ssyncadd.s32 $0xFFFFC180  }
0x3dc: {  	_ =	swait.ge [sflag:s23], $0x3E80  }
0x3dd: {  	[sflag:s23] =	ssyncset.done $0x0  }
0x3de: {  	[sflag:s23] =	ssyncadd.s32 $0xFFFFC180  }
0x3df: {  	_ =	swait.ge [sflag:s23], $0x3E80  }
0x3e0: {  	[sflag:s23] =	ssyncset.done $0x0  }
0x3e1: {  	[sflag:s23] =	ssyncadd.s32 $0xFFFFC180  }
0x3e2: {  	_ =	swait.ge [sflag:s23], $0x3E80  }
0x3e3: {  	[sflag:s23] =	ssyncset.done $0x0  }
0x3e4: {  	[sflag:s23] =	ssyncadd.s32 $0xFFFFC180  }
0x3e5: {  	_ =	swait.ge [sflag:s23], $0x3E80  }
0x3e6: {  	[sflag:s23] =	ssyncset.done $0x0  }
0x3e7: {  	[sflag:s23] =	ssyncadd.s32 $0xFFFFC180  }
0x3e8: {  	_ =	swait.ge [sflag:s23], $0x3E80  }
0x3e9: {  	[sflag:s23] =	ssyncset.done $0x0  }
0x3ea: {  	s6 =	simm.s32 $0x15000;
	[sflag:s23] =	ssyncadd.s32 $0xFFFFC180  }
0x3eb: {  	[spmem:s2] =	stream.indirect.scatter.add.f32 [tilespmem:s10], [sflag:$0x1], $0x80, s6, s15, $0xb8;
	[tilespmem:$0x19400] =	vst v63  }
0x3ec: {  	s7 =	simm.s32 $0x15080  }
0x3ed: {  	[spmem:s2] =	stream.indirect.scatter.add.f32 [tilespmem:s10], [sflag:$0x1], $0x80, s7, s15, $0xb8;
	[tilespmem:$0x19400] =	vst v63  }
0x3ee: {  	s1 =	simm.s32 $0x15100  }
0x3ef: {  	[spmem:s2] =	stream.indirect.scatter.add.f32 [tilespmem:s10], [sflag:$0x1], $0x80, s1, s15, $0xb8;
	[tilespmem:$0x19400] =	vst v63  }
0x3f0: {  	s6 =	simm.s32 $0x15180  }
0x3f1: {  	[spmem:s2] =	stream.indirect.scatter.add.f32 [tilespmem:s10], [sflag:$0x1], $0x80, s6, s15, $0xb8;
	[tilespmem:$0x19400] =	vst v63  }
0x3f2: {  	s7 =	simm.s32 $0x15200  }
0x3f3: {  	[spmem:s2] =	stream.indirect.scatter.add.f32 [tilespmem:s10], [sflag:$0x1], $0x80, s7, s15, $0xb8;
	[tilespmem:$0x19400] =	vst v63  }
0x3f4: {  	s1 =	simm.s32 $0x15280  }
0x3f5: {  	[spmem:s2] =	stream.indirect.scatter.add.f32 [tilespmem:s10], [sflag:$0x1], $0x80, s1, s15, $0xb8;
	[tilespmem:$0x19400] =	vst v63  }
0x3f6: {  	s6 =	simm.s32 $0x15300  }
0x3f7: {  	[spmem:s2] =	stream.indirect.scatter.add.f32 [tilespmem:s10], [sflag:$0x1], $0x80, s6, s15, $0xb8;
	[tilespmem:$0x19400] =	vst v63  }
0x3f8: {  	s7 =	simm.s32 $0x15380  }
0x3f9: {  	[spmem:s2] =	stream.indirect.scatter.add.f32 [tilespmem:s10], [sflag:$0x1], $0x80, s7, s15, $0xb8;
	[tilespmem:$0x19400] =	vst v63  }
0x3fa: {  	_ =	swait.ge [sflag:s23], $0x3E80  }
0x3fb: {  	[sflag:s23] =	ssyncset.done $0x0  }
0x3fc: {  	[sflag:s23] =	ssyncadd.s32 $0xFFFFC180  }
0x3fd: {  	_ =	swait.ge [sflag:s23], $0x3E80  }
0x3fe: {  	[sflag:s23] =	ssyncset.done $0x0  }
0x3ff: {  	[sflag:s23] =	ssyncadd.s32 $0xFFFFC180  }
0x400: {  	_ =	swait.ge [sflag:s23], $0x3E80  }
0x401: {  	[sflag:s23] =	ssyncset.done $0x0  }
0x402: {  	[sflag:s23] =	ssyncadd.s32 $0xFFFFC180  }
0x403: {  	_ =	swait.ge [sflag:s23], $0x3E80  }
0x404: {  	[sflag:s23] =	ssyncset.done $0x0  }
0x405: {  	[sflag:s23] =	ssyncadd.s32 $0xFFFFC180  }
0x406: {  	_ =	swait.ge [sflag:s23], $0x3E80  }
0x407: {  	[sflag:s23] =	ssyncset.done $0x0  }
0x408: {  	[sflag:s23] =	ssyncadd.s32 $0xFFFFC180  }
0x409: {  	_ =	swait.ge [sflag:s23], $0x3E80  }
0x40a: {  	[sflag:s23] =	ssyncset.done $0x0  }
0x40b: {  	[sflag:s23] =	ssyncadd.s32 $0xFFFFC180  }
0x40c: {  	_ =	swait.ge [sflag:s23], $0x3E80  }
0x40d: {  	[sflag:s23] =	ssyncset.done $0x0  }
0x40e: {  	[sflag:s23] =	ssyncadd.s32 $0xFFFFC180  }
0x40f: {  	s0 =	simm.s32 $0x280;
	_ =	swait.ge [sflag:s23], $0x3E80  }
0x410: {  	s1 =	simm.s32 $0x500;
	s6 =	rddreg [dreg:$0x4];
	[sflag:s23] =	ssyncset.done $0x0  }
.LBB2_6:
0x411: {  	[sflag:s23] =	ssyncadd.s32 $0xFFFFC180;
	s7 =	smov.u32 s1  }
0x412: {  	s6 =	sadd.s32 s0, s6;
	s0 =	smov.u32 s7;
	s7 =	simm.s32 $0x0  }
0x413: {  	[tilespmem:s14], [sflag:$0x2] =	stream.linear.gather [hbm4b:s6+s7], $0x1400, $0x38;
	[tilespmem:$0x19400] =	vst v63  }
0x414: {  	_ =	swait.ge [sflag:s11], $0x1400  }
0x415: {  	[sflag:s11] =	ssyncset.done $0x0  }
0x416: {  	[sflag:s11] =	ssyncadd.s32 $0xFFFFEC00  }
0x417: {  	[spmem:s2] =	stream.indirect.scatter.add.f32 [tilespmem:s10], [sflag:$0x1], $0x80, s14, s15, $0xb8;
	[tilespmem:$0x19400] =	vst v63  }
0x418: {  	_ = 	snop  }
0x419: {  	[spmem:s2] =	stream.indirect.scatter.add.f32 [tilespmem:s10], [sflag:$0x1], $0x80, s5, s15, $0xb8;
	[tilespmem:$0x19400] =	vst v63  }
0x41a: {  	_ = 	snop  }
0x41b: {  	[spmem:s2] =	stream.indirect.scatter.add.f32 [tilespmem:s10], [sflag:$0x1], $0x80, s8, s15, $0xb8;
	[tilespmem:$0x19400] =	vst v63  }
0x41c: {  	_ = 	snop  }
0x41d: {  	[spmem:s2] =	stream.indirect.scatter.add.f32 [tilespmem:s10], [sflag:$0x1], $0x80, s9, s15, $0xb8;
	[tilespmem:$0x19400] =	vst v63  }
0x41e: {  	_ = 	snop  }
0x41f: {  	[spmem:s2] =	stream.indirect.scatter.add.f32 [tilespmem:s10], [sflag:$0x1], $0x80, s4, s15, $0xb8;
	[tilespmem:$0x19400] =	vst v63  }
0x420: {  	_ = 	snop  }
0x421: {  	[spmem:s2] =	stream.indirect.scatter.add.f32 [tilespmem:s10], [sflag:$0x1], $0x80, s12, s15, $0xb8;
	[tilespmem:$0x19400] =	vst v63  }
0x422: {  	_ = 	snop  }
0x423: {  	[spmem:s2] =	stream.indirect.scatter.add.f32 [tilespmem:s10], [sflag:$0x1], $0x80, s13, s15, $0xb8;
	[tilespmem:$0x19400] =	vst v63  }
0x424: {  	_ = 	snop  }
0x425: {  	[spmem:s2] =	stream.indirect.scatter.add.f32 [tilespmem:s10], [sflag:$0x1], $0x80, s3, s15, $0xb8;
	[tilespmem:$0x19400] =	vst v63  }
0x426: {  	_ =	swait.ge [sflag:s23], $0x3E80  }
0x427: {  	[sflag:s23] =	ssyncset.done $0x0  }
0x428: {  	[sflag:s23] =	ssyncadd.s32 $0xFFFFC180  }
0x429: {  	_ =	swait.ge [sflag:s23], $0x3E80  }
0x42a: {  	[sflag:s23] =	ssyncset.done $0x0  }
0x42b: {  	[sflag:s23] =	ssyncadd.s32 $0xFFFFC180  }
0x42c: {  	_ =	swait.ge [sflag:s23], $0x3E80  }
0x42d: {  	[sflag:s23] =	ssyncset.done $0x0  }
0x42e: {  	[sflag:s23] =	ssyncadd.s32 $0xFFFFC180  }
0x42f: {  	_ =	swait.ge [sflag:s23], $0x3E80  }
0x430: {  	[sflag:s23] =	ssyncset.done $0x0  }
0x431: {  	[sflag:s23] =	ssyncadd.s32 $0xFFFFC180  }
0x432: {  	_ =	swait.ge [sflag:s23], $0x3E80  }
0x433: {  	[sflag:s23] =	ssyncset.done $0x0  }
0x434: {  	[sflag:s23] =	ssyncadd.s32 $0xFFFFC180  }
0x435: {  	_ =	swait.ge [sflag:s23], $0x3E80  }
0x436: {  	[sflag:s23] =	ssyncset.done $0x0  }
0x437: {  	[sflag:s23] =	ssyncadd.s32 $0xFFFFC180  }
0x438: {  	_ =	swait.ge [sflag:s23], $0x3E80  }
0x439: {  	[sflag:s23] =	ssyncset.done $0x0  }
0x43a: {  	[sflag:s23] =	ssyncadd.s32 $0xFFFFC180  }
0x43b: {  	_ =	swait.ge [sflag:s23], $0x3E80  }
0x43c: {  	[sflag:s23] =	ssyncset.done $0x0  }
0x43d: {  	[sflag:s23] =	ssyncadd.s32 $0xFFFFC180  }
0x43e: {  	[spmem:s2] =	stream.indirect.scatter.add.f32 [tilespmem:s10], [sflag:$0x1], $0x80, s16, s15, $0xb8;
	[tilespmem:$0x19400] =	vst v63  }
0x43f: {  	_ = 	snop  }
0x440: {  	[spmem:s2] =	stream.indirect.scatter.add.f32 [tilespmem:s10], [sflag:$0x1], $0x80, s17, s15, $0xb8;
	[tilespmem:$0x19400] =	vst v63  }
0x441: {  	_ = 	snop  }
0x442: {  	[spmem:s2] =	stream.indirect.scatter.add.f32 [tilespmem:s10], [sflag:$0x1], $0x80, s18, s15, $0xb8;
	[tilespmem:$0x19400] =	vst v63  }
0x443: {  	_ = 	snop  }
0x444: {  	[spmem:s2] =	stream.indirect.scatter.add.f32 [tilespmem:s10], [sflag:$0x1], $0x80, s19, s15, $0xb8;
	[tilespmem:$0x19400] =	vst v63  }
0x445: {  	_ = 	snop  }
0x446: {  	[spmem:s2] =	stream.indirect.scatter.add.f32 [tilespmem:s10], [sflag:$0x1], $0x80, s20, s15, $0xb8;
	[tilespmem:$0x19400] =	vst v63  }
0x447: {  	_ = 	snop  }
0x448: {  	[spmem:s2] =	stream.indirect.scatter.add.f32 [tilespmem:s10], [sflag:$0x1], $0x80, s21, s15, $0xb8;
	[tilespmem:$0x19400] =	vst v63  }
0x449: {  	_ = 	snop  }
0x44a: {  	[spmem:s2] =	stream.indirect.scatter.add.f32 [tilespmem:s10], [sflag:$0x1], $0x80, s22, s15, $0xb8;
	[tilespmem:$0x19400] =	vst v63  }
0x44b: {  	_ = 	snop  }
0x44c: {  	[spmem:s2] =	stream.indirect.scatter.add.f32 [tilespmem:s10], [sflag:$0x1], $0x80, s24, s15, $0xb8;
	[tilespmem:$0x19400] =	vst v63  }
0x44d: {  	_ =	swait.ge [sflag:s23], $0x3E80  }
0x44e: {  	[sflag:s23] =	ssyncset.done $0x0  }
0x44f: {  	[sflag:s23] =	ssyncadd.s32 $0xFFFFC180  }
0x450: {  	_ =	swait.ge [sflag:s23], $0x3E80  }
0x451: {  	[sflag:s23] =	ssyncset.done $0x0  }
0x452: {  	[sflag:s23] =	ssyncadd.s32 $0xFFFFC180  }
0x453: {  	_ =	swait.ge [sflag:s23], $0x3E80  }
0x454: {  	[sflag:s23] =	ssyncset.done $0x0  }
0x455: {  	[sflag:s23] =	ssyncadd.s32 $0xFFFFC180  }
0x456: {  	_ =	swait.ge [sflag:s23], $0x3E80  }
0x457: {  	[sflag:s23] =	ssyncset.done $0x0  }
0x458: {  	[sflag:s23] =	ssyncadd.s32 $0xFFFFC180  }
0x459: {  	_ =	swait.ge [sflag:s23], $0x3E80  }
0x45a: {  	[sflag:s23] =	ssyncset.done $0x0  }
0x45b: {  	[sflag:s23] =	ssyncadd.s32 $0xFFFFC180  }
0x45c: {  	_ =	swait.ge [sflag:s23], $0x3E80  }
0x45d: {  	[sflag:s23] =	ssyncset.done $0x0  }
0x45e: {  	[sflag:s23] =	ssyncadd.s32 $0xFFFFC180  }
0x45f: {  	_ =	swait.ge [sflag:s23], $0x3E80  }
0x460: {  	[sflag:s23] =	ssyncset.done $0x0  }
0x461: {  	[sflag:s23] =	ssyncadd.s32 $0xFFFFC180  }
0x462: {  	_ =	swait.ge [sflag:s23], $0x3E80  }
0x463: {  	[sflag:s23] =	ssyncset.done $0x0  }
0x464: {  	[sflag:s23] =	ssyncadd.s32 $0xFFFFC180  }
0x465: {  	[spmem:s2] =	stream.indirect.scatter.add.f32 [tilespmem:s10], [sflag:$0x1], $0x80, s25, s15, $0xb8;
	[tilespmem:$0x19400] =	vst v63  }
0x466: {  	_ = 	snop  }
0x467: {  	[spmem:s2] =	stream.indirect.scatter.add.f32 [tilespmem:s10], [sflag:$0x1], $0x80, s26, s15, $0xb8;
	[tilespmem:$0x19400] =	vst v63  }
0x468: {  	_ = 	snop  }
0x469: {  	[spmem:s2] =	stream.indirect.scatter.add.f32 [tilespmem:s10], [sflag:$0x1], $0x80, s28, s15, $0xb8;
	[tilespmem:$0x19400] =	vst v63  }
0x46a: {  	_ = 	snop  }
0x46b: {  	[spmem:s2] =	stream.indirect.scatter.add.f32 [tilespmem:s10], [sflag:$0x1], $0x80, s29, s15, $0xb8;
	[tilespmem:$0x19400] =	vst v63  }
0x46c: {  	_ = 	snop  }
0x46d: {  	[spmem:s2] =	stream.indirect.scatter.add.f32 [tilespmem:s10], [sflag:$0x1], $0x80, s30, s15, $0xb8;
	[tilespmem:$0x19400] =	vst v63  }
0x46e: {  	_ = 	snop  }
0x46f: {  	[spmem:s2] =	stream.indirect.scatter.add.f32 [tilespmem:s10], [sflag:$0x1], $0x80, s31, s15, $0xb8;
	[tilespmem:$0x19400] =	vst v63  }
0x470: {  	s6 =	simm.s32 $0x14B00  }
0x471: {  	[spmem:s2] =	stream.indirect.scatter.add.f32 [tilespmem:s10], [sflag:$0x1], $0x80, s6, s15, $0xb8;
	[tilespmem:$0x19400] =	vst v63  }
0x472: {  	s6 =	simm.s32 $0x14B80  }
0x473: {  	[spmem:s2] =	stream.indirect.scatter.add.f32 [tilespmem:s10], [sflag:$0x1], $0x80, s6, s15, $0xb8;
	[tilespmem:$0x19400] =	vst v63  }
0x474: {  	_ =	swait.ge [sflag:s23], $0x3E80  }
0x475: {  	[sflag:s23] =	ssyncset.done $0x0  }
0x476: {  	[sflag:s23] =	ssyncadd.s32 $0xFFFFC180  }
0x477: {  	_ =	swait.ge [sflag:s23], $0x3E80  }
0x478: {  	[sflag:s23] =	ssyncset.done $0x0  }
0x479: {  	[sflag:s23] =	ssyncadd.s32 $0xFFFFC180  }
0x47a: {  	_ =	swait.ge [sflag:s23], $0x3E80  }
0x47b: {  	[sflag:s23] =	ssyncset.done $0x0  }
0x47c: {  	[sflag:s23] =	ssyncadd.s32 $0xFFFFC180  }
0x47d: {  	_ =	swait.ge [sflag:s23], $0x3E80  }
0x47e: {  	[sflag:s23] =	ssyncset.done $0x0  }
0x47f: {  	[sflag:s23] =	ssyncadd.s32 $0xFFFFC180  }
0x480: {  	_ =	swait.ge [sflag:s23], $0x3E80  }
0x481: {  	[sflag:s23] =	ssyncset.done $0x0  }
0x482: {  	[sflag:s23] =	ssyncadd.s32 $0xFFFFC180  }
0x483: {  	_ =	swait.ge [sflag:s23], $0x3E80  }
0x484: {  	[sflag:s23] =	ssyncset.done $0x0  }
0x485: {  	[sflag:s23] =	ssyncadd.s32 $0xFFFFC180  }
0x486: {  	_ =	swait.ge [sflag:s23], $0x3E80  }
0x487: {  	[sflag:s23] =	ssyncset.done $0x0  }
0x488: {  	[sflag:s23] =	ssyncadd.s32 $0xFFFFC180  }
0x489: {  	_ =	swait.ge [sflag:s23], $0x3E80  }
0x48a: {  	[sflag:s23] =	ssyncset.done $0x0  }
0x48b: {  	s6 =	simm.s32 $0x14C00;
	[sflag:s23] =	ssyncadd.s32 $0xFFFFC180  }
0x48c: {  	[spmem:s2] =	stream.indirect.scatter.add.f32 [tilespmem:s10], [sflag:$0x1], $0x80, s6, s15, $0xb8;
	[tilespmem:$0x19400] =	vst v63  }
0x48d: {  	s6 =	simm.s32 $0x14C80  }
0x48e: {  	[spmem:s2] =	stream.indirect.scatter.add.f32 [tilespmem:s10], [sflag:$0x1], $0x80, s6, s15, $0xb8;
	[tilespmem:$0x19400] =	vst v63  }
0x48f: {  	s6 =	simm.s32 $0x14D00  }
0x490: {  	[spmem:s2] =	stream.indirect.scatter.add.f32 [tilespmem:s10], [sflag:$0x1], $0x80, s6, s15, $0xb8;
	[tilespmem:$0x19400] =	vst v63  }
0x491: {  	s6 =	simm.s32 $0x14D80  }
0x492: {  	[spmem:s2] =	stream.indirect.scatter.add.f32 [tilespmem:s10], [sflag:$0x1], $0x80, s6, s15, $0xb8;
	[tilespmem:$0x19400] =	vst v63  }
0x493: {  	s6 =	simm.s32 $0x14E00  }
0x494: {  	[spmem:s2] =	stream.indirect.scatter.add.f32 [tilespmem:s10], [sflag:$0x1], $0x80, s6, s15, $0xb8;
	[tilespmem:$0x19400] =	vst v63  }
0x495: {  	s6 =	simm.s32 $0x14E80  }
0x496: {  	[spmem:s2] =	stream.indirect.scatter.add.f32 [tilespmem:s10], [sflag:$0x1], $0x80, s6, s15, $0xb8;
	[tilespmem:$0x19400] =	vst v63  }
0x497: {  	s6 =	simm.s32 $0x14F00  }
0x498: {  	[spmem:s2] =	stream.indirect.scatter.add.f32 [tilespmem:s10], [sflag:$0x1], $0x80, s6, s15, $0xb8;
	[tilespmem:$0x19400] =	vst v63  }
0x499: {  	s6 =	simm.s32 $0x14F80  }
0x49a: {  	[spmem:s2] =	stream.indirect.scatter.add.f32 [tilespmem:s10], [sflag:$0x1], $0x80, s6, s15, $0xb8;
	[tilespmem:$0x19400] =	vst v63  }
0x49b: {  	_ =	swait.ge [sflag:s23], $0x3E80  }
0x49c: {  	[sflag:s23] =	ssyncset.done $0x0  }
0x49d: {  	[sflag:s23] =	ssyncadd.s32 $0xFFFFC180  }
0x49e: {  	_ =	swait.ge [sflag:s23], $0x3E80  }
0x49f: {  	[sflag:s23] =	ssyncset.done $0x0  }
0x4a0: {  	[sflag:s23] =	ssyncadd.s32 $0xFFFFC180  }
0x4a1: {  	_ =	swait.ge [sflag:s23], $0x3E80  }
0x4a2: {  	[sflag:s23] =	ssyncset.done $0x0  }
0x4a3: {  	[sflag:s23] =	ssyncadd.s32 $0xFFFFC180  }
0x4a4: {  	_ =	swait.ge [sflag:s23], $0x3E80  }
0x4a5: {  	[sflag:s23] =	ssyncset.done $0x0  }
0x4a6: {  	[sflag:s23] =	ssyncadd.s32 $0xFFFFC180  }
0x4a7: {  	_ =	swait.ge [sflag:s23], $0x3E80  }
0x4a8: {  	[sflag:s23] =	ssyncset.done $0x0  }
0x4a9: {  	[sflag:s23] =	ssyncadd.s32 $0xFFFFC180  }
0x4aa: {  	_ =	swait.ge [sflag:s23], $0x3E80  }
0x4ab: {  	[sflag:s23] =	ssyncset.done $0x0  }
0x4ac: {  	[sflag:s23] =	ssyncadd.s32 $0xFFFFC180  }
0x4ad: {  	_ =	swait.ge [sflag:s23], $0x3E80  }
0x4ae: {  	[sflag:s23] =	ssyncset.done $0x0  }
0x4af: {  	[sflag:s23] =	ssyncadd.s32 $0xFFFFC180  }
0x4b0: {  	_ =	swait.ge [sflag:s23], $0x3E80  }
0x4b1: {  	[sflag:s23] =	ssyncset.done $0x0  }
0x4b2: {  	s6 =	simm.s32 $0x15000;
	[sflag:s23] =	ssyncadd.s32 $0xFFFFC180  }
0x4b3: {  	[spmem:s2] =	stream.indirect.scatter.add.f32 [tilespmem:s10], [sflag:$0x1], $0x80, s6, s15, $0xb8;
	[tilespmem:$0x19400] =	vst v63  }
0x4b4: {  	s6 =	simm.s32 $0x15080  }
0x4b5: {  	[spmem:s2] =	stream.indirect.scatter.add.f32 [tilespmem:s10], [sflag:$0x1], $0x80, s6, s15, $0xb8;
	[tilespmem:$0x19400] =	vst v63  }
0x4b6: {  	s6 =	simm.s32 $0x15100  }
0x4b7: {  	[spmem:s2] =	stream.indirect.scatter.add.f32 [tilespmem:s10], [sflag:$0x1], $0x80, s6, s15, $0xb8;
	[tilespmem:$0x19400] =	vst v63  }
0x4b8: {  	s6 =	simm.s32 $0x15180  }
0x4b9: {  	[spmem:s2] =	stream.indirect.scatter.add.f32 [tilespmem:s10], [sflag:$0x1], $0x80, s6, s15, $0xb8;
	[tilespmem:$0x19400] =	vst v63  }
0x4ba: {  	s6 =	simm.s32 $0x15200  }
0x4bb: {  	[spmem:s2] =	stream.indirect.scatter.add.f32 [tilespmem:s10], [sflag:$0x1], $0x80, s6, s15, $0xb8;
	[tilespmem:$0x19400] =	vst v63  }
0x4bc: {  	s6 =	simm.s32 $0x15280  }
0x4bd: {  	[spmem:s2] =	stream.indirect.scatter.add.f32 [tilespmem:s10], [sflag:$0x1], $0x80, s6, s15, $0xb8;
	[tilespmem:$0x19400] =	vst v63  }
0x4be: {  	s6 =	simm.s32 $0x15300  }
0x4bf: {  	[spmem:s2] =	stream.indirect.scatter.add.f32 [tilespmem:s10], [sflag:$0x1], $0x80, s6, s15, $0xb8;
	[tilespmem:$0x19400] =	vst v63  }
0x4c0: {  	s6 =	simm.s32 $0x15380  }
0x4c1: {  	[spmem:s2] =	stream.indirect.scatter.add.f32 [tilespmem:s10], [sflag:$0x1], $0x80, s6, s15, $0xb8;
	[tilespmem:$0x19400] =	vst v63  }
0x4c2: {  	_ =	swait.ge [sflag:s23], $0x3E80  }
0x4c3: {  	[sflag:s23] =	ssyncset.done $0x0  }
0x4c4: {  	[sflag:s23] =	ssyncadd.s32 $0xFFFFC180  }
0x4c5: {  	_ =	swait.ge [sflag:s23], $0x3E80  }
0x4c6: {  	[sflag:s23] =	ssyncset.done $0x0  }
0x4c7: {  	[sflag:s23] =	ssyncadd.s32 $0xFFFFC180  }
0x4c8: {  	_ =	swait.ge [sflag:s23], $0x3E80  }
0x4c9: {  	[sflag:s23] =	ssyncset.done $0x0  }
0x4ca: {  	[sflag:s23] =	ssyncadd.s32 $0xFFFFC180  }
0x4cb: {  	_ =	swait.ge [sflag:s23], $0x3E80  }
0x4cc: {  	[sflag:s23] =	ssyncset.done $0x0  }
0x4cd: {  	[sflag:s23] =	ssyncadd.s32 $0xFFFFC180  }
0x4ce: {  	_ =	swait.ge [sflag:s23], $0x3E80  }
0x4cf: {  	[sflag:s23] =	ssyncset.done $0x0  }
0x4d0: {  	[sflag:s23] =	ssyncadd.s32 $0xFFFFC180  }
0x4d1: {  	_ =	swait.ge [sflag:s23], $0x3E80  }
0x4d2: {  	[sflag:s23] =	ssyncset.done $0x0  }
0x4d3: {  	p1 =	sne.s32 s1, $0x780;
	[sflag:s23] =	ssyncadd.s32 $0xFFFFC180  }
.Ltmp5:
0x4d4: {  	_ =	swait.ge [sflag:s23], $0x3E80;
	(pc) =	sbr.rel @p1 .LBB2_6-.Ltmp5, $4  }
0x4d5: {  	[sflag:s23] =	ssyncset.done $0x0  }
0x4d6: {  	[sflag:s23] =	ssyncadd.s32 $0xFFFFC180  }
0x4d7: {  	_ =	swait.ge [sflag:s23], $0x3E80  }
0x4d8: {  	s1 =	sadd.s32 $0x280, s1;
	s6 =	rddreg [dreg:$0x4];
	[sflag:s23] =	ssyncset.done $0x0  }
.Ltmp6:
0x4d9: {  	_ = 	snop;
	(pc) =	sbr.rel .LBB2_7-.Ltmp6, $1  }
0x4da: {  	_ =	sdelay $0x3  }
.LBB2_9:
0x4db: {  	_ =	sfence.sel $0x180000  }
0x4dc: {  	[bflag:$0x0] =	sbarrier.arrive $0xFFFF  }
0x4dd: {  	_ =	strace $0x9000004A  }
0x4de: {  	s0 =	stileid.u32;
	[bflag:$0x2] =	sbarrier.arrive $0xFFFF  }
0x4df: {  	p0 =	sne.s32 s0, $0x0;
	s0 =	rddreg [dreg:$0x3]  }
0x4e0: {  	s0 =	sadd.s32 @!p0 $0x100000, s0  }
0x4e1: {  	[sflag:s0] =	ssyncadd.tile.s32 @!p0 $0x1;
	_ =	shalt  }
.Lfunc_end2:
_tile_overlayer_lowered:
.L_overlay_start_2:
0x4e2: {  	(tag) =	ssettag $0x2  }
0x4e3: {  	s0 =	rddreg [dreg:$0x0];
	s2 =	stileid.u32  }
0x4e4: {  	s1 =	rddreg [dreg:$0x1];
	p0 =	sne.s32 s2, $0x0  }
0x4e5: {  	s3 =	rddreg [dreg:$0x2];
	[bflag:$0x3] =	sbarrier.arrive $0xFFFF;
	s2 =	simm.s32 @!p0 $0x1C02  }
0x4e6: {  	[timem:s3], [sflag:s2] =	dma.local @!p0 [hbm:s0], s1  }
0x4e7: {  	s0 =	simm.s32 @!p0 $0x2  }
0x4e8: {  	_ =	swait.ge @!p0 [sflag:s0], s1  }
0x4e9: {  	s1 =	ssub.s32 @!p0 $0x0, s1;
	[sflag:s0] =	ssyncset.done @!p0 $0x0  }
0x4ea: {  	[sflag:s0] =	ssyncadd.s32 @!p0 s1  }
0x4eb: {  	[bflag:$0x3] =	sbarrier.arrive $0xFFFF  }
0x4ec: {  	_ =	shalt  }

// kernel: kernel.14.cloned.1.call-start
scs
__scs_entry_jumppad:
0x0: {  	(pc) =	sbr.rel $0x88, $3  }
0x1: {  	(tag) =	ssettag $0x0;
	lr =	simm.s32 $0x1  }
0x2: {  	[smem:$0x3F8D] =	sst lr;
	_ =	strace $0xD0000000  }
0x3: {  	_ = 	snop  }
0x4: {  	_ = 	snop  }
0x5: {  	_ = 	snop  }
0x6: {  	_ = 	snop  }
0x7: {  	_ = 	snop  }
__scs_overlays_trampoline_lowered:
0x8: {  	[smem:$0x3F9C] =	sst s0  }
0x9: {  	[smem:$0x3F9D] =	sst s1  }
0xa: {  	[smem:$0x3F9E] =	sst s2  }
0xb: {  	[smem:$0x3F9F] =	sst s3  }
0xc: {  	[smem:$0x3FA0] =	sst s4  }
0xd: {  	[smem:$0x3FA1] =	sst s5  }
0xe: {  	[smem:$0x3FA2] =	sst s6  }
0xf: {  	[smem:$0x3FA3] =	sst s7  }
0x10: {  	[smem:$0x3FA4] =	sst s8  }
0x11: {  	[smem:$0x3FA5] =	sst s9;
	s0 =	simm.s32 @!p0 $0x0  }
0x12: {  	s1 =	sld [smem:$0x3F8B];
	s0 =	simm.s32 @p0 $0x1  }
0x13: {  	[smem:$0x3FA6] =	sst s0;
	s0 =	simm.s32 @!p1 $0x0  }
0x14: {  	s2 =	sld [smem:$0x3F8A];
	s0 =	simm.s32 @p1 $0x1  }
0x15: {  	[smem:$0x3FA7] =	sst s0;
	s0 =	simm.s32 @!p2 $0x0  }
0x16: {  	s3 =	sld [smem:$0x3FDB];
	s0 =	simm.s32 @p2 $0x1  }
0x17: {  	s4 =	simm.s32 $0x1BF5;
	[smem:$0x3FA9] =	sst s0  }
0x18: {  	s0 =	sld [smem:$0x3F8C];
	_ =	swait.ge [sflag:s4], $0x0  }
0x19: {  	s7 =	sld [smem:$0x3F8D]  }
0x1a: {  	s8 =	sadd.s32 $0xFFFFE003, lr  }
0x1b: {  	s9 =	sadd.s32 $0xFFFFFEF7, lr;
	s5 =	simm.s32 $0xFFFFFFFF;
	p2 =	slt.u32 s8, $0xFFFFF086  }
0x1c: {  	p1 =	slt.u32 s9, $0xF7A;
	s5 =	simm.s32 @!p2 $0x0  }
0x1d: {  	s5 =	simm.s32 @p1 $0x1;
	p0 =	seq.s32 s7, s2  }
0x1e: {  	s7 =	smul.u32 @!p0 $0xF7A, s2;
	p2 =	seq.s32 @!p0 s5, $0x0  }
0x1f: {  	s9 =	smul.u32 $0xF7A, s1;
	s8 =	simm.s32 @!p0 $0x1BF5;
	p2 =	por !p2, p0  }
0x20: {  	[sflag:s8] =	ssyncset.s32 @!p0 $0xFFFFF086;
	s6 =	sadd.s32 @!p0 s3, s7;
	s7 =	simm.s32 @!p0 $0x108  }
0x21: {  	s3 =	sadd.s32 s3, s9;
	s6 =	sadd.s32 @!p0 $0x88, s6;
	s7 =	simm.s32 @p2 $0x1082  }
0x22: {  	[simem:s7], [sflag:s8] =	dma.local @!p0 [hbm:s6], $0xF7A  }
0x23: {  	s9 =	sor.u32 $0xD0000000, s2;
	s6 =	simm.s32 $0x108;
	_ =	swait.ge @!p0 [sflag:s8], $0x0  }
0x24: {  	s3 =	sadd.s32 $0x88, s3;
	s6 =	simm.s32 @!p1 $0x1082;
	[sflag:s4] =	ssyncset.s32 $0xFFFFF086  }
0x25: {  	[simem:s6], [sflag:s4] =	dma.local [hbm:s3], $0xF7A  }
0x26: {  	[smem:$0x3F8D] =	sst s1;
	(tag) =	ssettag s2;
	_ =	strace s9  }
0x27: {  	s1 =	sld [smem:$0x3F9D]  }
0x28: {  	s2 =	sld [smem:$0x3F9E]  }
0x29: {  	s4 =	sld [smem:$0x3FA0]  }
0x2a: {  	p0 =	seq.s32 s5, $0x0;
	s5 =	sld [smem:$0x3FA1]  }
0x2b: {  	s6 =	sld [smem:$0x3FA2]  }
0x2c: {  	s7 =	sld [smem:$0x3FA3]  }
0x2d: {  	s3 =	simm.s32 $0x108;
	s8 =	sld [smem:$0x3FA4]  }
0x2e: {  	s3 =	simm.s32 @!p0 $0x1082;
	s9 =	sld [smem:$0x3FA5]  }
0x2f: {  	lr =	sadd.s32 s0, s3;
	s0 =	sld [smem:$0x3F9C]  }
0x30: {  	s3 =	sld [smem:$0x3F9F]  }
0x31: {  	[smem:$0x3FA8] =	sst s10  }
0x32: {  	s10 =	sld [smem:$0x3FA6];
	_ =	sdelay $0x3  }
0x33: {  	p0 =	seq.s32 s10, $0x1;
	s10 =	sld [smem:$0x3FA8];
	_ =	sdelay $0x3  }
0x34: {  	[smem:$0x3FA8] =	sst s10  }
0x35: {  	s10 =	sld [smem:$0x3FA7];
	_ =	sdelay $0x3  }
0x36: {  	p1 =	seq.s32 s10, $0x1;
	s10 =	sld [smem:$0x3FA8];
	_ =	sdelay $0x3  }
0x37: {  	[smem:$0x3FA8] =	sst s10  }
0x38: {  	s10 =	sld [smem:$0x3FA9]  }
0x39: {  	_ = 	snop;
	(pc) =	sbr.ind lr, $3  }
0x3a: {  	_ = 	snop  }
0x3b: {  	_ = 	snop  }
0x3c: {  	p2 =	seq.s32 s10, $0x1;
	s10 =	sld [smem:$0x3FA8]  }
0x3d: {  	_ =	shalt  }
0x3e: {  	_ =	shalt  }
0x3f: {  	_ =	shalt  }
0x40: {  	_ =	shalt  }
0x41: {  	_ =	shalt  }
0x42: {  	_ =	shalt  }
0x43: {  	_ =	shalt  }
0x44: {  	_ =	shalt  }
0x45: {  	_ =	shalt  }
0x46: {  	_ =	shalt  }
0x47: {  	_ =	shalt  }
0x48: {  	_ =	shalt  }
0x49: {  	_ =	shalt  }
0x4a: {  	_ =	shalt  }
0x4b: {  	_ =	shalt  }
0x4c: {  	_ =	shalt  }
0x4d: {  	_ =	shalt  }
0x4e: {  	_ =	shalt  }
0x4f: {  	_ =	shalt  }
0x50: {  	_ =	shalt  }
0x51: {  	_ =	shalt  }
0x52: {  	_ =	shalt  }
0x53: {  	_ =	shalt  }
0x54: {  	_ =	shalt  }
0x55: {  	_ =	shalt  }
0x56: {  	_ =	shalt  }
0x57: {  	_ =	shalt  }
0x58: {  	_ =	shalt  }
0x59: {  	_ =	shalt  }
0x5a: {  	_ =	shalt  }
0x5b: {  	_ =	shalt  }
0x5c: {  	_ =	shalt  }
0x5d: {  	_ =	shalt  }
0x5e: {  	_ =	shalt  }
0x5f: {  	_ =	shalt  }
0x60: {  	_ =	shalt  }
0x61: {  	_ =	shalt  }
0x62: {  	_ =	shalt  }
0x63: {  	_ =	shalt  }
0x64: {  	_ =	shalt  }
0x65: {  	_ =	shalt  }
0x66: {  	_ =	shalt  }
0x67: {  	_ =	shalt  }
0x68: {  	_ =	shalt  }
0x69: {  	_ =	shalt  }
0x6a: {  	_ =	shalt  }
0x6b: {  	_ =	shalt  }
0x6c: {  	_ =	shalt  }
0x6d: {  	_ =	shalt  }
0x6e: {  	_ =	shalt  }
0x6f: {  	_ =	shalt  }
0x70: {  	_ =	shalt  }
0x71: {  	_ =	shalt  }
0x72: {  	_ =	shalt  }
0x73: {  	_ =	shalt  }
0x74: {  	_ =	shalt  }
0x75: {  	_ =	shalt  }
0x76: {  	_ =	shalt  }
0x77: {  	_ =	shalt  }
0x78: {  	_ =	shalt  }
0x79: {  	_ =	shalt  }
0x7a: {  	_ =	shalt  }
0x7b: {  	_ =	shalt  }
0x7c: {  	_ =	shalt  }
0x7d: {  	_ =	shalt  }
0x7e: {  	_ =	shalt  }
0x7f: {  	_ =	shalt  }
0x80: {  	_ =	shalt  }
0x81: {  	_ =	shalt  }
0x82: {  	_ =	shalt  }
0x83: {  	_ =	shalt  }
0x84: {  	_ =	shalt  }
0x85: {  	_ =	shalt  }
0x86: {  	_ =	shalt  }
0x87: {  	_ =	shalt  }
.Lfunc_end0:
.L_simem_size_0:
called_computation.1_lowered:
.L_overlay_start_0:
0x88: {  	s2 =	sld [smem:$0x3FD9]  }
0x89: {  	s3 =	sld [smem:$0x3FFE];
	_ =	sdelay $0x1  }
0x8a: {  	s1 =	srdreg.scid  }
0x8b: {  	s0 =	sand.u32 $0x1, s1  }
0x8c: {  	s14 =	sshll.u32 s0, $0xA;
	s2 =	sadd.s32 s3, s2  }
0x8d: {  	s2 =	sadd.s32 s2, s14  }
0x8e: {  	[smem:$0x3FB4] =	sst s2  }
0x8f: {  	_ = 	snop  }
0x90: {  	s2 =	sld [smem:$0x3FD0];
	_ =	sdelay $0x2  }
0x91: {  	s15 =	simm.s32 $0xB;
	s4 =	simm.s32 $0x10  }
0x92: {  	[smem:s4], [sflag:s15] =	dma.local [hbm:s2], $0x1  }
0x93: {  	_ =	swait.eq [sflag:s15], $0x1  }
0x94: {  	[sflag:s15] =	ssyncset.done $0x0  }
0x95: {  	s16 =	sld [smem:$0x10];
	[sflag:s15] =	ssyncadd.s32 $0xFFFFFFFF  }
0x96: {  	s17 =	sld [smem:$0x11];
	(tm) =	ssettm $0x1  }
0x97: {  	s18 =	sld [smem:$0x3FFB];
	_ =	sdelay $0x3  }
0x98: {  	_ =	strace s18  }
0x99: {  	s4 =	sld [smem:$0x3FFC];
	_ =	sdelay $0x3  }
0x9a: {  	_ =	strace s4  }
0x9b: {  	s4 =	sld [smem:$0x3FFD];
	_ =	sdelay $0x3  }
0x9c: {  	_ =	strace s4  }
0x9d: {  	_ =	strace $0x8FFFFFFF  }
0x9e: {  	s19 =	sld [smem:$0x3FDB];
	_ =	sdelay $0x1  }
0x9f: {  	s5 =	simm.s32 $_scs_section_size  }
0xa0: {  	s6 =	simm.s32 $_size__tile_overlayer_lowered;
	s7 =	simm.s32 $_tile_overlayer_lowered  }
0xa1: {  	s22 =	simm.s32 $0x1BFF;
	s21 =	sshll.u32 s7, $0x1;
	s4 =	sadd.s32 s5, s19  }
0xa2: {  	s8 =	simm.s32 $0x0;
	s20 =	sshll.u32 s6, $0x1;
	s6 =	sadd.s32 s21, s4  }
0xa3: {  	[timem:s8], [sflag:s22] =	dma.local [hbm:s6], s20  }
0xa4: {  	_ =	swait.ge [sflag:s22], s20  }
0xa5: {  	s5 =	ssub.s32 $0x0, s20;
	[sflag:s22] =	ssyncset.done $0x0  }
0xa6: {  	[sflag:s22] =	ssyncadd.s32 s5;
	_ =	sdelay $0x1  }
0xa7: {  	s23 =	simm.s32 $0x1B8B  }
0xa8: {  	_ =	swait.ge [sflag:s23], $0x1  }
0xa9: {  	[sflag:s23] =	ssyncset.done $0x0  }
0xaa: {  	s25 =	simm.s32 $0x1B8E;
	s24 =	sld [smem:$0x3FFE];
	[sflag:s23] =	ssyncadd.s32 $0xFFFFFFFF  }
0xab: {  	s26 =	simm.s32 $execute0_lowered;
	[smem:$0x3FD2] =	sst s25  }
0xac: {  	s6 =	sshll.u32 s26, $0x1;
	_ =	strace $0x80000046;
	[dreg:$0x1] =	wrdreg $0xFFFFFFFF  }
0xad: {  	s28 =	simm.s32 $_size_execute0_lowered;
	s4 =	sadd.s32 s4, s6;
	[dreg:$0x0] =	wrdreg $0x0  }
0xae: {  	s6 =	sshll.u32 s28, $0x1;
	[dreg:$0x2] =	wrdreg s4  }
0xaf: {  	[dreg:$0x3] =	wrdreg s6  }
0xb0: {  	[dreg:$0x4] =	wrdreg $0xC0  }
0xb1: {  	_ =	task [dreg:s8], $0x5FFFF  }
0xb2: {  	[dreg:$0x1] =	wrdreg $0xFFFFFFFF  }
0xb3: {  	[dreg:$0x0] =	wrdreg $0x60  }
0xb4: {  	[dreg:$0x2] =	wrdreg s24  }
0xb5: {  	[dreg:$0x3] =	wrdreg s17  }
0xb6: {  	[dreg:$0x4] =	wrdreg s16  }
0xb7: {  	[dreg:$0x5] =	wrdreg $0x0  }
0xb8: {  	[dreg:$0x6] =	wrdreg $0xA  }
0xb9: {  	_ =	task.clear_ibuf [dreg:s8], $0x7FFFF;
	_ =	strace $0x90000046  }
0xba: {  	s29 =	simm.s32 $0xA;
	_ =	strace $0x80000048  }
0xbb: {  	_ =	swait.ge [sflag:s29], $0x1  }
0xbc: {  	[sflag:s29] =	ssyncadd.s32 $0xFFFFFFFF  }
0xbd: {  	_ =	strace $0x90000048  }
0xbe: {  	_ =	sfence  }
0xbf: {  	s30 =	sld [smem:$0x0];
	_ =	sdelay $0x2  }
0xc0: {  	s31 =	sshll.u32 s1, $0xD;
	s1 =	sshrl.u32 s1, $0x2  }
0xc1: {  	s3 =	sand.u32 $0x4000, s31;
	s1 =	sadd.s32 s1, s30  }
0xc2: {  	s0 =	sor.u32 s3, s0;
	s1 =	sshll.u32 s1, $0x11  }
0xc3: {  	s0 =	sor.u32 s1, s0  }
0xc4: {  	s0 =	sadd.s32 $0x8F2B, s0  }
0xc5: {  	[sflag:s0] =	ssyncadd.remote.s32 $0x1  }
0xc6: {  	_ =	sfence.sel $0xFFFF  }
0xc7: {  	[dreg:$0x0] =	wrdreg $0xFFFFFFFF;
	(pc) =	sbr.abs _section_cstart, $3  }
0xc8: {  	[dreg:$0x1] =	wrdreg $0xFFFFFFFF  }
0xc9: {  	_ =	task.clear_ibuf [dreg:s8], $0x2FFFF;
	_ =	strace $0x9FFFFFFF  }
0xca: {  	(tm) =	ssettm $0x7FFFFFFF  }
0xcb: {  	_ =	shalt  }
tec
execute0_lowered:
.L_overlay_start_1:
0x0: {  	(tag) =	ssettag $0x1  }
0x1: {  	s0 =	rddreg [dreg:$0x0]  }
0x2: {  	s1 =	rddreg [dreg:$0x1]  }
0x3: {  	s2 =	rddreg [dreg:$0x2]  }
0x4: {  	s3 =	rddreg [dreg:$0x3];
	s4 =	simm.s32 $0x0;
	s10 =	stileid.u32  }
0x5: {  	s5 =	srdreg.scid;
	s28 =	simm.s32 $0x18000;
	s29 =	simm.s32 $0x1  }
0x6: {  	s30 =	simm.s32 $0x2;
	s31 =	simm.s32 $0x1D380;
	[smem:$0x7FF] =	sst s4  }
0x7: {  	s6 =	sadd.s32 $0x92000, s0;
	s7 =	sadd.s32 $0x6AE00, s0;
	s8 =	sadd.s32 $0x1CA00, s0  }
0x8: {  	s9 =	sadd.s32 $0x43C00, s0;
	s17 =	smul.u32 $0x2800, s10;
	s11 =	sadd.s32 $0x12A00, s0  }
0x9: {  	s12 =	sadd.s32 $0x8A00, s0;
	s14 =	sadd.s32 $0xE1200, s0;
	s22 =	sadd.s32 $0x109200, s0  }
0xa: {  	s5 =	sand.u32 $0x1, s5;
	s15 =	smul.u32 $0x50000, s10;
	s16 =	sadd.s32 $0x131200, s0  }
0xb: {  	s26 =	sshll.u32 s10, $0x6;
	_ =	strace $0x80000047;
	[dreg:$0x6] =	wrdreg s14  }
0xc: {  	s19 =	sshll.u32 s10, $0x2;
	[dreg:$0x7] =	wrdreg s22;
	s23 =	ssub.s32 $0x2, s5  }
0xd: {  	[dreg:$0x8] =	wrdreg s16;
	s18 =	sor.u32 $0x1C03, s26;
	p0 =	sne.s32 s5, $0x0  }
0xe: {  	s22 =	simm.s32 $0x3;
	s26 =	simm.s32 $0x14000;
	s5 =	simm.s32 $0x1E780  }
0xf: {  	s13 =	sadd.s32 s17, s0;
	s0 =	sadd.s32 $0x159200, s0;
	s24 =	sshrl.u32 s23, $0x1  }
.Ltmp0:
0x10: {  	s25 =	sshrl.u32 s15, $0x2;
	[dreg:$0x5] =	wrdreg s17;
	(pc) =	sbr.rel .LBB2_1-.Ltmp0, $4  }
0x11: {  	[dreg:$0x9] =	wrdreg s0;
	s0 =	ssub.s32 s23, s24;
	s14 =	sadd.s32 s25, s3  }
0x12: {  	s13 =	sadd.s32 $0xB9200, s13;
	s23 =	simm.s32 $0x1C000;
	s24 =	simm.s32 $0x1D400  }
0x13: {  	s25 =	simm.s32 $0x7D;
	[dreg:$0xa] =	wrdreg s13;
	s0 =	smax.u32 s0, $0x1  }
0x14: {  	s21 =	sshrl.u32 s14, $0x3;
	[dreg:$0xb] =	wrdreg s0;
	s0 =	simm.s32 $0x1E700  }
.LBB2_19:
0x15: {  	s17 =	rddreg [dreg:$0x5]  }
0x16: {  	[bflag:$0x0] =	sbarrier.arrive $0xFFFF;
	s10 =	sadd.s32 s13, s17  }
0x17: {  	[hbm:s10], [sflag:s18] =	dma.local [spmem:s21], $0x2800  }
0x18: {  	_ =	swait.ge [sflag:s22], $0x2800  }
0x19: {  	s4 =	sadd.s32 $0x1, s4;
	s20 =	rddreg [dreg:$0xb]  }
0x1a: {  	p1 =	sne.s32 s4, s20  }
.Ltmp1:
0x1b: {  	_ = 	snop;
	(pc) =	sbr.rel @!p1 .LBB2_20-.Ltmp1, $3  }
0x1c: {  	_ =	sdelay $0x1  }
0x1d: {  	[sflag:s22] =	ssyncset.done $0x0  }
0x1e: {  	[sflag:s22] =	ssyncadd.s32 $0xFFFFD800  }
.LBB2_1:
0x1f: {  	s10 =	rddreg [dreg:$0xa]  }
0x20: {  	[spmem:s21], [sflag:s18] =	dma.local [hbm:s10], $0x2800  }
.Ltmp2:
0x21: {  	_ =	swait.ge [sflag:s22], $0x2800;
	(pc) =	sbr.rel @p0 .LBB2_6-.Ltmp2, $4  }
0x22: {  	[sflag:s22] =	ssyncset.done $0x0  }
0x23: {  	[sflag:s22] =	ssyncadd.s32 $0xFFFFD800  }
0x24: {  	[bflag:$0x0] =	sbarrier.arrive $0xFFFF  }
0x25: {  	s13 =	simm.s32 $0x0;
	s14 =	simm.s32 $0x0  }
.LBB2_2:
0x26: {  	s14 =	sadd.s32 s19, s13  }
0x27: {  	s14 =	smul.u32 $0x280, s14;
	_ =	sdelay $0x1  }
0x28: {  	s16 =	simm.s32 $0x0;
	s15 =	sadd.s32 s1, s14  }
0x29: {  	[tilespmem:s23], [sflag:$0x3] =	stream.linear.gather [hbm4b:s15+s16], $0x1400, $0x38;
	[tilespmem:$0x1E800] =	vst v63  }
0x2a: {  	_ =	swait.ge [sflag:s22], $0x1400  }
0x2b: {  	[sflag:s22] =	ssyncset.done $0x0  }
0x2c: {  	s14 =	sadd.s32 s2, s14;
	[sflag:s22] =	ssyncadd.s32 $0xFFFFEC00  }
0x2d: {  	[tilespmem:s24], [sflag:$0x3] =	stream.linear.gather [hbm4b:s14+s16], $0x1400, $0x38;
	[tilespmem:$0x1E800] =	vst v63  }
0x2e: {  	_ =	swait.ge [sflag:s22], $0x1400  }
0x2f: {  	[sflag:s22] =	ssyncset.done $0x0  }
0x30: {  	[sflag:s22] =	ssyncadd.s32 $0xFFFFEC00  }
0x31: {  	[tilespmem:s26], [sflag:$0x1] =	stream.indirect.gather [hbm4b:s6+s25], $0x80, s23, s25, $0xb8;
	[tilespmem:$0x1E800] =	vst v63  }
0x32: {  	s10 =	simm.s32 $0x1C080  }
0x33: {  	[tilespmem:s28], [sflag:$0x2] =	stream.indirect.gather [hbm4b:s6+s25], $0x80, s10, s25, $0xb8;
	[tilespmem:$0x1E800] =	vst v63  }
0x34: {  	_ =	swait.ge [sflag:s29], $0x3E80  }
0x35: {  	[sflag:s29] =	ssyncset.done $0x0  }
0x36: {  	s15 =	simm.s32 $0x1D400;
	[sflag:s29] =	ssyncadd.s32 $0xFFFFC180  }
0x37: {  	[spmem:s3] =	stream.indirect.scatter.add.f32 [tilespmem:s26], [sflag:$0x3], $0x80, s15, s25, $0xb8;
	[tilespmem:$0x1E800] =	vst v63  }
0x38: {  	_ =	swait.ge [sflag:s22], $0x3E80  }
0x39: {  	[sflag:s22] =	ssyncset.done $0x0  }
0x3a: {  	s16 =	simm.s32 $0x1C100;
	[sflag:s22] =	ssyncadd.s32 $0xFFFFC180  }
0x3b: {  	[tilespmem:s26], [sflag:$0x1] =	stream.indirect.gather [hbm4b:s6+s25], $0x80, s16, s25, $0xb8;
	[tilespmem:$0x1E800] =	vst v63  }
0x3c: {  	_ =	swait.ge [sflag:s30], $0x3E80  }
0x3d: {  	[sflag:s30] =	ssyncset.done $0x0  }
0x3e: {  	s20 =	simm.s32 $0x1D480;
	[sflag:s30] =	ssyncadd.s32 $0xFFFFC180  }
0x3f: {  	[spmem:s3] =	stream.indirect.scatter.add.f32 [tilespmem:s28], [sflag:$0x3], $0x80, s20, s25, $0xb8;
	[tilespmem:$0x1E800] =	vst v63  }
0x40: {  	_ =	swait.ge [sflag:s22], $0x3E80  }
0x41: {  	s14 =	simm.s32 $0x100;
	s15 =	simm.s32 $0x800;
	[sflag:s22] =	ssyncset.done $0x0  }
.LBB2_3:
0x42: {  	s16 =	sadd.s32 $0x1C080, s14  }
0x43: {  	[sflag:s22] =	ssyncadd.s32 $0xFFFFC180;
	s20 =	smov.u32 s15;
	s10 =	sadd.s32 $0x400, s15  }
0x44: {  	[tilespmem:s28], [sflag:$0x2] =	stream.indirect.gather [hbm4b:s6+s25], $0x80, s16, s25, $0xb8;
	[tilespmem:$0x1E800] =	vst v63  }
0x45: {  	p1 =	sne.s32 s15, $0x4800;
	_ =	swait.ge [sflag:s29], $0x3E80  }
0x46: {  	[sflag:s29] =	ssyncset.done $0x0  }
0x47: {  	s15 =	sadd.s32 $0x1D400, s14;
	[sflag:s29] =	ssyncadd.s32 $0xFFFFC180  }
0x48: {  	[spmem:s3] =	stream.indirect.scatter.add.f32 [tilespmem:s26], [sflag:$0x3], $0x80, s15, s25, $0xb8;
	[tilespmem:$0x1E800] =	vst v63  }
0x49: {  	_ =	swait.ge [sflag:s22], $0x3E80  }
0x4a: {  	[sflag:s22] =	ssyncset.done $0x0  }
0x4b: {  	s15 =	sadd.s32 $0x1C100, s14;
	[sflag:s22] =	ssyncadd.s32 $0xFFFFC180  }
0x4c: {  	[tilespmem:s26], [sflag:$0x1] =	stream.indirect.gather [hbm4b:s6+s25], $0x80, s15, s25, $0xb8;
	[tilespmem:$0x1E800] =	vst v63  }
0x4d: {  	_ =	swait.ge [sflag:s30], $0x3E80  }
.Ltmp3:
0x4e: {  	[sflag:s30] =	ssyncset.done $0x0;
	(pc) =	sbr.rel @p1 .LBB2_3-.Ltmp3, $4  }
0x4f: {  	s14 =	sadd.s32 $0x1D480, s14;
	[sflag:s30] =	ssyncadd.s32 $0xFFFFC180  }
0x50: {  	[spmem:s3] =	stream.indirect.scatter.add.f32 [tilespmem:s28], [sflag:$0x3], $0x80, s14, s25, $0xb8;
	[tilespmem:$0x1E800] =	vst v63  }
0x51: {  	_ =	swait.ge [sflag:s22], $0x3E80  }
0x52: {  	s15 =	smov.u32 s10;
	s14 =	sshra.s32 s20, $0x2;
	[sflag:s22] =	ssyncset.done $0x0  }
0x53: {  	s10 =	sadd.s32 $0x1C080, s14;
	[sflag:s22] =	ssyncadd.s32 $0xFFFFC180  }
0x54: {  	[tilespmem:s28], [sflag:$0x2] =	stream.indirect.gather [hbm4b:s6+s25], $0x80, s10, s25, $0xb8;
	[tilespmem:$0x1E800] =	vst v63  }
0x55: {  	_ =	swait.ge [sflag:s29], $0x3E80  }
0x56: {  	[sflag:s29] =	ssyncset.done $0x0  }
0x57: {  	s15 =	sadd.s32 $0x1D400, s14;
	[sflag:s29] =	ssyncadd.s32 $0xFFFFC180  }
0x58: {  	[spmem:s3] =	stream.indirect.scatter.add.f32 [tilespmem:s26], [sflag:$0x3], $0x80, s15, s25, $0xb8;
	[tilespmem:$0x1E800] =	vst v63  }
0x59: {  	_ =	swait.ge [sflag:s22], $0x3E80  }
0x5a: {  	[sflag:s22] =	ssyncset.done $0x0  }
0x5b: {  	s16 =	sadd.s32 $0x1C100, s14;
	[sflag:s22] =	ssyncadd.s32 $0xFFFFC180  }
0x5c: {  	[tilespmem:s26], [sflag:$0x1] =	stream.indirect.gather [hbm4b:s6+s25], $0x80, s16, s25, $0xb8;
	[tilespmem:$0x1E800] =	vst v63  }
0x5d: {  	_ =	swait.ge [sflag:s30], $0x3E80  }
0x5e: {  	[sflag:s30] =	ssyncset.done $0x0  }
0x5f: {  	s20 =	sadd.s32 $0x1D480, s14;
	[sflag:s30] =	ssyncadd.s32 $0xFFFFC180  }
0x60: {  	[spmem:s3] =	stream.indirect.scatter.add.f32 [tilespmem:s28], [sflag:$0x3], $0x80, s20, s25, $0xb8;
	[tilespmem:$0x1E800] =	vst v63  }
0x61: {  	_ =	swait.ge [sflag:s22], $0x3E80  }
0x62: {  	[sflag:s22] =	ssyncset.done $0x0  }
0x63: {  	[sflag:s22] =	ssyncadd.s32 $0xFFFFC180  }
0x64: {  	[tilespmem:s28], [sflag:$0x2] =	stream.indirect.gather [hbm4b:s6+s25], $0x80, s31, s25, $0xb8;
	[tilespmem:$0x1E800] =	vst v63  }
0x65: {  	_ =	swait.ge [sflag:s29], $0x3E80  }
0x66: {  	[sflag:s29] =	ssyncset.done $0x0  }
0x67: {  	[sflag:s29] =	ssyncadd.s32 $0xFFFFC180  }
0x68: {  	[spmem:s3] =	stream.indirect.scatter.add.f32 [tilespmem:s26], [sflag:$0x3], $0x80, s0, s25, $0xb8;
	[tilespmem:$0x1E800] =	vst v63  }
0x69: {  	_ =	swait.ge [sflag:s22], $0x3E80  }
0x6a: {  	[sflag:s22] =	ssyncset.done $0x0  }
0x6b: {  	[sflag:s22] =	ssyncadd.s32 $0xFFFFC180  }
0x6c: {  	s13 =	sadd.s32 $0x1, s13;
	_ =	swait.ge [sflag:s30], $0x3E80  }
0x6d: {  	p1 =	seq.s32 s13, $0x4;
	[sflag:s30] =	ssyncset.done $0x0  }
.Ltmp4:
0x6e: {  	[sflag:s30] =	ssyncadd.s32 $0xFFFFC180;
	(pc) =	sbr.rel @!p1 .LBB2_2-.Ltmp4, $4  }
0x6f: {  	[spmem:s3] =	stream.indirect.scatter.add.f32 [tilespmem:s28], [sflag:$0x3], $0x80, s5, s25, $0xb8;
	[tilespmem:$0x1E800] =	vst v63  }
0x70: {  	_ =	swait.ge [sflag:s22], $0x3E80  }
0x71: {  	[sflag:s22] =	ssyncset.done $0x0  }
0x72: {  	[sflag:s22] =	ssyncadd.s32 $0xFFFFC180  }
.Ltmp5:
0x73: {  	(pc) =	sbr.rel .LBB2_10-.Ltmp5, $2  }
0x74: {  	_ =	sdelay $0x2  }
0x75: {  	s13 =	rddreg [dreg:$0x6]  }
.LBB2_6:
0x76: {  	s10 =	sadd.s32 s19, s14  }
0x77: {  	s10 =	smul.u32 $0x280, s10;
	_ =	sdelay $0x1  }
0x78: {  	s15 =	simm.s32 $0x0;
	s13 =	sadd.s32 s1, s10  }
0x79: {  	[tilespmem:s23], [sflag:$0x3] =	stream.linear.gather [hbm4b:s13+s15], $0x1400, $0x38;
	[tilespmem:$0x1E800] =	vst v63  }
0x7a: {  	_ =	swait.ge [sflag:s22], $0x1400  }
0x7b: {  	[sflag:s22] =	ssyncset.done $0x0  }
0x7c: {  	s10 =	sadd.s32 s2, s10;
	[sflag:s22] =	ssyncadd.s32 $0xFFFFEC00  }
0x7d: {  	[tilespmem:s24], [sflag:$0x3] =	stream.linear.gather [hbm4b:s10+s15], $0x1400, $0x38;
	[tilespmem:$0x1E800] =	vst v63  }
0x7e: {  	_ =	swait.ge [sflag:s22], $0x1400  }
0x7f: {  	[sflag:s22] =	ssyncset.done $0x0  }
0x80: {  	[sflag:s22] =	ssyncadd.s32 $0xFFFFEC00  }
0x81: {  	[tilespmem:s26], [sflag:$0x1] =	stream.indirect.gather [hbm4b:s7+s25], $0x80, s23, s25, $0xb8;
	[tilespmem:$0x1E800] =	vst v63  }
0x82: {  	s13 =	simm.s32 $0x1C080  }
0x83: {  	[tilespmem:s28], [sflag:$0x2] =	stream.indirect.gather [hbm4b:s7+s25], $0x80, s13, s25, $0xb8;
	[tilespmem:$0x1E800] =	vst v63  }
0x84: {  	_ =	swait.ge [sflag:s29], $0x3E80  }
0x85: {  	[sflag:s29] =	ssyncset.done $0x0  }
0x86: {  	s15 =	simm.s32 $0x1D400;
	[sflag:s29] =	ssyncadd.s32 $0xFFFFC180  }
0x87: {  	[spmem:s3] =	stream.indirect.scatter.add.f32 [tilespmem:s26], [sflag:$0x3], $0x80, s15, s25, $0xb8;
	[tilespmem:$0x1E800] =	vst v63  }
0x88: {  	_ =	swait.ge [sflag:s22], $0x3E80  }
0x89: {  	[sflag:s22] =	ssyncset.done $0x0  }
0x8a: {  	s16 =	simm.s32 $0x1C100;
	[sflag:s22] =	ssyncadd.s32 $0xFFFFC180  }
0x8b: {  	[tilespmem:s26], [sflag:$0x1] =	stream.indirect.gather [hbm4b:s7+s25], $0x80, s16, s25, $0xb8;
	[tilespmem:$0x1E800] =	vst v63  }
0x8c: {  	_ =	swait.ge [sflag:s30], $0x3E80  }
0x8d: {  	[sflag:s30] =	ssyncset.done $0x0  }
0x8e: {  	s20 =	simm.s32 $0x1D480;
	[sflag:s30] =	ssyncadd.s32 $0xFFFFC180  }
0x8f: {  	[spmem:s3] =	stream.indirect.scatter.add.f32 [tilespmem:s28], [sflag:$0x3], $0x80, s20, s25, $0xb8;
	[tilespmem:$0x1E800] =	vst v63  }
0x90: {  	_ =	swait.ge [sflag:s22], $0x3E80  }
0x91: {  	s13 =	simm.s32 $0x100;
	s15 =	simm.s32 $0x800;
	[sflag:s22] =	ssyncset.done $0x0  }
.LBB2_7:
0x92: {  	s10 =	sadd.s32 $0x1C080, s13  }
0x93: {  	[sflag:s22] =	ssyncadd.s32 $0xFFFFC180;
	s16 =	smov.u32 s15;
	s20 =	sadd.s32 $0x400, s15  }
0x94: {  	[tilespmem:s28], [sflag:$0x2] =	stream.indirect.gather [hbm4b:s7+s25], $0x80, s10, s25, $0xb8;
	[tilespmem:$0x1E800] =	vst v63  }
0x95: {  	p1 =	sne.s32 s15, $0x4800;
	_ =	swait.ge [sflag:s29], $0x3E80  }
0x96: {  	[sflag:s29] =	ssyncset.done $0x0  }
0x97: {  	s10 =	sadd.s32 $0x1D400, s13;
	[sflag:s29] =	ssyncadd.s32 $0xFFFFC180  }
0x98: {  	[spmem:s3] =	stream.indirect.scatter.add.f32 [tilespmem:s26], [sflag:$0x3], $0x80, s10, s25, $0xb8;
	[tilespmem:$0x1E800] =	vst v63  }
0x99: {  	_ =	swait.ge [sflag:s22], $0x3E80  }
0x9a: {  	[sflag:s22] =	ssyncset.done $0x0  }
0x9b: {  	s10 =	sadd.s32 $0x1C100, s13;
	[sflag:s22] =	ssyncadd.s32 $0xFFFFC180  }
0x9c: {  	[tilespmem:s26], [sflag:$0x1] =	stream.indirect.gather [hbm4b:s7+s25], $0x80, s10, s25, $0xb8;
	[tilespmem:$0x1E800] =	vst v63  }
0x9d: {  	_ =	swait.ge [sflag:s30], $0x3E80  }
.Ltmp6:
0x9e: {  	[sflag:s30] =	ssyncset.done $0x0;
	(pc) =	sbr.rel @p1 .LBB2_7-.Ltmp6, $4  }
0x9f: {  	s10 =	sadd.s32 $0x1D480, s13;
	[sflag:s30] =	ssyncadd.s32 $0xFFFFC180  }
0xa0: {  	[spmem:s3] =	stream.indirect.scatter.add.f32 [tilespmem:s28], [sflag:$0x3], $0x80, s10, s25, $0xb8;
	[tilespmem:$0x1E800] =	vst v63  }
0xa1: {  	_ =	swait.ge [sflag:s22], $0x3E80  }
0xa2: {  	s15 =	smov.u32 s20;
	s13 =	sshra.s32 s16, $0x2;
	[sflag:s22] =	ssyncset.done $0x0  }
0xa3: {  	s10 =	sadd.s32 $0x1C080, s13;
	[sflag:s22] =	ssyncadd.s32 $0xFFFFC180  }
0xa4: {  	[tilespmem:s28], [sflag:$0x2] =	stream.indirect.gather [hbm4b:s7+s25], $0x80, s10, s25, $0xb8;
	[tilespmem:$0x1E800] =	vst v63  }
0xa5: {  	_ =	swait.ge [sflag:s29], $0x3E80  }
0xa6: {  	[sflag:s29] =	ssyncset.done $0x0  }
0xa7: {  	s15 =	sadd.s32 $0x1D400, s13;
	[sflag:s29] =	ssyncadd.s32 $0xFFFFC180  }
0xa8: {  	[spmem:s3] =	stream.indirect.scatter.add.f32 [tilespmem:s26], [sflag:$0x3], $0x80, s15, s25, $0xb8;
	[tilespmem:$0x1E800] =	vst v63  }
0xa9: {  	_ =	swait.ge [sflag:s22], $0x3E80  }
0xaa: {  	[sflag:s22] =	ssyncset.done $0x0  }
0xab: {  	s16 =	sadd.s32 $0x1C100, s13;
	[sflag:s22] =	ssyncadd.s32 $0xFFFFC180  }
0xac: {  	[tilespmem:s26], [sflag:$0x1] =	stream.indirect.gather [hbm4b:s7+s25], $0x80, s16, s25, $0xb8;
	[tilespmem:$0x1E800] =	vst v63  }
0xad: {  	_ =	swait.ge [sflag:s30], $0x3E80  }
0xae: {  	[sflag:s30] =	ssyncset.done $0x0  }
0xaf: {  	s20 =	sadd.s32 $0x1D480, s13;
	[sflag:s30] =	ssyncadd.s32 $0xFFFFC180  }
0xb0: {  	[spmem:s3] =	stream.indirect.scatter.add.f32 [tilespmem:s28], [sflag:$0x3], $0x80, s20, s25, $0xb8;
	[tilespmem:$0x1E800] =	vst v63  }
0xb1: {  	_ =	swait.ge [sflag:s22], $0x3E80  }
0xb2: {  	[sflag:s22] =	ssyncset.done $0x0  }
0xb3: {  	[sflag:s22] =	ssyncadd.s32 $0xFFFFC180  }
0xb4: {  	[tilespmem:s28], [sflag:$0x2] =	stream.indirect.gather [hbm4b:s7+s25], $0x80, s31, s25, $0xb8;
	[tilespmem:$0x1E800] =	vst v63  }
0xb5: {  	_ =	swait.ge [sflag:s29], $0x3E80  }
0xb6: {  	[sflag:s29] =	ssyncset.done $0x0  }
0xb7: {  	[sflag:s29] =	ssyncadd.s32 $0xFFFFC180  }
0xb8: {  	[spmem:s3] =	stream.indirect.scatter.add.f32 [tilespmem:s26], [sflag:$0x3], $0x80, s0, s25, $0xb8;
	[tilespmem:$0x1E800] =	vst v63  }
0xb9: {  	_ =	swait.ge [sflag:s22], $0x3E80  }
0xba: {  	[sflag:s22] =	ssyncset.done $0x0  }
0xbb: {  	[sflag:s22] =	ssyncadd.s32 $0xFFFFC180  }
0xbc: {  	s14 =	sadd.s32 $0x1, s14;
	_ =	swait.ge [sflag:s30], $0x3E80  }
0xbd: {  	p1 =	sne.s32 s14, $0x4;
	[sflag:s30] =	ssyncset.done $0x0  }
.Ltmp7:
0xbe: {  	[sflag:s30] =	ssyncadd.s32 $0xFFFFC180;
	(pc) =	sbr.rel @p1 .LBB2_6-.Ltmp7, $4  }
0xbf: {  	[spmem:s3] =	stream.indirect.scatter.add.f32 [tilespmem:s28], [sflag:$0x3], $0x80, s5, s25, $0xb8;
	[tilespmem:$0x1E800] =	vst v63  }
0xc0: {  	_ =	swait.ge [sflag:s22], $0x3E80  }
0xc1: {  	[sflag:s22] =	ssyncset.done $0x0  }
0xc2: {  	[sflag:s22] =	ssyncadd.s32 $0xFFFFC180  }
0xc3: {  	s13 =	rddreg [dreg:$0x7]  }
.LBB2_10:
0xc4: {  	s10 =	sadd.s32 s13, s17;
	[bflag:$0x0] =	sbarrier.arrive $0xFFFF  }
0xc5: {  	[hbm:s10], [sflag:s18] =	dma.local [spmem:s21], $0x2800  }
0xc6: {  	_ =	swait.ge [sflag:s22], $0x2800  }
0xc7: {  	[sflag:s22] =	ssyncset.done $0x0  }
0xc8: {  	s20 =	rddreg [dreg:$0xa];
	[sflag:s22] =	ssyncadd.s32 $0xFFFFD800  }
0xc9: {  	[spmem:s21], [sflag:s18] =	dma.local [hbm:s20], $0x2800  }
.Ltmp8:
0xca: {  	_ =	swait.ge [sflag:s22], $0x2800;
	(pc) =	sbr.rel @p0 .LBB2_15-.Ltmp8, $4  }
0xcb: {  	[sflag:s22] =	ssyncset.done $0x0  }
0xcc: {  	[sflag:s22] =	ssyncadd.s32 $0xFFFFD800  }
0xcd: {  	[bflag:$0x0] =	sbarrier.arrive $0xFFFF  }
0xce: {  	s13 =	simm.s32 $0x0;
	s14 =	simm.s32 $0x0;
	s15 =	simm.s32 $0x0  }
.LBB2_11:
0xcf: {  	s10 =	sadd.s32 s19, s14  }
0xd0: {  	s10 =	smul.u32 $0x280, s10;
	_ =	sdelay $0x1  }
0xd1: {  	s15 =	sadd.s32 s11, s10  }
0xd2: {  	[tilespmem:s23], [sflag:$0x3] =	stream.linear.gather [hbm4b:s15+s13], $0x1400, $0x38;
	[tilespmem:$0x1E800] =	vst v63  }
0xd3: {  	_ =	swait.ge [sflag:s22], $0x1400  }
0xd4: {  	[sflag:s22] =	ssyncset.done $0x0  }
0xd5: {  	s10 =	sadd.s32 s12, s10;
	[sflag:s22] =	ssyncadd.s32 $0xFFFFEC00  }
0xd6: {  	[tilespmem:s24], [sflag:$0x3] =	stream.linear.gather [hbm4b:s10+s13], $0x1400, $0x38;
	[tilespmem:$0x1E800] =	vst v63  }
0xd7: {  	_ =	swait.ge [sflag:s22], $0x1400  }
0xd8: {  	[sflag:s22] =	ssyncset.done $0x0  }
0xd9: {  	[sflag:s22] =	ssyncadd.s32 $0xFFFFEC00  }
0xda: {  	[tilespmem:s26], [sflag:$0x1] =	stream.indirect.gather [hbm4b:s8+s25], $0x80, s23, s25, $0xb8;
	[tilespmem:$0x1E800] =	vst v63  }
0xdb: {  	s15 =	simm.s32 $0x1C080  }
0xdc: {  	[tilespmem:s28], [sflag:$0x2] =	stream.indirect.gather [hbm4b:s8+s25], $0x80, s15, s25, $0xb8;
	[tilespmem:$0x1E800] =	vst v63  }
0xdd: {  	_ =	swait.ge [sflag:s29], $0x3E80  }
0xde: {  	[sflag:s29] =	ssyncset.done $0x0  }
0xdf: {  	s16 =	simm.s32 $0x1D400;
	[sflag:s29] =	ssyncadd.s32 $0xFFFFC180  }
0xe0: {  	[spmem:s3] =	stream.indirect.scatter.add.f32 [tilespmem:s26], [sflag:$0x3], $0x80, s16, s25, $0xb8;
	[tilespmem:$0x1E800] =	vst v63  }
0xe1: {  	_ =	swait.ge [sflag:s22], $0x3E80  }
0xe2: {  	[sflag:s22] =	ssyncset.done $0x0  }
0xe3: {  	s17 =	simm.s32 $0x1C100;
	[sflag:s22] =	ssyncadd.s32 $0xFFFFC180  }
0xe4: {  	[tilespmem:s26], [sflag:$0x1] =	stream.indirect.gather [hbm4b:s8+s25], $0x80, s17, s25, $0xb8;
	[tilespmem:$0x1E800] =	vst v63  }
0xe5: {  	_ =	swait.ge [sflag:s30], $0x3E80  }
0xe6: {  	[sflag:s30] =	ssyncset.done $0x0  }
0xe7: {  	s20 =	simm.s32 $0x1D480;
	[sflag:s30] =	ssyncadd.s32 $0xFFFFC180  }
0xe8: {  	[spmem:s3] =	stream.indirect.scatter.add.f32 [tilespmem:s28], [sflag:$0x3], $0x80, s20, s25, $0xb8;
	[tilespmem:$0x1E800] =	vst v63  }
0xe9: {  	_ =	swait.ge [sflag:s22], $0x3E80  }
0xea: {  	s15 =	simm.s32 $0x100;
	s16 =	simm.s32 $0x800;
	[sflag:s22] =	ssyncset.done $0x0  }
.LBB2_12:
0xeb: {  	s10 =	sadd.s32 $0x1C080, s15  }
0xec: {  	[sflag:s22] =	ssyncadd.s32 $0xFFFFC180;
	s20 =	smov.u32 s16;
	s17 =	sadd.s32 $0x400, s16  }
0xed: {  	[tilespmem:s28], [sflag:$0x2] =	stream.indirect.gather [hbm4b:s8+s25], $0x80, s10, s25, $0xb8;
	[tilespmem:$0x1E800] =	vst v63  }
0xee: {  	p1 =	sne.s32 s16, $0x4800;
	_ =	swait.ge [sflag:s29], $0x3E80  }
0xef: {  	[sflag:s29] =	ssyncset.done $0x0  }
0xf0: {  	s10 =	sadd.s32 $0x1D400, s15;
	[sflag:s29] =	ssyncadd.s32 $0xFFFFC180  }
0xf1: {  	[spmem:s3] =	stream.indirect.scatter.add.f32 [tilespmem:s26], [sflag:$0x3], $0x80, s10, s25, $0xb8;
	[tilespmem:$0x1E800] =	vst v63  }
0xf2: {  	_ =	swait.ge [sflag:s22], $0x3E80  }
0xf3: {  	[sflag:s22] =	ssyncset.done $0x0  }
0xf4: {  	s10 =	sadd.s32 $0x1C100, s15;
	[sflag:s22] =	ssyncadd.s32 $0xFFFFC180  }
0xf5: {  	[tilespmem:s26], [sflag:$0x1] =	stream.indirect.gather [hbm4b:s8+s25], $0x80, s10, s25, $0xb8;
	[tilespmem:$0x1E800] =	vst v63  }
0xf6: {  	_ =	swait.ge [sflag:s30], $0x3E80  }
.Ltmp9:
0xf7: {  	[sflag:s30] =	ssyncset.done $0x0;
	(pc) =	sbr.rel @p1 .LBB2_12-.Ltmp9, $4  }
0xf8: {  	s10 =	sadd.s32 $0x1D480, s15;
	[sflag:s30] =	ssyncadd.s32 $0xFFFFC180  }
0xf9: {  	[spmem:s3] =	stream.indirect.scatter.add.f32 [tilespmem:s28], [sflag:$0x3], $0x80, s10, s25, $0xb8;
	[tilespmem:$0x1E800] =	vst v63  }
0xfa: {  	_ =	swait.ge [sflag:s22], $0x3E80  }
0xfb: {  	s16 =	smov.u32 s17;
	s15 =	sshra.s32 s20, $0x2;
	[sflag:s22] =	ssyncset.done $0x0  }
0xfc: {  	s10 =	sadd.s32 $0x1C080, s15;
	[sflag:s22] =	ssyncadd.s32 $0xFFFFC180  }
0xfd: {  	[tilespmem:s28], [sflag:$0x2] =	stream.indirect.gather [hbm4b:s8+s25], $0x80, s10, s25, $0xb8;
	[tilespmem:$0x1E800] =	vst v63  }
0xfe: {  	_ =	swait.ge [sflag:s29], $0x3E80  }
0xff: {  	[sflag:s29] =	ssyncset.done $0x0  }
0x100: {  	s16 =	sadd.s32 $0x1D400, s15;
	[sflag:s29] =	ssyncadd.s32 $0xFFFFC180  }
0x101: {  	[spmem:s3] =	stream.indirect.scatter.add.f32 [tilespmem:s26], [sflag:$0x3], $0x80, s16, s25, $0xb8;
	[tilespmem:$0x1E800] =	vst v63  }
0x102: {  	_ =	swait.ge [sflag:s22], $0x3E80  }
0x103: {  	[sflag:s22] =	ssyncset.done $0x0  }
0x104: {  	s17 =	sadd.s32 $0x1C100, s15;
	[sflag:s22] =	ssyncadd.s32 $0xFFFFC180  }
0x105: {  	[tilespmem:s26], [sflag:$0x1] =	stream.indirect.gather [hbm4b:s8+s25], $0x80, s17, s25, $0xb8;
	[tilespmem:$0x1E800] =	vst v63  }
0x106: {  	_ =	swait.ge [sflag:s30], $0x3E80  }
0x107: {  	[sflag:s30] =	ssyncset.done $0x0  }
0x108: {  	s20 =	sadd.s32 $0x1D480, s15;
	[sflag:s30] =	ssyncadd.s32 $0xFFFFC180  }
0x109: {  	[spmem:s3] =	stream.indirect.scatter.add.f32 [tilespmem:s28], [sflag:$0x3], $0x80, s20, s25, $0xb8;
	[tilespmem:$0x1E800] =	vst v63  }
0x10a: {  	_ =	swait.ge [sflag:s22], $0x3E80  }
0x10b: {  	[sflag:s22] =	ssyncset.done $0x0  }
0x10c: {  	[sflag:s22] =	ssyncadd.s32 $0xFFFFC180  }
0x10d: {  	[tilespmem:s28], [sflag:$0x2] =	stream.indirect.gather [hbm4b:s8+s25], $0x80, s31, s25, $0xb8;
	[tilespmem:$0x1E800] =	vst v63  }
0x10e: {  	_ =	swait.ge [sflag:s29], $0x3E80  }
0x10f: {  	[sflag:s29] =	ssyncset.done $0x0  }
0x110: {  	[sflag:s29] =	ssyncadd.s32 $0xFFFFC180  }
0x111: {  	[spmem:s3] =	stream.indirect.scatter.add.f32 [tilespmem:s26], [sflag:$0x3], $0x80, s0, s25, $0xb8;
	[tilespmem:$0x1E800] =	vst v63  }
0x112: {  	_ =	swait.ge [sflag:s22], $0x3E80  }
0x113: {  	[sflag:s22] =	ssyncset.done $0x0  }
0x114: {  	[sflag:s22] =	ssyncadd.s32 $0xFFFFC180  }
0x115: {  	s14 =	sadd.s32 $0x1, s14;
	_ =	swait.ge [sflag:s30], $0x3E80  }
0x116: {  	p1 =	seq.s32 s14, $0x4;
	[sflag:s30] =	ssyncset.done $0x0  }
.Ltmp10:
0x117: {  	[sflag:s30] =	ssyncadd.s32 $0xFFFFC180;
	(pc) =	sbr.rel @!p1 .LBB2_11-.Ltmp10, $4  }
0x118: {  	[spmem:s3] =	stream.indirect.scatter.add.f32 [tilespmem:s28], [sflag:$0x3], $0x80, s5, s25, $0xb8;
	[tilespmem:$0x1E800] =	vst v63  }
0x119: {  	_ =	swait.ge [sflag:s22], $0x3E80  }
0x11a: {  	[sflag:s22] =	ssyncset.done $0x0  }
0x11b: {  	[sflag:s22] =	ssyncadd.s32 $0xFFFFC180  }
.Ltmp11:
0x11c: {  	(pc) =	sbr.rel .LBB2_19-.Ltmp11, $2  }
0x11d: {  	_ =	sdelay $0x2  }
0x11e: {  	s13 =	rddreg [dreg:$0x8]  }
.LBB2_15:
0x11f: {  	s10 =	sadd.s32 s19, s15  }
0x120: {  	s10 =	smul.u32 $0x280, s10;
	_ =	sdelay $0x1  }
0x121: {  	s14 =	sadd.s32 s11, s10  }
0x122: {  	[tilespmem:s23], [sflag:$0x3] =	stream.linear.gather [hbm4b:s14+s13], $0x1400, $0x38;
	[tilespmem:$0x1E800] =	vst v63  }
0x123: {  	_ =	swait.ge [sflag:s22], $0x1400  }
0x124: {  	[sflag:s22] =	ssyncset.done $0x0  }
0x125: {  	s10 =	sadd.s32 s12, s10;
	[sflag:s22] =	ssyncadd.s32 $0xFFFFEC00  }
0x126: {  	[tilespmem:s24], [sflag:$0x3] =	stream.linear.gather [hbm4b:s10+s13], $0x1400, $0x38;
	[tilespmem:$0x1E800] =	vst v63  }
0x127: {  	_ =	swait.ge [sflag:s22], $0x1400  }
0x128: {  	[sflag:s22] =	ssyncset.done $0x0  }
0x129: {  	[sflag:s22] =	ssyncadd.s32 $0xFFFFEC00  }
0x12a: {  	[tilespmem:s26], [sflag:$0x1] =	stream.indirect.gather [hbm4b:s9+s25], $0x80, s23, s25, $0xb8;
	[tilespmem:$0x1E800] =	vst v63  }
0x12b: {  	s14 =	simm.s32 $0x1C080  }
0x12c: {  	[tilespmem:s28], [sflag:$0x2] =	stream.indirect.gather [hbm4b:s9+s25], $0x80, s14, s25, $0xb8;
	[tilespmem:$0x1E800] =	vst v63  }
0x12d: {  	_ =	swait.ge [sflag:s29], $0x3E80  }
0x12e: {  	[sflag:s29] =	ssyncset.done $0x0  }
0x12f: {  	s16 =	simm.s32 $0x1D400;
	[sflag:s29] =	ssyncadd.s32 $0xFFFFC180  }
0x130: {  	[spmem:s3] =	stream.indirect.scatter.add.f32 [tilespmem:s26], [sflag:$0x3], $0x80, s16, s25, $0xb8;
	[tilespmem:$0x1E800] =	vst v63  }
0x131: {  	_ =	swait.ge [sflag:s22], $0x3E80  }
0x132: {  	[sflag:s22] =	ssyncset.done $0x0  }
0x133: {  	s17 =	simm.s32 $0x1C100;
	[sflag:s22] =	ssyncadd.s32 $0xFFFFC180  }
0x134: {  	[tilespmem:s26], [sflag:$0x1] =	stream.indirect.gather [hbm4b:s9+s25], $0x80, s17, s25, $0xb8;
	[tilespmem:$0x1E800] =	vst v63  }
0x135: {  	_ =	swait.ge [sflag:s30], $0x3E80  }
0x136: {  	[sflag:s30] =	ssyncset.done $0x0  }
0x137: {  	s20 =	simm.s32 $0x1D480;
	[sflag:s30] =	ssyncadd.s32 $0xFFFFC180  }
0x138: {  	[spmem:s3] =	stream.indirect.scatter.add.f32 [tilespmem:s28], [sflag:$0x3], $0x80, s20, s25, $0xb8;
	[tilespmem:$0x1E800] =	vst v63  }
0x139: {  	_ =	swait.ge [sflag:s22], $0x3E80  }
0x13a: {  	s14 =	simm.s32 $0x100;
	s16 =	simm.s32 $0x800;
	[sflag:s22] =	ssyncset.done $0x0  }
.LBB2_16:
0x13b: {  	s10 =	sadd.s32 $0x1C080, s14  }
0x13c: {  	[sflag:s22] =	ssyncadd.s32 $0xFFFFC180;
	s17 =	smov.u32 s16;
	s20 =	sadd.s32 $0x400, s16  }
0x13d: {  	[tilespmem:s28], [sflag:$0x2] =	stream.indirect.gather [hbm4b:s9+s25], $0x80, s10, s25, $0xb8;
	[tilespmem:$0x1E800] =	vst v63  }
0x13e: {  	p1 =	sne.s32 s16, $0x4800;
	_ =	swait.ge [sflag:s29], $0x3E80  }
0x13f: {  	[sflag:s29] =	ssyncset.done $0x0  }
0x140: {  	s10 =	sadd.s32 $0x1D400, s14;
	[sflag:s29] =	ssyncadd.s32 $0xFFFFC180  }
0x141: {  	[spmem:s3] =	stream.indirect.scatter.add.f32 [tilespmem:s26], [sflag:$0x3], $0x80, s10, s25, $0xb8;
	[tilespmem:$0x1E800] =	vst v63  }
0x142: {  	_ =	swait.ge [sflag:s22], $0x3E80  }
0x143: {  	[sflag:s22] =	ssyncset.done $0x0  }
0x144: {  	s10 =	sadd.s32 $0x1C100, s14;
	[sflag:s22] =	ssyncadd.s32 $0xFFFFC180  }
0x145: {  	[tilespmem:s26], [sflag:$0x1] =	stream.indirect.gather [hbm4b:s9+s25], $0x80, s10, s25, $0xb8;
	[tilespmem:$0x1E800] =	vst v63  }
0x146: {  	_ =	swait.ge [sflag:s30], $0x3E80  }
.Ltmp12:
0x147: {  	[sflag:s30] =	ssyncset.done $0x0;
	(pc) =	sbr.rel @p1 .LBB2_16-.Ltmp12, $4  }
0x148: {  	s10 =	sadd.s32 $0x1D480, s14;
	[sflag:s30] =	ssyncadd.s32 $0xFFFFC180  }
0x149: {  	[spmem:s3] =	stream.indirect.scatter.add.f32 [tilespmem:s28], [sflag:$0x3], $0x80, s10, s25, $0xb8;
	[tilespmem:$0x1E800] =	vst v63  }
0x14a: {  	_ =	swait.ge [sflag:s22], $0x3E80  }
0x14b: {  	s16 =	smov.u32 s20;
	s14 =	sshra.s32 s17, $0x2;
	[sflag:s22] =	ssyncset.done $0x0  }
0x14c: {  	s10 =	sadd.s32 $0x1C080, s14;
	[sflag:s22] =	ssyncadd.s32 $0xFFFFC180  }
0x14d: {  	[tilespmem:s28], [sflag:$0x2] =	stream.indirect.gather [hbm4b:s9+s25], $0x80, s10, s25, $0xb8;
	[tilespmem:$0x1E800] =	vst v63  }
0x14e: {  	_ =	swait.ge [sflag:s29], $0x3E80  }
0x14f: {  	[sflag:s29] =	ssyncset.done $0x0  }
0x150: {  	s16 =	sadd.s32 $0x1D400, s14;
	[sflag:s29] =	ssyncadd.s32 $0xFFFFC180  }
0x151: {  	[spmem:s3] =	stream.indirect.scatter.add.f32 [tilespmem:s26], [sflag:$0x3], $0x80, s16, s25, $0xb8;
	[tilespmem:$0x1E800] =	vst v63  }
0x152: {  	_ =	swait.ge [sflag:s22], $0x3E80  }
0x153: {  	[sflag:s22] =	ssyncset.done $0x0  }
0x154: {  	s17 =	sadd.s32 $0x1C100, s14;
	[sflag:s22] =	ssyncadd.s32 $0xFFFFC180  }
0x155: {  	[tilespmem:s26], [sflag:$0x1] =	stream.indirect.gather [hbm4b:s9+s25], $0x80, s17, s25, $0xb8;
	[tilespmem:$0x1E800] =	vst v63  }
0x156: {  	_ =	swait.ge [sflag:s30], $0x3E80  }
0x157: {  	[sflag:s30] =	ssyncset.done $0x0  }
0x158: {  	s20 =	sadd.s32 $0x1D480, s14;
	[sflag:s30] =	ssyncadd.s32 $0xFFFFC180  }
0x159: {  	[spmem:s3] =	stream.indirect.scatter.add.f32 [tilespmem:s28], [sflag:$0x3], $0x80, s20, s25, $0xb8;
	[tilespmem:$0x1E800] =	vst v63  }
0x15a: {  	_ =	swait.ge [sflag:s22], $0x3E80  }
0x15b: {  	[sflag:s22] =	ssyncset.done $0x0  }
0x15c: {  	[sflag:s22] =	ssyncadd.s32 $0xFFFFC180  }
0x15d: {  	[tilespmem:s28], [sflag:$0x2] =	stream.indirect.gather [hbm4b:s9+s25], $0x80, s31, s25, $0xb8;
	[tilespmem:$0x1E800] =	vst v63  }
0x15e: {  	_ =	swait.ge [sflag:s29], $0x3E80  }
0x15f: {  	[sflag:s29] =	ssyncset.done $0x0  }
0x160: {  	[sflag:s29] =	ssyncadd.s32 $0xFFFFC180  }
0x161: {  	[spmem:s3] =	stream.indirect.scatter.add.f32 [tilespmem:s26], [sflag:$0x3], $0x80, s0, s25, $0xb8;
	[tilespmem:$0x1E800] =	vst v63  }
0x162: {  	_ =	swait.ge [sflag:s22], $0x3E80  }
0x163: {  	[sflag:s22] =	ssyncset.done $0x0  }
0x164: {  	[sflag:s22] =	ssyncadd.s32 $0xFFFFC180  }
0x165: {  	s15 =	sadd.s32 $0x1, s15;
	_ =	swait.ge [sflag:s30], $0x3E80  }
0x166: {  	p1 =	sne.s32 s15, $0x4;
	[sflag:s30] =	ssyncset.done $0x0  }
.Ltmp13:
0x167: {  	[sflag:s30] =	ssyncadd.s32 $0xFFFFC180;
	(pc) =	sbr.rel @p1 .LBB2_15-.Ltmp13, $4  }
0x168: {  	[spmem:s3] =	stream.indirect.scatter.add.f32 [tilespmem:s28], [sflag:$0x3], $0x80, s5, s25, $0xb8;
	[tilespmem:$0x1E800] =	vst v63  }
0x169: {  	_ =	swait.ge [sflag:s22], $0x3E80  }
0x16a: {  	[sflag:s22] =	ssyncset.done $0x0  }
0x16b: {  	[sflag:s22] =	ssyncadd.s32 $0xFFFFC180  }
.Ltmp14:
0x16c: {  	(pc) =	sbr.rel .LBB2_19-.Ltmp14, $2  }
0x16d: {  	_ =	sdelay $0x2  }
0x16e: {  	s13 =	rddreg [dreg:$0x9]  }
.LBB2_20:
0x16f: {  	_ =	sfence.sel $0x180000  }
0x170: {  	[bflag:$0x0] =	sbarrier.arrive $0xFFFF  }
0x171: {  	_ =	strace $0x90000047  }
0x172: {  	s0 =	stileid.u32;
	[bflag:$0x2] =	sbarrier.arrive $0xFFFF  }
0x173: {  	p0 =	sne.s32 s0, $0x0;
	s0 =	rddreg [dreg:$0x4]  }
0x174: {  	s0 =	sadd.s32 @!p0 $0x100000, s0  }
0x175: {  	[sflag:s0] =	ssyncadd.tile.s32 @!p0 $0x1;
	_ =	shalt  }
.Lfunc_end2:
_tile_overlayer_lowered:
.L_overlay_start_2:
0x176: {  	(tag) =	ssettag $0x2  }
0x177: {  	s0 =	rddreg [dreg:$0x0];
	s2 =	stileid.u32  }
0x178: {  	s1 =	rddreg [dreg:$0x1];
	p0 =	sne.s32 s2, $0x0  }
0x179: {  	s3 =	rddreg [dreg:$0x2];
	[bflag:$0x3] =	sbarrier.arrive $0xFFFF;
	s2 =	simm.s32 @!p0 $0x1C03  }
0x17a: {  	[timem:s3], [sflag:s2] =	dma.local @!p0 [hbm:s0], s1  }
0x17b: {  	s0 =	simm.s32 @!p0 $0x3  }
0x17c: {  	_ =	swait.ge @!p0 [sflag:s0], s1  }
0x17d: {  	s1 =	ssub.s32 @!p0 $0x0, s1;
	[sflag:s0] =	ssyncset.done @!p0 $0x0  }
0x17e: {  	[sflag:s0] =	ssyncadd.s32 @!p0 s1  }
0x17f: {  	[bflag:$0x3] =	sbarrier.arrive $0xFFFF  }
0x180: {  	_ =	shalt  }

// kernel: kernel.17.cloned.1.call-start
scs
__scs_entry_jumppad:
0x0: {  	(pc) =	sbr.rel $0x88, $3  }
0x1: {  	(tag) =	ssettag $0x0;
	lr =	simm.s32 $0x1  }
0x2: {  	[smem:$0x3F8D] =	sst lr;
	_ =	strace $0xD0000000  }
0x3: {  	_ = 	snop  }
0x4: {  	_ = 	snop  }
0x5: {  	_ = 	snop  }
0x6: {  	_ = 	snop  }
0x7: {  	_ = 	snop  }
__scs_overlays_trampoline_lowered:
0x8: {  	[smem:$0x3F9C] =	sst s0  }
0x9: {  	[smem:$0x3F9D] =	sst s1  }
0xa: {  	[smem:$0x3F9E] =	sst s2  }
0xb: {  	[smem:$0x3F9F] =	sst s3  }
0xc: {  	[smem:$0x3FA0] =	sst s4  }
0xd: {  	[smem:$0x3FA1] =	sst s5  }
0xe: {  	[smem:$0x3FA2] =	sst s6  }
0xf: {  	[smem:$0x3FA3] =	sst s7  }
0x10: {  	[smem:$0x3FA4] =	sst s8  }
0x11: {  	[smem:$0x3FA5] =	sst s9;
	s0 =	simm.s32 @!p0 $0x0  }
0x12: {  	s1 =	sld [smem:$0x3F8B];
	s0 =	simm.s32 @p0 $0x1  }
0x13: {  	[smem:$0x3FA6] =	sst s0;
	s0 =	simm.s32 @!p1 $0x0  }
0x14: {  	s2 =	sld [smem:$0x3F8A];
	s0 =	simm.s32 @p1 $0x1  }
0x15: {  	[smem:$0x3FA7] =	sst s0;
	s0 =	simm.s32 @!p2 $0x0  }
0x16: {  	s3 =	sld [smem:$0x3FDB];
	s0 =	simm.s32 @p2 $0x1  }
0x17: {  	s4 =	simm.s32 $0x1BF5;
	[smem:$0x3FA9] =	sst s0  }
0x18: {  	s0 =	sld [smem:$0x3F8C];
	_ =	swait.ge [sflag:s4], $0x0  }
0x19: {  	s7 =	sld [smem:$0x3F8D]  }
0x1a: {  	s8 =	sadd.s32 $0xFFFFE003, lr  }
0x1b: {  	s9 =	sadd.s32 $0xFFFFFEF7, lr;
	s5 =	simm.s32 $0xFFFFFFFF;
	p2 =	slt.u32 s8, $0xFFFFF086  }
0x1c: {  	p1 =	slt.u32 s9, $0xF7A;
	s5 =	simm.s32 @!p2 $0x0  }
0x1d: {  	s5 =	simm.s32 @p1 $0x1;
	p0 =	seq.s32 s7, s2  }
0x1e: {  	s7 =	smul.u32 @!p0 $0xF7A, s2;
	p2 =	seq.s32 @!p0 s5, $0x0  }
0x1f: {  	s9 =	smul.u32 $0xF7A, s1;
	s8 =	simm.s32 @!p0 $0x1BF5;
	p2 =	por !p2, p0  }
0x20: {  	[sflag:s8] =	ssyncset.s32 @!p0 $0xFFFFF086;
	s6 =	sadd.s32 @!p0 s3, s7;
	s7 =	simm.s32 @!p0 $0x108  }
0x21: {  	s3 =	sadd.s32 s3, s9;
	s6 =	sadd.s32 @!p0 $0x88, s6;
	s7 =	simm.s32 @p2 $0x1082  }
0x22: {  	[simem:s7], [sflag:s8] =	dma.local @!p0 [hbm:s6], $0xF7A  }
0x23: {  	s9 =	sor.u32 $0xD0000000, s2;
	s6 =	simm.s32 $0x108;
	_ =	swait.ge @!p0 [sflag:s8], $0x0  }
0x24: {  	s3 =	sadd.s32 $0x88, s3;
	s6 =	simm.s32 @!p1 $0x1082;
	[sflag:s4] =	ssyncset.s32 $0xFFFFF086  }
0x25: {  	[simem:s6], [sflag:s4] =	dma.local [hbm:s3], $0xF7A  }
0x26: {  	[smem:$0x3F8D] =	sst s1;
	(tag) =	ssettag s2;
	_ =	strace s9  }
0x27: {  	s1 =	sld [smem:$0x3F9D]  }
0x28: {  	s2 =	sld [smem:$0x3F9E]  }
0x29: {  	s4 =	sld [smem:$0x3FA0]  }
0x2a: {  	p0 =	seq.s32 s5, $0x0;
	s5 =	sld [smem:$0x3FA1]  }
0x2b: {  	s6 =	sld [smem:$0x3FA2]  }
0x2c: {  	s7 =	sld [smem:$0x3FA3]  }
0x2d: {  	s3 =	simm.s32 $0x108;
	s8 =	sld [smem:$0x3FA4]  }
0x2e: {  	s3 =	simm.s32 @!p0 $0x1082;
	s9 =	sld [smem:$0x3FA5]  }
0x2f: {  	lr =	sadd.s32 s0, s3;
	s0 =	sld [smem:$0x3F9C]  }
0x30: {  	s3 =	sld [smem:$0x3F9F]  }
0x31: {  	[smem:$0x3FA8] =	sst s10  }
0x32: {  	s10 =	sld [smem:$0x3FA6];
	_ =	sdelay $0x3  }
0x33: {  	p0 =	seq.s32 s10, $0x1;
	s10 =	sld [smem:$0x3FA8];
	_ =	sdelay $0x3  }
0x34: {  	[smem:$0x3FA8] =	sst s10  }
0x35: {  	s10 =	sld [smem:$0x3FA7];
	_ =	sdelay $0x3  }
0x36: {  	p1 =	seq.s32 s10, $0x1;
	s10 =	sld [smem:$0x3FA8];
	_ =	sdelay $0x3  }
0x37: {  	[smem:$0x3FA8] =	sst s10  }
0x38: {  	s10 =	sld [smem:$0x3FA9]  }
0x39: {  	_ = 	snop;
	(pc) =	sbr.ind lr, $3  }
0x3a: {  	_ = 	snop  }
0x3b: {  	_ = 	snop  }
0x3c: {  	p2 =	seq.s32 s10, $0x1;
	s10 =	sld [smem:$0x3FA8]  }
0x3d: {  	_ =	shalt  }
0x3e: {  	_ =	shalt  }
0x3f: {  	_ =	shalt  }
0x40: {  	_ =	shalt  }
0x41: {  	_ =	shalt  }
0x42: {  	_ =	shalt  }
0x43: {  	_ =	shalt  }
0x44: {  	_ =	shalt  }
0x45: {  	_ =	shalt  }
0x46: {  	_ =	shalt  }
0x47: {  	_ =	shalt  }
0x48: {  	_ =	shalt  }
0x49: {  	_ =	shalt  }
0x4a: {  	_ =	shalt  }
0x4b: {  	_ =	shalt  }
0x4c: {  	_ =	shalt  }
0x4d: {  	_ =	shalt  }
0x4e: {  	_ =	shalt  }
0x4f: {  	_ =	shalt  }
0x50: {  	_ =	shalt  }
0x51: {  	_ =	shalt  }
0x52: {  	_ =	shalt  }
0x53: {  	_ =	shalt  }
0x54: {  	_ =	shalt  }
0x55: {  	_ =	shalt  }
0x56: {  	_ =	shalt  }
0x57: {  	_ =	shalt  }
0x58: {  	_ =	shalt  }
0x59: {  	_ =	shalt  }
0x5a: {  	_ =	shalt  }
0x5b: {  	_ =	shalt  }
0x5c: {  	_ =	shalt  }
0x5d: {  	_ =	shalt  }
0x5e: {  	_ =	shalt  }
0x5f: {  	_ =	shalt  }
0x60: {  	_ =	shalt  }
0x61: {  	_ =	shalt  }
0x62: {  	_ =	shalt  }
0x63: {  	_ =	shalt  }
0x64: {  	_ =	shalt  }
0x65: {  	_ =	shalt  }
0x66: {  	_ =	shalt  }
0x67: {  	_ =	shalt  }
0x68: {  	_ =	shalt  }
0x69: {  	_ =	shalt  }
0x6a: {  	_ =	shalt  }
0x6b: {  	_ =	shalt  }
0x6c: {  	_ =	shalt  }
0x6d: {  	_ =	shalt  }
0x6e: {  	_ =	shalt  }
0x6f: {  	_ =	shalt  }
0x70: {  	_ =	shalt  }
0x71: {  	_ =	shalt  }
0x72: {  	_ =	shalt  }
0x73: {  	_ =	shalt  }
0x74: {  	_ =	shalt  }
0x75: {  	_ =	shalt  }
0x76: {  	_ =	shalt  }
0x77: {  	_ =	shalt  }
0x78: {  	_ =	shalt  }
0x79: {  	_ =	shalt  }
0x7a: {  	_ =	shalt  }
0x7b: {  	_ =	shalt  }
0x7c: {  	_ =	shalt  }
0x7d: {  	_ =	shalt  }
0x7e: {  	_ =	shalt  }
0x7f: {  	_ =	shalt  }
0x80: {  	_ =	shalt  }
0x81: {  	_ =	shalt  }
0x82: {  	_ =	shalt  }
0x83: {  	_ =	shalt  }
0x84: {  	_ =	shalt  }
0x85: {  	_ =	shalt  }
0x86: {  	_ =	shalt  }
0x87: {  	_ =	shalt  }
.Lfunc_end0:
.L_simem_size_0:
called_computation.2_lowered:
.L_overlay_start_0:
0x88: {  	s2 =	sld [smem:$0x3FD9]  }
0x89: {  	s3 =	sld [smem:$0x3FFE];
	_ =	sdelay $0x1  }
0x8a: {  	s1 =	srdreg.scid  }
0x8b: {  	s0 =	sand.u32 $0x1, s1  }
0x8c: {  	s14 =	sshll.u32 s0, $0xA;
	s2 =	sadd.s32 s3, s2  }
0x8d: {  	s2 =	sadd.s32 s2, s14  }
0x8e: {  	[smem:$0x3FB4] =	sst s2  }
0x8f: {  	_ = 	snop  }
0x90: {  	s2 =	sld [smem:$0x3FD0];
	_ =	sdelay $0x2  }
0x91: {  	s15 =	simm.s32 $0xB;
	s4 =	simm.s32 $0x10  }
0x92: {  	[smem:s4], [sflag:s15] =	dma.local [hbm:s2], $0x1  }
0x93: {  	_ =	swait.eq [sflag:s15], $0x1  }
0x94: {  	[sflag:s15] =	ssyncset.done $0x0  }
0x95: {  	s16 =	sld [smem:$0x10];
	[sflag:s15] =	ssyncadd.s32 $0xFFFFFFFF  }
0x96: {  	s17 =	sld [smem:$0x11];
	(tm) =	ssettm $0x1  }
0x97: {  	s18 =	sld [smem:$0x3FFB];
	_ =	sdelay $0x3  }
0x98: {  	_ =	strace s18  }
0x99: {  	s4 =	sld [smem:$0x3FFC];
	_ =	sdelay $0x3  }
0x9a: {  	_ =	strace s4  }
0x9b: {  	s4 =	sld [smem:$0x3FFD];
	_ =	sdelay $0x3  }
0x9c: {  	_ =	strace s4  }
0x9d: {  	_ =	strace $0x8FFFFFFF  }
0x9e: {  	s19 =	sld [smem:$0x3FDB];
	_ =	sdelay $0x1  }
0x9f: {  	s5 =	simm.s32 $_scs_section_size  }
0xa0: {  	s6 =	simm.s32 $_size__tile_overlayer_lowered;
	s7 =	simm.s32 $_tile_overlayer_lowered  }
0xa1: {  	s22 =	simm.s32 $0x1BFF;
	s21 =	sshll.u32 s7, $0x1;
	s4 =	sadd.s32 s5, s19  }
0xa2: {  	s8 =	simm.s32 $0x0;
	s20 =	sshll.u32 s6, $0x1;
	s6 =	sadd.s32 s21, s4  }
0xa3: {  	[timem:s8], [sflag:s22] =	dma.local [hbm:s6], s20  }
0xa4: {  	_ =	swait.ge [sflag:s22], s20  }
0xa5: {  	s5 =	ssub.s32 $0x0, s20;
	[sflag:s22] =	ssyncset.done $0x0  }
0xa6: {  	[sflag:s22] =	ssyncadd.s32 s5;
	_ =	sdelay $0x1  }
0xa7: {  	s23 =	simm.s32 $0x1B8B  }
0xa8: {  	_ =	swait.ge [sflag:s23], $0x1  }
0xa9: {  	[sflag:s23] =	ssyncset.done $0x0  }
0xaa: {  	s25 =	simm.s32 $0x1B8E;
	s24 =	sld [smem:$0x3FFE];
	[sflag:s23] =	ssyncadd.s32 $0xFFFFFFFF  }
0xab: {  	s26 =	simm.s32 $execute0_lowered;
	[smem:$0x3FD2] =	sst s25  }
0xac: {  	s6 =	sshll.u32 s26, $0x1;
	_ =	strace $0x8000004C;
	[dreg:$0x1] =	wrdreg $0xFFFFFFFF  }
0xad: {  	s28 =	simm.s32 $_size_execute0_lowered;
	s4 =	sadd.s32 s4, s6;
	[dreg:$0x0] =	wrdreg $0x0  }
0xae: {  	s6 =	sshll.u32 s28, $0x1;
	[dreg:$0x2] =	wrdreg s4  }
0xaf: {  	[dreg:$0x3] =	wrdreg s6  }
0xb0: {  	[dreg:$0x4] =	wrdreg $0xC0  }
0xb1: {  	_ =	task [dreg:s8], $0x5FFFF  }
0xb2: {  	[dreg:$0x1] =	wrdreg $0xFFFFFFFF  }
0xb3: {  	[dreg:$0x0] =	wrdreg $0x60  }
0xb4: {  	[dreg:$0x2] =	wrdreg s24  }
0xb5: {  	[dreg:$0x3] =	wrdreg s17  }
0xb6: {  	[dreg:$0x4] =	wrdreg s16  }
0xb7: {  	[dreg:$0x5] =	wrdreg $0x0  }
0xb8: {  	[dreg:$0x6] =	wrdreg $0x9  }
0xb9: {  	_ =	task.clear_ibuf [dreg:s8], $0x7FFFF;
	_ =	strace $0x9000004C  }
0xba: {  	s29 =	simm.s32 $0x9;
	_ =	strace $0x8000004E  }
0xbb: {  	_ =	swait.ge [sflag:s29], $0x1  }
0xbc: {  	[sflag:s29] =	ssyncadd.s32 $0xFFFFFFFF  }
0xbd: {  	_ =	strace $0x9000004E  }
0xbe: {  	_ =	sfence  }
0xbf: {  	s30 =	sld [smem:$0x0];
	_ =	sdelay $0x2  }
0xc0: {  	s31 =	sshll.u32 s1, $0xD;
	s1 =	sshrl.u32 s1, $0x2  }
0xc1: {  	s3 =	sand.u32 $0x4000, s31;
	s1 =	sadd.s32 s1, s30  }
0xc2: {  	s0 =	sor.u32 s3, s0;
	s1 =	sshll.u32 s1, $0x11  }
0xc3: {  	s0 =	sor.u32 s1, s0  }
0xc4: {  	s0 =	sadd.s32 $0x8F2B, s0  }
0xc5: {  	[sflag:s0] =	ssyncadd.remote.s32 $0x1  }
0xc6: {  	_ =	sfence.sel $0xFFFF  }
0xc7: {  	[dreg:$0x0] =	wrdreg $0xFFFFFFFF;
	(pc) =	sbr.abs _section_cstart, $3  }
0xc8: {  	[dreg:$0x1] =	wrdreg $0xFFFFFFFF  }
0xc9: {  	_ =	task.clear_ibuf [dreg:s8], $0x2FFFF;
	_ =	strace $0x9FFFFFFF  }
0xca: {  	(tm) =	ssettm $0x7FFFFFFF  }
0xcb: {  	_ =	shalt  }
tec
execute0_lowered:
.L_overlay_start_1:
0x0: {  	(tag) =	ssettag $0x1  }
0x1: {  	s0 =	rddreg [dreg:$0x0]  }
0x2: {  	s1 =	rddreg [dreg:$0x1]  }
0x3: {  	s2 =	rddreg [dreg:$0x2]  }
0x4: {  	s3 =	rddreg [dreg:$0x3];
	s5 =	simm.s32 $0x0;
	s4 =	stileid.u32  }
0x5: {  	s11 =	srdreg.scid;
	s19 =	simm.s32 $0x1C000;
	s20 =	simm.s32 $0x1D400  }
0x6: {  	s21 =	simm.s32 $0x7D;
	s22 =	simm.s32 $0x14000;
	s23 =	simm.s32 $0x18000  }
0x7: {  	s24 =	simm.s32 $0x1;
	s28 =	simm.s32 $0x1E700;
	s29 =	simm.s32 $0x1E780  }
0x8: {  	[smem:$0x7FF] =	sst s5;
	s6 =	sadd.s32 $0x108400, s0;
	s7 =	sadd.s32 $0xE1200, s0  }
0x9: {  	s8 =	smul.u32 $0x2800, s4;
	s9 =	sadd.s32 $0x12A00, s0;
	s10 =	sadd.s32 $0x8A00, s0  }
0xa: {  	s17 =	sand.u32 $0x1, s11;
	s15 =	smul.u32 $0x50000, s4;
	s25 =	sadd.s32 $0x157600, s0  }
0xb: {  	s31 =	sshll.u32 s4, $0x6;
	_ =	strace $0x8000004D;
	s14 =	ssub.s32 $0x2, s17  }
0xc: {  	[dreg:$0x5] =	wrdreg s25;
	p0 =	sne.s32 s17, $0x0;
	s25 =	simm.s32 $0x2  }
.Ltmp0:
0xd: {  	s13 =	sadd.s32 s8, s0;
	s0 =	sadd.s32 $0x12F600, s0;
	(pc) =	sbr.rel .LBB2_1-.Ltmp0, $4  }
0xe: {  	s26 =	sshrl.u32 s14, $0x1;
	s30 =	sshrl.u32 s15, $0x2;
	s15 =	sshll.u32 s4, $0x2  }
0xf: {  	[dreg:$0x6] =	wrdreg s0;
	s0 =	ssub.s32 s14, s26;
	s18 =	sadd.s32 s30, s3  }
0x10: {  	s13 =	sadd.s32 $0xB9200, s13;
	s14 =	sor.u32 $0x1C03, s31;
	s26 =	simm.s32 $0x1D380  }
0x11: {  	s16 =	smax.u32 s0, $0x1;
	s17 =	sshrl.u32 s18, $0x3;
	s18 =	simm.s32 $0x3  }
.LBB2_10:
0x12: {  	s5 =	sadd.s32 $0x1, s5  }
0x13: {  	p1 =	sne.s32 s5, s16  }
.Ltmp1:
0x14: {  	s0 =	sadd.s32 s0, s8;
	[bflag:$0x0] =	sbarrier.arrive $0xFFFF;
	(pc) =	sbr.rel @!p1 .LBB2_11-.Ltmp1, $4  }
0x15: {  	[hbm:s0], [sflag:s14] =	dma.local [spmem:s17], $0x2800  }
0x16: {  	_ =	swait.ge [sflag:s18], $0x2800  }
0x17: {  	[sflag:s18] =	ssyncset.done $0x0  }
0x18: {  	[sflag:s18] =	ssyncadd.s32 $0xFFFFD800  }
.LBB2_1:
0x19: {  	[spmem:s17], [sflag:s14] =	dma.local [hbm:s13], $0x2800  }
.Ltmp2:
0x1a: {  	_ =	swait.ge [sflag:s18], $0x2800;
	(pc) =	sbr.rel @p0 .LBB2_6-.Ltmp2, $4  }
0x1b: {  	[sflag:s18] =	ssyncset.done $0x0  }
0x1c: {  	[sflag:s18] =	ssyncadd.s32 $0xFFFFD800  }
0x1d: {  	[bflag:$0x0] =	sbarrier.arrive $0xFFFF  }
0x1e: {  	s30 =	simm.s32 $0x0;
	s31 =	simm.s32 $0x0  }
.LBB2_2:
0x1f: {  	s0 =	sadd.s32 s15, s30  }
0x20: {  	s0 =	smul.u32 $0x280, s0;
	_ =	sdelay $0x1  }
0x21: {  	s4 =	simm.s32 $0x0;
	s31 =	sadd.s32 s1, s0  }
0x22: {  	[tilespmem:s19], [sflag:$0x3] =	stream.linear.gather [hbm4b:s31+s4], $0x1400, $0x38;
	[tilespmem:$0x1E800] =	vst v63  }
0x23: {  	_ =	swait.ge [sflag:s18], $0x1400  }
0x24: {  	[sflag:s18] =	ssyncset.done $0x0  }
0x25: {  	s0 =	sadd.s32 s2, s0;
	[sflag:s18] =	ssyncadd.s32 $0xFFFFEC00  }
0x26: {  	[tilespmem:s20], [sflag:$0x3] =	stream.linear.gather [hbm4b:s0+s4], $0x1400, $0x38;
	[tilespmem:$0x1E800] =	vst v63  }
0x27: {  	_ =	swait.ge [sflag:s18], $0x1400  }
0x28: {  	[sflag:s18] =	ssyncset.done $0x0  }
0x29: {  	[sflag:s18] =	ssyncadd.s32 $0xFFFFEC00  }
0x2a: {  	[tilespmem:s22], [sflag:$0x1] =	stream.indirect.gather [hbm4b:s6+s21], $0x80, s19, s21, $0xb8;
	[tilespmem:$0x1E800] =	vst v63  }
0x2b: {  	s12 =	simm.s32 $0x1C080  }
0x2c: {  	[tilespmem:s23], [sflag:$0x2] =	stream.indirect.gather [hbm4b:s6+s21], $0x80, s12, s21, $0xb8;
	[tilespmem:$0x1E800] =	vst v63  }
0x2d: {  	_ =	swait.ge [sflag:s24], $0x3E80  }
0x2e: {  	[sflag:s24] =	ssyncset.done $0x0  }
0x2f: {  	s4 =	simm.s32 $0x1D400;
	[sflag:s24] =	ssyncadd.s32 $0xFFFFC180  }
0x30: {  	[spmem:s3] =	stream.indirect.scatter.add.f32 [tilespmem:s22], [sflag:$0x3], $0x80, s4, s21, $0xb8;
	[tilespmem:$0x1E800] =	vst v63  }
0x31: {  	_ =	swait.ge [sflag:s18], $0x3E80  }
0x32: {  	[sflag:s18] =	ssyncset.done $0x0  }
0x33: {  	s11 =	simm.s32 $0x1C100;
	[sflag:s18] =	ssyncadd.s32 $0xFFFFC180  }
0x34: {  	[tilespmem:s22], [sflag:$0x1] =	stream.indirect.gather [hbm4b:s6+s21], $0x80, s11, s21, $0xb8;
	[tilespmem:$0x1E800] =	vst v63  }
0x35: {  	_ =	swait.ge [sflag:s25], $0x3E80  }
0x36: {  	[sflag:s25] =	ssyncset.done $0x0  }
0x37: {  	s12 =	simm.s32 $0x1D480;
	[sflag:s25] =	ssyncadd.s32 $0xFFFFC180  }
0x38: {  	[spmem:s3] =	stream.indirect.scatter.add.f32 [tilespmem:s23], [sflag:$0x3], $0x80, s12, s21, $0xb8;
	[tilespmem:$0x1E800] =	vst v63  }
0x39: {  	_ =	swait.ge [sflag:s18], $0x3E80  }
0x3a: {  	s31 =	simm.s32 $0x100;
	s0 =	simm.s32 $0x800;
	[sflag:s18] =	ssyncset.done $0x0  }
.LBB2_3:
0x3b: {  	s4 =	sadd.s32 $0x1C080, s31  }
0x3c: {  	[sflag:s18] =	ssyncadd.s32 $0xFFFFC180;
	s11 =	smov.u32 s0;
	s12 =	sadd.s32 $0x400, s0  }
0x3d: {  	[tilespmem:s23], [sflag:$0x2] =	stream.indirect.gather [hbm4b:s6+s21], $0x80, s4, s21, $0xb8;
	[tilespmem:$0x1E800] =	vst v63  }
0x3e: {  	p1 =	sne.s32 s0, $0x4800;
	_ =	swait.ge [sflag:s24], $0x3E80  }
0x3f: {  	[sflag:s24] =	ssyncset.done $0x0  }
0x40: {  	s0 =	sadd.s32 $0x1D400, s31;
	[sflag:s24] =	ssyncadd.s32 $0xFFFFC180  }
0x41: {  	[spmem:s3] =	stream.indirect.scatter.add.f32 [tilespmem:s22], [sflag:$0x3], $0x80, s0, s21, $0xb8;
	[tilespmem:$0x1E800] =	vst v63  }
0x42: {  	_ =	swait.ge [sflag:s18], $0x3E80  }
0x43: {  	[sflag:s18] =	ssyncset.done $0x0  }
0x44: {  	s0 =	sadd.s32 $0x1C100, s31;
	[sflag:s18] =	ssyncadd.s32 $0xFFFFC180  }
0x45: {  	[tilespmem:s22], [sflag:$0x1] =	stream.indirect.gather [hbm4b:s6+s21], $0x80, s0, s21, $0xb8;
	[tilespmem:$0x1E800] =	vst v63  }
0x46: {  	_ =	swait.ge [sflag:s25], $0x3E80  }
.Ltmp3:
0x47: {  	[sflag:s25] =	ssyncset.done $0x0;
	(pc) =	sbr.rel @p1 .LBB2_3-.Ltmp3, $4  }
0x48: {  	s0 =	sadd.s32 $0x1D480, s31;
	[sflag:s25] =	ssyncadd.s32 $0xFFFFC180  }
0x49: {  	[spmem:s3] =	stream.indirect.scatter.add.f32 [tilespmem:s23], [sflag:$0x3], $0x80, s0, s21, $0xb8;
	[tilespmem:$0x1E800] =	vst v63  }
0x4a: {  	_ =	swait.ge [sflag:s18], $0x3E80  }
0x4b: {  	s31 =	sshra.s32 s11, $0x2;
	s0 =	smov.u32 s12;
	[sflag:s18] =	ssyncset.done $0x0  }
0x4c: {  	s0 =	sadd.s32 $0x1C080, s31;
	[sflag:s18] =	ssyncadd.s32 $0xFFFFC180  }
0x4d: {  	[tilespmem:s23], [sflag:$0x2] =	stream.indirect.gather [hbm4b:s6+s21], $0x80, s0, s21, $0xb8;
	[tilespmem:$0x1E800] =	vst v63  }
0x4e: {  	_ =	swait.ge [sflag:s24], $0x3E80  }
0x4f: {  	[sflag:s24] =	ssyncset.done $0x0  }
0x50: {  	s11 =	sadd.s32 $0x1D400, s31;
	[sflag:s24] =	ssyncadd.s32 $0xFFFFC180  }
0x51: {  	[spmem:s3] =	stream.indirect.scatter.add.f32 [tilespmem:s22], [sflag:$0x3], $0x80, s11, s21, $0xb8;
	[tilespmem:$0x1E800] =	vst v63  }
0x52: {  	_ =	swait.ge [sflag:s18], $0x3E80  }
0x53: {  	[sflag:s18] =	ssyncset.done $0x0  }
0x54: {  	s12 =	sadd.s32 $0x1C100, s31;
	[sflag:s18] =	ssyncadd.s32 $0xFFFFC180  }
0x55: {  	[tilespmem:s22], [sflag:$0x1] =	stream.indirect.gather [hbm4b:s6+s21], $0x80, s12, s21, $0xb8;
	[tilespmem:$0x1E800] =	vst v63  }
0x56: {  	_ =	swait.ge [sflag:s25], $0x3E80  }
0x57: {  	[sflag:s25] =	ssyncset.done $0x0  }
0x58: {  	s31 =	sadd.s32 $0x1D480, s31;
	[sflag:s25] =	ssyncadd.s32 $0xFFFFC180  }
0x59: {  	[spmem:s3] =	stream.indirect.scatter.add.f32 [tilespmem:s23], [sflag:$0x3], $0x80, s31, s21, $0xb8;
	[tilespmem:$0x1E800] =	vst v63  }
0x5a: {  	_ =	swait.ge [sflag:s18], $0x3E80  }
0x5b: {  	[sflag:s18] =	ssyncset.done $0x0  }
0x5c: {  	[sflag:s18] =	ssyncadd.s32 $0xFFFFC180  }
0x5d: {  	[tilespmem:s23], [sflag:$0x2] =	stream.indirect.gather [hbm4b:s6+s21], $0x80, s26, s21, $0xb8;
	[tilespmem:$0x1E800] =	vst v63  }
0x5e: {  	_ =	swait.ge [sflag:s24], $0x3E80  }
0x5f: {  	[sflag:s24] =	ssyncset.done $0x0  }
0x60: {  	[sflag:s24] =	ssyncadd.s32 $0xFFFFC180  }
0x61: {  	[spmem:s3] =	stream.indirect.scatter.add.f32 [tilespmem:s22], [sflag:$0x3], $0x80, s28, s21, $0xb8;
	[tilespmem:$0x1E800] =	vst v63  }
0x62: {  	_ =	swait.ge [sflag:s18], $0x3E80  }
0x63: {  	[sflag:s18] =	ssyncset.done $0x0  }
0x64: {  	[sflag:s18] =	ssyncadd.s32 $0xFFFFC180  }
0x65: {  	s30 =	sadd.s32 $0x1, s30;
	_ =	swait.ge [sflag:s25], $0x3E80  }
0x66: {  	p1 =	seq.s32 s30, $0x4;
	[sflag:s25] =	ssyncset.done $0x0  }
.Ltmp4:
0x67: {  	[sflag:s25] =	ssyncadd.s32 $0xFFFFC180;
	(pc) =	sbr.rel @!p1 .LBB2_2-.Ltmp4, $4  }
0x68: {  	[spmem:s3] =	stream.indirect.scatter.add.f32 [tilespmem:s23], [sflag:$0x3], $0x80, s29, s21, $0xb8;
	[tilespmem:$0x1E800] =	vst v63  }
0x69: {  	_ =	swait.ge [sflag:s18], $0x3E80  }
0x6a: {  	[sflag:s18] =	ssyncset.done $0x0  }
0x6b: {  	[sflag:s18] =	ssyncadd.s32 $0xFFFFC180  }
.Ltmp5:
0x6c: {  	(pc) =	sbr.rel .LBB2_10-.Ltmp5, $2  }
0x6d: {  	_ =	sdelay $0x2  }
0x6e: {  	s0 =	rddreg [dreg:$0x5]  }
.LBB2_6:
0x6f: {  	s0 =	sadd.s32 s15, s31  }
0x70: {  	s0 =	smul.u32 $0x280, s0;
	_ =	sdelay $0x1  }
0x71: {  	s11 =	simm.s32 $0x0;
	s4 =	sadd.s32 s9, s0  }
0x72: {  	[tilespmem:s19], [sflag:$0x3] =	stream.linear.gather [hbm4b:s4+s11], $0x1400, $0x38;
	[tilespmem:$0x1E800] =	vst v63  }
0x73: {  	_ =	swait.ge [sflag:s18], $0x1400  }
0x74: {  	[sflag:s18] =	ssyncset.done $0x0  }
0x75: {  	s0 =	sadd.s32 s10, s0;
	[sflag:s18] =	ssyncadd.s32 $0xFFFFEC00  }
0x76: {  	[tilespmem:s20], [sflag:$0x3] =	stream.linear.gather [hbm4b:s0+s11], $0x1400, $0x38;
	[tilespmem:$0x1E800] =	vst v63  }
0x77: {  	_ =	swait.ge [sflag:s18], $0x1400  }
0x78: {  	[sflag:s18] =	ssyncset.done $0x0  }
0x79: {  	[sflag:s18] =	ssyncadd.s32 $0xFFFFEC00  }
0x7a: {  	[tilespmem:s22], [sflag:$0x1] =	stream.indirect.gather [hbm4b:s7+s21], $0x80, s19, s21, $0xb8;
	[tilespmem:$0x1E800] =	vst v63  }
0x7b: {  	s12 =	simm.s32 $0x1C080  }
0x7c: {  	[tilespmem:s23], [sflag:$0x2] =	stream.indirect.gather [hbm4b:s7+s21], $0x80, s12, s21, $0xb8;
	[tilespmem:$0x1E800] =	vst v63  }
0x7d: {  	_ =	swait.ge [sflag:s24], $0x3E80  }
0x7e: {  	[sflag:s24] =	ssyncset.done $0x0  }
0x7f: {  	s4 =	simm.s32 $0x1D400;
	[sflag:s24] =	ssyncadd.s32 $0xFFFFC180  }
0x80: {  	[spmem:s3] =	stream.indirect.scatter.add.f32 [tilespmem:s22], [sflag:$0x3], $0x80, s4, s21, $0xb8;
	[tilespmem:$0x1E800] =	vst v63  }
0x81: {  	_ =	swait.ge [sflag:s18], $0x3E80  }
0x82: {  	[sflag:s18] =	ssyncset.done $0x0  }
0x83: {  	s11 =	simm.s32 $0x1C100;
	[sflag:s18] =	ssyncadd.s32 $0xFFFFC180  }
0x84: {  	[tilespmem:s22], [sflag:$0x1] =	stream.indirect.gather [hbm4b:s7+s21], $0x80, s11, s21, $0xb8;
	[tilespmem:$0x1E800] =	vst v63  }
0x85: {  	_ =	swait.ge [sflag:s25], $0x3E80  }
0x86: {  	[sflag:s25] =	ssyncset.done $0x0  }
0x87: {  	s12 =	simm.s32 $0x1D480;
	[sflag:s25] =	ssyncadd.s32 $0xFFFFC180  }
0x88: {  	[spmem:s3] =	stream.indirect.scatter.add.f32 [tilespmem:s23], [sflag:$0x3], $0x80, s12, s21, $0xb8;
	[tilespmem:$0x1E800] =	vst v63  }
0x89: {  	_ =	swait.ge [sflag:s18], $0x3E80  }
0x8a: {  	s30 =	simm.s32 $0x100;
	s0 =	simm.s32 $0x800;
	[sflag:s18] =	ssyncset.done $0x0  }
.LBB2_7:
0x8b: {  	s4 =	sadd.s32 $0x1C080, s30  }
0x8c: {  	[sflag:s18] =	ssyncadd.s32 $0xFFFFC180;
	s11 =	smov.u32 s0;
	s12 =	sadd.s32 $0x400, s0  }
0x8d: {  	[tilespmem:s23], [sflag:$0x2] =	stream.indirect.gather [hbm4b:s7+s21], $0x80, s4, s21, $0xb8;
	[tilespmem:$0x1E800] =	vst v63  }
0x8e: {  	p1 =	sne.s32 s0, $0x4800;
	_ =	swait.ge [sflag:s24], $0x3E80  }
0x8f: {  	[sflag:s24] =	ssyncset.done $0x0  }
0x90: {  	s0 =	sadd.s32 $0x1D400, s30;
	[sflag:s24] =	ssyncadd.s32 $0xFFFFC180  }
0x91: {  	[spmem:s3] =	stream.indirect.scatter.add.f32 [tilespmem:s22], [sflag:$0x3], $0x80, s0, s21, $0xb8;
	[tilespmem:$0x1E800] =	vst v63  }
0x92: {  	_ =	swait.ge [sflag:s18], $0x3E80  }
0x93: {  	[sflag:s18] =	ssyncset.done $0x0  }
0x94: {  	s0 =	sadd.s32 $0x1C100, s30;
	[sflag:s18] =	ssyncadd.s32 $0xFFFFC180  }
0x95: {  	[tilespmem:s22], [sflag:$0x1] =	stream.indirect.gather [hbm4b:s7+s21], $0x80, s0, s21, $0xb8;
	[tilespmem:$0x1E800] =	vst v63  }
0x96: {  	_ =	swait.ge [sflag:s25], $0x3E80  }
.Ltmp6:
0x97: {  	[sflag:s25] =	ssyncset.done $0x0;
	(pc) =	sbr.rel @p1 .LBB2_7-.Ltmp6, $4  }
0x98: {  	s0 =	sadd.s32 $0x1D480, s30;
	[sflag:s25] =	ssyncadd.s32 $0xFFFFC180  }
0x99: {  	[spmem:s3] =	stream.indirect.scatter.add.f32 [tilespmem:s23], [sflag:$0x3], $0x80, s0, s21, $0xb8;
	[tilespmem:$0x1E800] =	vst v63  }
0x9a: {  	_ =	swait.ge [sflag:s18], $0x3E80  }
0x9b: {  	s30 =	sshra.s32 s11, $0x2;
	s0 =	smov.u32 s12;
	[sflag:s18] =	ssyncset.done $0x0  }
0x9c: {  	s0 =	sadd.s32 $0x1C080, s30;
	[sflag:s18] =	ssyncadd.s32 $0xFFFFC180  }
0x9d: {  	[tilespmem:s23], [sflag:$0x2] =	stream.indirect.gather [hbm4b:s7+s21], $0x80, s0, s21, $0xb8;
	[tilespmem:$0x1E800] =	vst v63  }
0x9e: {  	_ =	swait.ge [sflag:s24], $0x3E80  }
0x9f: {  	[sflag:s24] =	ssyncset.done $0x0  }
0xa0: {  	s11 =	sadd.s32 $0x1D400, s30;
	[sflag:s24] =	ssyncadd.s32 $0xFFFFC180  }
0xa1: {  	[spmem:s3] =	stream.indirect.scatter.add.f32 [tilespmem:s22], [sflag:$0x3], $0x80, s11, s21, $0xb8;
	[tilespmem:$0x1E800] =	vst v63  }
0xa2: {  	_ =	swait.ge [sflag:s18], $0x3E80  }
0xa3: {  	[sflag:s18] =	ssyncset.done $0x0  }
0xa4: {  	s12 =	sadd.s32 $0x1C100, s30;
	[sflag:s18] =	ssyncadd.s32 $0xFFFFC180  }
0xa5: {  	[tilespmem:s22], [sflag:$0x1] =	stream.indirect.gather [hbm4b:s7+s21], $0x80, s12, s21, $0xb8;
	[tilespmem:$0x1E800] =	vst v63  }
0xa6: {  	_ =	swait.ge [sflag:s25], $0x3E80  }
0xa7: {  	[sflag:s25] =	ssyncset.done $0x0  }
0xa8: {  	s30 =	sadd.s32 $0x1D480, s30;
	[sflag:s25] =	ssyncadd.s32 $0xFFFFC180  }
0xa9: {  	[spmem:s3] =	stream.indirect.scatter.add.f32 [tilespmem:s23], [sflag:$0x3], $0x80, s30, s21, $0xb8;
	[tilespmem:$0x1E800] =	vst v63  }
0xaa: {  	_ =	swait.ge [sflag:s18], $0x3E80  }
0xab: {  	[sflag:s18] =	ssyncset.done $0x0  }
0xac: {  	[sflag:s18] =	ssyncadd.s32 $0xFFFFC180  }
0xad: {  	[tilespmem:s23], [sflag:$0x2] =	stream.indirect.gather [hbm4b:s7+s21], $0x80, s26, s21, $0xb8;
	[tilespmem:$0x1E800] =	vst v63  }
0xae: {  	_ =	swait.ge [sflag:s24], $0x3E80  }
0xaf: {  	[sflag:s24] =	ssyncset.done $0x0  }
0xb0: {  	[sflag:s24] =	ssyncadd.s32 $0xFFFFC180  }
0xb1: {  	[spmem:s3] =	stream.indirect.scatter.add.f32 [tilespmem:s22], [sflag:$0x3], $0x80, s28, s21, $0xb8;
	[tilespmem:$0x1E800] =	vst v63  }
0xb2: {  	_ =	swait.ge [sflag:s18], $0x3E80  }
0xb3: {  	[sflag:s18] =	ssyncset.done $0x0  }
0xb4: {  	[sflag:s18] =	ssyncadd.s32 $0xFFFFC180  }
0xb5: {  	s31 =	sadd.s32 $0x1, s31;
	_ =	swait.ge [sflag:s25], $0x3E80  }
0xb6: {  	p1 =	sne.s32 s31, $0x4;
	[sflag:s25] =	ssyncset.done $0x0  }
.Ltmp7:
0xb7: {  	[sflag:s25] =	ssyncadd.s32 $0xFFFFC180;
	(pc) =	sbr.rel @p1 .LBB2_6-.Ltmp7, $4  }
0xb8: {  	[spmem:s3] =	stream.indirect.scatter.add.f32 [tilespmem:s23], [sflag:$0x3], $0x80, s29, s21, $0xb8;
	[tilespmem:$0x1E800] =	vst v63  }
0xb9: {  	_ =	swait.ge [sflag:s18], $0x3E80  }
0xba: {  	[sflag:s18] =	ssyncset.done $0x0  }
0xbb: {  	[sflag:s18] =	ssyncadd.s32 $0xFFFFC180  }
.Ltmp8:
0xbc: {  	(pc) =	sbr.rel .LBB2_10-.Ltmp8, $2  }
0xbd: {  	_ =	sdelay $0x2  }
0xbe: {  	s0 =	rddreg [dreg:$0x6]  }
.LBB2_11:
0xbf: {  	_ =	sfence.sel $0x180000  }
0xc0: {  	[bflag:$0x0] =	sbarrier.arrive $0xFFFF  }
0xc1: {  	_ =	strace $0x9000004D  }
0xc2: {  	s0 =	stileid.u32;
	[bflag:$0x2] =	sbarrier.arrive $0xFFFF  }
0xc3: {  	p0 =	sne.s32 s0, $0x0;
	s0 =	rddreg [dreg:$0x4]  }
0xc4: {  	s0 =	sadd.s32 @!p0 $0x100000, s0  }
0xc5: {  	[sflag:s0] =	ssyncadd.tile.s32 @!p0 $0x1;
	_ =	shalt  }
.Lfunc_end2:
_tile_overlayer_lowered:
.L_overlay_start_2:
0xc6: {  	(tag) =	ssettag $0x2  }
0xc7: {  	s0 =	rddreg [dreg:$0x0];
	s2 =	stileid.u32  }
0xc8: {  	s1 =	rddreg [dreg:$0x1];
	p0 =	sne.s32 s2, $0x0  }
0xc9: {  	s3 =	rddreg [dreg:$0x2];
	[bflag:$0x3] =	sbarrier.arrive $0xFFFF;
	s2 =	simm.s32 @!p0 $0x1C03  }
0xca: {  	[timem:s3], [sflag:s2] =	dma.local @!p0 [hbm:s0], s1  }
0xcb: {  	s0 =	simm.s32 @!p0 $0x3  }
0xcc: {  	_ =	swait.ge @!p0 [sflag:s0], s1  }
0xcd: {  	s1 =	ssub.s32 @!p0 $0x0, s1;
	[sflag:s0] =	ssyncset.done @!p0 $0x0  }
0xce: {  	[sflag:s0] =	ssyncadd.s32 @!p0 s1  }
0xcf: {  	[bflag:$0x3] =	sbarrier.arrive $0xFFFF  }
0xd0: {  	_ =	shalt  }

</sc_bundles>
